<compile_context>
chip_gen: v7x
topology: tpu7x:2x2x1
jax: 0.10.2.dev20260603
libtpu: 0.0.44.dev20260713+nightly
codegen_flags: <defaults>
</compile_context>

<pallas_src>
import functools

import jax
import jax.numpy as jnp
import numpy as np
from jax import lax
from jax.experimental import pallas as pl
from jax.experimental.pallas import tpu as pltpu
from jax.experimental.pallas import tpu_sc as plsc

B, L, V, F = 16384, 20, 100000, 128
NC, NS = 2, 16
NW = NC * NS
ROWS_PER_W = B // NW
IDX_PER_W = ROWS_PER_W * L
SLAB = 128
NSLAB = IDX_PER_W // SLAB

NPHASE = ROWS_PER_W // SLAB
PH_SLABS = NSLAB // NPHASE
_SEG_NP = (
    np.arange(NS, dtype=np.int32)[:, None, None] * (2 * SLAB)
    + np.arange(2, dtype=np.int32)[None, :, None] * SLAB
    + (np.arange(PH_SLABS * SLAB, dtype=np.int32) // L)[None, None, :]
).reshape(NS, 2, PH_SLABS, SLAB)

_EPS = 1e-3
_VEC = 16


_NBUF = 4


def _sc_pool_body(x_r, table, seg, zeros, out, idx_v, seg_v, rows, acc_sh,
                  *sems):
    gsems = sems[:_NBUF]
    dsem = sems[_NBUF:_NBUF + 2]
    zsem = sems[_NBUF + 2:_NBUF + 4]
    cid = lax.axis_index("c")
    sid = lax.axis_index("s")
    wid = sid * NC + cid
    base = sid * (2 * SLAB)

    pltpu.sync_copy(x_r.at[wid], idx_v)
    pltpu.sync_copy(seg.at[sid], seg_v)

    def region(r):
        return acc_sh.at[pl.ds(base + r * SLAB, SLAB)]

    def zero_start(r):
        pltpu.async_copy(zeros, region(r), zsem[r])

    def zero_wait(r):
        pltpu.make_async_copy(zeros, region(r), zsem[r]).wait()

    def drain_start(p, r):
        pltpu.async_copy(region(r),
                         out.at[pl.ds(wid * ROWS_PER_W + p * SLAB, SLAB)],
                         dsem[r])

    def drain_wait(r):
        pltpu.make_async_copy(zeros, region(r), dsem[r]).wait()

    def gather_start(g, b):
        pltpu.async_copy(table.at[idx_v.at[g]], rows.at[b], gsems[b])

    def gather_wait(b):
        pltpu.make_async_copy(table.at[pl.ds(0, SLAB)], rows.at[b],
                              gsems[b]).wait()

    def slab_loop(p, r, lo, hi):
        @pl.loop(lo, hi, step=_NBUF)
        def _slabs(j):
            for b in range(_NBUF):
                gather_wait(b)
                pltpu.sync_copy(rows.at[b], acc_sh.at[seg_v.at[r, j + b]],
                                add=True)
                gather_start(p * PH_SLABS + j + _NBUF + b, b)

    zero_start(0)
    zero_start(1)
    for b in range(_NBUF):
        gather_start(b, b)
    zero_wait(0)

    _MID = 8
    for p in range(NPHASE):
        r = p % 2
        if p > 0:
            zero_wait(r)

        slab_loop(p, r, 0, _MID)
        if 1 <= p <= 2:
            drain_start(p - 1, 1 - r)
            drain_wait(1 - r)
            zero_start(1 - r)
        elif p == NPHASE - 1:
            drain_start(p - 1, 1 - r)
        slab_loop(p, r, _MID,
                  PH_SLABS - _NBUF if p == NPHASE - 1 else PH_SLABS)

        if p == NPHASE - 1:
            for b in range(_NBUF):
                gather_wait(b)
                pltpu.sync_copy(
                    rows.at[b],
                    acc_sh.at[seg_v.at[r, PH_SLABS - _NBUF + b]], add=True)

    plsc.subcore_barrier()
    drain_start(NPHASE - 1, 1)
    drain_wait(0)
    drain_wait(1)


_sc_pool = functools.partial(
    pl.kernel,
    out_type=jax.ShapeDtypeStruct((B, F), jnp.float32),
    mesh=plsc.VectorSubcoreMesh(core_axis_name="c", subcore_axis_name="s",
                                num_cores=NC, num_subcores=NS),
    scratch_types=[
        pltpu.VMEM((NSLAB, SLAB), jnp.int32),
        pltpu.VMEM((2, PH_SLABS, SLAB), jnp.int32),
        pltpu.VMEM((_NBUF, SLAB, F), jnp.float32),
        pltpu.VMEM_SHARED((NS * 2 * SLAB, F), jnp.float32),
    ] + [pltpu.SemaphoreType.DMA] * (_NBUF + 4),
)(_sc_pool_body)


_TC_BLK = 2048


def _tc_body(pooled_ref, W_ref, prm_ref, out_ref):
    prm = prm_ref[...]
    bias, bng, bnb, bnm, bnv, lng, lnb = (prm[i:i + 1] for i in range(7))
    pooled = pooled_ref[...] * (1.0 / L)
    z = jnp.dot(pooled, W_ref[...], preferred_element_type=jnp.float32)
    z = z + bias
    z = (z - bnm) / jnp.sqrt(bnv + _EPS) * bng + bnb
    mu = jnp.mean(z, axis=-1, keepdims=True)
    var = jnp.mean(jnp.square(z - mu), axis=-1, keepdims=True)
    out_ref[...] = (z - mu) / jnp.sqrt(var + _EPS) * lng + lnb


def _tc_head(pooled, W, b, bn_gamma, bn_beta, bn_mean, bn_var, ln_gamma, ln_beta):
    prm = jnp.stack([b, bn_gamma, bn_beta, bn_mean, bn_var, ln_gamma,
                     ln_beta, b])
    return pl.pallas_call(
        _tc_body,
        grid=(B // _TC_BLK,),
        in_specs=[
            pl.BlockSpec((_TC_BLK, F), lambda i: (i, 0)),
            pl.BlockSpec((F, F), lambda i: (0, 0)),
            pl.BlockSpec((8, F), lambda i: (0, 0)),
        ],
        out_specs=pl.BlockSpec((_TC_BLK, F), lambda i: (i, 0)),
        out_shape=jax.ShapeDtypeStruct((B, F), jnp.float32),
        input_output_aliases={0: 0},
    )(pooled, W, prm)


def kernel(x, table, W, b, bn_gamma, bn_beta, bn_mean, bn_var, ln_gamma, ln_beta):
    x_r = x.astype(jnp.int32).reshape(NW, NSLAB, SLAB)
    seg = jnp.asarray(_SEG_NP)
    zeros = jnp.zeros((SLAB, F), jnp.float32)
    pooled = _sc_pool(x_r, table, seg, zeros)
    return _tc_head(pooled, W, b, bn_gamma, bn_beta, bn_mean, bn_var,
                    ln_gamma, ln_beta)

# --- scband reference (transcript-rebuilt; emitter-appended) ---
"""Pipeline reference for scband-triplet-model-28089086116150 (READ-ONLY COPY).

The authoritative reference and input builder live on the scoring server;
editing this copy changes nothing except your own understanding.
"""

import jax, jax.numpy as jnp
import numpy as np

B, L, V, F = 16384, 20, 100000, 128

def setup_inputs(seed: int = 0) -> dict:
    key = jax.random.key(seed)
    ks = jax.random.split(key, 3)
    x = jax.random.randint(ks[0], (B, L), 0, V)
    table = jax.random.normal(ks[1], (V, F), dtype=jnp.float32) * 0.05
    W = jax.random.normal(ks[2], (F, F), dtype=jnp.float32) * 0.05
    b = jnp.zeros((F,), dtype=jnp.float32)
    bn_gamma = jnp.ones((F,), dtype=jnp.float32)
    bn_beta = jnp.zeros((F,), dtype=jnp.float32)
    bn_mean = jnp.zeros((F,), dtype=jnp.float32)
    bn_var = jnp.ones((F,), dtype=jnp.float32)
    ln_gamma = jnp.ones((F,), dtype=jnp.float32)
    ln_beta = jnp.zeros((F,), dtype=jnp.float32)
    return {"x": x, "table": table, "W": W, "b": b,
            "bn_gamma": bn_gamma, "bn_beta": bn_beta, "bn_mean": bn_mean, "bn_var": bn_var,
            "ln_gamma": ln_gamma, "ln_beta": ln_beta}

def reference(x, table, W, b, bn_gamma, bn_beta, bn_mean, bn_var, ln_gamma, ln_beta):
    # Embedding lookup: [B, L] -> [B, L, F]
    emb = jnp.take(table, x, axis=0)
    # GlobalAveragePooling1D over sequence axis -> [B, F]
    pooled = jnp.mean(emb, axis=1)
    # Flatten is a no-op on [B, F]
    # Dense
    y = pooled @ W + b
    # BatchNormalization (inference mode, Keras default epsilon=1e-3)
    y = (y - bn_mean) / jnp.sqrt(bn_var + 1e-3) * bn_gamma + bn_beta
    # LayerNormalization (Keras default epsilon=1e-3)
    mu = jnp.mean(y, axis=-1, keepdims=True)
    var = jnp.var(y, axis=-1, keepdims=True)
    y = (y - mu) / jnp.sqrt(var + 1e-3) * ln_gamma + ln_beta
    return y

if __name__ == "__main__":
    import jax
    _d = setup_inputs()
    print(jax.jit(kernel)(*tuple(_d.values())))

</pallas_src>

<mosaic_0001>
#map = affine_map<(d0, d1) -> (0, 0, 0)>
#map1 = affine_map<(d0, d1) -> (0, 0)>
#map2 = affine_map<(d0, d1) -> (0, 0, 0, 0)>
module attributes {stable_mosaic.version = 14 : i64} {
  func.func @_sc_pool_body(%arg0: i32, %arg1: i32, %arg2: memref<32x80x128xi32, #tpu.memory_space<hbm>>, %arg3: memref<100000x128xf32, #tpu.memory_space<hbm>>, %arg4: memref<16x2x20x128xi32, #tpu.memory_space<hbm>>, %arg5: memref<128x128xf32, #tpu.memory_space<hbm>>, %arg6: memref<16384x128xf32, #tpu.memory_space<hbm>>, %arg7: memref<80x128xi32, #tpu.memory_space<vmem>>, %arg8: memref<2x20x128xi32, #tpu.memory_space<vmem>>, %arg9: memref<4x128x128xf32, #tpu.memory_space<vmem>>, %arg10: memref<4096x128xf32, #tpu.memory_space<vmem_shared>>, %arg11: memref<!tpu.dma_semaphore, #tpu.memory_space<semaphore_mem>>, %arg12: memref<!tpu.dma_semaphore, #tpu.memory_space<semaphore_mem>>, %arg13: memref<!tpu.dma_semaphore, #tpu.memory_space<semaphore_mem>>, %arg14: memref<!tpu.dma_semaphore, #tpu.memory_space<semaphore_mem>>, %arg15: memref<!tpu.dma_semaphore, #tpu.memory_space<semaphore_mem>>, %arg16: memref<!tpu.dma_semaphore, #tpu.memory_space<semaphore_mem>>, %arg17: memref<!tpu.dma_semaphore, #tpu.memory_space<semaphore_mem>>, %arg18: memref<!tpu.dma_semaphore, #tpu.memory_space<semaphore_mem>>) attributes {dimension_semantics = [#tpu.dimension_semantics<core_parallel>, #tpu.dimension_semantics<subcore_parallel>], iteration_bounds = array<i64: 2, 16>, scalar_prefetch = 0 : i64, scratch_operands = 12 : i64, tpu.core_type = #tpu.core_type<sc_vector_subcore>, window_params = [{transform_indices = #map}, {transform_indices = #map1}, {transform_indices = #map2}, {transform_indices = #map1}, {transform_indices = #map1}]} {
    %mul3A = arith.constant 2 : i32
    %mul3A_0 = arith.muli %arg1, %mul3A : i32
    %add3A = arith.addi %mul3A_0, %arg0 : i32
    %mul3A_1 = arith.constant 256 : i32
    %mul3A_2 = arith.muli %arg1, %mul3A_1 : i32
    "tpu.region"() ({
      %run_scoped3A_247 = tpu.sem_alloc : memref<!tpu.dma_semaphore, #tpu.memory_space<semaphore_mem>>
      %dma_start3A_248 = arith.constant 0 : i32
      %dma_start3A_249 = arith.constant 0 : i32
      %dma_start3A_250 = tpu.memref_slice %arg2[%add3A, %dma_start3A_248, %dma_start3A_249] : memref<32x80x128xi32, #tpu.memory_space<hbm>> -> memref<1x80x128xi32, #tpu.memory_space<hbm>>
      %dma_start3A_251 = tpu.memref_squeeze %dma_start3A_250 : memref<1x80x128xi32, #tpu.memory_space<hbm>> -> memref<80x128xi32, #tpu.memory_space<hbm>>
      %dma_start3A_252 = arith.constant 0 : i32
      %dma_start3A_253 = arith.constant 0 : i32
      %dma_start3A_254 = tpu.memref_slice %arg2[%add3A, %dma_start3A_252, %dma_start3A_253] : memref<32x80x128xi32, #tpu.memory_space<hbm>> -> memref<1x80x128xi32, #tpu.memory_space<hbm>>
      %dma_start3A_255 = tpu.memref_squeeze %dma_start3A_254 : memref<1x80x128xi32, #tpu.memory_space<hbm>> -> memref<80x128xi32, #tpu.memory_space<hbm>>
      tpu.enqueue_dma source(%dma_start3A_255 : memref<80x128xi32, #tpu.memory_space<hbm>>) target(%arg7 : memref<80x128xi32, #tpu.memory_space<vmem>>) target_semaphore(%run_scoped3A_247 : memref<!tpu.dma_semaphore, #tpu.memory_space<semaphore_mem>>)
      %dma_wait3A_256 = arith.constant 0 : i32
      %dma_wait3A_257 = arith.constant 0 : i32
      %dma_wait3A_258 = tpu.memref_slice %arg2[%add3A, %dma_wait3A_256, %dma_wait3A_257] : memref<32x80x128xi32, #tpu.memory_space<hbm>> -> memref<1x80x128xi32, #tpu.memory_space<hbm>>
      %dma_wait3A_259 = tpu.memref_squeeze %dma_wait3A_258 : memref<1x80x128xi32, #tpu.memory_space<hbm>> -> memref<80x128xi32, #tpu.memory_space<hbm>>
      %dma_wait3A_260 = arith.constant 0 : i32
      %dma_wait3A_261 = arith.constant 0 : i32
      %dma_wait3A_262 = tpu.memref_slice %arg2[%add3A, %dma_wait3A_260, %dma_wait3A_261] : memref<32x80x128xi32, #tpu.memory_space<hbm>> -> memref<1x80x128xi32, #tpu.memory_space<hbm>>
      %dma_wait3A_263 = tpu.memref_squeeze %dma_wait3A_262 : memref<1x80x128xi32, #tpu.memory_space<hbm>> -> memref<80x128xi32, #tpu.memory_space<hbm>>
      tpu.wait_dma2 semaphore(%run_scoped3A_247 : memref<!tpu.dma_semaphore, #tpu.memory_space<semaphore_mem>>) src(%dma_wait3A_263 : memref<80x128xi32, #tpu.memory_space<hbm>>) dst(%arg7 : memref<80x128xi32, #tpu.memory_space<vmem>>)
      tpu.yield
    }) : () -> ()
    "tpu.region"() ({
      %run_scoped3A_247 = tpu.sem_alloc : memref<!tpu.dma_semaphore, #tpu.memory_space<semaphore_mem>>
      %dma_start3A_248 = arith.constant 0 : i32
      %dma_start3A_249 = arith.constant 0 : i32
      %dma_start3A_250 = arith.constant 0 : i32
      %dma_start3A_251 = tpu.memref_slice %arg4[%arg1, %dma_start3A_248, %dma_start3A_249, %dma_start3A_250] : memref<16x2x20x128xi32, #tpu.memory_space<hbm>> -> memref<1x2x20x128xi32, #tpu.memory_space<hbm>>
      %dma_start3A_252 = tpu.memref_squeeze %dma_start3A_251 : memref<1x2x20x128xi32, #tpu.memory_space<hbm>> -> memref<2x20x128xi32, #tpu.memory_space<hbm>>
      %dma_start3A_253 = arith.constant 0 : i32
      %dma_start3A_254 = arith.constant 0 : i32
      %dma_start3A_255 = arith.constant 0 : i32
      %dma_start3A_256 = tpu.memref_slice %arg4[%arg1, %dma_start3A_253, %dma_start3A_254, %dma_start3A_255] : memref<16x2x20x128xi32, #tpu.memory_space<hbm>> -> memref<1x2x20x128xi32, #tpu.memory_space<hbm>>
      %dma_start3A_257 = tpu.memref_squeeze %dma_start3A_256 : memref<1x2x20x128xi32, #tpu.memory_space<hbm>> -> memref<2x20x128xi32, #tpu.memory_space<hbm>>
      tpu.enqueue_dma source(%dma_start3A_257 : memref<2x20x128xi32, #tpu.memory_space<hbm>>) target(%arg8 : memref<2x20x128xi32, #tpu.memory_space<vmem>>) target_semaphore(%run_scoped3A_247 : memref<!tpu.dma_semaphore, #tpu.memory_space<semaphore_mem>>)
      %dma_wait3A_258 = arith.constant 0 : i32
      %dma_wait3A_259 = arith.constant 0 : i32
      %dma_wait3A_260 = arith.constant 0 : i32
      %dma_wait3A_261 = tpu.memref_slice %arg4[%arg1, %dma_wait3A_258, %dma_wait3A_259, %dma_wait3A_260] : memref<16x2x20x128xi32, #tpu.memory_space<hbm>> -> memref<1x2x20x128xi32, #tpu.memory_space<hbm>>
      %dma_wait3A_262 = tpu.memref_squeeze %dma_wait3A_261 : memref<1x2x20x128xi32, #tpu.memory_space<hbm>> -> memref<2x20x128xi32, #tpu.memory_space<hbm>>
      %dma_wait3A_263 = arith.constant 0 : i32
      %dma_wait3A_264 = arith.constant 0 : i32
      %dma_wait3A_265 = arith.constant 0 : i32
      %dma_wait3A_266 = tpu.memref_slice %arg4[%arg1, %dma_wait3A_263, %dma_wait3A_264, %dma_wait3A_265] : memref<16x2x20x128xi32, #tpu.memory_space<hbm>> -> memref<1x2x20x128xi32, #tpu.memory_space<hbm>>
      %dma_wait3A_267 = tpu.memref_squeeze %dma_wait3A_266 : memref<1x2x20x128xi32, #tpu.memory_space<hbm>> -> memref<2x20x128xi32, #tpu.memory_space<hbm>>
      tpu.wait_dma2 semaphore(%run_scoped3A_247 : memref<!tpu.dma_semaphore, #tpu.memory_space<semaphore_mem>>) src(%dma_wait3A_267 : memref<2x20x128xi32, #tpu.memory_space<hbm>>) dst(%arg8 : memref<2x20x128xi32, #tpu.memory_space<vmem>>)
      tpu.yield
    }) : () -> ()
    %add3A_3 = arith.constant 0 : i32
    %add3A_4 = arith.addi %mul3A_2, %add3A_3 : i32
    %dma_start3A = arith.constant 0 : i32
    %dma_start3A_5 = tpu.memref_slice %arg10[%add3A_4, %dma_start3A] : memref<4096x128xf32, #tpu.memory_space<vmem_shared>> -> memref<128x128xf32, #tpu.memory_space<vmem_shared>>
    tpu.enqueue_dma source(%arg5 : memref<128x128xf32, #tpu.memory_space<hbm>>) target(%dma_start3A_5 : memref<128x128xf32, #tpu.memory_space<vmem_shared>>) target_semaphore(%arg17 : memref<!tpu.dma_semaphore, #tpu.memory_space<semaphore_mem>>)
    %add3A_6 = arith.constant 128 : i32
    %add3A_7 = arith.addi %mul3A_2, %add3A_6 : i32
    %dma_start3A_8 = arith.constant 0 : i32
    %dma_start3A_9 = tpu.memref_slice %arg10[%add3A_7, %dma_start3A_8] : memref<4096x128xf32, #tpu.memory_space<vmem_shared>> -> memref<128x128xf32, #tpu.memory_space<vmem_shared>>
    tpu.enqueue_dma source(%arg5 : memref<128x128xf32, #tpu.memory_space<hbm>>) target(%dma_start3A_9 : memref<128x128xf32, #tpu.memory_space<vmem_shared>>) target_semaphore(%arg18 : memref<!tpu.dma_semaphore, #tpu.memory_space<semaphore_mem>>)
    %dma_start3A_10 = arith.constant 0 : i32
    %dma_start3A_11 = arith.constant 0 : i32
    %dma_start3A_12 = arith.constant 0 : i32
    %dma_start3A_13 = arith.constant 0 : i32
    %dma_start3A_14 = tpu.memref_slice %arg9[%dma_start3A_11, %dma_start3A_12, %dma_start3A_13] : memref<4x128x128xf32, #tpu.memory_space<vmem>> -> memref<1x128x128xf32, #tpu.memory_space<vmem>>
    %dma_start3A_15 = tpu.memref_squeeze %dma_start3A_14 : memref<1x128x128xf32, #tpu.memory_space<vmem>> -> memref<128x128xf32, #tpu.memory_space<vmem>>
    %dma_start3A_16 = arith.constant 0 : i32
    %dma_start3A_17 = tpu.memref_slice %arg7[%dma_start3A_10, %dma_start3A_16] : memref<80x128xi32, #tpu.memory_space<vmem>> -> memref<1x128xi32, #tpu.memory_space<vmem>>
    %dma_start3A_18 = tpu.memref_squeeze %dma_start3A_17 : memref<1x128xi32, #tpu.memory_space<vmem>> -> memref<128xi32, #tpu.memory_space<vmem>>
    %dma_start3A_19 = arith.constant 0 : i32
    %dma_start3A_20 = arith.constant 0 : i32
    %dma_start3A_21 = tpu.memref_slice %arg3[%dma_start3A_19, %dma_start3A_20] : memref<100000x128xf32, #tpu.memory_space<hbm>> -> memref<100000x128xf32, #tpu.memory_space<hbm>>
    tpu.enqueue_indirect_dma source(%dma_start3A_21 : memref<100000x128xf32, #tpu.memory_space<hbm>>) target(%dma_start3A_15 : memref<128x128xf32, #tpu.memory_space<vmem>>) offsets(%dma_start3A_18 : memref<128xi32, #tpu.memory_space<vmem>>) semaphore(%arg11 : memref<!tpu.dma_semaphore, #tpu.memory_space<semaphore_mem>>)
    %dma_start3A_22 = arith.constant 1 : i32
    %dma_start3A_23 = arith.constant 1 : i32
    %dma_start3A_24 = arith.constant 0 : i32
    %dma_start3A_25 = arith.constant 0 : i32
    %dma_start3A_26 = tpu.memref_slice %arg9[%dma_start3A_23, %dma_start3A_24, %dma_start3A_25] : memref<4x128x128xf32, #tpu.memory_space<vmem>> -> memref<1x128x128xf32, #tpu.memory_space<vmem>>
    %dma_start3A_27 = tpu.memref_squeeze %dma_start3A_26 : memref<1x128x128xf32, #tpu.memory_space<vmem>> -> memref<128x128xf32, #tpu.memory_space<vmem>>
    %dma_start3A_28 = arith.constant 0 : i32
    %dma_start3A_29 = tpu.memref_slice %arg7[%dma_start3A_22, %dma_start3A_28] : memref<80x128xi32, #tpu.memory_space<vmem>> -> memref<1x128xi32, #tpu.memory_space<vmem>>
    %dma_start3A_30 = tpu.memref_squeeze %dma_start3A_29 : memref<1x128xi32, #tpu.memory_space<vmem>> -> memref<128xi32, #tpu.memory_space<vmem>>
    %dma_start3A_31 = arith.constant 0 : i32
    %dma_start3A_32 = arith.constant 0 : i32
    %dma_start3A_33 = tpu.memref_slice %arg3[%dma_start3A_31, %dma_start3A_32] : memref<100000x128xf32, #tpu.memory_space<hbm>> -> memref<100000x128xf32, #tpu.memory_space<hbm>>
    tpu.enqueue_indirect_dma source(%dma_start3A_33 : memref<100000x128xf32, #tpu.memory_space<hbm>>) target(%dma_start3A_27 : memref<128x128xf32, #tpu.memory_space<vmem>>) offsets(%dma_start3A_30 : memref<128xi32, #tpu.memory_space<vmem>>) semaphore(%arg12 : memref<!tpu.dma_semaphore, #tpu.memory_space<semaphore_mem>>)
    %dma_start3A_34 = arith.constant 2 : i32
    %dma_start3A_35 = arith.constant 2 : i32
    %dma_start3A_36 = arith.constant 0 : i32
    %dma_start3A_37 = arith.constant 0 : i32
    %dma_start3A_38 = tpu.memref_slice %arg9[%dma_start3A_35, %dma_start3A_36, %dma_start3A_37] : memref<4x128x128xf32, #tpu.memory_space<vmem>> -> memref<1x128x128xf32, #tpu.memory_space<vmem>>
    %dma_start3A_39 = tpu.memref_squeeze %dma_start3A_38 : memref<1x128x128xf32, #tpu.memory_space<vmem>> -> memref<128x128xf32, #tpu.memory_space<vmem>>
    %dma_start3A_40 = arith.constant 0 : i32
    %dma_start3A_41 = tpu.memref_slice %arg7[%dma_start3A_34, %dma_start3A_40] : memref<80x128xi32, #tpu.memory_space<vmem>> -> memref<1x128xi32, #tpu.memory_space<vmem>>
    %dma_start3A_42 = tpu.memref_squeeze %dma_start3A_41 : memref<1x128xi32, #tpu.memory_space<vmem>> -> memref<128xi32, #tpu.memory_space<vmem>>
    %dma_start3A_43 = arith.constant 0 : i32
    %dma_start3A_44 = arith.constant 0 : i32
    %dma_start3A_45 = tpu.memref_slice %arg3[%dma_start3A_43, %dma_start3A_44] : memref<100000x128xf32, #tpu.memory_space<hbm>> -> memref<100000x128xf32, #tpu.memory_space<hbm>>
    tpu.enqueue_indirect_dma source(%dma_start3A_45 : memref<100000x128xf32, #tpu.memory_space<hbm>>) target(%dma_start3A_39 : memref<128x128xf32, #tpu.memory_space<vmem>>) offsets(%dma_start3A_42 : memref<128xi32, #tpu.memory_space<vmem>>) semaphore(%arg13 : memref<!tpu.dma_semaphore, #tpu.memory_space<semaphore_mem>>)
    %dma_start3A_46 = arith.constant 3 : i32
    %dma_start3A_47 = arith.constant 3 : i32
    %dma_start3A_48 = arith.constant 0 : i32
    %dma_start3A_49 = arith.constant 0 : i32
    %dma_start3A_50 = tpu.memref_slice %arg9[%dma_start3A_47, %dma_start3A_48, %dma_start3A_49] : memref<4x128x128xf32, #tpu.memory_space<vmem>> -> memref<1x128x128xf32, #tpu.memory_space<vmem>>
    %dma_start3A_51 = tpu.memref_squeeze %dma_start3A_50 : memref<1x128x128xf32, #tpu.memory_space<vmem>> -> memref<128x128xf32, #tpu.memory_space<vmem>>
    %dma_start3A_52 = arith.constant 0 : i32
    %dma_start3A_53 = tpu.memref_slice %arg7[%dma_start3A_46, %dma_start3A_52] : memref<80x128xi32, #tpu.memory_space<vmem>> -> memref<1x128xi32, #tpu.memory_space<vmem>>
    %dma_start3A_54 = tpu.memref_squeeze %dma_start3A_53 : memref<1x128xi32, #tpu.memory_space<vmem>> -> memref<128xi32, #tpu.memory_space<vmem>>
    %dma_start3A_55 = arith.constant 0 : i32
    %dma_start3A_56 = arith.constant 0 : i32
    %dma_start3A_57 = tpu.memref_slice %arg3[%dma_start3A_55, %dma_start3A_56] : memref<100000x128xf32, #tpu.memory_space<hbm>> -> memref<100000x128xf32, #tpu.memory_space<hbm>>
    tpu.enqueue_indirect_dma source(%dma_start3A_57 : memref<100000x128xf32, #tpu.memory_space<hbm>>) target(%dma_start3A_51 : memref<128x128xf32, #tpu.memory_space<vmem>>) offsets(%dma_start3A_54 : memref<128xi32, #tpu.memory_space<vmem>>) semaphore(%arg14 : memref<!tpu.dma_semaphore, #tpu.memory_space<semaphore_mem>>)
    %add3A_58 = arith.constant 0 : i32
    %add3A_59 = arith.addi %mul3A_2, %add3A_58 : i32
    %dma_wait3A = arith.constant 0 : i32
    %dma_wait3A_60 = tpu.memref_slice %arg10[%add3A_59, %dma_wait3A] : memref<4096x128xf32, #tpu.memory_space<vmem_shared>> -> memref<128x128xf32, #tpu.memory_space<vmem_shared>>
    tpu.wait_dma2 semaphore(%arg17 : memref<!tpu.dma_semaphore, #tpu.memory_space<semaphore_mem>>) src(%arg5 : memref<128x128xf32, #tpu.memory_space<hbm>>) dst(%dma_wait3A_60 : memref<128x128xf32, #tpu.memory_space<vmem_shared>>)
    %scan3A = arith.constant 0 : i32
    %scan3A_61 = arith.constant 2 : i32
    %scan3A_62 = arith.addi %scan3A, %scan3A_61 : i32
    %scan3A_63 = arith.constant 1 : i32
    scf.for %scan3A_247 = %scan3A to %scan3A_62 step %scan3A_63  : i32 {
      %mul3A_248 = arith.constant 4 : i32
      %mul3A_249 = arith.muli %scan3A_247, %mul3A_248 : i32
      %add3A_250 = arith.constant 0 : i32
      %add3A_251 = arith.addi %add3A_250, %mul3A_249 : i32
      %dma_wait3A_252 = arith.constant 0 : i32
      %dma_wait3A_253 = arith.constant 0 : i32
      %dma_wait3A_254 = arith.constant 0 : i32
      %dma_wait3A_255 = tpu.memref_slice %arg9[%dma_wait3A_252, %dma_wait3A_253, %dma_wait3A_254] : memref<4x128x128xf32, #tpu.memory_space<vmem>> -> memref<1x128x128xf32, #tpu.memory_space<vmem>>
      %dma_wait3A_256 = tpu.memref_squeeze %dma_wait3A_255 : memref<1x128x128xf32, #tpu.memory_space<vmem>> -> memref<128x128xf32, #tpu.memory_space<vmem>>
      %dma_wait3A_257 = arith.constant 0 : i32
      %dma_wait3A_258 = arith.constant 0 : i32
      %dma_wait3A_259 = tpu.memref_slice %arg3[%dma_wait3A_257, %dma_wait3A_258] : memref<100000x128xf32, #tpu.memory_space<hbm>> -> memref<128x128xf32, #tpu.memory_space<hbm>>
      %dma_wait3A_260 = arith.constant 0 : i32
      %dma_wait3A_261 = arith.constant 0 : i32
      %dma_wait3A_262 = tpu.memref_slice %arg9[%dma_wait3A_252, %dma_wait3A_260, %dma_wait3A_261] : memref<4x128x128xf32, #tpu.memory_space<vmem>> -> memref<1x128x128xf32, #tpu.memory_space<vmem>>
      %dma_wait3A_263 = tpu.memref_squeeze %dma_wait3A_262 : memref<1x128x128xf32, #tpu.memory_space<vmem>> -> memref<128x128xf32, #tpu.memory_space<vmem>>
      %dma_wait3A_264 = arith.constant 0 : i32
      %dma_wait3A_265 = arith.constant 0 : i32
      %dma_wait3A_266 = tpu.memref_slice %arg3[%dma_wait3A_264, %dma_wait3A_265] : memref<100000x128xf32, #tpu.memory_space<hbm>> -> memref<128x128xf32, #tpu.memory_space<hbm>>
      tpu.wait_dma2 semaphore(%arg11 : memref<!tpu.dma_semaphore, #tpu.memory_space<semaphore_mem>>) src(%dma_wait3A_266 : memref<128x128xf32, #tpu.memory_space<hbm>>) dst(%dma_wait3A_263 : memref<128x128xf32, #tpu.memory_space<vmem>>)
      %add3A_267 = arith.constant 0 : i32
      %add3A_268 = arith.addi %add3A_251, %add3A_267 : i32
      %run_scoped3A_269 = arith.constant 0 : i32
      %run_scoped3A_270 = arith.constant 0 : i32
      "tpu.region"() ({
        %run_scoped3A_396 = tpu.sem_alloc : memref<!tpu.dma_semaphore, #tpu.memory_space<semaphore_mem>>
        %dma_start3A_397 = arith.constant 0 : i32
        %dma_start3A_398 = arith.constant 0 : i32
        %dma_start3A_399 = tpu.memref_slice %arg9[%run_scoped3A_269, %dma_start3A_397, %dma_start3A_398] : memref<4x128x128xf32, #tpu.memory_space<vmem>> -> memref<1x128x128xf32, #tpu.memory_space<vmem>>
        %dma_start3A_400 = tpu.memref_squeeze %dma_start3A_399 : memref<1x128x128xf32, #tpu.memory_space<vmem>> -> memref<128x128xf32, #tpu.memory_space<vmem>>
        %dma_start3A_401 = arith.constant 0 : i32
        %dma_start3A_402 = tpu.memref_slice %arg8[%run_scoped3A_270, %add3A_268, %dma_start3A_401] : memref<2x20x128xi32, #tpu.memory_space<vmem>> -> memref<1x1x128xi32, #tpu.memory_space<vmem>>
        %dma_start3A_403 = tpu.memref_squeeze %dma_start3A_402 : memref<1x1x128xi32, #tpu.memory_space<vmem>> -> memref<128xi32, #tpu.memory_space<vmem>>
        %dma_start3A_404 = arith.constant 0 : i32
        %dma_start3A_405 = arith.constant 0 : i32
        %dma_start3A_406 = tpu.memref_slice %arg10[%dma_start3A_404, %dma_start3A_405] : memref<4096x128xf32, #tpu.memory_space<vmem_shared>> -> memref<4096x128xf32, #tpu.memory_space<vmem_shared>>
        tpu.enqueue_indirect_dma source(%dma_start3A_400 : memref<128x128xf32, #tpu.memory_space<vmem>>) target(%dma_start3A_406 : memref<4096x128xf32, #tpu.memory_space<vmem_shared>>) offsets(%dma_start3A_403 : memref<128xi32, #tpu.memory_space<vmem>>) semaphore(%run_scoped3A_396 : memref<!tpu.dma_semaphore, #tpu.memory_space<semaphore_mem>>) {add = true}
        %dma_wait3A_407 = arith.constant 0 : i32
        %dma_wait3A_408 = arith.constant 0 : i32
        %dma_wait3A_409 = tpu.memref_slice %arg9[%run_scoped3A_269, %dma_wait3A_407, %dma_wait3A_408] : memref<4x128x128xf32, #tpu.memory_space<vmem>> -> memref<1x128x128xf32, #tpu.memory_space<vmem>>
        %dma_wait3A_410 = tpu.memref_squeeze %dma_wait3A_409 : memref<1x128x128xf32, #tpu.memory_space<vmem>> -> memref<128x128xf32, #tpu.memory_space<vmem>>
        %dma_wait3A_411 = arith.constant 0 : i32
        %dma_wait3A_412 = tpu.memref_slice %arg8[%run_scoped3A_270, %add3A_268, %dma_wait3A_411] : memref<2x20x128xi32, #tpu.memory_space<vmem>> -> memref<1x1x128xi32, #tpu.memory_space<vmem>>
        %dma_wait3A_413 = tpu.memref_squeeze %dma_wait3A_412 : memref<1x1x128xi32, #tpu.memory_space<vmem>> -> memref<128xi32, #tpu.memory_space<vmem>>
        %dma_wait3A_414 = arith.constant 0 : i32
        %dma_wait3A_415 = arith.constant 0 : i32
        %dma_wait3A_416 = tpu.memref_slice %arg10[%dma_wait3A_414, %dma_wait3A_415] : memref<4096x128xf32, #tpu.memory_space<vmem_shared>> -> memref<4096x128xf32, #tpu.memory_space<vmem_shared>>
        tpu.wait_indirect_dma semaphore(%run_scoped3A_396 : memref<!tpu.dma_semaphore, #tpu.memory_space<semaphore_mem>>) src(%dma_wait3A_410 : memref<128x128xf32, #tpu.memory_space<vmem>>) dst(%dma_wait3A_416 : memref<4096x128xf32, #tpu.memory_space<vmem_shared>>)
        tpu.yield
      }) : () -> ()
      %add3A_271 = arith.constant 0 : i32
      %add3A_272 = arith.addi %add3A_271, %add3A_251 : i32
      %add3A_273 = arith.constant 4 : i32
      %add3A_274 = arith.addi %add3A_272, %add3A_273 : i32
      %add3A_275 = arith.constant 0 : i32
      %add3A_276 = arith.addi %add3A_274, %add3A_275 : i32
      %dma_start3A_277 = arith.constant 0 : i32
      %dma_start3A_278 = arith.constant 0 : i32
      %dma_start3A_279 = arith.constant 0 : i32
      %dma_start3A_280 = tpu.memref_slice %arg9[%dma_start3A_277, %dma_start3A_278, %dma_start3A_279] : memref<4x128x128xf32, #tpu.memory_space<vmem>> -> memref<1x128x128xf32, #tpu.memory_space<vmem>>
      %dma_start3A_281 = tpu.memref_squeeze %dma_start3A_280 : memref<1x128x128xf32, #tpu.memory_space<vmem>> -> memref<128x128xf32, #tpu.memory_space<vmem>>
      %dma_start3A_282 = arith.constant 0 : i32
      %dma_start3A_283 = tpu.memref_slice %arg7[%add3A_276, %dma_start3A_282] : memref<80x128xi32, #tpu.memory_space<vmem>> -> memref<1x128xi32, #tpu.memory_space<vmem>>
      %dma_start3A_284 = tpu.memref_squeeze %dma_start3A_283 : memref<1x128xi32, #tpu.memory_space<vmem>> -> memref<128xi32, #tpu.memory_space<vmem>>
      %dma_start3A_285 = arith.constant 0 : i32
      %dma_start3A_286 = arith.constant 0 : i32
      %dma_start3A_287 = tpu.memref_slice %arg3[%dma_start3A_285, %dma_start3A_286] : memref<100000x128xf32, #tpu.memory_space<hbm>> -> memref<100000x128xf32, #tpu.memory_space<hbm>>
      tpu.enqueue_indirect_dma source(%dma_start3A_287 : memref<100000x128xf32, #tpu.memory_space<hbm>>) target(%dma_start3A_281 : memref<128x128xf32, #tpu.memory_space<vmem>>) offsets(%dma_start3A_284 : memref<128xi32, #tpu.memory_space<vmem>>) semaphore(%arg11 : memref<!tpu.dma_semaphore, #tpu.memory_space<semaphore_mem>>)
      %dma_wait3A_288 = arith.constant 1 : i32
      %dma_wait3A_289 = arith.constant 0 : i32
      %dma_wait3A_290 = arith.constant 0 : i32
      %dma_wait3A_291 = tpu.memref_slice %arg9[%dma_wait3A_288, %dma_wait3A_289, %dma_wait3A_290] : memref<4x128x128xf32, #tpu.memory_space<vmem>> -> memref<1x128x128xf32, #tpu.memory_space<vmem>>
      %dma_wait3A_292 = tpu.memref_squeeze %dma_wait3A_291 : memref<1x128x128xf32, #tpu.memory_space<vmem>> -> memref<128x128xf32, #tpu.memory_space<vmem>>
      %dma_wait3A_293 = arith.constant 0 : i32
      %dma_wait3A_294 = arith.constant 0 : i32
      %dma_wait3A_295 = tpu.memref_slice %arg3[%dma_wait3A_293, %dma_wait3A_294] : memref<100000x128xf32, #tpu.memory_space<hbm>> -> memref<128x128xf32, #tpu.memory_space<hbm>>
      %dma_wait3A_296 = arith.constant 0 : i32
      %dma_wait3A_297 = arith.constant 0 : i32
      %dma_wait3A_298 = tpu.memref_slice %arg9[%dma_wait3A_288, %dma_wait3A_296, %dma_wait3A_297] : memref<4x128x128xf32, #tpu.memory_space<vmem>> -> memref<1x128x128xf32, #tpu.memory_space<vmem>>
      %dma_wait3A_299 = tpu.memref_squeeze %dma_wait3A_298 : memref<1x128x128xf32, #tpu.memory_space<vmem>> -> memref<128x128xf32, #tpu.memory_space<vmem>>
      %dma_wait3A_300 = arith.constant 0 : i32
      %dma_wait3A_301 = arith.constant 0 : i32
      %dma_wait3A_302 = tpu.memref_slice %arg3[%dma_wait3A_300, %dma_wait3A_301] : memref<100000x128xf32, #tpu.memory_space<hbm>> -> memref<128x128xf32, #tpu.memory_space<hbm>>
      tpu.wait_dma2 semaphore(%arg12 : memref<!tpu.dma_semaphore, #tpu.memory_space<semaphore_mem>>) src(%dma_wait3A_302 : memref<128x128xf32, #tpu.memory_space<hbm>>) dst(%dma_wait3A_299 : memref<128x128xf32, #tpu.memory_space<vmem>>)
      %add3A_303 = arith.constant 1 : i32
      %add3A_304 = arith.addi %add3A_251, %add3A_303 : i32
      %run_scoped3A_305 = arith.constant 1 : i32
      %run_scoped3A_306 = arith.constant 0 : i32
      "tpu.region"() ({
        %run_scoped3A_396 = tpu.sem_alloc : memref<!tpu.dma_semaphore, #tpu.memory_space<semaphore_mem>>
        %dma_start3A_397 = arith.constant 0 : i32
        %dma_start3A_398 = arith.constant 0 : i32
        %dma_start3A_399 = tpu.memref_slice %arg9[%run_scoped3A_305, %dma_start3A_397, %dma_start3A_398] : memref<4x128x128xf32, #tpu.memory_space<vmem>> -> memref<1x128x128xf32, #tpu.memory_space<vmem>>
        %dma_start3A_400 = tpu.memref_squeeze %dma_start3A_399 : memref<1x128x128xf32, #tpu.memory_space<vmem>> -> memref<128x128xf32, #tpu.memory_space<vmem>>
        %dma_start3A_401 = arith.constant 0 : i32
        %dma_start3A_402 = tpu.memref_slice %arg8[%run_scoped3A_306, %add3A_304, %dma_start3A_401] : memref<2x20x128xi32, #tpu.memory_space<vmem>> -> memref<1x1x128xi32, #tpu.memory_space<vmem>>
        %dma_start3A_403 = tpu.memref_squeeze %dma_start3A_402 : memref<1x1x128xi32, #tpu.memory_space<vmem>> -> memref<128xi32, #tpu.memory_space<vmem>>
        %dma_start3A_404 = arith.constant 0 : i32
        %dma_start3A_405 = arith.constant 0 : i32
        %dma_start3A_406 = tpu.memref_slice %arg10[%dma_start3A_404, %dma_start3A_405] : memref<4096x128xf32, #tpu.memory_space<vmem_shared>> -> memref<4096x128xf32, #tpu.memory_space<vmem_shared>>
        tpu.enqueue_indirect_dma source(%dma_start3A_400 : memref<128x128xf32, #tpu.memory_space<vmem>>) target(%dma_start3A_406 : memref<4096x128xf32, #tpu.memory_space<vmem_shared>>) offsets(%dma_start3A_403 : memref<128xi32, #tpu.memory_space<vmem>>) semaphore(%run_scoped3A_396 : memref<!tpu.dma_semaphore, #tpu.memory_space<semaphore_mem>>) {add = true}
        %dma_wait3A_407 = arith.constant 0 : i32
        %dma_wait3A_408 = arith.constant 0 : i32
        %dma_wait3A_409 = tpu.memref_slice %arg9[%run_scoped3A_305, %dma_wait3A_407, %dma_wait3A_408] : memref<4x128x128xf32, #tpu.memory_space<vmem>> -> memref<1x128x128xf32, #tpu.memory_space<vmem>>
        %dma_wait3A_410 = tpu.memref_squeeze %dma_wait3A_409 : memref<1x128x128xf32, #tpu.memory_space<vmem>> -> memref<128x128xf32, #tpu.memory_space<vmem>>
        %dma_wait3A_411 = arith.constant 0 : i32
        %dma_wait3A_412 = tpu.memref_slice %arg8[%run_scoped3A_306, %add3A_304, %dma_wait3A_411] : memref<2x20x128xi32, #tpu.memory_space<vmem>> -> memref<1x1x128xi32, #tpu.memory_space<vmem>>
        %dma_wait3A_413 = tpu.memref_squeeze %dma_wait3A_412 : memref<1x1x128xi32, #tpu.memory_space<vmem>> -> memref<128xi32, #tpu.memory_space<vmem>>
        %dma_wait3A_414 = arith.constant 0 : i32
        %dma_wait3A_415 = arith.constant 0 : i32
        %dma_wait3A_416 = tpu.memref_slice %arg10[%dma_wait3A_414, %dma_wait3A_415] : memref<4096x128xf32, #tpu.memory_space<vmem_shared>> -> memref<4096x128xf32, #tpu.memory_space<vmem_shared>>
        tpu.wait_indirect_dma semaphore(%run_scoped3A_396 : memref<!tpu.dma_semaphore, #tpu.memory_space<semaphore_mem>>) src(%dma_wait3A_410 : memref<128x128xf32, #tpu.memory_space<vmem>>) dst(%dma_wait3A_416 : memref<4096x128xf32, #tpu.memory_space<vmem_shared>>)
        tpu.yield
      }) : () -> ()
      %add3A_307 = arith.constant 0 : i32
      %add3A_308 = arith.addi %add3A_307, %add3A_251 : i32
      %add3A_309 = arith.constant 4 : i32
      %add3A_310 = arith.addi %add3A_308, %add3A_309 : i32
      %add3A_311 = arith.constant 1 : i32
      %add3A_312 = arith.addi %add3A_310, %add3A_311 : i32
      %dma_start3A_313 = arith.constant 1 : i32
      %dma_start3A_314 = arith.constant 0 : i32
      %dma_start3A_315 = arith.constant 0 : i32
      %dma_start3A_316 = tpu.memref_slice %arg9[%dma_start3A_313, %dma_start3A_314, %dma_start3A_315] : memref<4x128x128xf32, #tpu.memory_space<vmem>> -> memref<1x128x128xf32, #tpu.memory_space<vmem>>
      %dma_start3A_317 = tpu.memref_squeeze %dma_start3A_316 : memref<1x128x128xf32, #tpu.memory_space<vmem>> -> memref<128x128xf32, #tpu.memory_space<vmem>>
      %dma_start3A_318 = arith.constant 0 : i32
      %dma_start3A_319 = tpu.memref_slice %arg7[%add3A_312, %dma_start3A_318] : memref<80x128xi32, #tpu.memory_space<vmem>> -> memref<1x128xi32, #tpu.memory_space<vmem>>
      %dma_start3A_320 = tpu.memref_squeeze %dma_start3A_319 : memref<1x128xi32, #tpu.memory_space<vmem>> -> memref<128xi32, #tpu.memory_space<vmem>>
      %dma_start3A_321 = arith.constant 0 : i32
      %dma_start3A_322 = arith.constant 0 : i32
      %dma_start3A_323 = tpu.memref_slice %arg3[%dma_start3A_321, %dma_start3A_322] : memref<100000x128xf32, #tpu.memory_space<hbm>> -> memref<100000x128xf32, #tpu.memory_space<hbm>>
      tpu.enqueue_indirect_dma source(%dma_start3A_323 : memref<100000x128xf32, #tpu.memory_space<hbm>>) target(%dma_start3A_317 : memref<128x128xf32, #tpu.memory_space<vmem>>) offsets(%dma_start3A_320 : memref<128xi32, #tpu.memory_space<vmem>>) semaphore(%arg12 : memref<!tpu.dma_semaphore, #tpu.memory_space<semaphore_mem>>)
      %dma_wait3A_324 = arith.constant 2 : i32
      %dma_wait3A_325 = arith.constant 0 : i32
      %dma_wait3A_326 = arith.constant 0 : i32
      %dma_wait3A_327 = tpu.memref_slice %arg9[%dma_wait3A_324, %dma_wait3A_325, %dma_wait3A_326] : memref<4x128x128xf32, #tpu.memory_space<vmem>> -> memref<1x128x128xf32, #tpu.memory_space<vmem>>
      %dma_wait3A_328 = tpu.memref_squeeze %dma_wait3A_327 : memref<1x128x128xf32, #tpu.memory_space<vmem>> -> memref<128x128xf32, #tpu.memory_space<vmem>>
      %dma_wait3A_329 = arith.constant 0 : i32
      %dma_wait3A_330 = arith.constant 0 : i32
      %dma_wait3A_331 = tpu.memref_slice %arg3[%dma_wait3A_329, %dma_wait3A_330] : memref<100000x128xf32, #tpu.memory_space<hbm>> -> memref<128x128xf32, #tpu.memory_space<hbm>>
      %dma_wait3A_332 = arith.constant 0 : i32
      %dma_wait3A_333 = arith.constant 0 : i32
      %dma_wait3A_334 = tpu.memref_slice %arg9[%dma_wait3A_324, %dma_wait3A_332, %dma_wait3A_333] : memref<4x128x128xf32, #tpu.memory_space<vmem>> -> memref<1x128x128xf32, #tpu.memory_space<vmem>>
      %dma_wait3A_335 = tpu.memref_squeeze %dma_wait3A_334 : memref<1x128x128xf32, #tpu.memory_space<vmem>> -> memref<128x128xf32, #tpu.memory_space<vmem>>
      %dma_wait3A_336 = arith.constant 0 : i32
      %dma_wait3A_337 = arith.constant 0 : i32
      %dma_wait3A_338 = tpu.memref_slice %arg3[%dma_wait3A_336, %dma_wait3A_337] : memref<100000x128xf32, #tpu.memory_space<hbm>> -> memref<128x128xf32, #tpu.memory_space<hbm>>
      tpu.wait_dma2 semaphore(%arg13 : memref<!tpu.dma_semaphore, #tpu.memory_space<semaphore_mem>>) src(%dma_wait3A_338 : memref<128x128xf32, #tpu.memory_space<hbm>>) dst(%dma_wait3A_335 : memref<128x128xf32, #tpu.memory_space<vmem>>)
      %add3A_339 = arith.constant 2 : i32
      %add3A_340 = arith.addi %add3A_251, %add3A_339 : i32
      %run_scoped3A_341 = arith.constant 2 : i32
      %run_scoped3A_342 = arith.constant 0 : i32
      "tpu.region"() ({
        %run_scoped3A_396 = tpu.sem_alloc : memref<!tpu.dma_semaphore, #tpu.memory_space<semaphore_mem>>
        %dma_start3A_397 = arith.constant 0 : i32
        %dma_start3A_398 = arith.constant 0 : i32
        %dma_start3A_399 = tpu.memref_slice %arg9[%run_scoped3A_341, %dma_start3A_397, %dma_start3A_398] : memref<4x128x128xf32, #tpu.memory_space<vmem>> -> memref<1x128x128xf32, #tpu.memory_space<vmem>>
        %dma_start3A_400 = tpu.memref_squeeze %dma_start3A_399 : memref<1x128x128xf32, #tpu.memory_space<vmem>> -> memref<128x128xf32, #tpu.memory_space<vmem>>
        %dma_start3A_401 = arith.constant 0 : i32
        %dma_start3A_402 = tpu.memref_slice %arg8[%run_scoped3A_342, %add3A_340, %dma_start3A_401] : memref<2x20x128xi32, #tpu.memory_space<vmem>> -> memref<1x1x128xi32, #tpu.memory_space<vmem>>
        %dma_start3A_403 = tpu.memref_squeeze %dma_start3A_402 : memref<1x1x128xi32, #tpu.memory_space<vmem>> -> memref<128xi32, #tpu.memory_space<vmem>>
        %dma_start3A_404 = arith.constant 0 : i32
        %dma_start3A_405 = arith.constant 0 : i32
        %dma_start3A_406 = tpu.memref_slice %arg10[%dma_start3A_404, %dma_start3A_405] : memref<4096x128xf32, #tpu.memory_space<vmem_shared>> -> memref<4096x128xf32, #tpu.memory_space<vmem_shared>>
        tpu.enqueue_indirect_dma source(%dma_start3A_400 : memref<128x128xf32, #tpu.memory_space<vmem>>) target(%dma_start3A_406 : memref<4096x128xf32, #tpu.memory_space<vmem_shared>>) offsets(%dma_start3A_403 : memref<128xi32, #tpu.memory_space<vmem>>) semaphore(%run_scoped3A_396 : memref<!tpu.dma_semaphore, #tpu.memory_space<semaphore_mem>>) {add = true}
        %dma_wait3A_407 = arith.constant 0 : i32
        %dma_wait3A_408 = arith.constant 0 : i32
        %dma_wait3A_409 = tpu.memref_slice %arg9[%run_scoped3A_341, %dma_wait3A_407, %dma_wait3A_408] : memref<4x128x128xf32, #tpu.memory_space<vmem>> -> memref<1x128x128xf32, #tpu.memory_space<vmem>>
        %dma_wait3A_410 = tpu.memref_squeeze %dma_wait3A_409 : memref<1x128x128xf32, #tpu.memory_space<vmem>> -> memref<128x128xf32, #tpu.memory_space<vmem>>
        %dma_wait3A_411 = arith.constant 0 : i32
        %dma_wait3A_412 = tpu.memref_slice %arg8[%run_scoped3A_342, %add3A_340, %dma_wait3A_411] : memref<2x20x128xi32, #tpu.memory_space<vmem>> -> memref<1x1x128xi32, #tpu.memory_space<vmem>>
        %dma_wait3A_413 = tpu.memref_squeeze %dma_wait3A_412 : memref<1x1x128xi32, #tpu.memory_space<vmem>> -> memref<128xi32, #tpu.memory_space<vmem>>
        %dma_wait3A_414 = arith.constant 0 : i32
        %dma_wait3A_415 = arith.constant 0 : i32
        %dma_wait3A_416 = tpu.memref_slice %arg10[%dma_wait3A_414, %dma_wait3A_415] : memref<4096x128xf32, #tpu.memory_space<vmem_shared>> -> memref<4096x128xf32, #tpu.memory_space<vmem_shared>>
        tpu.wait_indirect_dma semaphore(%run_scoped3A_396 : memref<!tpu.dma_semaphore, #tpu.memory_space<semaphore_mem>>) src(%dma_wait3A_410 : memref<128x128xf32, #tpu.memory_space<vmem>>) dst(%dma_wait3A_416 : memref<4096x128xf32, #tpu.memory_space<vmem_shared>>)
        tpu.yield
      }) : () -> ()
      %add3A_343 = arith.constant 0 : i32
      %add3A_344 = arith.addi %add3A_343, %add3A_251 : i32
      %add3A_345 = arith.constant 4 : i32
      %add3A_346 = arith.addi %add3A_344, %add3A_345 : i32
      %add3A_347 = arith.constant 2 : i32
      %add3A_348 = arith.addi %add3A_346, %add3A_347 : i32
      %dma_start3A_349 = arith.constant 2 : i32
      %dma_start3A_350 = arith.constant 0 : i32
      %dma_start3A_351 = arith.constant 0 : i32
      %dma_start3A_352 = tpu.memref_slice %arg9[%dma_start3A_349, %dma_start3A_350, %dma_start3A_351] : memref<4x128x128xf32, #tpu.memory_space<vmem>> -> memref<1x128x128xf32, #tpu.memory_space<vmem>>
      %dma_start3A_353 = tpu.memref_squeeze %dma_start3A_352 : memref<1x128x128xf32, #tpu.memory_space<vmem>> -> memref<128x128xf32, #tpu.memory_space<vmem>>
      %dma_start3A_354 = arith.constant 0 : i32
      %dma_start3A_355 = tpu.memref_slice %arg7[%add3A_348, %dma_start3A_354] : memref<80x128xi32, #tpu.memory_space<vmem>> -> memref<1x128xi32, #tpu.memory_space<vmem>>
      %dma_start3A_356 = tpu.memref_squeeze %dma_start3A_355 : memref<1x128xi32, #tpu.memory_space<vmem>> -> memref<128xi32, #tpu.memory_space<vmem>>
      %dma_start3A_357 = arith.constant 0 : i32
      %dma_start3A_358 = arith.constant 0 : i32
      %dma_start3A_359 = tpu.memref_slice %arg3[%dma_start3A_357, %dma_start3A_358] : memref<100000x128xf32, #tpu.memory_space<hbm>> -> memref<100000x128xf32, #tpu.memory_space<hbm>>
      tpu.enqueue_indirect_dma source(%dma_start3A_359 : memref<100000x128xf32, #tpu.memory_space<hbm>>) target(%dma_start3A_353 : memref<128x128xf32, #tpu.memory_space<vmem>>) offsets(%dma_start3A_356 : memref<128xi32, #tpu.memory_space<vmem>>) semaphore(%arg13 : memref<!tpu.dma_semaphore, #tpu.memory_space<semaphore_mem>>)
      %dma_wait3A_360 = arith.constant 3 : i32
      %dma_wait3A_361 = arith.constant 0 : i32
      %dma_wait3A_362 = arith.constant 0 : i32
      %dma_wait3A_363 = tpu.memref_slice %arg9[%dma_wait3A_360, %dma_wait3A_361, %dma_wait3A_362] : memref<4x128x128xf32, #tpu.memory_space<vmem>> -> memref<1x128x128xf32, #tpu.memory_space<vmem>>
      %dma_wait3A_364 = tpu.memref_squeeze %dma_wait3A_363 : memref<1x128x128xf32, #tpu.memory_space<vmem>> -> memref<128x128xf32, #tpu.memory_space<vmem>>
      %dma_wait3A_365 = arith.constant 0 : i32
      %dma_wait3A_366 = arith.constant 0 : i32
      %dma_wait3A_367 = tpu.memref_slice %arg3[%dma_wait3A_365, %dma_wait3A_366] : memref<100000x128xf32, #tpu.memory_space<hbm>> -> memref<128x128xf32, #tpu.memory_space<hbm>>
      %dma_wait3A_368 = arith.constant 0 : i32
      %dma_wait3A_369 = arith.constant 0 : i32
      %dma_wait3A_370 = tpu.memref_slice %arg9[%dma_wait3A_360, %dma_wait3A_368, %dma_wait3A_369] : memref<4x128x128xf32, #tpu.memory_space<vmem>> -> memref<1x128x128xf32, #tpu.memory_space<vmem>>
      %dma_wait3A_371 = tpu.memref_squeeze %dma_wait3A_370 : memref<1x128x128xf32, #tpu.memory_space<vmem>> -> memref<128x128xf32, #tpu.memory_space<vmem>>
      %dma_wait3A_372 = arith.constant 0 : i32
      %dma_wait3A_373 = arith.constant 0 : i32
      %dma_wait3A_374 = tpu.memref_slice %arg3[%dma_wait3A_372, %dma_wait3A_373] : memref<100000x128xf32, #tpu.memory_space<hbm>> -> memref<128x128xf32, #tpu.memory_space<hbm>>
      tpu.wait_dma2 semaphore(%arg14 : memref<!tpu.dma_semaphore, #tpu.memory_space<semaphore_mem>>) src(%dma_wait3A_374 : memref<128x128xf32, #tpu.memory_space<hbm>>) dst(%dma_wait3A_371 : memref<128x128xf32, #tpu.memory_space<vmem>>)
      %add3A_375 = arith.constant 3 : i32
      %add3A_376 = arith.addi %add3A_251, %add3A_375 : i32
      %run_scoped3A_377 = arith.constant 3 : i32
      %run_scoped3A_378 = arith.constant 0 : i32
      "tpu.region"() ({
        %run_scoped3A_396 = tpu.sem_alloc : memref<!tpu.dma_semaphore, #tpu.memory_space<semaphore_mem>>
        %dma_start3A_397 = arith.constant 0 : i32
        %dma_start3A_398 = arith.constant 0 : i32
        %dma_start3A_399 = tpu.memref_slice %arg9[%run_scoped3A_377, %dma_start3A_397, %dma_start3A_398] : memref<4x128x128xf32, #tpu.memory_space<vmem>> -> memref<1x128x128xf32, #tpu.memory_space<vmem>>
        %dma_start3A_400 = tpu.memref_squeeze %dma_start3A_399 : memref<1x128x128xf32, #tpu.memory_space<vmem>> -> memref<128x128xf32, #tpu.memory_space<vmem>>
        %dma_start3A_401 = arith.constant 0 : i32
        %dma_start3A_402 = tpu.memref_slice %arg8[%run_scoped3A_378, %add3A_376, %dma_start3A_401] : memref<2x20x128xi32, #tpu.memory_space<vmem>> -> memref<1x1x128xi32, #tpu.memory_space<vmem>>
        %dma_start3A_403 = tpu.memref_squeeze %dma_start3A_402 : memref<1x1x128xi32, #tpu.memory_space<vmem>> -> memref<128xi32, #tpu.memory_space<vmem>>
        %dma_start3A_404 = arith.constant 0 : i32
        %dma_start3A_405 = arith.constant 0 : i32
        %dma_start3A_406 = tpu.memref_slice %arg10[%dma_start3A_404, %dma_start3A_405] : memref<4096x128xf32, #tpu.memory_space<vmem_shared>> -> memref<4096x128xf32, #tpu.memory_space<vmem_shared>>
        tpu.enqueue_indirect_dma source(%dma_start3A_400 : memref<128x128xf32, #tpu.memory_space<vmem>>) target(%dma_start3A_406 : memref<4096x128xf32, #tpu.memory_space<vmem_shared>>) offsets(%dma_start3A_403 : memref<128xi32, #tpu.memory_space<vmem>>) semaphore(%run_scoped3A_396 : memref<!tpu.dma_semaphore, #tpu.memory_space<semaphore_mem>>) {add = true}
        %dma_wait3A_407 = arith.constant 0 : i32
        %dma_wait3A_408 = arith.constant 0 : i32
        %dma_wait3A_409 = tpu.memref_slice %arg9[%run_scoped3A_377, %dma_wait3A_407, %dma_wait3A_408] : memref<4x128x128xf32, #tpu.memory_space<vmem>> -> memref<1x128x128xf32, #tpu.memory_space<vmem>>
        %dma_wait3A_410 = tpu.memref_squeeze %dma_wait3A_409 : memref<1x128x128xf32, #tpu.memory_space<vmem>> -> memref<128x128xf32, #tpu.memory_space<vmem>>
        %dma_wait3A_411 = arith.constant 0 : i32
        %dma_wait3A_412 = tpu.memref_slice %arg8[%run_scoped3A_378, %add3A_376, %dma_wait3A_411] : memref<2x20x128xi32, #tpu.memory_space<vmem>> -> memref<1x1x128xi32, #tpu.memory_space<vmem>>
        %dma_wait3A_413 = tpu.memref_squeeze %dma_wait3A_412 : memref<1x1x128xi32, #tpu.memory_space<vmem>> -> memref<128xi32, #tpu.memory_space<vmem>>
        %dma_wait3A_414 = arith.constant 0 : i32
        %dma_wait3A_415 = arith.constant 0 : i32
        %dma_wait3A_416 = tpu.memref_slice %arg10[%dma_wait3A_414, %dma_wait3A_415] : memref<4096x128xf32, #tpu.memory_space<vmem_shared>> -> memref<4096x128xf32, #tpu.memory_space<vmem_shared>>
        tpu.wait_indirect_dma semaphore(%run_scoped3A_396 : memref<!tpu.dma_semaphore, #tpu.memory_space<semaphore_mem>>) src(%dma_wait3A_410 : memref<128x128xf32, #tpu.memory_space<vmem>>) dst(%dma_wait3A_416 : memref<4096x128xf32, #tpu.memory_space<vmem_shared>>)
        tpu.yield
      }) : () -> ()
      %add3A_379 = arith.constant 0 : i32
      %add3A_380 = arith.addi %add3A_379, %add3A_251 : i32
      %add3A_381 = arith.constant 4 : i32
      %add3A_382 = arith.addi %add3A_380, %add3A_381 : i32
      %add3A_383 = arith.constant 3 : i32
      %add3A_384 = arith.addi %add3A_382, %add3A_383 : i32
      %dma_start3A_385 = arith.constant 3 : i32
      %dma_start3A_386 = arith.constant 0 : i32
      %dma_start3A_387 = arith.constant 0 : i32
      %dma_start3A_388 = tpu.memref_slice %arg9[%dma_start3A_385, %dma_start3A_386, %dma_start3A_387] : memref<4x128x128xf32, #tpu.memory_space<vmem>> -> memref<1x128x128xf32, #tpu.memory_space<vmem>>
      %dma_start3A_389 = tpu.memref_squeeze %dma_start3A_388 : memref<1x128x128xf32, #tpu.memory_space<vmem>> -> memref<128x128xf32, #tpu.memory_space<vmem>>
      %dma_start3A_390 = arith.constant 0 : i32
      %dma_start3A_391 = tpu.memref_slice %arg7[%add3A_384, %dma_start3A_390] : memref<80x128xi32, #tpu.memory_space<vmem>> -> memref<1x128xi32, #tpu.memory_space<vmem>>
      %dma_start3A_392 = tpu.memref_squeeze %dma_start3A_391 : memref<1x128xi32, #tpu.memory_space<vmem>> -> memref<128xi32, #tpu.memory_space<vmem>>
      %dma_start3A_393 = arith.constant 0 : i32
      %dma_start3A_394 = arith.constant 0 : i32
      %dma_start3A_395 = tpu.memref_slice %arg3[%dma_start3A_393, %dma_start3A_394] : memref<100000x128xf32, #tpu.memory_space<hbm>> -> memref<100000x128xf32, #tpu.memory_space<hbm>>
      tpu.enqueue_indirect_dma source(%dma_start3A_395 : memref<100000x128xf32, #tpu.memory_space<hbm>>) target(%dma_start3A_389 : memref<128x128xf32, #tpu.memory_space<vmem>>) offsets(%dma_start3A_392 : memref<128xi32, #tpu.memory_space<vmem>>) semaphore(%arg14 : memref<!tpu.dma_semaphore, #tpu.memory_space<semaphore_mem>>)
    }
    %scan3A_64 = arith.constant 2 : i32
    %scan3A_65 = arith.constant 0 : i32
    %scan3A_66 = arith.constant 3 : i32
    %scan3A_67 = arith.addi %scan3A_65, %scan3A_66 : i32
    %scan3A_68 = arith.constant 1 : i32
    scf.for %scan3A_247 = %scan3A_65 to %scan3A_67 step %scan3A_68  : i32 {
      %mul3A_248 = arith.constant 4 : i32
      %mul3A_249 = arith.muli %scan3A_247, %mul3A_248 : i32
      %add3A_250 = arith.constant 8 : i32
      %add3A_251 = arith.addi %add3A_250, %mul3A_249 : i32
      %dma_wait3A_252 = arith.constant 0 : i32
      %dma_wait3A_253 = arith.constant 0 : i32
      %dma_wait3A_254 = arith.constant 0 : i32
      %dma_wait3A_255 = tpu.memref_slice %arg9[%dma_wait3A_252, %dma_wait3A_253, %dma_wait3A_254] : memref<4x128x128xf32, #tpu.memory_space<vmem>> -> memref<1x128x128xf32, #tpu.memory_space<vmem>>
      %dma_wait3A_256 = tpu.memref_squeeze %dma_wait3A_255 : memref<1x128x128xf32, #tpu.memory_space<vmem>> -> memref<128x128xf32, #tpu.memory_space<vmem>>
      %dma_wait3A_257 = arith.constant 0 : i32
      %dma_wait3A_258 = arith.constant 0 : i32
      %dma_wait3A_259 = tpu.memref_slice %arg3[%dma_wait3A_257, %dma_wait3A_258] : memref<100000x128xf32, #tpu.memory_space<hbm>> -> memref<128x128xf32, #tpu.memory_space<hbm>>
      %dma_wait3A_260 = arith.constant 0 : i32
      %dma_wait3A_261 = arith.constant 0 : i32
      %dma_wait3A_262 = tpu.memref_slice %arg9[%dma_wait3A_252, %dma_wait3A_260, %dma_wait3A_261] : memref<4x128x128xf32, #tpu.memory_space<vmem>> -> memref<1x128x128xf32, #tpu.memory_space<vmem>>
      %dma_wait3A_263 = tpu.memref_squeeze %dma_wait3A_262 : memref<1x128x128xf32, #tpu.memory_space<vmem>> -> memref<128x128xf32, #tpu.memory_space<vmem>>
      %dma_wait3A_264 = arith.constant 0 : i32
      %dma_wait3A_265 = arith.constant 0 : i32
      %dma_wait3A_266 = tpu.memref_slice %arg3[%dma_wait3A_264, %dma_wait3A_265] : memref<100000x128xf32, #tpu.memory_space<hbm>> -> memref<128x128xf32, #tpu.memory_space<hbm>>
      tpu.wait_dma2 semaphore(%arg11 : memref<!tpu.dma_semaphore, #tpu.memory_space<semaphore_mem>>) src(%dma_wait3A_266 : memref<128x128xf32, #tpu.memory_space<hbm>>) dst(%dma_wait3A_263 : memref<128x128xf32, #tpu.memory_space<vmem>>)
      %add3A_267 = arith.constant 0 : i32
      %add3A_268 = arith.addi %add3A_251, %add3A_267 : i32
      %run_scoped3A_269 = arith.constant 0 : i32
      %run_scoped3A_270 = arith.constant 0 : i32
      "tpu.region"() ({
        %run_scoped3A_396 = tpu.sem_alloc : memref<!tpu.dma_semaphore, #tpu.memory_space<semaphore_mem>>
        %dma_start3A_397 = arith.constant 0 : i32
        %dma_start3A_398 = arith.constant 0 : i32
        %dma_start3A_399 = tpu.memref_slice %arg9[%run_scoped3A_269, %dma_start3A_397, %dma_start3A_398] : memref<4x128x128xf32, #tpu.memory_space<vmem>> -> memref<1x128x128xf32, #tpu.memory_space<vmem>>
        %dma_start3A_400 = tpu.memref_squeeze %dma_start3A_399 : memref<1x128x128xf32, #tpu.memory_space<vmem>> -> memref<128x128xf32, #tpu.memory_space<vmem>>
        %dma_start3A_401 = arith.constant 0 : i32
        %dma_start3A_402 = tpu.memref_slice %arg8[%run_scoped3A_270, %add3A_268, %dma_start3A_401] : memref<2x20x128xi32, #tpu.memory_space<vmem>> -> memref<1x1x128xi32, #tpu.memory_space<vmem>>
        %dma_start3A_403 = tpu.memref_squeeze %dma_start3A_402 : memref<1x1x128xi32, #tpu.memory_space<vmem>> -> memref<128xi32, #tpu.memory_space<vmem>>
        %dma_start3A_404 = arith.constant 0 : i32
        %dma_start3A_405 = arith.constant 0 : i32
        %dma_start3A_406 = tpu.memref_slice %arg10[%dma_start3A_404, %dma_start3A_405] : memref<4096x128xf32, #tpu.memory_space<vmem_shared>> -> memref<4096x128xf32, #tpu.memory_space<vmem_shared>>
        tpu.enqueue_indirect_dma source(%dma_start3A_400 : memref<128x128xf32, #tpu.memory_space<vmem>>) target(%dma_start3A_406 : memref<4096x128xf32, #tpu.memory_space<vmem_shared>>) offsets(%dma_start3A_403 : memref<128xi32, #tpu.memory_space<vmem>>) semaphore(%run_scoped3A_396 : memref<!tpu.dma_semaphore, #tpu.memory_space<semaphore_mem>>) {add = true}
        %dma_wait3A_407 = arith.constant 0 : i32
        %dma_wait3A_408 = arith.constant 0 : i32
        %dma_wait3A_409 = tpu.memref_slice %arg9[%run_scoped3A_269, %dma_wait3A_407, %dma_wait3A_408] : memref<4x128x128xf32, #tpu.memory_space<vmem>> -> memref<1x128x128xf32, #tpu.memory_space<vmem>>
        %dma_wait3A_410 = tpu.memref_squeeze %dma_wait3A_409 : memref<1x128x128xf32, #tpu.memory_space<vmem>> -> memref<128x128xf32, #tpu.memory_space<vmem>>
        %dma_wait3A_411 = arith.constant 0 : i32
        %dma_wait3A_412 = tpu.memref_slice %arg8[%run_scoped3A_270, %add3A_268, %dma_wait3A_411] : memref<2x20x128xi32, #tpu.memory_space<vmem>> -> memref<1x1x128xi32, #tpu.memory_space<vmem>>
        %dma_wait3A_413 = tpu.memref_squeeze %dma_wait3A_412 : memref<1x1x128xi32, #tpu.memory_space<vmem>> -> memref<128xi32, #tpu.memory_space<vmem>>
        %dma_wait3A_414 = arith.constant 0 : i32
        %dma_wait3A_415 = arith.constant 0 : i32
        %dma_wait3A_416 = tpu.memref_slice %arg10[%dma_wait3A_414, %dma_wait3A_415] : memref<4096x128xf32, #tpu.memory_space<vmem_shared>> -> memref<4096x128xf32, #tpu.memory_space<vmem_shared>>
        tpu.wait_indirect_dma semaphore(%run_scoped3A_396 : memref<!tpu.dma_semaphore, #tpu.memory_space<semaphore_mem>>) src(%dma_wait3A_410 : memref<128x128xf32, #tpu.memory_space<vmem>>) dst(%dma_wait3A_416 : memref<4096x128xf32, #tpu.memory_space<vmem_shared>>)
        tpu.yield
      }) : () -> ()
      %add3A_271 = arith.constant 0 : i32
      %add3A_272 = arith.addi %add3A_271, %add3A_251 : i32
      %add3A_273 = arith.constant 4 : i32
      %add3A_274 = arith.addi %add3A_272, %add3A_273 : i32
      %add3A_275 = arith.constant 0 : i32
      %add3A_276 = arith.addi %add3A_274, %add3A_275 : i32
      %dma_start3A_277 = arith.constant 0 : i32
      %dma_start3A_278 = arith.constant 0 : i32
      %dma_start3A_279 = arith.constant 0 : i32
      %dma_start3A_280 = tpu.memref_slice %arg9[%dma_start3A_277, %dma_start3A_278, %dma_start3A_279] : memref<4x128x128xf32, #tpu.memory_space<vmem>> -> memref<1x128x128xf32, #tpu.memory_space<vmem>>
      %dma_start3A_281 = tpu.memref_squeeze %dma_start3A_280 : memref<1x128x128xf32, #tpu.memory_space<vmem>> -> memref<128x128xf32, #tpu.memory_space<vmem>>
      %dma_start3A_282 = arith.constant 0 : i32
      %dma_start3A_283 = tpu.memref_slice %arg7[%add3A_276, %dma_start3A_282] : memref<80x128xi32, #tpu.memory_space<vmem>> -> memref<1x128xi32, #tpu.memory_space<vmem>>
      %dma_start3A_284 = tpu.memref_squeeze %dma_start3A_283 : memref<1x128xi32, #tpu.memory_space<vmem>> -> memref<128xi32, #tpu.memory_space<vmem>>
      %dma_start3A_285 = arith.constant 0 : i32
      %dma_start3A_286 = arith.constant 0 : i32
      %dma_start3A_287 = tpu.memref_slice %arg3[%dma_start3A_285, %dma_start3A_286] : memref<100000x128xf32, #tpu.memory_space<hbm>> -> memref<100000x128xf32, #tpu.memory_space<hbm>>
      tpu.enqueue_indirect_dma source(%dma_start3A_287 : memref<100000x128xf32, #tpu.memory_space<hbm>>) target(%dma_start3A_281 : memref<128x128xf32, #tpu.memory_space<vmem>>) offsets(%dma_start3A_284 : memref<128xi32, #tpu.memory_space<vmem>>) semaphore(%arg11 : memref<!tpu.dma_semaphore, #tpu.memory_space<semaphore_mem>>)
      %dma_wait3A_288 = arith.constant 1 : i32
      %dma_wait3A_289 = arith.constant 0 : i32
      %dma_wait3A_290 = arith.constant 0 : i32
      %dma_wait3A_291 = tpu.memref_slice %arg9[%dma_wait3A_288, %dma_wait3A_289, %dma_wait3A_290] : memref<4x128x128xf32, #tpu.memory_space<vmem>> -> memref<1x128x128xf32, #tpu.memory_space<vmem>>
      %dma_wait3A_292 = tpu.memref_squeeze %dma_wait3A_291 : memref<1x128x128xf32, #tpu.memory_space<vmem>> -> memref<128x128xf32, #tpu.memory_space<vmem>>
      %dma_wait3A_293 = arith.constant 0 : i32
      %dma_wait3A_294 = arith.constant 0 : i32
      %dma_wait3A_295 = tpu.memref_slice %arg3[%dma_wait3A_293, %dma_wait3A_294] : memref<100000x128xf32, #tpu.memory_space<hbm>> -> memref<128x128xf32, #tpu.memory_space<hbm>>
      %dma_wait3A_296 = arith.constant 0 : i32
      %dma_wait3A_297 = arith.constant 0 : i32
      %dma_wait3A_298 = tpu.memref_slice %arg9[%dma_wait3A_288, %dma_wait3A_296, %dma_wait3A_297] : memref<4x128x128xf32, #tpu.memory_space<vmem>> -> memref<1x128x128xf32, #tpu.memory_space<vmem>>
      %dma_wait3A_299 = tpu.memref_squeeze %dma_wait3A_298 : memref<1x128x128xf32, #tpu.memory_space<vmem>> -> memref<128x128xf32, #tpu.memory_space<vmem>>
      %dma_wait3A_300 = arith.constant 0 : i32
      %dma_wait3A_301 = arith.constant 0 : i32
      %dma_wait3A_302 = tpu.memref_slice %arg3[%dma_wait3A_300, %dma_wait3A_301] : memref<100000x128xf32, #tpu.memory_space<hbm>> -> memref<128x128xf32, #tpu.memory_space<hbm>>
      tpu.wait_dma2 semaphore(%arg12 : memref<!tpu.dma_semaphore, #tpu.memory_space<semaphore_mem>>) src(%dma_wait3A_302 : memref<128x128xf32, #tpu.memory_space<hbm>>) dst(%dma_wait3A_299 : memref<128x128xf32, #tpu.memory_space<vmem>>)
      %add3A_303 = arith.constant 1 : i32
      %add3A_304 = arith.addi %add3A_251, %add3A_303 : i32
      %run_scoped3A_305 = arith.constant 1 : i32
      %run_scoped3A_306 = arith.constant 0 : i32
      "tpu.region"() ({
        %run_scoped3A_396 = tpu.sem_alloc : memref<!tpu.dma_semaphore, #tpu.memory_space<semaphore_mem>>
        %dma_start3A_397 = arith.constant 0 : i32
        %dma_start3A_398 = arith.constant 0 : i32
        %dma_start3A_399 = tpu.memref_slice %arg9[%run_scoped3A_305, %dma_start3A_397, %dma_start3A_398] : memref<4x128x128xf32, #tpu.memory_space<vmem>> -> memref<1x128x128xf32, #tpu.memory_space<vmem>>
        %dma_start3A_400 = tpu.memref_squeeze %dma_start3A_399 : memref<1x128x128xf32, #tpu.memory_space<vmem>> -> memref<128x128xf32, #tpu.memory_space<vmem>>
        %dma_start3A_401 = arith.constant 0 : i32
        %dma_start3A_402 = tpu.memref_slice %arg8[%run_scoped3A_306, %add3A_304, %dma_start3A_401] : memref<2x20x128xi32, #tpu.memory_space<vmem>> -> memref<1x1x128xi32, #tpu.memory_space<vmem>>
        %dma_start3A_403 = tpu.memref_squeeze %dma_start3A_402 : memref<1x1x128xi32, #tpu.memory_space<vmem>> -> memref<128xi32, #tpu.memory_space<vmem>>
        %dma_start3A_404 = arith.constant 0 : i32
        %dma_start3A_405 = arith.constant 0 : i32
        %dma_start3A_406 = tpu.memref_slice %arg10[%dma_start3A_404, %dma_start3A_405] : memref<4096x128xf32, #tpu.memory_space<vmem_shared>> -> memref<4096x128xf32, #tpu.memory_space<vmem_shared>>
        tpu.enqueue_indirect_dma source(%dma_start3A_400 : memref<128x128xf32, #tpu.memory_space<vmem>>) target(%dma_start3A_406 : memref<4096x128xf32, #tpu.memory_space<vmem_shared>>) offsets(%dma_start3A_403 : memref<128xi32, #tpu.memory_space<vmem>>) semaphore(%run_scoped3A_396 : memref<!tpu.dma_semaphore, #tpu.memory_space<semaphore_mem>>) {add = true}
        %dma_wait3A_407 = arith.constant 0 : i32
        %dma_wait3A_408 = arith.constant 0 : i32
        %dma_wait3A_409 = tpu.memref_slice %arg9[%run_scoped3A_305, %dma_wait3A_407, %dma_wait3A_408] : memref<4x128x128xf32, #tpu.memory_space<vmem>> -> memref<1x128x128xf32, #tpu.memory_space<vmem>>
        %dma_wait3A_410 = tpu.memref_squeeze %dma_wait3A_409 : memref<1x128x128xf32, #tpu.memory_space<vmem>> -> memref<128x128xf32, #tpu.memory_space<vmem>>
        %dma_wait3A_411 = arith.constant 0 : i32
        %dma_wait3A_412 = tpu.memref_slice %arg8[%run_scoped3A_306, %add3A_304, %dma_wait3A_411] : memref<2x20x128xi32, #tpu.memory_space<vmem>> -> memref<1x1x128xi32, #tpu.memory_space<vmem>>
        %dma_wait3A_413 = tpu.memref_squeeze %dma_wait3A_412 : memref<1x1x128xi32, #tpu.memory_space<vmem>> -> memref<128xi32, #tpu.memory_space<vmem>>
        %dma_wait3A_414 = arith.constant 0 : i32
        %dma_wait3A_415 = arith.constant 0 : i32
        %dma_wait3A_416 = tpu.memref_slice %arg10[%dma_wait3A_414, %dma_wait3A_415] : memref<4096x128xf32, #tpu.memory_space<vmem_shared>> -> memref<4096x128xf32, #tpu.memory_space<vmem_shared>>
        tpu.wait_indirect_dma semaphore(%run_scoped3A_396 : memref<!tpu.dma_semaphore, #tpu.memory_space<semaphore_mem>>) src(%dma_wait3A_410 : memref<128x128xf32, #tpu.memory_space<vmem>>) dst(%dma_wait3A_416 : memref<4096x128xf32, #tpu.memory_space<vmem_shared>>)
        tpu.yield
      }) : () -> ()
      %add3A_307 = arith.constant 0 : i32
      %add3A_308 = arith.addi %add3A_307, %add3A_251 : i32
      %add3A_309 = arith.constant 4 : i32
      %add3A_310 = arith.addi %add3A_308, %add3A_309 : i32
      %add3A_311 = arith.constant 1 : i32
      %add3A_312 = arith.addi %add3A_310, %add3A_311 : i32
      %dma_start3A_313 = arith.constant 1 : i32
      %dma_start3A_314 = arith.constant 0 : i32
      %dma_start3A_315 = arith.constant 0 : i32
      %dma_start3A_316 = tpu.memref_slice %arg9[%dma_start3A_313, %dma_start3A_314, %dma_start3A_315] : memref<4x128x128xf32, #tpu.memory_space<vmem>> -> memref<1x128x128xf32, #tpu.memory_space<vmem>>
      %dma_start3A_317 = tpu.memref_squeeze %dma_start3A_316 : memref<1x128x128xf32, #tpu.memory_space<vmem>> -> memref<128x128xf32, #tpu.memory_space<vmem>>
      %dma_start3A_318 = arith.constant 0 : i32
      %dma_start3A_319 = tpu.memref_slice %arg7[%add3A_312, %dma_start3A_318] : memref<80x128xi32, #tpu.memory_space<vmem>> -> memref<1x128xi32, #tpu.memory_space<vmem>>
      %dma_start3A_320 = tpu.memref_squeeze %dma_start3A_319 : memref<1x128xi32, #tpu.memory_space<vmem>> -> memref<128xi32, #tpu.memory_space<vmem>>
      %dma_start3A_321 = arith.constant 0 : i32
      %dma_start3A_322 = arith.constant 0 : i32
      %dma_start3A_323 = tpu.memref_slice %arg3[%dma_start3A_321, %dma_start3A_322] : memref<100000x128xf32, #tpu.memory_space<hbm>> -> memref<100000x128xf32, #tpu.memory_space<hbm>>
      tpu.enqueue_indirect_dma source(%dma_start3A_323 : memref<100000x128xf32, #tpu.memory_space<hbm>>) target(%dma_start3A_317 : memref<128x128xf32, #tpu.memory_space<vmem>>) offsets(%dma_start3A_320 : memref<128xi32, #tpu.memory_space<vmem>>) semaphore(%arg12 : memref<!tpu.dma_semaphore, #tpu.memory_space<semaphore_mem>>)
      %dma_wait3A_324 = arith.constant 2 : i32
      %dma_wait3A_325 = arith.constant 0 : i32
      %dma_wait3A_326 = arith.constant 0 : i32
      %dma_wait3A_327 = tpu.memref_slice %arg9[%dma_wait3A_324, %dma_wait3A_325, %dma_wait3A_326] : memref<4x128x128xf32, #tpu.memory_space<vmem>> -> memref<1x128x128xf32, #tpu.memory_space<vmem>>
      %dma_wait3A_328 = tpu.memref_squeeze %dma_wait3A_327 : memref<1x128x128xf32, #tpu.memory_space<vmem>> -> memref<128x128xf32, #tpu.memory_space<vmem>>
      %dma_wait3A_329 = arith.constant 0 : i32
      %dma_wait3A_330 = arith.constant 0 : i32
      %dma_wait3A_331 = tpu.memref_slice %arg3[%dma_wait3A_329, %dma_wait3A_330] : memref<100000x128xf32, #tpu.memory_space<hbm>> -> memref<128x128xf32, #tpu.memory_space<hbm>>
      %dma_wait3A_332 = arith.constant 0 : i32
      %dma_wait3A_333 = arith.constant 0 : i32
      %dma_wait3A_334 = tpu.memref_slice %arg9[%dma_wait3A_324, %dma_wait3A_332, %dma_wait3A_333] : memref<4x128x128xf32, #tpu.memory_space<vmem>> -> memref<1x128x128xf32, #tpu.memory_space<vmem>>
      %dma_wait3A_335 = tpu.memref_squeeze %dma_wait3A_334 : memref<1x128x128xf32, #tpu.memory_space<vmem>> -> memref<128x128xf32, #tpu.memory_space<vmem>>
      %dma_wait3A_336 = arith.constant 0 : i32
      %dma_wait3A_337 = arith.constant 0 : i32
      %dma_wait3A_338 = tpu.memref_slice %arg3[%dma_wait3A_336, %dma_wait3A_337] : memref<100000x128xf32, #tpu.memory_space<hbm>> -> memref<128x128xf32, #tpu.memory_space<hbm>>
      tpu.wait_dma2 semaphore(%arg13 : memref<!tpu.dma_semaphore, #tpu.memory_space<semaphore_mem>>) src(%dma_wait3A_338 : memref<128x128xf32, #tpu.memory_space<hbm>>) dst(%dma_wait3A_335 : memref<128x128xf32, #tpu.memory_space<vmem>>)
      %add3A_339 = arith.constant 2 : i32
      %add3A_340 = arith.addi %add3A_251, %add3A_339 : i32
      %run_scoped3A_341 = arith.constant 2 : i32
      %run_scoped3A_342 = arith.constant 0 : i32
      "tpu.region"() ({
        %run_scoped3A_396 = tpu.sem_alloc : memref<!tpu.dma_semaphore, #tpu.memory_space<semaphore_mem>>
        %dma_start3A_397 = arith.constant 0 : i32
        %dma_start3A_398 = arith.constant 0 : i32
        %dma_start3A_399 = tpu.memref_slice %arg9[%run_scoped3A_341, %dma_start3A_397, %dma_start3A_398] : memref<4x128x128xf32, #tpu.memory_space<vmem>> -> memref<1x128x128xf32, #tpu.memory_space<vmem>>
        %dma_start3A_400 = tpu.memref_squeeze %dma_start3A_399 : memref<1x128x128xf32, #tpu.memory_space<vmem>> -> memref<128x128xf32, #tpu.memory_space<vmem>>
        %dma_start3A_401 = arith.constant 0 : i32
        %dma_start3A_402 = tpu.memref_slice %arg8[%run_scoped3A_342, %add3A_340, %dma_start3A_401] : memref<2x20x128xi32, #tpu.memory_space<vmem>> -> memref<1x1x128xi32, #tpu.memory_space<vmem>>
        %dma_start3A_403 = tpu.memref_squeeze %dma_start3A_402 : memref<1x1x128xi32, #tpu.memory_space<vmem>> -> memref<128xi32, #tpu.memory_space<vmem>>
        %dma_start3A_404 = arith.constant 0 : i32
        %dma_start3A_405 = arith.constant 0 : i32
        %dma_start3A_406 = tpu.memref_slice %arg10[%dma_start3A_404, %dma_start3A_405] : memref<4096x128xf32, #tpu.memory_space<vmem_shared>> -> memref<4096x128xf32, #tpu.memory_space<vmem_shared>>
        tpu.enqueue_indirect_dma source(%dma_start3A_400 : memref<128x128xf32, #tpu.memory_space<vmem>>) target(%dma_start3A_406 : memref<4096x128xf32, #tpu.memory_space<vmem_shared>>) offsets(%dma_start3A_403 : memref<128xi32, #tpu.memory_space<vmem>>) semaphore(%run_scoped3A_396 : memref<!tpu.dma_semaphore, #tpu.memory_space<semaphore_mem>>) {add = true}
        %dma_wait3A_407 = arith.constant 0 : i32
        %dma_wait3A_408 = arith.constant 0 : i32
        %dma_wait3A_409 = tpu.memref_slice %arg9[%run_scoped3A_341, %dma_wait3A_407, %dma_wait3A_408] : memref<4x128x128xf32, #tpu.memory_space<vmem>> -> memref<1x128x128xf32, #tpu.memory_space<vmem>>
        %dma_wait3A_410 = tpu.memref_squeeze %dma_wait3A_409 : memref<1x128x128xf32, #tpu.memory_space<vmem>> -> memref<128x128xf32, #tpu.memory_space<vmem>>
        %dma_wait3A_411 = arith.constant 0 : i32
        %dma_wait3A_412 = tpu.memref_slice %arg8[%run_scoped3A_342, %add3A_340, %dma_wait3A_411] : memref<2x20x128xi32, #tpu.memory_space<vmem>> -> memref<1x1x128xi32, #tpu.memory_space<vmem>>
        %dma_wait3A_413 = tpu.memref_squeeze %dma_wait3A_412 : memref<1x1x128xi32, #tpu.memory_space<vmem>> -> memref<128xi32, #tpu.memory_space<vmem>>
        %dma_wait3A_414 = arith.constant 0 : i32
        %dma_wait3A_415 = arith.constant 0 : i32
        %dma_wait3A_416 = tpu.memref_slice %arg10[%dma_wait3A_414, %dma_wait3A_415] : memref<4096x128xf32, #tpu.memory_space<vmem_shared>> -> memref<4096x128xf32, #tpu.memory_space<vmem_shared>>
        tpu.wait_indirect_dma semaphore(%run_scoped3A_396 : memref<!tpu.dma_semaphore, #tpu.memory_space<semaphore_mem>>) src(%dma_wait3A_410 : memref<128x128xf32, #tpu.memory_space<vmem>>) dst(%dma_wait3A_416 : memref<4096x128xf32, #tpu.memory_space<vmem_shared>>)
        tpu.yield
      }) : () -> ()
      %add3A_343 = arith.constant 0 : i32
      %add3A_344 = arith.addi %add3A_343, %add3A_251 : i32
      %add3A_345 = arith.constant 4 : i32
      %add3A_346 = arith.addi %add3A_344, %add3A_345 : i32
      %add3A_347 = arith.constant 2 : i32
      %add3A_348 = arith.addi %add3A_346, %add3A_347 : i32
      %dma_start3A_349 = arith.constant 2 : i32
      %dma_start3A_350 = arith.constant 0 : i32
      %dma_start3A_351 = arith.constant 0 : i32
      %dma_start3A_352 = tpu.memref_slice %arg9[%dma_start3A_349, %dma_start3A_350, %dma_start3A_351] : memref<4x128x128xf32, #tpu.memory_space<vmem>> -> memref<1x128x128xf32, #tpu.memory_space<vmem>>
      %dma_start3A_353 = tpu.memref_squeeze %dma_start3A_352 : memref<1x128x128xf32, #tpu.memory_space<vmem>> -> memref<128x128xf32, #tpu.memory_space<vmem>>
      %dma_start3A_354 = arith.constant 0 : i32
      %dma_start3A_355 = tpu.memref_slice %arg7[%add3A_348, %dma_start3A_354] : memref<80x128xi32, #tpu.memory_space<vmem>> -> memref<1x128xi32, #tpu.memory_space<vmem>>
      %dma_start3A_356 = tpu.memref_squeeze %dma_start3A_355 : memref<1x128xi32, #tpu.memory_space<vmem>> -> memref<128xi32, #tpu.memory_space<vmem>>
      %dma_start3A_357 = arith.constant 0 : i32
      %dma_start3A_358 = arith.constant 0 : i32
      %dma_start3A_359 = tpu.memref_slice %arg3[%dma_start3A_357, %dma_start3A_358] : memref<100000x128xf32, #tpu.memory_space<hbm>> -> memref<100000x128xf32, #tpu.memory_space<hbm>>
      tpu.enqueue_indirect_dma source(%dma_start3A_359 : memref<100000x128xf32, #tpu.memory_space<hbm>>) target(%dma_start3A_353 : memref<128x128xf32, #tpu.memory_space<vmem>>) offsets(%dma_start3A_356 : memref<128xi32, #tpu.memory_space<vmem>>) semaphore(%arg13 : memref<!tpu.dma_semaphore, #tpu.memory_space<semaphore_mem>>)
      %dma_wait3A_360 = arith.constant 3 : i32
      %dma_wait3A_361 = arith.constant 0 : i32
      %dma_wait3A_362 = arith.constant 0 : i32
      %dma_wait3A_363 = tpu.memref_slice %arg9[%dma_wait3A_360, %dma_wait3A_361, %dma_wait3A_362] : memref<4x128x128xf32, #tpu.memory_space<vmem>> -> memref<1x128x128xf32, #tpu.memory_space<vmem>>
      %dma_wait3A_364 = tpu.memref_squeeze %dma_wait3A_363 : memref<1x128x128xf32, #tpu.memory_space<vmem>> -> memref<128x128xf32, #tpu.memory_space<vmem>>
      %dma_wait3A_365 = arith.constant 0 : i32
      %dma_wait3A_366 = arith.constant 0 : i32
      %dma_wait3A_367 = tpu.memref_slice %arg3[%dma_wait3A_365, %dma_wait3A_366] : memref<100000x128xf32, #tpu.memory_space<hbm>> -> memref<128x128xf32, #tpu.memory_space<hbm>>
      %dma_wait3A_368 = arith.constant 0 : i32
      %dma_wait3A_369 = arith.constant 0 : i32
      %dma_wait3A_370 = tpu.memref_slice %arg9[%dma_wait3A_360, %dma_wait3A_368, %dma_wait3A_369] : memref<4x128x128xf32, #tpu.memory_space<vmem>> -> memref<1x128x128xf32, #tpu.memory_space<vmem>>
      %dma_wait3A_371 = tpu.memref_squeeze %dma_wait3A_370 : memref<1x128x128xf32, #tpu.memory_space<vmem>> -> memref<128x128xf32, #tpu.memory_space<vmem>>
      %dma_wait3A_372 = arith.constant 0 : i32
      %dma_wait3A_373 = arith.constant 0 : i32
      %dma_wait3A_374 = tpu.memref_slice %arg3[%dma_wait3A_372, %dma_wait3A_373] : memref<100000x128xf32, #tpu.memory_space<hbm>> -> memref<128x128xf32, #tpu.memory_space<hbm>>
      tpu.wait_dma2 semaphore(%arg14 : memref<!tpu.dma_semaphore, #tpu.memory_space<semaphore_mem>>) src(%dma_wait3A_374 : memref<128x128xf32, #tpu.memory_space<hbm>>) dst(%dma_wait3A_371 : memref<128x128xf32, #tpu.memory_space<vmem>>)
      %add3A_375 = arith.constant 3 : i32
      %add3A_376 = arith.addi %add3A_251, %add3A_375 : i32
      %run_scoped3A_377 = arith.constant 3 : i32
      %run_scoped3A_378 = arith.constant 0 : i32
      "tpu.region"() ({
        %run_scoped3A_396 = tpu.sem_alloc : memref<!tpu.dma_semaphore, #tpu.memory_space<semaphore_mem>>
        %dma_start3A_397 = arith.constant 0 : i32
        %dma_start3A_398 = arith.constant 0 : i32
        %dma_start3A_399 = tpu.memref_slice %arg9[%run_scoped3A_377, %dma_start3A_397, %dma_start3A_398] : memref<4x128x128xf32, #tpu.memory_space<vmem>> -> memref<1x128x128xf32, #tpu.memory_space<vmem>>
        %dma_start3A_400 = tpu.memref_squeeze %dma_start3A_399 : memref<1x128x128xf32, #tpu.memory_space<vmem>> -> memref<128x128xf32, #tpu.memory_space<vmem>>
        %dma_start3A_401 = arith.constant 0 : i32
        %dma_start3A_402 = tpu.memref_slice %arg8[%run_scoped3A_378, %add3A_376, %dma_start3A_401] : memref<2x20x128xi32, #tpu.memory_space<vmem>> -> memref<1x1x128xi32, #tpu.memory_space<vmem>>
        %dma_start3A_403 = tpu.memref_squeeze %dma_start3A_402 : memref<1x1x128xi32, #tpu.memory_space<vmem>> -> memref<128xi32, #tpu.memory_space<vmem>>
        %dma_start3A_404 = arith.constant 0 : i32
        %dma_start3A_405 = arith.constant 0 : i32
        %dma_start3A_406 = tpu.memref_slice %arg10[%dma_start3A_404, %dma_start3A_405] : memref<4096x128xf32, #tpu.memory_space<vmem_shared>> -> memref<4096x128xf32, #tpu.memory_space<vmem_shared>>
        tpu.enqueue_indirect_dma source(%dma_start3A_400 : memref<128x128xf32, #tpu.memory_space<vmem>>) target(%dma_start3A_406 : memref<4096x128xf32, #tpu.memory_space<vmem_shared>>) offsets(%dma_start3A_403 : memref<128xi32, #tpu.memory_space<vmem>>) semaphore(%run_scoped3A_396 : memref<!tpu.dma_semaphore, #tpu.memory_space<semaphore_mem>>) {add = true}
        %dma_wait3A_407 = arith.constant 0 : i32
        %dma_wait3A_408 = arith.constant 0 : i32
        %dma_wait3A_409 = tpu.memref_slice %arg9[%run_scoped3A_377, %dma_wait3A_407, %dma_wait3A_408] : memref<4x128x128xf32, #tpu.memory_space<vmem>> -> memref<1x128x128xf32, #tpu.memory_space<vmem>>
        %dma_wait3A_410 = tpu.memref_squeeze %dma_wait3A_409 : memref<1x128x128xf32, #tpu.memory_space<vmem>> -> memref<128x128xf32, #tpu.memory_space<vmem>>
        %dma_wait3A_411 = arith.constant 0 : i32
        %dma_wait3A_412 = tpu.memref_slice %arg8[%run_scoped3A_378, %add3A_376, %dma_wait3A_411] : memref<2x20x128xi32, #tpu.memory_space<vmem>> -> memref<1x1x128xi32, #tpu.memory_space<vmem>>
        %dma_wait3A_413 = tpu.memref_squeeze %dma_wait3A_412 : memref<1x1x128xi32, #tpu.memory_space<vmem>> -> memref<128xi32, #tpu.memory_space<vmem>>
        %dma_wait3A_414 = arith.constant 0 : i32
        %dma_wait3A_415 = arith.constant 0 : i32
        %dma_wait3A_416 = tpu.memref_slice %arg10[%dma_wait3A_414, %dma_wait3A_415] : memref<4096x128xf32, #tpu.memory_space<vmem_shared>> -> memref<4096x128xf32, #tpu.memory_space<vmem_shared>>
        tpu.wait_indirect_dma semaphore(%run_scoped3A_396 : memref<!tpu.dma_semaphore, #tpu.memory_space<semaphore_mem>>) src(%dma_wait3A_410 : memref<128x128xf32, #tpu.memory_space<vmem>>) dst(%dma_wait3A_416 : memref<4096x128xf32, #tpu.memory_space<vmem_shared>>)
        tpu.yield
      }) : () -> ()
      %add3A_379 = arith.constant 0 : i32
      %add3A_380 = arith.addi %add3A_379, %add3A_251 : i32
      %add3A_381 = arith.constant 4 : i32
      %add3A_382 = arith.addi %add3A_380, %add3A_381 : i32
      %add3A_383 = arith.constant 3 : i32
      %add3A_384 = arith.addi %add3A_382, %add3A_383 : i32
      %dma_start3A_385 = arith.constant 3 : i32
      %dma_start3A_386 = arith.constant 0 : i32
      %dma_start3A_387 = arith.constant 0 : i32
      %dma_start3A_388 = tpu.memref_slice %arg9[%dma_start3A_385, %dma_start3A_386, %dma_start3A_387] : memref<4x128x128xf32, #tpu.memory_space<vmem>> -> memref<1x128x128xf32, #tpu.memory_space<vmem>>
      %dma_start3A_389 = tpu.memref_squeeze %dma_start3A_388 : memref<1x128x128xf32, #tpu.memory_space<vmem>> -> memref<128x128xf32, #tpu.memory_space<vmem>>
      %dma_start3A_390 = arith.constant 0 : i32
      %dma_start3A_391 = tpu.memref_slice %arg7[%add3A_384, %dma_start3A_390] : memref<80x128xi32, #tpu.memory_space<vmem>> -> memref<1x128xi32, #tpu.memory_space<vmem>>
      %dma_start3A_392 = tpu.memref_squeeze %dma_start3A_391 : memref<1x128xi32, #tpu.memory_space<vmem>> -> memref<128xi32, #tpu.memory_space<vmem>>
      %dma_start3A_393 = arith.constant 0 : i32
      %dma_start3A_394 = arith.constant 0 : i32
      %dma_start3A_395 = tpu.memref_slice %arg3[%dma_start3A_393, %dma_start3A_394] : memref<100000x128xf32, #tpu.memory_space<hbm>> -> memref<100000x128xf32, #tpu.memory_space<hbm>>
      tpu.enqueue_indirect_dma source(%dma_start3A_395 : memref<100000x128xf32, #tpu.memory_space<hbm>>) target(%dma_start3A_389 : memref<128x128xf32, #tpu.memory_space<vmem>>) offsets(%dma_start3A_392 : memref<128xi32, #tpu.memory_space<vmem>>) semaphore(%arg14 : memref<!tpu.dma_semaphore, #tpu.memory_space<semaphore_mem>>)
    }
    %scan3A_69 = arith.constant 3 : i32
    %add3A_70 = arith.constant 128 : i32
    %add3A_71 = arith.addi %mul3A_2, %add3A_70 : i32
    %dma_wait3A_72 = arith.constant 0 : i32
    %dma_wait3A_73 = tpu.memref_slice %arg10[%add3A_71, %dma_wait3A_72] : memref<4096x128xf32, #tpu.memory_space<vmem_shared>> -> memref<128x128xf32, #tpu.memory_space<vmem_shared>>
    tpu.wait_dma2 semaphore(%arg18 : memref<!tpu.dma_semaphore, #tpu.memory_space<semaphore_mem>>) src(%arg5 : memref<128x128xf32, #tpu.memory_space<hbm>>) dst(%dma_wait3A_73 : memref<128x128xf32, #tpu.memory_space<vmem_shared>>)
    %scan3A_74 = arith.constant 0 : i32
    %scan3A_75 = arith.constant 2 : i32
    %scan3A_76 = arith.addi %scan3A_74, %scan3A_75 : i32
    %scan3A_77 = arith.constant 1 : i32
    scf.for %scan3A_247 = %scan3A_74 to %scan3A_76 step %scan3A_77  : i32 {
      %mul3A_248 = arith.constant 4 : i32
      %mul3A_249 = arith.muli %scan3A_247, %mul3A_248 : i32
      %add3A_250 = arith.constant 0 : i32
      %add3A_251 = arith.addi %add3A_250, %mul3A_249 : i32
      %dma_wait3A_252 = arith.constant 0 : i32
      %dma_wait3A_253 = arith.constant 0 : i32
      %dma_wait3A_254 = arith.constant 0 : i32
      %dma_wait3A_255 = tpu.memref_slice %arg9[%dma_wait3A_252, %dma_wait3A_253, %dma_wait3A_254] : memref<4x128x128xf32, #tpu.memory_space<vmem>> -> memref<1x128x128xf32, #tpu.memory_space<vmem>>
      %dma_wait3A_256 = tpu.memref_squeeze %dma_wait3A_255 : memref<1x128x128xf32, #tpu.memory_space<vmem>> -> memref<128x128xf32, #tpu.memory_space<vmem>>
      %dma_wait3A_257 = arith.constant 0 : i32
      %dma_wait3A_258 = arith.constant 0 : i32
      %dma_wait3A_259 = tpu.memref_slice %arg3[%dma_wait3A_257, %dma_wait3A_258] : memref<100000x128xf32, #tpu.memory_space<hbm>> -> memref<128x128xf32, #tpu.memory_space<hbm>>
      %dma_wait3A_260 = arith.constant 0 : i32
      %dma_wait3A_261 = arith.constant 0 : i32
      %dma_wait3A_262 = tpu.memref_slice %arg9[%dma_wait3A_252, %dma_wait3A_260, %dma_wait3A_261] : memref<4x128x128xf32, #tpu.memory_space<vmem>> -> memref<1x128x128xf32, #tpu.memory_space<vmem>>
      %dma_wait3A_263 = tpu.memref_squeeze %dma_wait3A_262 : memref<1x128x128xf32, #tpu.memory_space<vmem>> -> memref<128x128xf32, #tpu.memory_space<vmem>>
      %dma_wait3A_264 = arith.constant 0 : i32
      %dma_wait3A_265 = arith.constant 0 : i32
      %dma_wait3A_266 = tpu.memref_slice %arg3[%dma_wait3A_264, %dma_wait3A_265] : memref<100000x128xf32, #tpu.memory_space<hbm>> -> memref<128x128xf32, #tpu.memory_space<hbm>>
      tpu.wait_dma2 semaphore(%arg11 : memref<!tpu.dma_semaphore, #tpu.memory_space<semaphore_mem>>) src(%dma_wait3A_266 : memref<128x128xf32, #tpu.memory_space<hbm>>) dst(%dma_wait3A_263 : memref<128x128xf32, #tpu.memory_space<vmem>>)
      %add3A_267 = arith.constant 0 : i32
      %add3A_268 = arith.addi %add3A_251, %add3A_267 : i32
      %run_scoped3A_269 = arith.constant 0 : i32
      %run_scoped3A_270 = arith.constant 1 : i32
      "tpu.region"() ({
        %run_scoped3A_396 = tpu.sem_alloc : memref<!tpu.dma_semaphore, #tpu.memory_space<semaphore_mem>>
        %dma_start3A_397 = arith.constant 0 : i32
        %dma_start3A_398 = arith.constant 0 : i32
        %dma_start3A_399 = tpu.memref_slice %arg9[%run_scoped3A_269, %dma_start3A_397, %dma_start3A_398] : memref<4x128x128xf32, #tpu.memory_space<vmem>> -> memref<1x128x128xf32, #tpu.memory_space<vmem>>
        %dma_start3A_400 = tpu.memref_squeeze %dma_start3A_399 : memref<1x128x128xf32, #tpu.memory_space<vmem>> -> memref<128x128xf32, #tpu.memory_space<vmem>>
        %dma_start3A_401 = arith.constant 0 : i32
        %dma_start3A_402 = tpu.memref_slice %arg8[%run_scoped3A_270, %add3A_268, %dma_start3A_401] : memref<2x20x128xi32, #tpu.memory_space<vmem>> -> memref<1x1x128xi32, #tpu.memory_space<vmem>>
        %dma_start3A_403 = tpu.memref_squeeze %dma_start3A_402 : memref<1x1x128xi32, #tpu.memory_space<vmem>> -> memref<128xi32, #tpu.memory_space<vmem>>
        %dma_start3A_404 = arith.constant 0 : i32
        %dma_start3A_405 = arith.constant 0 : i32
        %dma_start3A_406 = tpu.memref_slice %arg10[%dma_start3A_404, %dma_start3A_405] : memref<4096x128xf32, #tpu.memory_space<vmem_shared>> -> memref<4096x128xf32, #tpu.memory_space<vmem_shared>>
        tpu.enqueue_indirect_dma source(%dma_start3A_400 : memref<128x128xf32, #tpu.memory_space<vmem>>) target(%dma_start3A_406 : memref<4096x128xf32, #tpu.memory_space<vmem_shared>>) offsets(%dma_start3A_403 : memref<128xi32, #tpu.memory_space<vmem>>) semaphore(%run_scoped3A_396 : memref<!tpu.dma_semaphore, #tpu.memory_space<semaphore_mem>>) {add = true}
        %dma_wait3A_407 = arith.constant 0 : i32
        %dma_wait3A_408 = arith.constant 0 : i32
        %dma_wait3A_409 = tpu.memref_slice %arg9[%run_scoped3A_269, %dma_wait3A_407, %dma_wait3A_408] : memref<4x128x128xf32, #tpu.memory_space<vmem>> -> memref<1x128x128xf32, #tpu.memory_space<vmem>>
        %dma_wait3A_410 = tpu.memref_squeeze %dma_wait3A_409 : memref<1x128x128xf32, #tpu.memory_space<vmem>> -> memref<128x128xf32, #tpu.memory_space<vmem>>
        %dma_wait3A_411 = arith.constant 0 : i32
        %dma_wait3A_412 = tpu.memref_slice %arg8[%run_scoped3A_270, %add3A_268, %dma_wait3A_411] : memref<2x20x128xi32, #tpu.memory_space<vmem>> -> memref<1x1x128xi32, #tpu.memory_space<vmem>>
        %dma_wait3A_413 = tpu.memref_squeeze %dma_wait3A_412 : memref<1x1x128xi32, #tpu.memory_space<vmem>> -> memref<128xi32, #tpu.memory_space<vmem>>
        %dma_wait3A_414 = arith.constant 0 : i32
        %dma_wait3A_415 = arith.constant 0 : i32
        %dma_wait3A_416 = tpu.memref_slice %arg10[%dma_wait3A_414, %dma_wait3A_415] : memref<4096x128xf32, #tpu.memory_space<vmem_shared>> -> memref<4096x128xf32, #tpu.memory_space<vmem_shared>>
        tpu.wait_indirect_dma semaphore(%run_scoped3A_396 : memref<!tpu.dma_semaphore, #tpu.memory_space<semaphore_mem>>) src(%dma_wait3A_410 : memref<128x128xf32, #tpu.memory_space<vmem>>) dst(%dma_wait3A_416 : memref<4096x128xf32, #tpu.memory_space<vmem_shared>>)
        tpu.yield
      }) : () -> ()
      %add3A_271 = arith.constant 20 : i32
      %add3A_272 = arith.addi %add3A_271, %add3A_251 : i32
      %add3A_273 = arith.constant 4 : i32
      %add3A_274 = arith.addi %add3A_272, %add3A_273 : i32
      %add3A_275 = arith.constant 0 : i32
      %add3A_276 = arith.addi %add3A_274, %add3A_275 : i32
      %dma_start3A_277 = arith.constant 0 : i32
      %dma_start3A_278 = arith.constant 0 : i32
      %dma_start3A_279 = arith.constant 0 : i32
      %dma_start3A_280 = tpu.memref_slice %arg9[%dma_start3A_277, %dma_start3A_278, %dma_start3A_279] : memref<4x128x128xf32, #tpu.memory_space<vmem>> -> memref<1x128x128xf32, #tpu.memory_space<vmem>>
      %dma_start3A_281 = tpu.memref_squeeze %dma_start3A_280 : memref<1x128x128xf32, #tpu.memory_space<vmem>> -> memref<128x128xf32, #tpu.memory_space<vmem>>
      %dma_start3A_282 = arith.constant 0 : i32
      %dma_start3A_283 = tpu.memref_slice %arg7[%add3A_276, %dma_start3A_282] : memref<80x128xi32, #tpu.memory_space<vmem>> -> memref<1x128xi32, #tpu.memory_space<vmem>>
      %dma_start3A_284 = tpu.memref_squeeze %dma_start3A_283 : memref<1x128xi32, #tpu.memory_space<vmem>> -> memref<128xi32, #tpu.memory_space<vmem>>
      %dma_start3A_285 = arith.constant 0 : i32
      %dma_start3A_286 = arith.constant 0 : i32
      %dma_start3A_287 = tpu.memref_slice %arg3[%dma_start3A_285, %dma_start3A_286] : memref<100000x128xf32, #tpu.memory_space<hbm>> -> memref<100000x128xf32, #tpu.memory_space<hbm>>
      tpu.enqueue_indirect_dma source(%dma_start3A_287 : memref<100000x128xf32, #tpu.memory_space<hbm>>) target(%dma_start3A_281 : memref<128x128xf32, #tpu.memory_space<vmem>>) offsets(%dma_start3A_284 : memref<128xi32, #tpu.memory_space<vmem>>) semaphore(%arg11 : memref<!tpu.dma_semaphore, #tpu.memory_space<semaphore_mem>>)
      %dma_wait3A_288 = arith.constant 1 : i32
      %dma_wait3A_289 = arith.constant 0 : i32
      %dma_wait3A_290 = arith.constant 0 : i32
      %dma_wait3A_291 = tpu.memref_slice %arg9[%dma_wait3A_288, %dma_wait3A_289, %dma_wait3A_290] : memref<4x128x128xf32, #tpu.memory_space<vmem>> -> memref<1x128x128xf32, #tpu.memory_space<vmem>>
      %dma_wait3A_292 = tpu.memref_squeeze %dma_wait3A_291 : memref<1x128x128xf32, #tpu.memory_space<vmem>> -> memref<128x128xf32, #tpu.memory_space<vmem>>
      %dma_wait3A_293 = arith.constant 0 : i32
      %dma_wait3A_294 = arith.constant 0 : i32
      %dma_wait3A_295 = tpu.memref_slice %arg3[%dma_wait3A_293, %dma_wait3A_294] : memref<100000x128xf32, #tpu.memory_space<hbm>> -> memref<128x128xf32, #tpu.memory_space<hbm>>
      %dma_wait3A_296 = arith.constant 0 : i32
      %dma_wait3A_297 = arith.constant 0 : i32
      %dma_wait3A_298 = tpu.memref_slice %arg9[%dma_wait3A_288, %dma_wait3A_296, %dma_wait3A_297] : memref<4x128x128xf32, #tpu.memory_space<vmem>> -> memref<1x128x128xf32, #tpu.memory_space<vmem>>
      %dma_wait3A_299 = tpu.memref_squeeze %dma_wait3A_298 : memref<1x128x128xf32, #tpu.memory_space<vmem>> -> memref<128x128xf32, #tpu.memory_space<vmem>>
      %dma_wait3A_300 = arith.constant 0 : i32
      %dma_wait3A_301 = arith.constant 0 : i32
      %dma_wait3A_302 = tpu.memref_slice %arg3[%dma_wait3A_300, %dma_wait3A_301] : memref<100000x128xf32, #tpu.memory_space<hbm>> -> memref<128x128xf32, #tpu.memory_space<hbm>>
      tpu.wait_dma2 semaphore(%arg12 : memref<!tpu.dma_semaphore, #tpu.memory_space<semaphore_mem>>) src(%dma_wait3A_302 : memref<128x128xf32, #tpu.memory_space<hbm>>) dst(%dma_wait3A_299 : memref<128x128xf32, #tpu.memory_space<vmem>>)
      %add3A_303 = arith.constant 1 : i32
      %add3A_304 = arith.addi %add3A_251, %add3A_303 : i32
      %run_scoped3A_305 = arith.constant 1 : i32
      %run_scoped3A_306 = arith.constant 1 : i32
      "tpu.region"() ({
        %run_scoped3A_396 = tpu.sem_alloc : memref<!tpu.dma_semaphore, #tpu.memory_space<semaphore_mem>>
        %dma_start3A_397 = arith.constant 0 : i32
        %dma_start3A_398 = arith.constant 0 : i32
        %dma_start3A_399 = tpu.memref_slice %arg9[%run_scoped3A_305, %dma_start3A_397, %dma_start3A_398] : memref<4x128x128xf32, #tpu.memory_space<vmem>> -> memref<1x128x128xf32, #tpu.memory_space<vmem>>
        %dma_start3A_400 = tpu.memref_squeeze %dma_start3A_399 : memref<1x128x128xf32, #tpu.memory_space<vmem>> -> memref<128x128xf32, #tpu.memory_space<vmem>>
        %dma_start3A_401 = arith.constant 0 : i32
        %dma_start3A_402 = tpu.memref_slice %arg8[%run_scoped3A_306, %add3A_304, %dma_start3A_401] : memref<2x20x128xi32, #tpu.memory_space<vmem>> -> memref<1x1x128xi32, #tpu.memory_space<vmem>>
        %dma_start3A_403 = tpu.memref_squeeze %dma_start3A_402 : memref<1x1x128xi32, #tpu.memory_space<vmem>> -> memref<128xi32, #tpu.memory_space<vmem>>
        %dma_start3A_404 = arith.constant 0 : i32
        %dma_start3A_405 = arith.constant 0 : i32
        %dma_start3A_406 = tpu.memref_slice %arg10[%dma_start3A_404, %dma_start3A_405] : memref<4096x128xf32, #tpu.memory_space<vmem_shared>> -> memref<4096x128xf32, #tpu.memory_space<vmem_shared>>
        tpu.enqueue_indirect_dma source(%dma_start3A_400 : memref<128x128xf32, #tpu.memory_space<vmem>>) target(%dma_start3A_406 : memref<4096x128xf32, #tpu.memory_space<vmem_shared>>) offsets(%dma_start3A_403 : memref<128xi32, #tpu.memory_space<vmem>>) semaphore(%run_scoped3A_396 : memref<!tpu.dma_semaphore, #tpu.memory_space<semaphore_mem>>) {add = true}
        %dma_wait3A_407 = arith.constant 0 : i32
        %dma_wait3A_408 = arith.constant 0 : i32
        %dma_wait3A_409 = tpu.memref_slice %arg9[%run_scoped3A_305, %dma_wait3A_407, %dma_wait3A_408] : memref<4x128x128xf32, #tpu.memory_space<vmem>> -> memref<1x128x128xf32, #tpu.memory_space<vmem>>
        %dma_wait3A_410 = tpu.memref_squeeze %dma_wait3A_409 : memref<1x128x128xf32, #tpu.memory_space<vmem>> -> memref<128x128xf32, #tpu.memory_space<vmem>>
        %dma_wait3A_411 = arith.constant 0 : i32
        %dma_wait3A_412 = tpu.memref_slice %arg8[%run_scoped3A_306, %add3A_304, %dma_wait3A_411] : memref<2x20x128xi32, #tpu.memory_space<vmem>> -> memref<1x1x128xi32, #tpu.memory_space<vmem>>
        %dma_wait3A_413 = tpu.memref_squeeze %dma_wait3A_412 : memref<1x1x128xi32, #tpu.memory_space<vmem>> -> memref<128xi32, #tpu.memory_space<vmem>>
        %dma_wait3A_414 = arith.constant 0 : i32
        %dma_wait3A_415 = arith.constant 0 : i32
        %dma_wait3A_416 = tpu.memref_slice %arg10[%dma_wait3A_414, %dma_wait3A_415] : memref<4096x128xf32, #tpu.memory_space<vmem_shared>> -> memref<4096x128xf32, #tpu.memory_space<vmem_shared>>
        tpu.wait_indirect_dma semaphore(%run_scoped3A_396 : memref<!tpu.dma_semaphore, #tpu.memory_space<semaphore_mem>>) src(%dma_wait3A_410 : memref<128x128xf32, #tpu.memory_space<vmem>>) dst(%dma_wait3A_416 : memref<4096x128xf32, #tpu.memory_space<vmem_shared>>)
        tpu.yield
      }) : () -> ()
      %add3A_307 = arith.constant 20 : i32
      %add3A_308 = arith.addi %add3A_307, %add3A_251 : i32
      %add3A_309 = arith.constant 4 : i32
      %add3A_310 = arith.addi %add3A_308, %add3A_309 : i32
      %add3A_311 = arith.constant 1 : i32
      %add3A_312 = arith.addi %add3A_310, %add3A_311 : i32
      %dma_start3A_313 = arith.constant 1 : i32
      %dma_start3A_314 = arith.constant 0 : i32
      %dma_start3A_315 = arith.constant 0 : i32
      %dma_start3A_316 = tpu.memref_slice %arg9[%dma_start3A_313, %dma_start3A_314, %dma_start3A_315] : memref<4x128x128xf32, #tpu.memory_space<vmem>> -> memref<1x128x128xf32, #tpu.memory_space<vmem>>
      %dma_start3A_317 = tpu.memref_squeeze %dma_start3A_316 : memref<1x128x128xf32, #tpu.memory_space<vmem>> -> memref<128x128xf32, #tpu.memory_space<vmem>>
      %dma_start3A_318 = arith.constant 0 : i32
      %dma_start3A_319 = tpu.memref_slice %arg7[%add3A_312, %dma_start3A_318] : memref<80x128xi32, #tpu.memory_space<vmem>> -> memref<1x128xi32, #tpu.memory_space<vmem>>
      %dma_start3A_320 = tpu.memref_squeeze %dma_start3A_319 : memref<1x128xi32, #tpu.memory_space<vmem>> -> memref<128xi32, #tpu.memory_space<vmem>>
      %dma_start3A_321 = arith.constant 0 : i32
      %dma_start3A_322 = arith.constant 0 : i32
      %dma_start3A_323 = tpu.memref_slice %arg3[%dma_start3A_321, %dma_start3A_322] : memref<100000x128xf32, #tpu.memory_space<hbm>> -> memref<100000x128xf32, #tpu.memory_space<hbm>>
      tpu.enqueue_indirect_dma source(%dma_start3A_323 : memref<100000x128xf32, #tpu.memory_space<hbm>>) target(%dma_start3A_317 : memref<128x128xf32, #tpu.memory_space<vmem>>) offsets(%dma_start3A_320 : memref<128xi32, #tpu.memory_space<vmem>>) semaphore(%arg12 : memref<!tpu.dma_semaphore, #tpu.memory_space<semaphore_mem>>)
      %dma_wait3A_324 = arith.constant 2 : i32
      %dma_wait3A_325 = arith.constant 0 : i32
      %dma_wait3A_326 = arith.constant 0 : i32
      %dma_wait3A_327 = tpu.memref_slice %arg9[%dma_wait3A_324, %dma_wait3A_325, %dma_wait3A_326] : memref<4x128x128xf32, #tpu.memory_space<vmem>> -> memref<1x128x128xf32, #tpu.memory_space<vmem>>
      %dma_wait3A_328 = tpu.memref_squeeze %dma_wait3A_327 : memref<1x128x128xf32, #tpu.memory_space<vmem>> -> memref<128x128xf32, #tpu.memory_space<vmem>>
      %dma_wait3A_329 = arith.constant 0 : i32
      %dma_wait3A_330 = arith.constant 0 : i32
      %dma_wait3A_331 = tpu.memref_slice %arg3[%dma_wait3A_329, %dma_wait3A_330] : memref<100000x128xf32, #tpu.memory_space<hbm>> -> memref<128x128xf32, #tpu.memory_space<hbm>>
      %dma_wait3A_332 = arith.constant 0 : i32
      %dma_wait3A_333 = arith.constant 0 : i32
      %dma_wait3A_334 = tpu.memref_slice %arg9[%dma_wait3A_324, %dma_wait3A_332, %dma_wait3A_333] : memref<4x128x128xf32, #tpu.memory_space<vmem>> -> memref<1x128x128xf32, #tpu.memory_space<vmem>>
      %dma_wait3A_335 = tpu.memref_squeeze %dma_wait3A_334 : memref<1x128x128xf32, #tpu.memory_space<vmem>> -> memref<128x128xf32, #tpu.memory_space<vmem>>
      %dma_wait3A_336 = arith.constant 0 : i32
      %dma_wait3A_337 = arith.constant 0 : i32
      %dma_wait3A_338 = tpu.memref_slice %arg3[%dma_wait3A_336, %dma_wait3A_337] : memref<100000x128xf32, #tpu.memory_space<hbm>> -> memref<128x128xf32, #tpu.memory_space<hbm>>
      tpu.wait_dma2 semaphore(%arg13 : memref<!tpu.dma_semaphore, #tpu.memory_space<semaphore_mem>>) src(%dma_wait3A_338 : memref<128x128xf32, #tpu.memory_space<hbm>>) dst(%dma_wait3A_335 : memref<128x128xf32, #tpu.memory_space<vmem>>)
      %add3A_339 = arith.constant 2 : i32
      %add3A_340 = arith.addi %add3A_251, %add3A_339 : i32
      %run_scoped3A_341 = arith.constant 2 : i32
      %run_scoped3A_342 = arith.constant 1 : i32
      "tpu.region"() ({
        %run_scoped3A_396 = tpu.sem_alloc : memref<!tpu.dma_semaphore, #tpu.memory_space<semaphore_mem>>
        %dma_start3A_397 = arith.constant 0 : i32
        %dma_start3A_398 = arith.constant 0 : i32
        %dma_start3A_399 = tpu.memref_slice %arg9[%run_scoped3A_341, %dma_start3A_397, %dma_start3A_398] : memref<4x128x128xf32, #tpu.memory_space<vmem>> -> memref<1x128x128xf32, #tpu.memory_space<vmem>>
        %dma_start3A_400 = tpu.memref_squeeze %dma_start3A_399 : memref<1x128x128xf32, #tpu.memory_space<vmem>> -> memref<128x128xf32, #tpu.memory_space<vmem>>
        %dma_start3A_401 = arith.constant 0 : i32
        %dma_start3A_402 = tpu.memref_slice %arg8[%run_scoped3A_342, %add3A_340, %dma_start3A_401] : memref<2x20x128xi32, #tpu.memory_space<vmem>> -> memref<1x1x128xi32, #tpu.memory_space<vmem>>
        %dma_start3A_403 = tpu.memref_squeeze %dma_start3A_402 : memref<1x1x128xi32, #tpu.memory_space<vmem>> -> memref<128xi32, #tpu.memory_space<vmem>>
        %dma_start3A_404 = arith.constant 0 : i32
        %dma_start3A_405 = arith.constant 0 : i32
        %dma_start3A_406 = tpu.memref_slice %arg10[%dma_start3A_404, %dma_start3A_405] : memref<4096x128xf32, #tpu.memory_space<vmem_shared>> -> memref<4096x128xf32, #tpu.memory_space<vmem_shared>>
        tpu.enqueue_indirect_dma source(%dma_start3A_400 : memref<128x128xf32, #tpu.memory_space<vmem>>) target(%dma_start3A_406 : memref<4096x128xf32, #tpu.memory_space<vmem_shared>>) offsets(%dma_start3A_403 : memref<128xi32, #tpu.memory_space<vmem>>) semaphore(%run_scoped3A_396 : memref<!tpu.dma_semaphore, #tpu.memory_space<semaphore_mem>>) {add = true}
        %dma_wait3A_407 = arith.constant 0 : i32
        %dma_wait3A_408 = arith.constant 0 : i32
        %dma_wait3A_409 = tpu.memref_slice %arg9[%run_scoped3A_341, %dma_wait3A_407, %dma_wait3A_408] : memref<4x128x128xf32, #tpu.memory_space<vmem>> -> memref<1x128x128xf32, #tpu.memory_space<vmem>>
        %dma_wait3A_410 = tpu.memref_squeeze %dma_wait3A_409 : memref<1x128x128xf32, #tpu.memory_space<vmem>> -> memref<128x128xf32, #tpu.memory_space<vmem>>
        %dma_wait3A_411 = arith.constant 0 : i32
        %dma_wait3A_412 = tpu.memref_slice %arg8[%run_scoped3A_342, %add3A_340, %dma_wait3A_411] : memref<2x20x128xi32, #tpu.memory_space<vmem>> -> memref<1x1x128xi32, #tpu.memory_space<vmem>>
        %dma_wait3A_413 = tpu.memref_squeeze %dma_wait3A_412 : memref<1x1x128xi32, #tpu.memory_space<vmem>> -> memref<128xi32, #tpu.memory_space<vmem>>
        %dma_wait3A_414 = arith.constant 0 : i32
        %dma_wait3A_415 = arith.constant 0 : i32
        %dma_wait3A_416 = tpu.memref_slice %arg10[%dma_wait3A_414, %dma_wait3A_415] : memref<4096x128xf32, #tpu.memory_space<vmem_shared>> -> memref<4096x128xf32, #tpu.memory_space<vmem_shared>>
        tpu.wait_indirect_dma semaphore(%run_scoped3A_396 : memref<!tpu.dma_semaphore, #tpu.memory_space<semaphore_mem>>) src(%dma_wait3A_410 : memref<128x128xf32, #tpu.memory_space<vmem>>) dst(%dma_wait3A_416 : memref<4096x128xf32, #tpu.memory_space<vmem_shared>>)
        tpu.yield
      }) : () -> ()
      %add3A_343 = arith.constant 20 : i32
      %add3A_344 = arith.addi %add3A_343, %add3A_251 : i32
      %add3A_345 = arith.constant 4 : i32
      %add3A_346 = arith.addi %add3A_344, %add3A_345 : i32
      %add3A_347 = arith.constant 2 : i32
      %add3A_348 = arith.addi %add3A_346, %add3A_347 : i32
      %dma_start3A_349 = arith.constant 2 : i32
      %dma_start3A_350 = arith.constant 0 : i32
      %dma_start3A_351 = arith.constant 0 : i32
      %dma_start3A_352 = tpu.memref_slice %arg9[%dma_start3A_349, %dma_start3A_350, %dma_start3A_351] : memref<4x128x128xf32, #tpu.memory_space<vmem>> -> memref<1x128x128xf32, #tpu.memory_space<vmem>>
      %dma_start3A_353 = tpu.memref_squeeze %dma_start3A_352 : memref<1x128x128xf32, #tpu.memory_space<vmem>> -> memref<128x128xf32, #tpu.memory_space<vmem>>
      %dma_start3A_354 = arith.constant 0 : i32
      %dma_start3A_355 = tpu.memref_slice %arg7[%add3A_348, %dma_start3A_354] : memref<80x128xi32, #tpu.memory_space<vmem>> -> memref<1x128xi32, #tpu.memory_space<vmem>>
      %dma_start3A_356 = tpu.memref_squeeze %dma_start3A_355 : memref<1x128xi32, #tpu.memory_space<vmem>> -> memref<128xi32, #tpu.memory_space<vmem>>
      %dma_start3A_357 = arith.constant 0 : i32
      %dma_start3A_358 = arith.constant 0 : i32
      %dma_start3A_359 = tpu.memref_slice %arg3[%dma_start3A_357, %dma_start3A_358] : memref<100000x128xf32, #tpu.memory_space<hbm>> -> memref<100000x128xf32, #tpu.memory_space<hbm>>
      tpu.enqueue_indirect_dma source(%dma_start3A_359 : memref<100000x128xf32, #tpu.memory_space<hbm>>) target(%dma_start3A_353 : memref<128x128xf32, #tpu.memory_space<vmem>>) offsets(%dma_start3A_356 : memref<128xi32, #tpu.memory_space<vmem>>) semaphore(%arg13 : memref<!tpu.dma_semaphore, #tpu.memory_space<semaphore_mem>>)
      %dma_wait3A_360 = arith.constant 3 : i32
      %dma_wait3A_361 = arith.constant 0 : i32
      %dma_wait3A_362 = arith.constant 0 : i32
      %dma_wait3A_363 = tpu.memref_slice %arg9[%dma_wait3A_360, %dma_wait3A_361, %dma_wait3A_362] : memref<4x128x128xf32, #tpu.memory_space<vmem>> -> memref<1x128x128xf32, #tpu.memory_space<vmem>>
      %dma_wait3A_364 = tpu.memref_squeeze %dma_wait3A_363 : memref<1x128x128xf32, #tpu.memory_space<vmem>> -> memref<128x128xf32, #tpu.memory_space<vmem>>
      %dma_wait3A_365 = arith.constant 0 : i32
      %dma_wait3A_366 = arith.constant 0 : i32
      %dma_wait3A_367 = tpu.memref_slice %arg3[%dma_wait3A_365, %dma_wait3A_366] : memref<100000x128xf32, #tpu.memory_space<hbm>> -> memref<128x128xf32, #tpu.memory_space<hbm>>
      %dma_wait3A_368 = arith.constant 0 : i32
      %dma_wait3A_369 = arith.constant 0 : i32
      %dma_wait3A_370 = tpu.memref_slice %arg9[%dma_wait3A_360, %dma_wait3A_368, %dma_wait3A_369] : memref<4x128x128xf32, #tpu.memory_space<vmem>> -> memref<1x128x128xf32, #tpu.memory_space<vmem>>
      %dma_wait3A_371 = tpu.memref_squeeze %dma_wait3A_370 : memref<1x128x128xf32, #tpu.memory_space<vmem>> -> memref<128x128xf32, #tpu.memory_space<vmem>>
      %dma_wait3A_372 = arith.constant 0 : i32
      %dma_wait3A_373 = arith.constant 0 : i32
      %dma_wait3A_374 = tpu.memref_slice %arg3[%dma_wait3A_372, %dma_wait3A_373] : memref<100000x128xf32, #tpu.memory_space<hbm>> -> memref<128x128xf32, #tpu.memory_space<hbm>>
      tpu.wait_dma2 semaphore(%arg14 : memref<!tpu.dma_semaphore, #tpu.memory_space<semaphore_mem>>) src(%dma_wait3A_374 : memref<128x128xf32, #tpu.memory_space<hbm>>) dst(%dma_wait3A_371 : memref<128x128xf32, #tpu.memory_space<vmem>>)
      %add3A_375 = arith.constant 3 : i32
      %add3A_376 = arith.addi %add3A_251, %add3A_375 : i32
      %run_scoped3A_377 = arith.constant 3 : i32
      %run_scoped3A_378 = arith.constant 1 : i32
      "tpu.region"() ({
        %run_scoped3A_396 = tpu.sem_alloc : memref<!tpu.dma_semaphore, #tpu.memory_space<semaphore_mem>>
        %dma_start3A_397 = arith.constant 0 : i32
        %dma_start3A_398 = arith.constant 0 : i32
        %dma_start3A_399 = tpu.memref_slice %arg9[%run_scoped3A_377, %dma_start3A_397, %dma_start3A_398] : memref<4x128x128xf32, #tpu.memory_space<vmem>> -> memref<1x128x128xf32, #tpu.memory_space<vmem>>
        %dma_start3A_400 = tpu.memref_squeeze %dma_start3A_399 : memref<1x128x128xf32, #tpu.memory_space<vmem>> -> memref<128x128xf32, #tpu.memory_space<vmem>>
        %dma_start3A_401 = arith.constant 0 : i32
        %dma_start3A_402 = tpu.memref_slice %arg8[%run_scoped3A_378, %add3A_376, %dma_start3A_401] : memref<2x20x128xi32, #tpu.memory_space<vmem>> -> memref<1x1x128xi32, #tpu.memory_space<vmem>>
        %dma_start3A_403 = tpu.memref_squeeze %dma_start3A_402 : memref<1x1x128xi32, #tpu.memory_space<vmem>> -> memref<128xi32, #tpu.memory_space<vmem>>
        %dma_start3A_404 = arith.constant 0 : i32
        %dma_start3A_405 = arith.constant 0 : i32
        %dma_start3A_406 = tpu.memref_slice %arg10[%dma_start3A_404, %dma_start3A_405] : memref<4096x128xf32, #tpu.memory_space<vmem_shared>> -> memref<4096x128xf32, #tpu.memory_space<vmem_shared>>
        tpu.enqueue_indirect_dma source(%dma_start3A_400 : memref<128x128xf32, #tpu.memory_space<vmem>>) target(%dma_start3A_406 : memref<4096x128xf32, #tpu.memory_space<vmem_shared>>) offsets(%dma_start3A_403 : memref<128xi32, #tpu.memory_space<vmem>>) semaphore(%run_scoped3A_396 : memref<!tpu.dma_semaphore, #tpu.memory_space<semaphore_mem>>) {add = true}
        %dma_wait3A_407 = arith.constant 0 : i32
        %dma_wait3A_408 = arith.constant 0 : i32
        %dma_wait3A_409 = tpu.memref_slice %arg9[%run_scoped3A_377, %dma_wait3A_407, %dma_wait3A_408] : memref<4x128x128xf32, #tpu.memory_space<vmem>> -> memref<1x128x128xf32, #tpu.memory_space<vmem>>
        %dma_wait3A_410 = tpu.memref_squeeze %dma_wait3A_409 : memref<1x128x128xf32, #tpu.memory_space<vmem>> -> memref<128x128xf32, #tpu.memory_space<vmem>>
        %dma_wait3A_411 = arith.constant 0 : i32
        %dma_wait3A_412 = tpu.memref_slice %arg8[%run_scoped3A_378, %add3A_376, %dma_wait3A_411] : memref<2x20x128xi32, #tpu.memory_space<vmem>> -> memref<1x1x128xi32, #tpu.memory_space<vmem>>
        %dma_wait3A_413 = tpu.memref_squeeze %dma_wait3A_412 : memref<1x1x128xi32, #tpu.memory_space<vmem>> -> memref<128xi32, #tpu.memory_space<vmem>>
        %dma_wait3A_414 = arith.constant 0 : i32
        %dma_wait3A_415 = arith.constant 0 : i32
        %dma_wait3A_416 = tpu.memref_slice %arg10[%dma_wait3A_414, %dma_wait3A_415] : memref<4096x128xf32, #tpu.memory_space<vmem_shared>> -> memref<4096x128xf32, #tpu.memory_space<vmem_shared>>
        tpu.wait_indirect_dma semaphore(%run_scoped3A_396 : memref<!tpu.dma_semaphore, #tpu.memory_space<semaphore_mem>>) src(%dma_wait3A_410 : memref<128x128xf32, #tpu.memory_space<vmem>>) dst(%dma_wait3A_416 : memref<4096x128xf32, #tpu.memory_space<vmem_shared>>)
        tpu.yield
      }) : () -> ()
      %add3A_379 = arith.constant 20 : i32
      %add3A_380 = arith.addi %add3A_379, %add3A_251 : i32
      %add3A_381 = arith.constant 4 : i32
      %add3A_382 = arith.addi %add3A_380, %add3A_381 : i32
      %add3A_383 = arith.constant 3 : i32
      %add3A_384 = arith.addi %add3A_382, %add3A_383 : i32
      %dma_start3A_385 = arith.constant 3 : i32
      %dma_start3A_386 = arith.constant 0 : i32
      %dma_start3A_387 = arith.constant 0 : i32
      %dma_start3A_388 = tpu.memref_slice %arg9[%dma_start3A_385, %dma_start3A_386, %dma_start3A_387] : memref<4x128x128xf32, #tpu.memory_space<vmem>> -> memref<1x128x128xf32, #tpu.memory_space<vmem>>
      %dma_start3A_389 = tpu.memref_squeeze %dma_start3A_388 : memref<1x128x128xf32, #tpu.memory_space<vmem>> -> memref<128x128xf32, #tpu.memory_space<vmem>>
      %dma_start3A_390 = arith.constant 0 : i32
      %dma_start3A_391 = tpu.memref_slice %arg7[%add3A_384, %dma_start3A_390] : memref<80x128xi32, #tpu.memory_space<vmem>> -> memref<1x128xi32, #tpu.memory_space<vmem>>
      %dma_start3A_392 = tpu.memref_squeeze %dma_start3A_391 : memref<1x128xi32, #tpu.memory_space<vmem>> -> memref<128xi32, #tpu.memory_space<vmem>>
      %dma_start3A_393 = arith.constant 0 : i32
      %dma_start3A_394 = arith.constant 0 : i32
      %dma_start3A_395 = tpu.memref_slice %arg3[%dma_start3A_393, %dma_start3A_394] : memref<100000x128xf32, #tpu.memory_space<hbm>> -> memref<100000x128xf32, #tpu.memory_space<hbm>>
      tpu.enqueue_indirect_dma source(%dma_start3A_395 : memref<100000x128xf32, #tpu.memory_space<hbm>>) target(%dma_start3A_389 : memref<128x128xf32, #tpu.memory_space<vmem>>) offsets(%dma_start3A_392 : memref<128xi32, #tpu.memory_space<vmem>>) semaphore(%arg14 : memref<!tpu.dma_semaphore, #tpu.memory_space<semaphore_mem>>)
    }
    %scan3A_78 = arith.constant 2 : i32
    %add3A_79 = arith.constant 0 : i32
    %add3A_80 = arith.addi %mul3A_2, %add3A_79 : i32
    %mul3A_81 = arith.constant 512 : i32
    %mul3A_82 = arith.muli %add3A, %mul3A_81 : i32
    %add3A_83 = arith.constant 0 : i32
    %add3A_84 = arith.addi %mul3A_82, %add3A_83 : i32
    %dma_start3A_85 = arith.constant 0 : i32
    %dma_start3A_86 = tpu.memref_slice %arg6[%add3A_84, %dma_start3A_85] : memref<16384x128xf32, #tpu.memory_space<hbm>> -> memref<128x128xf32, #tpu.memory_space<hbm>>
    %dma_start3A_87 = arith.constant 0 : i32
    %dma_start3A_88 = tpu.memref_slice %arg10[%add3A_80, %dma_start3A_87] : memref<4096x128xf32, #tpu.memory_space<vmem_shared>> -> memref<128x128xf32, #tpu.memory_space<vmem_shared>>
    tpu.enqueue_dma source(%dma_start3A_88 : memref<128x128xf32, #tpu.memory_space<vmem_shared>>) target(%dma_start3A_86 : memref<128x128xf32, #tpu.memory_space<hbm>>) target_semaphore(%arg15 : memref<!tpu.dma_semaphore, #tpu.memory_space<semaphore_mem>>)
    %add3A_89 = arith.constant 0 : i32
    %add3A_90 = arith.addi %mul3A_2, %add3A_89 : i32
    %dma_wait3A_91 = arith.constant 0 : i32
    %dma_wait3A_92 = tpu.memref_slice %arg10[%add3A_90, %dma_wait3A_91] : memref<4096x128xf32, #tpu.memory_space<vmem_shared>> -> memref<128x128xf32, #tpu.memory_space<vmem_shared>>
    tpu.wait_dma2 semaphore(%arg15 : memref<!tpu.dma_semaphore, #tpu.memory_space<semaphore_mem>>) src(%arg5 : memref<128x128xf32, #tpu.memory_space<hbm>>) dst(%dma_wait3A_92 : memref<128x128xf32, #tpu.memory_space<vmem_shared>>)
    %add3A_93 = arith.constant 0 : i32
    %add3A_94 = arith.addi %mul3A_2, %add3A_93 : i32
    %dma_start3A_95 = arith.constant 0 : i32
    %dma_start3A_96 = tpu.memref_slice %arg10[%add3A_94, %dma_start3A_95] : memref<4096x128xf32, #tpu.memory_space<vmem_shared>> -> memref<128x128xf32, #tpu.memory_space<vmem_shared>>
    tpu.enqueue_dma source(%arg5 : memref<128x128xf32, #tpu.memory_space<hbm>>) target(%dma_start3A_96 : memref<128x128xf32, #tpu.memory_space<vmem_shared>>) target_semaphore(%arg17 : memref<!tpu.dma_semaphore, #tpu.memory_space<semaphore_mem>>)
    %scan3A_97 = arith.constant 0 : i32
    %scan3A_98 = arith.constant 3 : i32
    %scan3A_99 = arith.addi %scan3A_97, %scan3A_98 : i32
    %scan3A_100 = arith.constant 1 : i32
    scf.for %scan3A_247 = %scan3A_97 to %scan3A_99 step %scan3A_100  : i32 {
      %mul3A_248 = arith.constant 4 : i32
      %mul3A_249 = arith.muli %scan3A_247, %mul3A_248 : i32
      %add3A_250 = arith.constant 8 : i32
      %add3A_251 = arith.addi %add3A_250, %mul3A_249 : i32
      %dma_wait3A_252 = arith.constant 0 : i32
      %dma_wait3A_253 = arith.constant 0 : i32
      %dma_wait3A_254 = arith.constant 0 : i32
      %dma_wait3A_255 = tpu.memref_slice %arg9[%dma_wait3A_252, %dma_wait3A_253, %dma_wait3A_254] : memref<4x128x128xf32, #tpu.memory_space<vmem>> -> memref<1x128x128xf32, #tpu.memory_space<vmem>>
      %dma_wait3A_256 = tpu.memref_squeeze %dma_wait3A_255 : memref<1x128x128xf32, #tpu.memory_space<vmem>> -> memref<128x128xf32, #tpu.memory_space<vmem>>
      %dma_wait3A_257 = arith.constant 0 : i32
      %dma_wait3A_258 = arith.constant 0 : i32
      %dma_wait3A_259 = tpu.memref_slice %arg3[%dma_wait3A_257, %dma_wait3A_258] : memref<100000x128xf32, #tpu.memory_space<hbm>> -> memref<128x128xf32, #tpu.memory_space<hbm>>
      %dma_wait3A_260 = arith.constant 0 : i32
      %dma_wait3A_261 = arith.constant 0 : i32
      %dma_wait3A_262 = tpu.memref_slice %arg9[%dma_wait3A_252, %dma_wait3A_260, %dma_wait3A_261] : memref<4x128x128xf32, #tpu.memory_space<vmem>> -> memref<1x128x128xf32, #tpu.memory_space<vmem>>
      %dma_wait3A_263 = tpu.memref_squeeze %dma_wait3A_262 : memref<1x128x128xf32, #tpu.memory_space<vmem>> -> memref<128x128xf32, #tpu.memory_space<vmem>>
      %dma_wait3A_264 = arith.constant 0 : i32
      %dma_wait3A_265 = arith.constant 0 : i32
      %dma_wait3A_266 = tpu.memref_slice %arg3[%dma_wait3A_264, %dma_wait3A_265] : memref<100000x128xf32, #tpu.memory_space<hbm>> -> memref<128x128xf32, #tpu.memory_space<hbm>>
      tpu.wait_dma2 semaphore(%arg11 : memref<!tpu.dma_semaphore, #tpu.memory_space<semaphore_mem>>) src(%dma_wait3A_266 : memref<128x128xf32, #tpu.memory_space<hbm>>) dst(%dma_wait3A_263 : memref<128x128xf32, #tpu.memory_space<vmem>>)
      %add3A_267 = arith.constant 0 : i32
      %add3A_268 = arith.addi %add3A_251, %add3A_267 : i32
      %run_scoped3A_269 = arith.constant 0 : i32
      %run_scoped3A_270 = arith.constant 1 : i32
      "tpu.region"() ({
        %run_scoped3A_396 = tpu.sem_alloc : memref<!tpu.dma_semaphore, #tpu.memory_space<semaphore_mem>>
        %dma_start3A_397 = arith.constant 0 : i32
        %dma_start3A_398 = arith.constant 0 : i32
        %dma_start3A_399 = tpu.memref_slice %arg9[%run_scoped3A_269, %dma_start3A_397, %dma_start3A_398] : memref<4x128x128xf32, #tpu.memory_space<vmem>> -> memref<1x128x128xf32, #tpu.memory_space<vmem>>
        %dma_start3A_400 = tpu.memref_squeeze %dma_start3A_399 : memref<1x128x128xf32, #tpu.memory_space<vmem>> -> memref<128x128xf32, #tpu.memory_space<vmem>>
        %dma_start3A_401 = arith.constant 0 : i32
        %dma_start3A_402 = tpu.memref_slice %arg8[%run_scoped3A_270, %add3A_268, %dma_start3A_401] : memref<2x20x128xi32, #tpu.memory_space<vmem>> -> memref<1x1x128xi32, #tpu.memory_space<vmem>>
        %dma_start3A_403 = tpu.memref_squeeze %dma_start3A_402 : memref<1x1x128xi32, #tpu.memory_space<vmem>> -> memref<128xi32, #tpu.memory_space<vmem>>
        %dma_start3A_404 = arith.constant 0 : i32
        %dma_start3A_405 = arith.constant 0 : i32
        %dma_start3A_406 = tpu.memref_slice %arg10[%dma_start3A_404, %dma_start3A_405] : memref<4096x128xf32, #tpu.memory_space<vmem_shared>> -> memref<4096x128xf32, #tpu.memory_space<vmem_shared>>
        tpu.enqueue_indirect_dma source(%dma_start3A_400 : memref<128x128xf32, #tpu.memory_space<vmem>>) target(%dma_start3A_406 : memref<4096x128xf32, #tpu.memory_space<vmem_shared>>) offsets(%dma_start3A_403 : memref<128xi32, #tpu.memory_space<vmem>>) semaphore(%run_scoped3A_396 : memref<!tpu.dma_semaphore, #tpu.memory_space<semaphore_mem>>) {add = true}
        %dma_wait3A_407 = arith.constant 0 : i32
        %dma_wait3A_408 = arith.constant 0 : i32
        %dma_wait3A_409 = tpu.memref_slice %arg9[%run_scoped3A_269, %dma_wait3A_407, %dma_wait3A_408] : memref<4x128x128xf32, #tpu.memory_space<vmem>> -> memref<1x128x128xf32, #tpu.memory_space<vmem>>
        %dma_wait3A_410 = tpu.memref_squeeze %dma_wait3A_409 : memref<1x128x128xf32, #tpu.memory_space<vmem>> -> memref<128x128xf32, #tpu.memory_space<vmem>>
        %dma_wait3A_411 = arith.constant 0 : i32
        %dma_wait3A_412 = tpu.memref_slice %arg8[%run_scoped3A_270, %add3A_268, %dma_wait3A_411] : memref<2x20x128xi32, #tpu.memory_space<vmem>> -> memref<1x1x128xi32, #tpu.memory_space<vmem>>
        %dma_wait3A_413 = tpu.memref_squeeze %dma_wait3A_412 : memref<1x1x128xi32, #tpu.memory_space<vmem>> -> memref<128xi32, #tpu.memory_space<vmem>>
        %dma_wait3A_414 = arith.constant 0 : i32
        %dma_wait3A_415 = arith.constant 0 : i32
        %dma_wait3A_416 = tpu.memref_slice %arg10[%dma_wait3A_414, %dma_wait3A_415] : memref<4096x128xf32, #tpu.memory_space<vmem_shared>> -> memref<4096x128xf32, #tpu.memory_space<vmem_shared>>
        tpu.wait_indirect_dma semaphore(%run_scoped3A_396 : memref<!tpu.dma_semaphore, #tpu.memory_space<semaphore_mem>>) src(%dma_wait3A_410 : memref<128x128xf32, #tpu.memory_space<vmem>>) dst(%dma_wait3A_416 : memref<4096x128xf32, #tpu.memory_space<vmem_shared>>)
        tpu.yield
      }) : () -> ()
      %add3A_271 = arith.constant 20 : i32
      %add3A_272 = arith.addi %add3A_271, %add3A_251 : i32
      %add3A_273 = arith.constant 4 : i32
      %add3A_274 = arith.addi %add3A_272, %add3A_273 : i32
      %add3A_275 = arith.constant 0 : i32
      %add3A_276 = arith.addi %add3A_274, %add3A_275 : i32
      %dma_start3A_277 = arith.constant 0 : i32
      %dma_start3A_278 = arith.constant 0 : i32
      %dma_start3A_279 = arith.constant 0 : i32
      %dma_start3A_280 = tpu.memref_slice %arg9[%dma_start3A_277, %dma_start3A_278, %dma_start3A_279] : memref<4x128x128xf32, #tpu.memory_space<vmem>> -> memref<1x128x128xf32, #tpu.memory_space<vmem>>
      %dma_start3A_281 = tpu.memref_squeeze %dma_start3A_280 : memref<1x128x128xf32, #tpu.memory_space<vmem>> -> memref<128x128xf32, #tpu.memory_space<vmem>>
      %dma_start3A_282 = arith.constant 0 : i32
      %dma_start3A_283 = tpu.memref_slice %arg7[%add3A_276, %dma_start3A_282] : memref<80x128xi32, #tpu.memory_space<vmem>> -> memref<1x128xi32, #tpu.memory_space<vmem>>
      %dma_start3A_284 = tpu.memref_squeeze %dma_start3A_283 : memref<1x128xi32, #tpu.memory_space<vmem>> -> memref<128xi32, #tpu.memory_space<vmem>>
      %dma_start3A_285 = arith.constant 0 : i32
      %dma_start3A_286 = arith.constant 0 : i32
      %dma_start3A_287 = tpu.memref_slice %arg3[%dma_start3A_285, %dma_start3A_286] : memref<100000x128xf32, #tpu.memory_space<hbm>> -> memref<100000x128xf32, #tpu.memory_space<hbm>>
      tpu.enqueue_indirect_dma source(%dma_start3A_287 : memref<100000x128xf32, #tpu.memory_space<hbm>>) target(%dma_start3A_281 : memref<128x128xf32, #tpu.memory_space<vmem>>) offsets(%dma_start3A_284 : memref<128xi32, #tpu.memory_space<vmem>>) semaphore(%arg11 : memref<!tpu.dma_semaphore, #tpu.memory_space<semaphore_mem>>)
      %dma_wait3A_288 = arith.constant 1 : i32
      %dma_wait3A_289 = arith.constant 0 : i32
      %dma_wait3A_290 = arith.constant 0 : i32
      %dma_wait3A_291 = tpu.memref_slice %arg9[%dma_wait3A_288, %dma_wait3A_289, %dma_wait3A_290] : memref<4x128x128xf32, #tpu.memory_space<vmem>> -> memref<1x128x128xf32, #tpu.memory_space<vmem>>
      %dma_wait3A_292 = tpu.memref_squeeze %dma_wait3A_291 : memref<1x128x128xf32, #tpu.memory_space<vmem>> -> memref<128x128xf32, #tpu.memory_space<vmem>>
      %dma_wait3A_293 = arith.constant 0 : i32
      %dma_wait3A_294 = arith.constant 0 : i32
      %dma_wait3A_295 = tpu.memref_slice %arg3[%dma_wait3A_293, %dma_wait3A_294] : memref<100000x128xf32, #tpu.memory_space<hbm>> -> memref<128x128xf32, #tpu.memory_space<hbm>>
      %dma_wait3A_296 = arith.constant 0 : i32
      %dma_wait3A_297 = arith.constant 0 : i32
      %dma_wait3A_298 = tpu.memref_slice %arg9[%dma_wait3A_288, %dma_wait3A_296, %dma_wait3A_297] : memref<4x128x128xf32, #tpu.memory_space<vmem>> -> memref<1x128x128xf32, #tpu.memory_space<vmem>>
      %dma_wait3A_299 = tpu.memref_squeeze %dma_wait3A_298 : memref<1x128x128xf32, #tpu.memory_space<vmem>> -> memref<128x128xf32, #tpu.memory_space<vmem>>
      %dma_wait3A_300 = arith.constant 0 : i32
      %dma_wait3A_301 = arith.constant 0 : i32
      %dma_wait3A_302 = tpu.memref_slice %arg3[%dma_wait3A_300, %dma_wait3A_301] : memref<100000x128xf32, #tpu.memory_space<hbm>> -> memref<128x128xf32, #tpu.memory_space<hbm>>
      tpu.wait_dma2 semaphore(%arg12 : memref<!tpu.dma_semaphore, #tpu.memory_space<semaphore_mem>>) src(%dma_wait3A_302 : memref<128x128xf32, #tpu.memory_space<hbm>>) dst(%dma_wait3A_299 : memref<128x128xf32, #tpu.memory_space<vmem>>)
      %add3A_303 = arith.constant 1 : i32
      %add3A_304 = arith.addi %add3A_251, %add3A_303 : i32
      %run_scoped3A_305 = arith.constant 1 : i32
      %run_scoped3A_306 = arith.constant 1 : i32
      "tpu.region"() ({
        %run_scoped3A_396 = tpu.sem_alloc : memref<!tpu.dma_semaphore, #tpu.memory_space<semaphore_mem>>
        %dma_start3A_397 = arith.constant 0 : i32
        %dma_start3A_398 = arith.constant 0 : i32
        %dma_start3A_399 = tpu.memref_slice %arg9[%run_scoped3A_305, %dma_start3A_397, %dma_start3A_398] : memref<4x128x128xf32, #tpu.memory_space<vmem>> -> memref<1x128x128xf32, #tpu.memory_space<vmem>>
        %dma_start3A_400 = tpu.memref_squeeze %dma_start3A_399 : memref<1x128x128xf32, #tpu.memory_space<vmem>> -> memref<128x128xf32, #tpu.memory_space<vmem>>
        %dma_start3A_401 = arith.constant 0 : i32
        %dma_start3A_402 = tpu.memref_slice %arg8[%run_scoped3A_306, %add3A_304, %dma_start3A_401] : memref<2x20x128xi32, #tpu.memory_space<vmem>> -> memref<1x1x128xi32, #tpu.memory_space<vmem>>
        %dma_start3A_403 = tpu.memref_squeeze %dma_start3A_402 : memref<1x1x128xi32, #tpu.memory_space<vmem>> -> memref<128xi32, #tpu.memory_space<vmem>>
        %dma_start3A_404 = arith.constant 0 : i32
        %dma_start3A_405 = arith.constant 0 : i32
        %dma_start3A_406 = tpu.memref_slice %arg10[%dma_start3A_404, %dma_start3A_405] : memref<4096x128xf32, #tpu.memory_space<vmem_shared>> -> memref<4096x128xf32, #tpu.memory_space<vmem_shared>>
        tpu.enqueue_indirect_dma source(%dma_start3A_400 : memref<128x128xf32, #tpu.memory_space<vmem>>) target(%dma_start3A_406 : memref<4096x128xf32, #tpu.memory_space<vmem_shared>>) offsets(%dma_start3A_403 : memref<128xi32, #tpu.memory_space<vmem>>) semaphore(%run_scoped3A_396 : memref<!tpu.dma_semaphore, #tpu.memory_space<semaphore_mem>>) {add = true}
        %dma_wait3A_407 = arith.constant 0 : i32
        %dma_wait3A_408 = arith.constant 0 : i32
        %dma_wait3A_409 = tpu.memref_slice %arg9[%run_scoped3A_305, %dma_wait3A_407, %dma_wait3A_408] : memref<4x128x128xf32, #tpu.memory_space<vmem>> -> memref<1x128x128xf32, #tpu.memory_space<vmem>>
        %dma_wait3A_410 = tpu.memref_squeeze %dma_wait3A_409 : memref<1x128x128xf32, #tpu.memory_space<vmem>> -> memref<128x128xf32, #tpu.memory_space<vmem>>
        %dma_wait3A_411 = arith.constant 0 : i32
        %dma_wait3A_412 = tpu.memref_slice %arg8[%run_scoped3A_306, %add3A_304, %dma_wait3A_411] : memref<2x20x128xi32, #tpu.memory_space<vmem>> -> memref<1x1x128xi32, #tpu.memory_space<vmem>>
        %dma_wait3A_413 = tpu.memref_squeeze %dma_wait3A_412 : memref<1x1x128xi32, #tpu.memory_space<vmem>> -> memref<128xi32, #tpu.memory_space<vmem>>
        %dma_wait3A_414 = arith.constant 0 : i32
        %dma_wait3A_415 = arith.constant 0 : i32
        %dma_wait3A_416 = tpu.memref_slice %arg10[%dma_wait3A_414, %dma_wait3A_415] : memref<4096x128xf32, #tpu.memory_space<vmem_shared>> -> memref<4096x128xf32, #tpu.memory_space<vmem_shared>>
        tpu.wait_indirect_dma semaphore(%run_scoped3A_396 : memref<!tpu.dma_semaphore, #tpu.memory_space<semaphore_mem>>) src(%dma_wait3A_410 : memref<128x128xf32, #tpu.memory_space<vmem>>) dst(%dma_wait3A_416 : memref<4096x128xf32, #tpu.memory_space<vmem_shared>>)
        tpu.yield
      }) : () -> ()
      %add3A_307 = arith.constant 20 : i32
      %add3A_308 = arith.addi %add3A_307, %add3A_251 : i32
      %add3A_309 = arith.constant 4 : i32
      %add3A_310 = arith.addi %add3A_308, %add3A_309 : i32
      %add3A_311 = arith.constant 1 : i32
      %add3A_312 = arith.addi %add3A_310, %add3A_311 : i32
      %dma_start3A_313 = arith.constant 1 : i32
      %dma_start3A_314 = arith.constant 0 : i32
      %dma_start3A_315 = arith.constant 0 : i32
      %dma_start3A_316 = tpu.memref_slice %arg9[%dma_start3A_313, %dma_start3A_314, %dma_start3A_315] : memref<4x128x128xf32, #tpu.memory_space<vmem>> -> memref<1x128x128xf32, #tpu.memory_space<vmem>>
      %dma_start3A_317 = tpu.memref_squeeze %dma_start3A_316 : memref<1x128x128xf32, #tpu.memory_space<vmem>> -> memref<128x128xf32, #tpu.memory_space<vmem>>
      %dma_start3A_318 = arith.constant 0 : i32
      %dma_start3A_319 = tpu.memref_slice %arg7[%add3A_312, %dma_start3A_318] : memref<80x128xi32, #tpu.memory_space<vmem>> -> memref<1x128xi32, #tpu.memory_space<vmem>>
      %dma_start3A_320 = tpu.memref_squeeze %dma_start3A_319 : memref<1x128xi32, #tpu.memory_space<vmem>> -> memref<128xi32, #tpu.memory_space<vmem>>
      %dma_start3A_321 = arith.constant 0 : i32
      %dma_start3A_322 = arith.constant 0 : i32
      %dma_start3A_323 = tpu.memref_slice %arg3[%dma_start3A_321, %dma_start3A_322] : memref<100000x128xf32, #tpu.memory_space<hbm>> -> memref<100000x128xf32, #tpu.memory_space<hbm>>
      tpu.enqueue_indirect_dma source(%dma_start3A_323 : memref<100000x128xf32, #tpu.memory_space<hbm>>) target(%dma_start3A_317 : memref<128x128xf32, #tpu.memory_space<vmem>>) offsets(%dma_start3A_320 : memref<128xi32, #tpu.memory_space<vmem>>) semaphore(%arg12 : memref<!tpu.dma_semaphore, #tpu.memory_space<semaphore_mem>>)
      %dma_wait3A_324 = arith.constant 2 : i32
      %dma_wait3A_325 = arith.constant 0 : i32
      %dma_wait3A_326 = arith.constant 0 : i32
      %dma_wait3A_327 = tpu.memref_slice %arg9[%dma_wait3A_324, %dma_wait3A_325, %dma_wait3A_326] : memref<4x128x128xf32, #tpu.memory_space<vmem>> -> memref<1x128x128xf32, #tpu.memory_space<vmem>>
      %dma_wait3A_328 = tpu.memref_squeeze %dma_wait3A_327 : memref<1x128x128xf32, #tpu.memory_space<vmem>> -> memref<128x128xf32, #tpu.memory_space<vmem>>
      %dma_wait3A_329 = arith.constant 0 : i32
      %dma_wait3A_330 = arith.constant 0 : i32
      %dma_wait3A_331 = tpu.memref_slice %arg3[%dma_wait3A_329, %dma_wait3A_330] : memref<100000x128xf32, #tpu.memory_space<hbm>> -> memref<128x128xf32, #tpu.memory_space<hbm>>
      %dma_wait3A_332 = arith.constant 0 : i32
      %dma_wait3A_333 = arith.constant 0 : i32
      %dma_wait3A_334 = tpu.memref_slice %arg9[%dma_wait3A_324, %dma_wait3A_332, %dma_wait3A_333] : memref<4x128x128xf32, #tpu.memory_space<vmem>> -> memref<1x128x128xf32, #tpu.memory_space<vmem>>
      %dma_wait3A_335 = tpu.memref_squeeze %dma_wait3A_334 : memref<1x128x128xf32, #tpu.memory_space<vmem>> -> memref<128x128xf32, #tpu.memory_space<vmem>>
      %dma_wait3A_336 = arith.constant 0 : i32
      %dma_wait3A_337 = arith.constant 0 : i32
      %dma_wait3A_338 = tpu.memref_slice %arg3[%dma_wait3A_336, %dma_wait3A_337] : memref<100000x128xf32, #tpu.memory_space<hbm>> -> memref<128x128xf32, #tpu.memory_space<hbm>>
      tpu.wait_dma2 semaphore(%arg13 : memref<!tpu.dma_semaphore, #tpu.memory_space<semaphore_mem>>) src(%dma_wait3A_338 : memref<128x128xf32, #tpu.memory_space<hbm>>) dst(%dma_wait3A_335 : memref<128x128xf32, #tpu.memory_space<vmem>>)
      %add3A_339 = arith.constant 2 : i32
      %add3A_340 = arith.addi %add3A_251, %add3A_339 : i32
      %run_scoped3A_341 = arith.constant 2 : i32
      %run_scoped3A_342 = arith.constant 1 : i32
      "tpu.region"() ({
        %run_scoped3A_396 = tpu.sem_alloc : memref<!tpu.dma_semaphore, #tpu.memory_space<semaphore_mem>>
        %dma_start3A_397 = arith.constant 0 : i32
        %dma_start3A_398 = arith.constant 0 : i32
        %dma_start3A_399 = tpu.memref_slice %arg9[%run_scoped3A_341, %dma_start3A_397, %dma_start3A_398] : memref<4x128x128xf32, #tpu.memory_space<vmem>> -> memref<1x128x128xf32, #tpu.memory_space<vmem>>
        %dma_start3A_400 = tpu.memref_squeeze %dma_start3A_399 : memref<1x128x128xf32, #tpu.memory_space<vmem>> -> memref<128x128xf32, #tpu.memory_space<vmem>>
        %dma_start3A_401 = arith.constant 0 : i32
        %dma_start3A_402 = tpu.memref_slice %arg8[%run_scoped3A_342, %add3A_340, %dma_start3A_401] : memref<2x20x128xi32, #tpu.memory_space<vmem>> -> memref<1x1x128xi32, #tpu.memory_space<vmem>>
        %dma_start3A_403 = tpu.memref_squeeze %dma_start3A_402 : memref<1x1x128xi32, #tpu.memory_space<vmem>> -> memref<128xi32, #tpu.memory_space<vmem>>
        %dma_start3A_404 = arith.constant 0 : i32
        %dma_start3A_405 = arith.constant 0 : i32
        %dma_start3A_406 = tpu.memref_slice %arg10[%dma_start3A_404, %dma_start3A_405] : memref<4096x128xf32, #tpu.memory_space<vmem_shared>> -> memref<4096x128xf32, #tpu.memory_space<vmem_shared>>
        tpu.enqueue_indirect_dma source(%dma_start3A_400 : memref<128x128xf32, #tpu.memory_space<vmem>>) target(%dma_start3A_406 : memref<4096x128xf32, #tpu.memory_space<vmem_shared>>) offsets(%dma_start3A_403 : memref<128xi32, #tpu.memory_space<vmem>>) semaphore(%run_scoped3A_396 : memref<!tpu.dma_semaphore, #tpu.memory_space<semaphore_mem>>) {add = true}
        %dma_wait3A_407 = arith.constant 0 : i32
        %dma_wait3A_408 = arith.constant 0 : i32
        %dma_wait3A_409 = tpu.memref_slice %arg9[%run_scoped3A_341, %dma_wait3A_407, %dma_wait3A_408] : memref<4x128x128xf32, #tpu.memory_space<vmem>> -> memref<1x128x128xf32, #tpu.memory_space<vmem>>
        %dma_wait3A_410 = tpu.memref_squeeze %dma_wait3A_409 : memref<1x128x128xf32, #tpu.memory_space<vmem>> -> memref<128x128xf32, #tpu.memory_space<vmem>>
        %dma_wait3A_411 = arith.constant 0 : i32
        %dma_wait3A_412 = tpu.memref_slice %arg8[%run_scoped3A_342, %add3A_340, %dma_wait3A_411] : memref<2x20x128xi32, #tpu.memory_space<vmem>> -> memref<1x1x128xi32, #tpu.memory_space<vmem>>
        %dma_wait3A_413 = tpu.memref_squeeze %dma_wait3A_412 : memref<1x1x128xi32, #tpu.memory_space<vmem>> -> memref<128xi32, #tpu.memory_space<vmem>>
        %dma_wait3A_414 = arith.constant 0 : i32
        %dma_wait3A_415 = arith.constant 0 : i32
        %dma_wait3A_416 = tpu.memref_slice %arg10[%dma_wait3A_414, %dma_wait3A_415] : memref<4096x128xf32, #tpu.memory_space<vmem_shared>> -> memref<4096x128xf32, #tpu.memory_space<vmem_shared>>
        tpu.wait_indirect_dma semaphore(%run_scoped3A_396 : memref<!tpu.dma_semaphore, #tpu.memory_space<semaphore_mem>>) src(%dma_wait3A_410 : memref<128x128xf32, #tpu.memory_space<vmem>>) dst(%dma_wait3A_416 : memref<4096x128xf32, #tpu.memory_space<vmem_shared>>)
        tpu.yield
      }) : () -> ()
      %add3A_343 = arith.constant 20 : i32
      %add3A_344 = arith.addi %add3A_343, %add3A_251 : i32
      %add3A_345 = arith.constant 4 : i32
      %add3A_346 = arith.addi %add3A_344, %add3A_345 : i32
      %add3A_347 = arith.constant 2 : i32
      %add3A_348 = arith.addi %add3A_346, %add3A_347 : i32
      %dma_start3A_349 = arith.constant 2 : i32
      %dma_start3A_350 = arith.constant 0 : i32
      %dma_start3A_351 = arith.constant 0 : i32
      %dma_start3A_352 = tpu.memref_slice %arg9[%dma_start3A_349, %dma_start3A_350, %dma_start3A_351] : memref<4x128x128xf32, #tpu.memory_space<vmem>> -> memref<1x128x128xf32, #tpu.memory_space<vmem>>
      %dma_start3A_353 = tpu.memref_squeeze %dma_start3A_352 : memref<1x128x128xf32, #tpu.memory_space<vmem>> -> memref<128x128xf32, #tpu.memory_space<vmem>>
      %dma_start3A_354 = arith.constant 0 : i32
      %dma_start3A_355 = tpu.memref_slice %arg7[%add3A_348, %dma_start3A_354] : memref<80x128xi32, #tpu.memory_space<vmem>> -> memref<1x128xi32, #tpu.memory_space<vmem>>
      %dma_start3A_356 = tpu.memref_squeeze %dma_start3A_355 : memref<1x128xi32, #tpu.memory_space<vmem>> -> memref<128xi32, #tpu.memory_space<vmem>>
      %dma_start3A_357 = arith.constant 0 : i32
      %dma_start3A_358 = arith.constant 0 : i32
      %dma_start3A_359 = tpu.memref_slice %arg3[%dma_start3A_357, %dma_start3A_358] : memref<100000x128xf32, #tpu.memory_space<hbm>> -> memref<100000x128xf32, #tpu.memory_space<hbm>>
      tpu.enqueue_indirect_dma source(%dma_start3A_359 : memref<100000x128xf32, #tpu.memory_space<hbm>>) target(%dma_start3A_353 : memref<128x128xf32, #tpu.memory_space<vmem>>) offsets(%dma_start3A_356 : memref<128xi32, #tpu.memory_space<vmem>>) semaphore(%arg13 : memref<!tpu.dma_semaphore, #tpu.memory_space<semaphore_mem>>)
      %dma_wait3A_360 = arith.constant 3 : i32
      %dma_wait3A_361 = arith.constant 0 : i32
      %dma_wait3A_362 = arith.constant 0 : i32
      %dma_wait3A_363 = tpu.memref_slice %arg9[%dma_wait3A_360, %dma_wait3A_361, %dma_wait3A_362] : memref<4x128x128xf32, #tpu.memory_space<vmem>> -> memref<1x128x128xf32, #tpu.memory_space<vmem>>
      %dma_wait3A_364 = tpu.memref_squeeze %dma_wait3A_363 : memref<1x128x128xf32, #tpu.memory_space<vmem>> -> memref<128x128xf32, #tpu.memory_space<vmem>>
      %dma_wait3A_365 = arith.constant 0 : i32
      %dma_wait3A_366 = arith.constant 0 : i32
      %dma_wait3A_367 = tpu.memref_slice %arg3[%dma_wait3A_365, %dma_wait3A_366] : memref<100000x128xf32, #tpu.memory_space<hbm>> -> memref<128x128xf32, #tpu.memory_space<hbm>>
      %dma_wait3A_368 = arith.constant 0 : i32
      %dma_wait3A_369 = arith.constant 0 : i32
      %dma_wait3A_370 = tpu.memref_slice %arg9[%dma_wait3A_360, %dma_wait3A_368, %dma_wait3A_369] : memref<4x128x128xf32, #tpu.memory_space<vmem>> -> memref<1x128x128xf32, #tpu.memory_space<vmem>>
      %dma_wait3A_371 = tpu.memref_squeeze %dma_wait3A_370 : memref<1x128x128xf32, #tpu.memory_space<vmem>> -> memref<128x128xf32, #tpu.memory_space<vmem>>
      %dma_wait3A_372 = arith.constant 0 : i32
      %dma_wait3A_373 = arith.constant 0 : i32
      %dma_wait3A_374 = tpu.memref_slice %arg3[%dma_wait3A_372, %dma_wait3A_373] : memref<100000x128xf32, #tpu.memory_space<hbm>> -> memref<128x128xf32, #tpu.memory_space<hbm>>
      tpu.wait_dma2 semaphore(%arg14 : memref<!tpu.dma_semaphore, #tpu.memory_space<semaphore_mem>>) src(%dma_wait3A_374 : memref<128x128xf32, #tpu.memory_space<hbm>>) dst(%dma_wait3A_371 : memref<128x128xf32, #tpu.memory_space<vmem>>)
      %add3A_375 = arith.constant 3 : i32
      %add3A_376 = arith.addi %add3A_251, %add3A_375 : i32
      %run_scoped3A_377 = arith.constant 3 : i32
      %run_scoped3A_378 = arith.constant 1 : i32
      "tpu.region"() ({
        %run_scoped3A_396 = tpu.sem_alloc : memref<!tpu.dma_semaphore, #tpu.memory_space<semaphore_mem>>
        %dma_start3A_397 = arith.constant 0 : i32
        %dma_start3A_398 = arith.constant 0 : i32
        %dma_start3A_399 = tpu.memref_slice %arg9[%run_scoped3A_377, %dma_start3A_397, %dma_start3A_398] : memref<4x128x128xf32, #tpu.memory_space<vmem>> -> memref<1x128x128xf32, #tpu.memory_space<vmem>>
        %dma_start3A_400 = tpu.memref_squeeze %dma_start3A_399 : memref<1x128x128xf32, #tpu.memory_space<vmem>> -> memref<128x128xf32, #tpu.memory_space<vmem>>
        %dma_start3A_401 = arith.constant 0 : i32
        %dma_start3A_402 = tpu.memref_slice %arg8[%run_scoped3A_378, %add3A_376, %dma_start3A_401] : memref<2x20x128xi32, #tpu.memory_space<vmem>> -> memref<1x1x128xi32, #tpu.memory_space<vmem>>
        %dma_start3A_403 = tpu.memref_squeeze %dma_start3A_402 : memref<1x1x128xi32, #tpu.memory_space<vmem>> -> memref<128xi32, #tpu.memory_space<vmem>>
        %dma_start3A_404 = arith.constant 0 : i32
        %dma_start3A_405 = arith.constant 0 : i32
        %dma_start3A_406 = tpu.memref_slice %arg10[%dma_start3A_404, %dma_start3A_405] : memref<4096x128xf32, #tpu.memory_space<vmem_shared>> -> memref<4096x128xf32, #tpu.memory_space<vmem_shared>>
        tpu.enqueue_indirect_dma source(%dma_start3A_400 : memref<128x128xf32, #tpu.memory_space<vmem>>) target(%dma_start3A_406 : memref<4096x128xf32, #tpu.memory_space<vmem_shared>>) offsets(%dma_start3A_403 : memref<128xi32, #tpu.memory_space<vmem>>) semaphore(%run_scoped3A_396 : memref<!tpu.dma_semaphore, #tpu.memory_space<semaphore_mem>>) {add = true}
        %dma_wait3A_407 = arith.constant 0 : i32
        %dma_wait3A_408 = arith.constant 0 : i32
        %dma_wait3A_409 = tpu.memref_slice %arg9[%run_scoped3A_377, %dma_wait3A_407, %dma_wait3A_408] : memref<4x128x128xf32, #tpu.memory_space<vmem>> -> memref<1x128x128xf32, #tpu.memory_space<vmem>>
        %dma_wait3A_410 = tpu.memref_squeeze %dma_wait3A_409 : memref<1x128x128xf32, #tpu.memory_space<vmem>> -> memref<128x128xf32, #tpu.memory_space<vmem>>
        %dma_wait3A_411 = arith.constant 0 : i32
        %dma_wait3A_412 = tpu.memref_slice %arg8[%run_scoped3A_378, %add3A_376, %dma_wait3A_411] : memref<2x20x128xi32, #tpu.memory_space<vmem>> -> memref<1x1x128xi32, #tpu.memory_space<vmem>>
        %dma_wait3A_413 = tpu.memref_squeeze %dma_wait3A_412 : memref<1x1x128xi32, #tpu.memory_space<vmem>> -> memref<128xi32, #tpu.memory_space<vmem>>
        %dma_wait3A_414 = arith.constant 0 : i32
        %dma_wait3A_415 = arith.constant 0 : i32
        %dma_wait3A_416 = tpu.memref_slice %arg10[%dma_wait3A_414, %dma_wait3A_415] : memref<4096x128xf32, #tpu.memory_space<vmem_shared>> -> memref<4096x128xf32, #tpu.memory_space<vmem_shared>>
        tpu.wait_indirect_dma semaphore(%run_scoped3A_396 : memref<!tpu.dma_semaphore, #tpu.memory_space<semaphore_mem>>) src(%dma_wait3A_410 : memref<128x128xf32, #tpu.memory_space<vmem>>) dst(%dma_wait3A_416 : memref<4096x128xf32, #tpu.memory_space<vmem_shared>>)
        tpu.yield
      }) : () -> ()
      %add3A_379 = arith.constant 20 : i32
      %add3A_380 = arith.addi %add3A_379, %add3A_251 : i32
      %add3A_381 = arith.constant 4 : i32
      %add3A_382 = arith.addi %add3A_380, %add3A_381 : i32
      %add3A_383 = arith.constant 3 : i32
      %add3A_384 = arith.addi %add3A_382, %add3A_383 : i32
      %dma_start3A_385 = arith.constant 3 : i32
      %dma_start3A_386 = arith.constant 0 : i32
      %dma_start3A_387 = arith.constant 0 : i32
      %dma_start3A_388 = tpu.memref_slice %arg9[%dma_start3A_385, %dma_start3A_386, %dma_start3A_387] : memref<4x128x128xf32, #tpu.memory_space<vmem>> -> memref<1x128x128xf32, #tpu.memory_space<vmem>>
      %dma_start3A_389 = tpu.memref_squeeze %dma_start3A_388 : memref<1x128x128xf32, #tpu.memory_space<vmem>> -> memref<128x128xf32, #tpu.memory_space<vmem>>
      %dma_start3A_390 = arith.constant 0 : i32
      %dma_start3A_391 = tpu.memref_slice %arg7[%add3A_384, %dma_start3A_390] : memref<80x128xi32, #tpu.memory_space<vmem>> -> memref<1x128xi32, #tpu.memory_space<vmem>>
      %dma_start3A_392 = tpu.memref_squeeze %dma_start3A_391 : memref<1x128xi32, #tpu.memory_space<vmem>> -> memref<128xi32, #tpu.memory_space<vmem>>
      %dma_start3A_393 = arith.constant 0 : i32
      %dma_start3A_394 = arith.constant 0 : i32
      %dma_start3A_395 = tpu.memref_slice %arg3[%dma_start3A_393, %dma_start3A_394] : memref<100000x128xf32, #tpu.memory_space<hbm>> -> memref<100000x128xf32, #tpu.memory_space<hbm>>
      tpu.enqueue_indirect_dma source(%dma_start3A_395 : memref<100000x128xf32, #tpu.memory_space<hbm>>) target(%dma_start3A_389 : memref<128x128xf32, #tpu.memory_space<vmem>>) offsets(%dma_start3A_392 : memref<128xi32, #tpu.memory_space<vmem>>) semaphore(%arg14 : memref<!tpu.dma_semaphore, #tpu.memory_space<semaphore_mem>>)
    }
    %scan3A_101 = arith.constant 3 : i32
    %add3A_102 = arith.constant 0 : i32
    %add3A_103 = arith.addi %mul3A_2, %add3A_102 : i32
    %dma_wait3A_104 = arith.constant 0 : i32
    %dma_wait3A_105 = tpu.memref_slice %arg10[%add3A_103, %dma_wait3A_104] : memref<4096x128xf32, #tpu.memory_space<vmem_shared>> -> memref<128x128xf32, #tpu.memory_space<vmem_shared>>
    tpu.wait_dma2 semaphore(%arg17 : memref<!tpu.dma_semaphore, #tpu.memory_space<semaphore_mem>>) src(%arg5 : memref<128x128xf32, #tpu.memory_space<hbm>>) dst(%dma_wait3A_105 : memref<128x128xf32, #tpu.memory_space<vmem_shared>>)
    %scan3A_106 = arith.constant 0 : i32
    %scan3A_107 = arith.constant 2 : i32
    %scan3A_108 = arith.addi %scan3A_106, %scan3A_107 : i32
    %scan3A_109 = arith.constant 1 : i32
    scf.for %scan3A_247 = %scan3A_106 to %scan3A_108 step %scan3A_109  : i32 {
      %mul3A_248 = arith.constant 4 : i32
      %mul3A_249 = arith.muli %scan3A_247, %mul3A_248 : i32
      %add3A_250 = arith.constant 0 : i32
      %add3A_251 = arith.addi %add3A_250, %mul3A_249 : i32
      %dma_wait3A_252 = arith.constant 0 : i32
      %dma_wait3A_253 = arith.constant 0 : i32
      %dma_wait3A_254 = arith.constant 0 : i32
      %dma_wait3A_255 = tpu.memref_slice %arg9[%dma_wait3A_252, %dma_wait3A_253, %dma_wait3A_254] : memref<4x128x128xf32, #tpu.memory_space<vmem>> -> memref<1x128x128xf32, #tpu.memory_space<vmem>>
      %dma_wait3A_256 = tpu.memref_squeeze %dma_wait3A_255 : memref<1x128x128xf32, #tpu.memory_space<vmem>> -> memref<128x128xf32, #tpu.memory_space<vmem>>
      %dma_wait3A_257 = arith.constant 0 : i32
      %dma_wait3A_258 = arith.constant 0 : i32
      %dma_wait3A_259 = tpu.memref_slice %arg3[%dma_wait3A_257, %dma_wait3A_258] : memref<100000x128xf32, #tpu.memory_space<hbm>> -> memref<128x128xf32, #tpu.memory_space<hbm>>
      %dma_wait3A_260 = arith.constant 0 : i32
      %dma_wait3A_261 = arith.constant 0 : i32
      %dma_wait3A_262 = tpu.memref_slice %arg9[%dma_wait3A_252, %dma_wait3A_260, %dma_wait3A_261] : memref<4x128x128xf32, #tpu.memory_space<vmem>> -> memref<1x128x128xf32, #tpu.memory_space<vmem>>
      %dma_wait3A_263 = tpu.memref_squeeze %dma_wait3A_262 : memref<1x128x128xf32, #tpu.memory_space<vmem>> -> memref<128x128xf32, #tpu.memory_space<vmem>>
      %dma_wait3A_264 = arith.constant 0 : i32
      %dma_wait3A_265 = arith.constant 0 : i32
      %dma_wait3A_266 = tpu.memref_slice %arg3[%dma_wait3A_264, %dma_wait3A_265] : memref<100000x128xf32, #tpu.memory_space<hbm>> -> memref<128x128xf32, #tpu.memory_space<hbm>>
      tpu.wait_dma2 semaphore(%arg11 : memref<!tpu.dma_semaphore, #tpu.memory_space<semaphore_mem>>) src(%dma_wait3A_266 : memref<128x128xf32, #tpu.memory_space<hbm>>) dst(%dma_wait3A_263 : memref<128x128xf32, #tpu.memory_space<vmem>>)
      %add3A_267 = arith.constant 0 : i32
      %add3A_268 = arith.addi %add3A_251, %add3A_267 : i32
      %run_scoped3A_269 = arith.constant 0 : i32
      %run_scoped3A_270 = arith.constant 0 : i32
      "tpu.region"() ({
        %run_scoped3A_396 = tpu.sem_alloc : memref<!tpu.dma_semaphore, #tpu.memory_space<semaphore_mem>>
        %dma_start3A_397 = arith.constant 0 : i32
        %dma_start3A_398 = arith.constant 0 : i32
        %dma_start3A_399 = tpu.memref_slice %arg9[%run_scoped3A_269, %dma_start3A_397, %dma_start3A_398] : memref<4x128x128xf32, #tpu.memory_space<vmem>> -> memref<1x128x128xf32, #tpu.memory_space<vmem>>
        %dma_start3A_400 = tpu.memref_squeeze %dma_start3A_399 : memref<1x128x128xf32, #tpu.memory_space<vmem>> -> memref<128x128xf32, #tpu.memory_space<vmem>>
        %dma_start3A_401 = arith.constant 0 : i32
        %dma_start3A_402 = tpu.memref_slice %arg8[%run_scoped3A_270, %add3A_268, %dma_start3A_401] : memref<2x20x128xi32, #tpu.memory_space<vmem>> -> memref<1x1x128xi32, #tpu.memory_space<vmem>>
        %dma_start3A_403 = tpu.memref_squeeze %dma_start3A_402 : memref<1x1x128xi32, #tpu.memory_space<vmem>> -> memref<128xi32, #tpu.memory_space<vmem>>
        %dma_start3A_404 = arith.constant 0 : i32
        %dma_start3A_405 = arith.constant 0 : i32
        %dma_start3A_406 = tpu.memref_slice %arg10[%dma_start3A_404, %dma_start3A_405] : memref<4096x128xf32, #tpu.memory_space<vmem_shared>> -> memref<4096x128xf32, #tpu.memory_space<vmem_shared>>
        tpu.enqueue_indirect_dma source(%dma_start3A_400 : memref<128x128xf32, #tpu.memory_space<vmem>>) target(%dma_start3A_406 : memref<4096x128xf32, #tpu.memory_space<vmem_shared>>) offsets(%dma_start3A_403 : memref<128xi32, #tpu.memory_space<vmem>>) semaphore(%run_scoped3A_396 : memref<!tpu.dma_semaphore, #tpu.memory_space<semaphore_mem>>) {add = true}
        %dma_wait3A_407 = arith.constant 0 : i32
        %dma_wait3A_408 = arith.constant 0 : i32
        %dma_wait3A_409 = tpu.memref_slice %arg9[%run_scoped3A_269, %dma_wait3A_407, %dma_wait3A_408] : memref<4x128x128xf32, #tpu.memory_space<vmem>> -> memref<1x128x128xf32, #tpu.memory_space<vmem>>
        %dma_wait3A_410 = tpu.memref_squeeze %dma_wait3A_409 : memref<1x128x128xf32, #tpu.memory_space<vmem>> -> memref<128x128xf32, #tpu.memory_space<vmem>>
        %dma_wait3A_411 = arith.constant 0 : i32
        %dma_wait3A_412 = tpu.memref_slice %arg8[%run_scoped3A_270, %add3A_268, %dma_wait3A_411] : memref<2x20x128xi32, #tpu.memory_space<vmem>> -> memref<1x1x128xi32, #tpu.memory_space<vmem>>
        %dma_wait3A_413 = tpu.memref_squeeze %dma_wait3A_412 : memref<1x1x128xi32, #tpu.memory_space<vmem>> -> memref<128xi32, #tpu.memory_space<vmem>>
        %dma_wait3A_414 = arith.constant 0 : i32
        %dma_wait3A_415 = arith.constant 0 : i32
        %dma_wait3A_416 = tpu.memref_slice %arg10[%dma_wait3A_414, %dma_wait3A_415] : memref<4096x128xf32, #tpu.memory_space<vmem_shared>> -> memref<4096x128xf32, #tpu.memory_space<vmem_shared>>
        tpu.wait_indirect_dma semaphore(%run_scoped3A_396 : memref<!tpu.dma_semaphore, #tpu.memory_space<semaphore_mem>>) src(%dma_wait3A_410 : memref<128x128xf32, #tpu.memory_space<vmem>>) dst(%dma_wait3A_416 : memref<4096x128xf32, #tpu.memory_space<vmem_shared>>)
        tpu.yield
      }) : () -> ()
      %add3A_271 = arith.constant 40 : i32
      %add3A_272 = arith.addi %add3A_271, %add3A_251 : i32
      %add3A_273 = arith.constant 4 : i32
      %add3A_274 = arith.addi %add3A_272, %add3A_273 : i32
      %add3A_275 = arith.constant 0 : i32
      %add3A_276 = arith.addi %add3A_274, %add3A_275 : i32
      %dma_start3A_277 = arith.constant 0 : i32
      %dma_start3A_278 = arith.constant 0 : i32
      %dma_start3A_279 = arith.constant 0 : i32
      %dma_start3A_280 = tpu.memref_slice %arg9[%dma_start3A_277, %dma_start3A_278, %dma_start3A_279] : memref<4x128x128xf32, #tpu.memory_space<vmem>> -> memref<1x128x128xf32, #tpu.memory_space<vmem>>
      %dma_start3A_281 = tpu.memref_squeeze %dma_start3A_280 : memref<1x128x128xf32, #tpu.memory_space<vmem>> -> memref<128x128xf32, #tpu.memory_space<vmem>>
      %dma_start3A_282 = arith.constant 0 : i32
      %dma_start3A_283 = tpu.memref_slice %arg7[%add3A_276, %dma_start3A_282] : memref<80x128xi32, #tpu.memory_space<vmem>> -> memref<1x128xi32, #tpu.memory_space<vmem>>
      %dma_start3A_284 = tpu.memref_squeeze %dma_start3A_283 : memref<1x128xi32, #tpu.memory_space<vmem>> -> memref<128xi32, #tpu.memory_space<vmem>>
      %dma_start3A_285 = arith.constant 0 : i32
      %dma_start3A_286 = arith.constant 0 : i32
      %dma_start3A_287 = tpu.memref_slice %arg3[%dma_start3A_285, %dma_start3A_286] : memref<100000x128xf32, #tpu.memory_space<hbm>> -> memref<100000x128xf32, #tpu.memory_space<hbm>>
      tpu.enqueue_indirect_dma source(%dma_start3A_287 : memref<100000x128xf32, #tpu.memory_space<hbm>>) target(%dma_start3A_281 : memref<128x128xf32, #tpu.memory_space<vmem>>) offsets(%dma_start3A_284 : memref<128xi32, #tpu.memory_space<vmem>>) semaphore(%arg11 : memref<!tpu.dma_semaphore, #tpu.memory_space<semaphore_mem>>)
      %dma_wait3A_288 = arith.constant 1 : i32
      %dma_wait3A_289 = arith.constant 0 : i32
      %dma_wait3A_290 = arith.constant 0 : i32
      %dma_wait3A_291 = tpu.memref_slice %arg9[%dma_wait3A_288, %dma_wait3A_289, %dma_wait3A_290] : memref<4x128x128xf32, #tpu.memory_space<vmem>> -> memref<1x128x128xf32, #tpu.memory_space<vmem>>
      %dma_wait3A_292 = tpu.memref_squeeze %dma_wait3A_291 : memref<1x128x128xf32, #tpu.memory_space<vmem>> -> memref<128x128xf32, #tpu.memory_space<vmem>>
      %dma_wait3A_293 = arith.constant 0 : i32
      %dma_wait3A_294 = arith.constant 0 : i32
      %dma_wait3A_295 = tpu.memref_slice %arg3[%dma_wait3A_293, %dma_wait3A_294] : memref<100000x128xf32, #tpu.memory_space<hbm>> -> memref<128x128xf32, #tpu.memory_space<hbm>>
      %dma_wait3A_296 = arith.constant 0 : i32
      %dma_wait3A_297 = arith.constant 0 : i32
      %dma_wait3A_298 = tpu.memref_slice %arg9[%dma_wait3A_288, %dma_wait3A_296, %dma_wait3A_297] : memref<4x128x128xf32, #tpu.memory_space<vmem>> -> memref<1x128x128xf32, #tpu.memory_space<vmem>>
      %dma_wait3A_299 = tpu.memref_squeeze %dma_wait3A_298 : memref<1x128x128xf32, #tpu.memory_space<vmem>> -> memref<128x128xf32, #tpu.memory_space<vmem>>
      %dma_wait3A_300 = arith.constant 0 : i32
      %dma_wait3A_301 = arith.constant 0 : i32
      %dma_wait3A_302 = tpu.memref_slice %arg3[%dma_wait3A_300, %dma_wait3A_301] : memref<100000x128xf32, #tpu.memory_space<hbm>> -> memref<128x128xf32, #tpu.memory_space<hbm>>
      tpu.wait_dma2 semaphore(%arg12 : memref<!tpu.dma_semaphore, #tpu.memory_space<semaphore_mem>>) src(%dma_wait3A_302 : memref<128x128xf32, #tpu.memory_space<hbm>>) dst(%dma_wait3A_299 : memref<128x128xf32, #tpu.memory_space<vmem>>)
      %add3A_303 = arith.constant 1 : i32
      %add3A_304 = arith.addi %add3A_251, %add3A_303 : i32
      %run_scoped3A_305 = arith.constant 1 : i32
      %run_scoped3A_306 = arith.constant 0 : i32
      "tpu.region"() ({
        %run_scoped3A_396 = tpu.sem_alloc : memref<!tpu.dma_semaphore, #tpu.memory_space<semaphore_mem>>
        %dma_start3A_397 = arith.constant 0 : i32
        %dma_start3A_398 = arith.constant 0 : i32
        %dma_start3A_399 = tpu.memref_slice %arg9[%run_scoped3A_305, %dma_start3A_397, %dma_start3A_398] : memref<4x128x128xf32, #tpu.memory_space<vmem>> -> memref<1x128x128xf32, #tpu.memory_space<vmem>>
        %dma_start3A_400 = tpu.memref_squeeze %dma_start3A_399 : memref<1x128x128xf32, #tpu.memory_space<vmem>> -> memref<128x128xf32, #tpu.memory_space<vmem>>
        %dma_start3A_401 = arith.constant 0 : i32
        %dma_start3A_402 = tpu.memref_slice %arg8[%run_scoped3A_306, %add3A_304, %dma_start3A_401] : memref<2x20x128xi32, #tpu.memory_space<vmem>> -> memref<1x1x128xi32, #tpu.memory_space<vmem>>
        %dma_start3A_403 = tpu.memref_squeeze %dma_start3A_402 : memref<1x1x128xi32, #tpu.memory_space<vmem>> -> memref<128xi32, #tpu.memory_space<vmem>>
        %dma_start3A_404 = arith.constant 0 : i32
        %dma_start3A_405 = arith.constant 0 : i32
        %dma_start3A_406 = tpu.memref_slice %arg10[%dma_start3A_404, %dma_start3A_405] : memref<4096x128xf32, #tpu.memory_space<vmem_shared>> -> memref<4096x128xf32, #tpu.memory_space<vmem_shared>>
        tpu.enqueue_indirect_dma source(%dma_start3A_400 : memref<128x128xf32, #tpu.memory_space<vmem>>) target(%dma_start3A_406 : memref<4096x128xf32, #tpu.memory_space<vmem_shared>>) offsets(%dma_start3A_403 : memref<128xi32, #tpu.memory_space<vmem>>) semaphore(%run_scoped3A_396 : memref<!tpu.dma_semaphore, #tpu.memory_space<semaphore_mem>>) {add = true}
        %dma_wait3A_407 = arith.constant 0 : i32
        %dma_wait3A_408 = arith.constant 0 : i32
        %dma_wait3A_409 = tpu.memref_slice %arg9[%run_scoped3A_305, %dma_wait3A_407, %dma_wait3A_408] : memref<4x128x128xf32, #tpu.memory_space<vmem>> -> memref<1x128x128xf32, #tpu.memory_space<vmem>>
        %dma_wait3A_410 = tpu.memref_squeeze %dma_wait3A_409 : memref<1x128x128xf32, #tpu.memory_space<vmem>> -> memref<128x128xf32, #tpu.memory_space<vmem>>
        %dma_wait3A_411 = arith.constant 0 : i32
        %dma_wait3A_412 = tpu.memref_slice %arg8[%run_scoped3A_306, %add3A_304, %dma_wait3A_411] : memref<2x20x128xi32, #tpu.memory_space<vmem>> -> memref<1x1x128xi32, #tpu.memory_space<vmem>>
        %dma_wait3A_413 = tpu.memref_squeeze %dma_wait3A_412 : memref<1x1x128xi32, #tpu.memory_space<vmem>> -> memref<128xi32, #tpu.memory_space<vmem>>
        %dma_wait3A_414 = arith.constant 0 : i32
        %dma_wait3A_415 = arith.constant 0 : i32
        %dma_wait3A_416 = tpu.memref_slice %arg10[%dma_wait3A_414, %dma_wait3A_415] : memref<4096x128xf32, #tpu.memory_space<vmem_shared>> -> memref<4096x128xf32, #tpu.memory_space<vmem_shared>>
        tpu.wait_indirect_dma semaphore(%run_scoped3A_396 : memref<!tpu.dma_semaphore, #tpu.memory_space<semaphore_mem>>) src(%dma_wait3A_410 : memref<128x128xf32, #tpu.memory_space<vmem>>) dst(%dma_wait3A_416 : memref<4096x128xf32, #tpu.memory_space<vmem_shared>>)
        tpu.yield
      }) : () -> ()
      %add3A_307 = arith.constant 40 : i32
      %add3A_308 = arith.addi %add3A_307, %add3A_251 : i32
      %add3A_309 = arith.constant 4 : i32
      %add3A_310 = arith.addi %add3A_308, %add3A_309 : i32
      %add3A_311 = arith.constant 1 : i32
      %add3A_312 = arith.addi %add3A_310, %add3A_311 : i32
      %dma_start3A_313 = arith.constant 1 : i32
      %dma_start3A_314 = arith.constant 0 : i32
      %dma_start3A_315 = arith.constant 0 : i32
      %dma_start3A_316 = tpu.memref_slice %arg9[%dma_start3A_313, %dma_start3A_314, %dma_start3A_315] : memref<4x128x128xf32, #tpu.memory_space<vmem>> -> memref<1x128x128xf32, #tpu.memory_space<vmem>>
      %dma_start3A_317 = tpu.memref_squeeze %dma_start3A_316 : memref<1x128x128xf32, #tpu.memory_space<vmem>> -> memref<128x128xf32, #tpu.memory_space<vmem>>
      %dma_start3A_318 = arith.constant 0 : i32
      %dma_start3A_319 = tpu.memref_slice %arg7[%add3A_312, %dma_start3A_318] : memref<80x128xi32, #tpu.memory_space<vmem>> -> memref<1x128xi32, #tpu.memory_space<vmem>>
      %dma_start3A_320 = tpu.memref_squeeze %dma_start3A_319 : memref<1x128xi32, #tpu.memory_space<vmem>> -> memref<128xi32, #tpu.memory_space<vmem>>
      %dma_start3A_321 = arith.constant 0 : i32
      %dma_start3A_322 = arith.constant 0 : i32
      %dma_start3A_323 = tpu.memref_slice %arg3[%dma_start3A_321, %dma_start3A_322] : memref<100000x128xf32, #tpu.memory_space<hbm>> -> memref<100000x128xf32, #tpu.memory_space<hbm>>
      tpu.enqueue_indirect_dma source(%dma_start3A_323 : memref<100000x128xf32, #tpu.memory_space<hbm>>) target(%dma_start3A_317 : memref<128x128xf32, #tpu.memory_space<vmem>>) offsets(%dma_start3A_320 : memref<128xi32, #tpu.memory_space<vmem>>) semaphore(%arg12 : memref<!tpu.dma_semaphore, #tpu.memory_space<semaphore_mem>>)
      %dma_wait3A_324 = arith.constant 2 : i32
      %dma_wait3A_325 = arith.constant 0 : i32
      %dma_wait3A_326 = arith.constant 0 : i32
      %dma_wait3A_327 = tpu.memref_slice %arg9[%dma_wait3A_324, %dma_wait3A_325, %dma_wait3A_326] : memref<4x128x128xf32, #tpu.memory_space<vmem>> -> memref<1x128x128xf32, #tpu.memory_space<vmem>>
      %dma_wait3A_328 = tpu.memref_squeeze %dma_wait3A_327 : memref<1x128x128xf32, #tpu.memory_space<vmem>> -> memref<128x128xf32, #tpu.memory_space<vmem>>
      %dma_wait3A_329 = arith.constant 0 : i32
      %dma_wait3A_330 = arith.constant 0 : i32
      %dma_wait3A_331 = tpu.memref_slice %arg3[%dma_wait3A_329, %dma_wait3A_330] : memref<100000x128xf32, #tpu.memory_space<hbm>> -> memref<128x128xf32, #tpu.memory_space<hbm>>
      %dma_wait3A_332 = arith.constant 0 : i32
      %dma_wait3A_333 = arith.constant 0 : i32
      %dma_wait3A_334 = tpu.memref_slice %arg9[%dma_wait3A_324, %dma_wait3A_332, %dma_wait3A_333] : memref<4x128x128xf32, #tpu.memory_space<vmem>> -> memref<1x128x128xf32, #tpu.memory_space<vmem>>
      %dma_wait3A_335 = tpu.memref_squeeze %dma_wait3A_334 : memref<1x128x128xf32, #tpu.memory_space<vmem>> -> memref<128x128xf32, #tpu.memory_space<vmem>>
      %dma_wait3A_336 = arith.constant 0 : i32
      %dma_wait3A_337 = arith.constant 0 : i32
      %dma_wait3A_338 = tpu.memref_slice %arg3[%dma_wait3A_336, %dma_wait3A_337] : memref<100000x128xf32, #tpu.memory_space<hbm>> -> memref<128x128xf32, #tpu.memory_space<hbm>>
      tpu.wait_dma2 semaphore(%arg13 : memref<!tpu.dma_semaphore, #tpu.memory_space<semaphore_mem>>) src(%dma_wait3A_338 : memref<128x128xf32, #tpu.memory_space<hbm>>) dst(%dma_wait3A_335 : memref<128x128xf32, #tpu.memory_space<vmem>>)
      %add3A_339 = arith.constant 2 : i32
      %add3A_340 = arith.addi %add3A_251, %add3A_339 : i32
      %run_scoped3A_341 = arith.constant 2 : i32
      %run_scoped3A_342 = arith.constant 0 : i32
      "tpu.region"() ({
        %run_scoped3A_396 = tpu.sem_alloc : memref<!tpu.dma_semaphore, #tpu.memory_space<semaphore_mem>>
        %dma_start3A_397 = arith.constant 0 : i32
        %dma_start3A_398 = arith.constant 0 : i32
        %dma_start3A_399 = tpu.memref_slice %arg9[%run_scoped3A_341, %dma_start3A_397, %dma_start3A_398] : memref<4x128x128xf32, #tpu.memory_space<vmem>> -> memref<1x128x128xf32, #tpu.memory_space<vmem>>
        %dma_start3A_400 = tpu.memref_squeeze %dma_start3A_399 : memref<1x128x128xf32, #tpu.memory_space<vmem>> -> memref<128x128xf32, #tpu.memory_space<vmem>>
        %dma_start3A_401 = arith.constant 0 : i32
        %dma_start3A_402 = tpu.memref_slice %arg8[%run_scoped3A_342, %add3A_340, %dma_start3A_401] : memref<2x20x128xi32, #tpu.memory_space<vmem>> -> memref<1x1x128xi32, #tpu.memory_space<vmem>>
        %dma_start3A_403 = tpu.memref_squeeze %dma_start3A_402 : memref<1x1x128xi32, #tpu.memory_space<vmem>> -> memref<128xi32, #tpu.memory_space<vmem>>
        %dma_start3A_404 = arith.constant 0 : i32
        %dma_start3A_405 = arith.constant 0 : i32
        %dma_start3A_406 = tpu.memref_slice %arg10[%dma_start3A_404, %dma_start3A_405] : memref<4096x128xf32, #tpu.memory_space<vmem_shared>> -> memref<4096x128xf32, #tpu.memory_space<vmem_shared>>
        tpu.enqueue_indirect_dma source(%dma_start3A_400 : memref<128x128xf32, #tpu.memory_space<vmem>>) target(%dma_start3A_406 : memref<4096x128xf32, #tpu.memory_space<vmem_shared>>) offsets(%dma_start3A_403 : memref<128xi32, #tpu.memory_space<vmem>>) semaphore(%run_scoped3A_396 : memref<!tpu.dma_semaphore, #tpu.memory_space<semaphore_mem>>) {add = true}
        %dma_wait3A_407 = arith.constant 0 : i32
        %dma_wait3A_408 = arith.constant 0 : i32
        %dma_wait3A_409 = tpu.memref_slice %arg9[%run_scoped3A_341, %dma_wait3A_407, %dma_wait3A_408] : memref<4x128x128xf32, #tpu.memory_space<vmem>> -> memref<1x128x128xf32, #tpu.memory_space<vmem>>
        %dma_wait3A_410 = tpu.memref_squeeze %dma_wait3A_409 : memref<1x128x128xf32, #tpu.memory_space<vmem>> -> memref<128x128xf32, #tpu.memory_space<vmem>>
        %dma_wait3A_411 = arith.constant 0 : i32
        %dma_wait3A_412 = tpu.memref_slice %arg8[%run_scoped3A_342, %add3A_340, %dma_wait3A_411] : memref<2x20x128xi32, #tpu.memory_space<vmem>> -> memref<1x1x128xi32, #tpu.memory_space<vmem>>
        %dma_wait3A_413 = tpu.memref_squeeze %dma_wait3A_412 : memref<1x1x128xi32, #tpu.memory_space<vmem>> -> memref<128xi32, #tpu.memory_space<vmem>>
        %dma_wait3A_414 = arith.constant 0 : i32
        %dma_wait3A_415 = arith.constant 0 : i32
        %dma_wait3A_416 = tpu.memref_slice %arg10[%dma_wait3A_414, %dma_wait3A_415] : memref<4096x128xf32, #tpu.memory_space<vmem_shared>> -> memref<4096x128xf32, #tpu.memory_space<vmem_shared>>
        tpu.wait_indirect_dma semaphore(%run_scoped3A_396 : memref<!tpu.dma_semaphore, #tpu.memory_space<semaphore_mem>>) src(%dma_wait3A_410 : memref<128x128xf32, #tpu.memory_space<vmem>>) dst(%dma_wait3A_416 : memref<4096x128xf32, #tpu.memory_space<vmem_shared>>)
        tpu.yield
      }) : () -> ()
      %add3A_343 = arith.constant 40 : i32
      %add3A_344 = arith.addi %add3A_343, %add3A_251 : i32
      %add3A_345 = arith.constant 4 : i32
      %add3A_346 = arith.addi %add3A_344, %add3A_345 : i32
      %add3A_347 = arith.constant 2 : i32
      %add3A_348 = arith.addi %add3A_346, %add3A_347 : i32
      %dma_start3A_349 = arith.constant 2 : i32
      %dma_start3A_350 = arith.constant 0 : i32
      %dma_start3A_351 = arith.constant 0 : i32
      %dma_start3A_352 = tpu.memref_slice %arg9[%dma_start3A_349, %dma_start3A_350, %dma_start3A_351] : memref<4x128x128xf32, #tpu.memory_space<vmem>> -> memref<1x128x128xf32, #tpu.memory_space<vmem>>
      %dma_start3A_353 = tpu.memref_squeeze %dma_start3A_352 : memref<1x128x128xf32, #tpu.memory_space<vmem>> -> memref<128x128xf32, #tpu.memory_space<vmem>>
      %dma_start3A_354 = arith.constant 0 : i32
      %dma_start3A_355 = tpu.memref_slice %arg7[%add3A_348, %dma_start3A_354] : memref<80x128xi32, #tpu.memory_space<vmem>> -> memref<1x128xi32, #tpu.memory_space<vmem>>
      %dma_start3A_356 = tpu.memref_squeeze %dma_start3A_355 : memref<1x128xi32, #tpu.memory_space<vmem>> -> memref<128xi32, #tpu.memory_space<vmem>>
      %dma_start3A_357 = arith.constant 0 : i32
      %dma_start3A_358 = arith.constant 0 : i32
      %dma_start3A_359 = tpu.memref_slice %arg3[%dma_start3A_357, %dma_start3A_358] : memref<100000x128xf32, #tpu.memory_space<hbm>> -> memref<100000x128xf32, #tpu.memory_space<hbm>>
      tpu.enqueue_indirect_dma source(%dma_start3A_359 : memref<100000x128xf32, #tpu.memory_space<hbm>>) target(%dma_start3A_353 : memref<128x128xf32, #tpu.memory_space<vmem>>) offsets(%dma_start3A_356 : memref<128xi32, #tpu.memory_space<vmem>>) semaphore(%arg13 : memref<!tpu.dma_semaphore, #tpu.memory_space<semaphore_mem>>)
      %dma_wait3A_360 = arith.constant 3 : i32
      %dma_wait3A_361 = arith.constant 0 : i32
      %dma_wait3A_362 = arith.constant 0 : i32
      %dma_wait3A_363 = tpu.memref_slice %arg9[%dma_wait3A_360, %dma_wait3A_361, %dma_wait3A_362] : memref<4x128x128xf32, #tpu.memory_space<vmem>> -> memref<1x128x128xf32, #tpu.memory_space<vmem>>
      %dma_wait3A_364 = tpu.memref_squeeze %dma_wait3A_363 : memref<1x128x128xf32, #tpu.memory_space<vmem>> -> memref<128x128xf32, #tpu.memory_space<vmem>>
      %dma_wait3A_365 = arith.constant 0 : i32
      %dma_wait3A_366 = arith.constant 0 : i32
      %dma_wait3A_367 = tpu.memref_slice %arg3[%dma_wait3A_365, %dma_wait3A_366] : memref<100000x128xf32, #tpu.memory_space<hbm>> -> memref<128x128xf32, #tpu.memory_space<hbm>>
      %dma_wait3A_368 = arith.constant 0 : i32
      %dma_wait3A_369 = arith.constant 0 : i32
      %dma_wait3A_370 = tpu.memref_slice %arg9[%dma_wait3A_360, %dma_wait3A_368, %dma_wait3A_369] : memref<4x128x128xf32, #tpu.memory_space<vmem>> -> memref<1x128x128xf32, #tpu.memory_space<vmem>>
      %dma_wait3A_371 = tpu.memref_squeeze %dma_wait3A_370 : memref<1x128x128xf32, #tpu.memory_space<vmem>> -> memref<128x128xf32, #tpu.memory_space<vmem>>
      %dma_wait3A_372 = arith.constant 0 : i32
      %dma_wait3A_373 = arith.constant 0 : i32
      %dma_wait3A_374 = tpu.memref_slice %arg3[%dma_wait3A_372, %dma_wait3A_373] : memref<100000x128xf32, #tpu.memory_space<hbm>> -> memref<128x128xf32, #tpu.memory_space<hbm>>
      tpu.wait_dma2 semaphore(%arg14 : memref<!tpu.dma_semaphore, #tpu.memory_space<semaphore_mem>>) src(%dma_wait3A_374 : memref<128x128xf32, #tpu.memory_space<hbm>>) dst(%dma_wait3A_371 : memref<128x128xf32, #tpu.memory_space<vmem>>)
      %add3A_375 = arith.constant 3 : i32
      %add3A_376 = arith.addi %add3A_251, %add3A_375 : i32
      %run_scoped3A_377 = arith.constant 3 : i32
      %run_scoped3A_378 = arith.constant 0 : i32
      "tpu.region"() ({
        %run_scoped3A_396 = tpu.sem_alloc : memref<!tpu.dma_semaphore, #tpu.memory_space<semaphore_mem>>
        %dma_start3A_397 = arith.constant 0 : i32
        %dma_start3A_398 = arith.constant 0 : i32
        %dma_start3A_399 = tpu.memref_slice %arg9[%run_scoped3A_377, %dma_start3A_397, %dma_start3A_398] : memref<4x128x128xf32, #tpu.memory_space<vmem>> -> memref<1x128x128xf32, #tpu.memory_space<vmem>>
        %dma_start3A_400 = tpu.memref_squeeze %dma_start3A_399 : memref<1x128x128xf32, #tpu.memory_space<vmem>> -> memref<128x128xf32, #tpu.memory_space<vmem>>
        %dma_start3A_401 = arith.constant 0 : i32
        %dma_start3A_402 = tpu.memref_slice %arg8[%run_scoped3A_378, %add3A_376, %dma_start3A_401] : memref<2x20x128xi32, #tpu.memory_space<vmem>> -> memref<1x1x128xi32, #tpu.memory_space<vmem>>
        %dma_start3A_403 = tpu.memref_squeeze %dma_start3A_402 : memref<1x1x128xi32, #tpu.memory_space<vmem>> -> memref<128xi32, #tpu.memory_space<vmem>>
        %dma_start3A_404 = arith.constant 0 : i32
        %dma_start3A_405 = arith.constant 0 : i32
        %dma_start3A_406 = tpu.memref_slice %arg10[%dma_start3A_404, %dma_start3A_405] : memref<4096x128xf32, #tpu.memory_space<vmem_shared>> -> memref<4096x128xf32, #tpu.memory_space<vmem_shared>>
        tpu.enqueue_indirect_dma source(%dma_start3A_400 : memref<128x128xf32, #tpu.memory_space<vmem>>) target(%dma_start3A_406 : memref<4096x128xf32, #tpu.memory_space<vmem_shared>>) offsets(%dma_start3A_403 : memref<128xi32, #tpu.memory_space<vmem>>) semaphore(%run_scoped3A_396 : memref<!tpu.dma_semaphore, #tpu.memory_space<semaphore_mem>>) {add = true}
        %dma_wait3A_407 = arith.constant 0 : i32
        %dma_wait3A_408 = arith.constant 0 : i32
        %dma_wait3A_409 = tpu.memref_slice %arg9[%run_scoped3A_377, %dma_wait3A_407, %dma_wait3A_408] : memref<4x128x128xf32, #tpu.memory_space<vmem>> -> memref<1x128x128xf32, #tpu.memory_space<vmem>>
        %dma_wait3A_410 = tpu.memref_squeeze %dma_wait3A_409 : memref<1x128x128xf32, #tpu.memory_space<vmem>> -> memref<128x128xf32, #tpu.memory_space<vmem>>
        %dma_wait3A_411 = arith.constant 0 : i32
        %dma_wait3A_412 = tpu.memref_slice %arg8[%run_scoped3A_378, %add3A_376, %dma_wait3A_411] : memref<2x20x128xi32, #tpu.memory_space<vmem>> -> memref<1x1x128xi32, #tpu.memory_space<vmem>>
        %dma_wait3A_413 = tpu.memref_squeeze %dma_wait3A_412 : memref<1x1x128xi32, #tpu.memory_space<vmem>> -> memref<128xi32, #tpu.memory_space<vmem>>
        %dma_wait3A_414 = arith.constant 0 : i32
        %dma_wait3A_415 = arith.constant 0 : i32
        %dma_wait3A_416 = tpu.memref_slice %arg10[%dma_wait3A_414, %dma_wait3A_415] : memref<4096x128xf32, #tpu.memory_space<vmem_shared>> -> memref<4096x128xf32, #tpu.memory_space<vmem_shared>>
        tpu.wait_indirect_dma semaphore(%run_scoped3A_396 : memref<!tpu.dma_semaphore, #tpu.memory_space<semaphore_mem>>) src(%dma_wait3A_410 : memref<128x128xf32, #tpu.memory_space<vmem>>) dst(%dma_wait3A_416 : memref<4096x128xf32, #tpu.memory_space<vmem_shared>>)
        tpu.yield
      }) : () -> ()
      %add3A_379 = arith.constant 40 : i32
      %add3A_380 = arith.addi %add3A_379, %add3A_251 : i32
      %add3A_381 = arith.constant 4 : i32
      %add3A_382 = arith.addi %add3A_380, %add3A_381 : i32
      %add3A_383 = arith.constant 3 : i32
      %add3A_384 = arith.addi %add3A_382, %add3A_383 : i32
      %dma_start3A_385 = arith.constant 3 : i32
      %dma_start3A_386 = arith.constant 0 : i32
      %dma_start3A_387 = arith.constant 0 : i32
      %dma_start3A_388 = tpu.memref_slice %arg9[%dma_start3A_385, %dma_start3A_386, %dma_start3A_387] : memref<4x128x128xf32, #tpu.memory_space<vmem>> -> memref<1x128x128xf32, #tpu.memory_space<vmem>>
      %dma_start3A_389 = tpu.memref_squeeze %dma_start3A_388 : memref<1x128x128xf32, #tpu.memory_space<vmem>> -> memref<128x128xf32, #tpu.memory_space<vmem>>
      %dma_start3A_390 = arith.constant 0 : i32
      %dma_start3A_391 = tpu.memref_slice %arg7[%add3A_384, %dma_start3A_390] : memref<80x128xi32, #tpu.memory_space<vmem>> -> memref<1x128xi32, #tpu.memory_space<vmem>>
      %dma_start3A_392 = tpu.memref_squeeze %dma_start3A_391 : memref<1x128xi32, #tpu.memory_space<vmem>> -> memref<128xi32, #tpu.memory_space<vmem>>
      %dma_start3A_393 = arith.constant 0 : i32
      %dma_start3A_394 = arith.constant 0 : i32
      %dma_start3A_395 = tpu.memref_slice %arg3[%dma_start3A_393, %dma_start3A_394] : memref<100000x128xf32, #tpu.memory_space<hbm>> -> memref<100000x128xf32, #tpu.memory_space<hbm>>
      tpu.enqueue_indirect_dma source(%dma_start3A_395 : memref<100000x128xf32, #tpu.memory_space<hbm>>) target(%dma_start3A_389 : memref<128x128xf32, #tpu.memory_space<vmem>>) offsets(%dma_start3A_392 : memref<128xi32, #tpu.memory_space<vmem>>) semaphore(%arg14 : memref<!tpu.dma_semaphore, #tpu.memory_space<semaphore_mem>>)
    }
    %scan3A_110 = arith.constant 2 : i32
    %add3A_111 = arith.constant 128 : i32
    %add3A_112 = arith.addi %mul3A_2, %add3A_111 : i32
    %mul3A_113 = arith.constant 512 : i32
    %mul3A_114 = arith.muli %add3A, %mul3A_113 : i32
    %add3A_115 = arith.constant 128 : i32
    %add3A_116 = arith.addi %mul3A_114, %add3A_115 : i32
    %dma_start3A_117 = arith.constant 0 : i32
    %dma_start3A_118 = tpu.memref_slice %arg6[%add3A_116, %dma_start3A_117] : memref<16384x128xf32, #tpu.memory_space<hbm>> -> memref<128x128xf32, #tpu.memory_space<hbm>>
    %dma_start3A_119 = arith.constant 0 : i32
    %dma_start3A_120 = tpu.memref_slice %arg10[%add3A_112, %dma_start3A_119] : memref<4096x128xf32, #tpu.memory_space<vmem_shared>> -> memref<128x128xf32, #tpu.memory_space<vmem_shared>>
    tpu.enqueue_dma source(%dma_start3A_120 : memref<128x128xf32, #tpu.memory_space<vmem_shared>>) target(%dma_start3A_118 : memref<128x128xf32, #tpu.memory_space<hbm>>) target_semaphore(%arg16 : memref<!tpu.dma_semaphore, #tpu.memory_space<semaphore_mem>>)
    %add3A_121 = arith.constant 128 : i32
    %add3A_122 = arith.addi %mul3A_2, %add3A_121 : i32
    %dma_wait3A_123 = arith.constant 0 : i32
    %dma_wait3A_124 = tpu.memref_slice %arg10[%add3A_122, %dma_wait3A_123] : memref<4096x128xf32, #tpu.memory_space<vmem_shared>> -> memref<128x128xf32, #tpu.memory_space<vmem_shared>>
    tpu.wait_dma2 semaphore(%arg16 : memref<!tpu.dma_semaphore, #tpu.memory_space<semaphore_mem>>) src(%arg5 : memref<128x128xf32, #tpu.memory_space<hbm>>) dst(%dma_wait3A_124 : memref<128x128xf32, #tpu.memory_space<vmem_shared>>)
    %add3A_125 = arith.constant 128 : i32
    %add3A_126 = arith.addi %mul3A_2, %add3A_125 : i32
    %dma_start3A_127 = arith.constant 0 : i32
    %dma_start3A_128 = tpu.memref_slice %arg10[%add3A_126, %dma_start3A_127] : memref<4096x128xf32, #tpu.memory_space<vmem_shared>> -> memref<128x128xf32, #tpu.memory_space<vmem_shared>>
    tpu.enqueue_dma source(%arg5 : memref<128x128xf32, #tpu.memory_space<hbm>>) target(%dma_start3A_128 : memref<128x128xf32, #tpu.memory_space<vmem_shared>>) target_semaphore(%arg18 : memref<!tpu.dma_semaphore, #tpu.memory_space<semaphore_mem>>)
    %scan3A_129 = arith.constant 0 : i32
    %scan3A_130 = arith.constant 3 : i32
    %scan3A_131 = arith.addi %scan3A_129, %scan3A_130 : i32
    %scan3A_132 = arith.constant 1 : i32
    scf.for %scan3A_247 = %scan3A_129 to %scan3A_131 step %scan3A_132  : i32 {
      %mul3A_248 = arith.constant 4 : i32
      %mul3A_249 = arith.muli %scan3A_247, %mul3A_248 : i32
      %add3A_250 = arith.constant 8 : i32
      %add3A_251 = arith.addi %add3A_250, %mul3A_249 : i32
      %dma_wait3A_252 = arith.constant 0 : i32
      %dma_wait3A_253 = arith.constant 0 : i32
      %dma_wait3A_254 = arith.constant 0 : i32
      %dma_wait3A_255 = tpu.memref_slice %arg9[%dma_wait3A_252, %dma_wait3A_253, %dma_wait3A_254] : memref<4x128x128xf32, #tpu.memory_space<vmem>> -> memref<1x128x128xf32, #tpu.memory_space<vmem>>
      %dma_wait3A_256 = tpu.memref_squeeze %dma_wait3A_255 : memref<1x128x128xf32, #tpu.memory_space<vmem>> -> memref<128x128xf32, #tpu.memory_space<vmem>>
      %dma_wait3A_257 = arith.constant 0 : i32
      %dma_wait3A_258 = arith.constant 0 : i32
      %dma_wait3A_259 = tpu.memref_slice %arg3[%dma_wait3A_257, %dma_wait3A_258] : memref<100000x128xf32, #tpu.memory_space<hbm>> -> memref<128x128xf32, #tpu.memory_space<hbm>>
      %dma_wait3A_260 = arith.constant 0 : i32
      %dma_wait3A_261 = arith.constant 0 : i32
      %dma_wait3A_262 = tpu.memref_slice %arg9[%dma_wait3A_252, %dma_wait3A_260, %dma_wait3A_261] : memref<4x128x128xf32, #tpu.memory_space<vmem>> -> memref<1x128x128xf32, #tpu.memory_space<vmem>>
      %dma_wait3A_263 = tpu.memref_squeeze %dma_wait3A_262 : memref<1x128x128xf32, #tpu.memory_space<vmem>> -> memref<128x128xf32, #tpu.memory_space<vmem>>
      %dma_wait3A_264 = arith.constant 0 : i32
      %dma_wait3A_265 = arith.constant 0 : i32
      %dma_wait3A_266 = tpu.memref_slice %arg3[%dma_wait3A_264, %dma_wait3A_265] : memref<100000x128xf32, #tpu.memory_space<hbm>> -> memref<128x128xf32, #tpu.memory_space<hbm>>
      tpu.wait_dma2 semaphore(%arg11 : memref<!tpu.dma_semaphore, #tpu.memory_space<semaphore_mem>>) src(%dma_wait3A_266 : memref<128x128xf32, #tpu.memory_space<hbm>>) dst(%dma_wait3A_263 : memref<128x128xf32, #tpu.memory_space<vmem>>)
      %add3A_267 = arith.constant 0 : i32
      %add3A_268 = arith.addi %add3A_251, %add3A_267 : i32
      %run_scoped3A_269 = arith.constant 0 : i32
      %run_scoped3A_270 = arith.constant 0 : i32
      "tpu.region"() ({
        %run_scoped3A_396 = tpu.sem_alloc : memref<!tpu.dma_semaphore, #tpu.memory_space<semaphore_mem>>
        %dma_start3A_397 = arith.constant 0 : i32
        %dma_start3A_398 = arith.constant 0 : i32
        %dma_start3A_399 = tpu.memref_slice %arg9[%run_scoped3A_269, %dma_start3A_397, %dma_start3A_398] : memref<4x128x128xf32, #tpu.memory_space<vmem>> -> memref<1x128x128xf32, #tpu.memory_space<vmem>>
        %dma_start3A_400 = tpu.memref_squeeze %dma_start3A_399 : memref<1x128x128xf32, #tpu.memory_space<vmem>> -> memref<128x128xf32, #tpu.memory_space<vmem>>
        %dma_start3A_401 = arith.constant 0 : i32
        %dma_start3A_402 = tpu.memref_slice %arg8[%run_scoped3A_270, %add3A_268, %dma_start3A_401] : memref<2x20x128xi32, #tpu.memory_space<vmem>> -> memref<1x1x128xi32, #tpu.memory_space<vmem>>
        %dma_start3A_403 = tpu.memref_squeeze %dma_start3A_402 : memref<1x1x128xi32, #tpu.memory_space<vmem>> -> memref<128xi32, #tpu.memory_space<vmem>>
        %dma_start3A_404 = arith.constant 0 : i32
        %dma_start3A_405 = arith.constant 0 : i32
        %dma_start3A_406 = tpu.memref_slice %arg10[%dma_start3A_404, %dma_start3A_405] : memref<4096x128xf32, #tpu.memory_space<vmem_shared>> -> memref<4096x128xf32, #tpu.memory_space<vmem_shared>>
        tpu.enqueue_indirect_dma source(%dma_start3A_400 : memref<128x128xf32, #tpu.memory_space<vmem>>) target(%dma_start3A_406 : memref<4096x128xf32, #tpu.memory_space<vmem_shared>>) offsets(%dma_start3A_403 : memref<128xi32, #tpu.memory_space<vmem>>) semaphore(%run_scoped3A_396 : memref<!tpu.dma_semaphore, #tpu.memory_space<semaphore_mem>>) {add = true}
        %dma_wait3A_407 = arith.constant 0 : i32
        %dma_wait3A_408 = arith.constant 0 : i32
        %dma_wait3A_409 = tpu.memref_slice %arg9[%run_scoped3A_269, %dma_wait3A_407, %dma_wait3A_408] : memref<4x128x128xf32, #tpu.memory_space<vmem>> -> memref<1x128x128xf32, #tpu.memory_space<vmem>>
        %dma_wait3A_410 = tpu.memref_squeeze %dma_wait3A_409 : memref<1x128x128xf32, #tpu.memory_space<vmem>> -> memref<128x128xf32, #tpu.memory_space<vmem>>
        %dma_wait3A_411 = arith.constant 0 : i32
        %dma_wait3A_412 = tpu.memref_slice %arg8[%run_scoped3A_270, %add3A_268, %dma_wait3A_411] : memref<2x20x128xi32, #tpu.memory_space<vmem>> -> memref<1x1x128xi32, #tpu.memory_space<vmem>>
        %dma_wait3A_413 = tpu.memref_squeeze %dma_wait3A_412 : memref<1x1x128xi32, #tpu.memory_space<vmem>> -> memref<128xi32, #tpu.memory_space<vmem>>
        %dma_wait3A_414 = arith.constant 0 : i32
        %dma_wait3A_415 = arith.constant 0 : i32
        %dma_wait3A_416 = tpu.memref_slice %arg10[%dma_wait3A_414, %dma_wait3A_415] : memref<4096x128xf32, #tpu.memory_space<vmem_shared>> -> memref<4096x128xf32, #tpu.memory_space<vmem_shared>>
        tpu.wait_indirect_dma semaphore(%run_scoped3A_396 : memref<!tpu.dma_semaphore, #tpu.memory_space<semaphore_mem>>) src(%dma_wait3A_410 : memref<128x128xf32, #tpu.memory_space<vmem>>) dst(%dma_wait3A_416 : memref<4096x128xf32, #tpu.memory_space<vmem_shared>>)
        tpu.yield
      }) : () -> ()
      %add3A_271 = arith.constant 40 : i32
      %add3A_272 = arith.addi %add3A_271, %add3A_251 : i32
      %add3A_273 = arith.constant 4 : i32
      %add3A_274 = arith.addi %add3A_272, %add3A_273 : i32
      %add3A_275 = arith.constant 0 : i32
      %add3A_276 = arith.addi %add3A_274, %add3A_275 : i32
      %dma_start3A_277 = arith.constant 0 : i32
      %dma_start3A_278 = arith.constant 0 : i32
      %dma_start3A_279 = arith.constant 0 : i32
      %dma_start3A_280 = tpu.memref_slice %arg9[%dma_start3A_277, %dma_start3A_278, %dma_start3A_279] : memref<4x128x128xf32, #tpu.memory_space<vmem>> -> memref<1x128x128xf32, #tpu.memory_space<vmem>>
      %dma_start3A_281 = tpu.memref_squeeze %dma_start3A_280 : memref<1x128x128xf32, #tpu.memory_space<vmem>> -> memref<128x128xf32, #tpu.memory_space<vmem>>
      %dma_start3A_282 = arith.constant 0 : i32
      %dma_start3A_283 = tpu.memref_slice %arg7[%add3A_276, %dma_start3A_282] : memref<80x128xi32, #tpu.memory_space<vmem>> -> memref<1x128xi32, #tpu.memory_space<vmem>>
      %dma_start3A_284 = tpu.memref_squeeze %dma_start3A_283 : memref<1x128xi32, #tpu.memory_space<vmem>> -> memref<128xi32, #tpu.memory_space<vmem>>
      %dma_start3A_285 = arith.constant 0 : i32
      %dma_start3A_286 = arith.constant 0 : i32
      %dma_start3A_287 = tpu.memref_slice %arg3[%dma_start3A_285, %dma_start3A_286] : memref<100000x128xf32, #tpu.memory_space<hbm>> -> memref<100000x128xf32, #tpu.memory_space<hbm>>
      tpu.enqueue_indirect_dma source(%dma_start3A_287 : memref<100000x128xf32, #tpu.memory_space<hbm>>) target(%dma_start3A_281 : memref<128x128xf32, #tpu.memory_space<vmem>>) offsets(%dma_start3A_284 : memref<128xi32, #tpu.memory_space<vmem>>) semaphore(%arg11 : memref<!tpu.dma_semaphore, #tpu.memory_space<semaphore_mem>>)
      %dma_wait3A_288 = arith.constant 1 : i32
      %dma_wait3A_289 = arith.constant 0 : i32
      %dma_wait3A_290 = arith.constant 0 : i32
      %dma_wait3A_291 = tpu.memref_slice %arg9[%dma_wait3A_288, %dma_wait3A_289, %dma_wait3A_290] : memref<4x128x128xf32, #tpu.memory_space<vmem>> -> memref<1x128x128xf32, #tpu.memory_space<vmem>>
      %dma_wait3A_292 = tpu.memref_squeeze %dma_wait3A_291 : memref<1x128x128xf32, #tpu.memory_space<vmem>> -> memref<128x128xf32, #tpu.memory_space<vmem>>
      %dma_wait3A_293 = arith.constant 0 : i32
      %dma_wait3A_294 = arith.constant 0 : i32
      %dma_wait3A_295 = tpu.memref_slice %arg3[%dma_wait3A_293, %dma_wait3A_294] : memref<100000x128xf32, #tpu.memory_space<hbm>> -> memref<128x128xf32, #tpu.memory_space<hbm>>
      %dma_wait3A_296 = arith.constant 0 : i32
      %dma_wait3A_297 = arith.constant 0 : i32
      %dma_wait3A_298 = tpu.memref_slice %arg9[%dma_wait3A_288, %dma_wait3A_296, %dma_wait3A_297] : memref<4x128x128xf32, #tpu.memory_space<vmem>> -> memref<1x128x128xf32, #tpu.memory_space<vmem>>
      %dma_wait3A_299 = tpu.memref_squeeze %dma_wait3A_298 : memref<1x128x128xf32, #tpu.memory_space<vmem>> -> memref<128x128xf32, #tpu.memory_space<vmem>>
      %dma_wait3A_300 = arith.constant 0 : i32
      %dma_wait3A_301 = arith.constant 0 : i32
      %dma_wait3A_302 = tpu.memref_slice %arg3[%dma_wait3A_300, %dma_wait3A_301] : memref<100000x128xf32, #tpu.memory_space<hbm>> -> memref<128x128xf32, #tpu.memory_space<hbm>>
      tpu.wait_dma2 semaphore(%arg12 : memref<!tpu.dma_semaphore, #tpu.memory_space<semaphore_mem>>) src(%dma_wait3A_302 : memref<128x128xf32, #tpu.memory_space<hbm>>) dst(%dma_wait3A_299 : memref<128x128xf32, #tpu.memory_space<vmem>>)
      %add3A_303 = arith.constant 1 : i32
      %add3A_304 = arith.addi %add3A_251, %add3A_303 : i32
      %run_scoped3A_305 = arith.constant 1 : i32
      %run_scoped3A_306 = arith.constant 0 : i32
      "tpu.region"() ({
        %run_scoped3A_396 = tpu.sem_alloc : memref<!tpu.dma_semaphore, #tpu.memory_space<semaphore_mem>>
        %dma_start3A_397 = arith.constant 0 : i32
        %dma_start3A_398 = arith.constant 0 : i32
        %dma_start3A_399 = tpu.memref_slice %arg9[%run_scoped3A_305, %dma_start3A_397, %dma_start3A_398] : memref<4x128x128xf32, #tpu.memory_space<vmem>> -> memref<1x128x128xf32, #tpu.memory_space<vmem>>
        %dma_start3A_400 = tpu.memref_squeeze %dma_start3A_399 : memref<1x128x128xf32, #tpu.memory_space<vmem>> -> memref<128x128xf32, #tpu.memory_space<vmem>>
        %dma_start3A_401 = arith.constant 0 : i32
        %dma_start3A_402 = tpu.memref_slice %arg8[%run_scoped3A_306, %add3A_304, %dma_start3A_401] : memref<2x20x128xi32, #tpu.memory_space<vmem>> -> memref<1x1x128xi32, #tpu.memory_space<vmem>>
        %dma_start3A_403 = tpu.memref_squeeze %dma_start3A_402 : memref<1x1x128xi32, #tpu.memory_space<vmem>> -> memref<128xi32, #tpu.memory_space<vmem>>
        %dma_start3A_404 = arith.constant 0 : i32
        %dma_start3A_405 = arith.constant 0 : i32
        %dma_start3A_406 = tpu.memref_slice %arg10[%dma_start3A_404, %dma_start3A_405] : memref<4096x128xf32, #tpu.memory_space<vmem_shared>> -> memref<4096x128xf32, #tpu.memory_space<vmem_shared>>
        tpu.enqueue_indirect_dma source(%dma_start3A_400 : memref<128x128xf32, #tpu.memory_space<vmem>>) target(%dma_start3A_406 : memref<4096x128xf32, #tpu.memory_space<vmem_shared>>) offsets(%dma_start3A_403 : memref<128xi32, #tpu.memory_space<vmem>>) semaphore(%run_scoped3A_396 : memref<!tpu.dma_semaphore, #tpu.memory_space<semaphore_mem>>) {add = true}
        %dma_wait3A_407 = arith.constant 0 : i32
        %dma_wait3A_408 = arith.constant 0 : i32
        %dma_wait3A_409 = tpu.memref_slice %arg9[%run_scoped3A_305, %dma_wait3A_407, %dma_wait3A_408] : memref<4x128x128xf32, #tpu.memory_space<vmem>> -> memref<1x128x128xf32, #tpu.memory_space<vmem>>
        %dma_wait3A_410 = tpu.memref_squeeze %dma_wait3A_409 : memref<1x128x128xf32, #tpu.memory_space<vmem>> -> memref<128x128xf32, #tpu.memory_space<vmem>>
        %dma_wait3A_411 = arith.constant 0 : i32
        %dma_wait3A_412 = tpu.memref_slice %arg8[%run_scoped3A_306, %add3A_304, %dma_wait3A_411] : memref<2x20x128xi32, #tpu.memory_space<vmem>> -> memref<1x1x128xi32, #tpu.memory_space<vmem>>
        %dma_wait3A_413 = tpu.memref_squeeze %dma_wait3A_412 : memref<1x1x128xi32, #tpu.memory_space<vmem>> -> memref<128xi32, #tpu.memory_space<vmem>>
        %dma_wait3A_414 = arith.constant 0 : i32
        %dma_wait3A_415 = arith.constant 0 : i32
        %dma_wait3A_416 = tpu.memref_slice %arg10[%dma_wait3A_414, %dma_wait3A_415] : memref<4096x128xf32, #tpu.memory_space<vmem_shared>> -> memref<4096x128xf32, #tpu.memory_space<vmem_shared>>
        tpu.wait_indirect_dma semaphore(%run_scoped3A_396 : memref<!tpu.dma_semaphore, #tpu.memory_space<semaphore_mem>>) src(%dma_wait3A_410 : memref<128x128xf32, #tpu.memory_space<vmem>>) dst(%dma_wait3A_416 : memref<4096x128xf32, #tpu.memory_space<vmem_shared>>)
        tpu.yield
      }) : () -> ()
      %add3A_307 = arith.constant 40 : i32
      %add3A_308 = arith.addi %add3A_307, %add3A_251 : i32
      %add3A_309 = arith.constant 4 : i32
      %add3A_310 = arith.addi %add3A_308, %add3A_309 : i32
      %add3A_311 = arith.constant 1 : i32
      %add3A_312 = arith.addi %add3A_310, %add3A_311 : i32
      %dma_start3A_313 = arith.constant 1 : i32
      %dma_start3A_314 = arith.constant 0 : i32
      %dma_start3A_315 = arith.constant 0 : i32
      %dma_start3A_316 = tpu.memref_slice %arg9[%dma_start3A_313, %dma_start3A_314, %dma_start3A_315] : memref<4x128x128xf32, #tpu.memory_space<vmem>> -> memref<1x128x128xf32, #tpu.memory_space<vmem>>
      %dma_start3A_317 = tpu.memref_squeeze %dma_start3A_316 : memref<1x128x128xf32, #tpu.memory_space<vmem>> -> memref<128x128xf32, #tpu.memory_space<vmem>>
      %dma_start3A_318 = arith.constant 0 : i32
      %dma_start3A_319 = tpu.memref_slice %arg7[%add3A_312, %dma_start3A_318] : memref<80x128xi32, #tpu.memory_space<vmem>> -> memref<1x128xi32, #tpu.memory_space<vmem>>
      %dma_start3A_320 = tpu.memref_squeeze %dma_start3A_319 : memref<1x128xi32, #tpu.memory_space<vmem>> -> memref<128xi32, #tpu.memory_space<vmem>>
      %dma_start3A_321 = arith.constant 0 : i32
      %dma_start3A_322 = arith.constant 0 : i32
      %dma_start3A_323 = tpu.memref_slice %arg3[%dma_start3A_321, %dma_start3A_322] : memref<100000x128xf32, #tpu.memory_space<hbm>> -> memref<100000x128xf32, #tpu.memory_space<hbm>>
      tpu.enqueue_indirect_dma source(%dma_start3A_323 : memref<100000x128xf32, #tpu.memory_space<hbm>>) target(%dma_start3A_317 : memref<128x128xf32, #tpu.memory_space<vmem>>) offsets(%dma_start3A_320 : memref<128xi32, #tpu.memory_space<vmem>>) semaphore(%arg12 : memref<!tpu.dma_semaphore, #tpu.memory_space<semaphore_mem>>)
      %dma_wait3A_324 = arith.constant 2 : i32
      %dma_wait3A_325 = arith.constant 0 : i32
      %dma_wait3A_326 = arith.constant 0 : i32
      %dma_wait3A_327 = tpu.memref_slice %arg9[%dma_wait3A_324, %dma_wait3A_325, %dma_wait3A_326] : memref<4x128x128xf32, #tpu.memory_space<vmem>> -> memref<1x128x128xf32, #tpu.memory_space<vmem>>
      %dma_wait3A_328 = tpu.memref_squeeze %dma_wait3A_327 : memref<1x128x128xf32, #tpu.memory_space<vmem>> -> memref<128x128xf32, #tpu.memory_space<vmem>>
      %dma_wait3A_329 = arith.constant 0 : i32
      %dma_wait3A_330 = arith.constant 0 : i32
      %dma_wait3A_331 = tpu.memref_slice %arg3[%dma_wait3A_329, %dma_wait3A_330] : memref<100000x128xf32, #tpu.memory_space<hbm>> -> memref<128x128xf32, #tpu.memory_space<hbm>>
      %dma_wait3A_332 = arith.constant 0 : i32
      %dma_wait3A_333 = arith.constant 0 : i32
      %dma_wait3A_334 = tpu.memref_slice %arg9[%dma_wait3A_324, %dma_wait3A_332, %dma_wait3A_333] : memref<4x128x128xf32, #tpu.memory_space<vmem>> -> memref<1x128x128xf32, #tpu.memory_space<vmem>>
      %dma_wait3A_335 = tpu.memref_squeeze %dma_wait3A_334 : memref<1x128x128xf32, #tpu.memory_space<vmem>> -> memref<128x128xf32, #tpu.memory_space<vmem>>
      %dma_wait3A_336 = arith.constant 0 : i32
      %dma_wait3A_337 = arith.constant 0 : i32
      %dma_wait3A_338 = tpu.memref_slice %arg3[%dma_wait3A_336, %dma_wait3A_337] : memref<100000x128xf32, #tpu.memory_space<hbm>> -> memref<128x128xf32, #tpu.memory_space<hbm>>
      tpu.wait_dma2 semaphore(%arg13 : memref<!tpu.dma_semaphore, #tpu.memory_space<semaphore_mem>>) src(%dma_wait3A_338 : memref<128x128xf32, #tpu.memory_space<hbm>>) dst(%dma_wait3A_335 : memref<128x128xf32, #tpu.memory_space<vmem>>)
      %add3A_339 = arith.constant 2 : i32
      %add3A_340 = arith.addi %add3A_251, %add3A_339 : i32
      %run_scoped3A_341 = arith.constant 2 : i32
      %run_scoped3A_342 = arith.constant 0 : i32
      "tpu.region"() ({
        %run_scoped3A_396 = tpu.sem_alloc : memref<!tpu.dma_semaphore, #tpu.memory_space<semaphore_mem>>
        %dma_start3A_397 = arith.constant 0 : i32
        %dma_start3A_398 = arith.constant 0 : i32
        %dma_start3A_399 = tpu.memref_slice %arg9[%run_scoped3A_341, %dma_start3A_397, %dma_start3A_398] : memref<4x128x128xf32, #tpu.memory_space<vmem>> -> memref<1x128x128xf32, #tpu.memory_space<vmem>>
        %dma_start3A_400 = tpu.memref_squeeze %dma_start3A_399 : memref<1x128x128xf32, #tpu.memory_space<vmem>> -> memref<128x128xf32, #tpu.memory_space<vmem>>
        %dma_start3A_401 = arith.constant 0 : i32
        %dma_start3A_402 = tpu.memref_slice %arg8[%run_scoped3A_342, %add3A_340, %dma_start3A_401] : memref<2x20x128xi32, #tpu.memory_space<vmem>> -> memref<1x1x128xi32, #tpu.memory_space<vmem>>
        %dma_start3A_403 = tpu.memref_squeeze %dma_start3A_402 : memref<1x1x128xi32, #tpu.memory_space<vmem>> -> memref<128xi32, #tpu.memory_space<vmem>>
        %dma_start3A_404 = arith.constant 0 : i32
        %dma_start3A_405 = arith.constant 0 : i32
        %dma_start3A_406 = tpu.memref_slice %arg10[%dma_start3A_404, %dma_start3A_405] : memref<4096x128xf32, #tpu.memory_space<vmem_shared>> -> memref<4096x128xf32, #tpu.memory_space<vmem_shared>>
        tpu.enqueue_indirect_dma source(%dma_start3A_400 : memref<128x128xf32, #tpu.memory_space<vmem>>) target(%dma_start3A_406 : memref<4096x128xf32, #tpu.memory_space<vmem_shared>>) offsets(%dma_start3A_403 : memref<128xi32, #tpu.memory_space<vmem>>) semaphore(%run_scoped3A_396 : memref<!tpu.dma_semaphore, #tpu.memory_space<semaphore_mem>>) {add = true}
        %dma_wait3A_407 = arith.constant 0 : i32
        %dma_wait3A_408 = arith.constant 0 : i32
        %dma_wait3A_409 = tpu.memref_slice %arg9[%run_scoped3A_341, %dma_wait3A_407, %dma_wait3A_408] : memref<4x128x128xf32, #tpu.memory_space<vmem>> -> memref<1x128x128xf32, #tpu.memory_space<vmem>>
        %dma_wait3A_410 = tpu.memref_squeeze %dma_wait3A_409 : memref<1x128x128xf32, #tpu.memory_space<vmem>> -> memref<128x128xf32, #tpu.memory_space<vmem>>
        %dma_wait3A_411 = arith.constant 0 : i32
        %dma_wait3A_412 = tpu.memref_slice %arg8[%run_scoped3A_342, %add3A_340, %dma_wait3A_411] : memref<2x20x128xi32, #tpu.memory_space<vmem>> -> memref<1x1x128xi32, #tpu.memory_space<vmem>>
        %dma_wait3A_413 = tpu.memref_squeeze %dma_wait3A_412 : memref<1x1x128xi32, #tpu.memory_space<vmem>> -> memref<128xi32, #tpu.memory_space<vmem>>
        %dma_wait3A_414 = arith.constant 0 : i32
        %dma_wait3A_415 = arith.constant 0 : i32
        %dma_wait3A_416 = tpu.memref_slice %arg10[%dma_wait3A_414, %dma_wait3A_415] : memref<4096x128xf32, #tpu.memory_space<vmem_shared>> -> memref<4096x128xf32, #tpu.memory_space<vmem_shared>>
        tpu.wait_indirect_dma semaphore(%run_scoped3A_396 : memref<!tpu.dma_semaphore, #tpu.memory_space<semaphore_mem>>) src(%dma_wait3A_410 : memref<128x128xf32, #tpu.memory_space<vmem>>) dst(%dma_wait3A_416 : memref<4096x128xf32, #tpu.memory_space<vmem_shared>>)
        tpu.yield
      }) : () -> ()
      %add3A_343 = arith.constant 40 : i32
      %add3A_344 = arith.addi %add3A_343, %add3A_251 : i32
      %add3A_345 = arith.constant 4 : i32
      %add3A_346 = arith.addi %add3A_344, %add3A_345 : i32
      %add3A_347 = arith.constant 2 : i32
      %add3A_348 = arith.addi %add3A_346, %add3A_347 : i32
      %dma_start3A_349 = arith.constant 2 : i32
      %dma_start3A_350 = arith.constant 0 : i32
      %dma_start3A_351 = arith.constant 0 : i32
      %dma_start3A_352 = tpu.memref_slice %arg9[%dma_start3A_349, %dma_start3A_350, %dma_start3A_351] : memref<4x128x128xf32, #tpu.memory_space<vmem>> -> memref<1x128x128xf32, #tpu.memory_space<vmem>>
      %dma_start3A_353 = tpu.memref_squeeze %dma_start3A_352 : memref<1x128x128xf32, #tpu.memory_space<vmem>> -> memref<128x128xf32, #tpu.memory_space<vmem>>
      %dma_start3A_354 = arith.constant 0 : i32
      %dma_start3A_355 = tpu.memref_slice %arg7[%add3A_348, %dma_start3A_354] : memref<80x128xi32, #tpu.memory_space<vmem>> -> memref<1x128xi32, #tpu.memory_space<vmem>>
      %dma_start3A_356 = tpu.memref_squeeze %dma_start3A_355 : memref<1x128xi32, #tpu.memory_space<vmem>> -> memref<128xi32, #tpu.memory_space<vmem>>
      %dma_start3A_357 = arith.constant 0 : i32
      %dma_start3A_358 = arith.constant 0 : i32
      %dma_start3A_359 = tpu.memref_slice %arg3[%dma_start3A_357, %dma_start3A_358] : memref<100000x128xf32, #tpu.memory_space<hbm>> -> memref<100000x128xf32, #tpu.memory_space<hbm>>
      tpu.enqueue_indirect_dma source(%dma_start3A_359 : memref<100000x128xf32, #tpu.memory_space<hbm>>) target(%dma_start3A_353 : memref<128x128xf32, #tpu.memory_space<vmem>>) offsets(%dma_start3A_356 : memref<128xi32, #tpu.memory_space<vmem>>) semaphore(%arg13 : memref<!tpu.dma_semaphore, #tpu.memory_space<semaphore_mem>>)
      %dma_wait3A_360 = arith.constant 3 : i32
      %dma_wait3A_361 = arith.constant 0 : i32
      %dma_wait3A_362 = arith.constant 0 : i32
      %dma_wait3A_363 = tpu.memref_slice %arg9[%dma_wait3A_360, %dma_wait3A_361, %dma_wait3A_362] : memref<4x128x128xf32, #tpu.memory_space<vmem>> -> memref<1x128x128xf32, #tpu.memory_space<vmem>>
      %dma_wait3A_364 = tpu.memref_squeeze %dma_wait3A_363 : memref<1x128x128xf32, #tpu.memory_space<vmem>> -> memref<128x128xf32, #tpu.memory_space<vmem>>
      %dma_wait3A_365 = arith.constant 0 : i32
      %dma_wait3A_366 = arith.constant 0 : i32
      %dma_wait3A_367 = tpu.memref_slice %arg3[%dma_wait3A_365, %dma_wait3A_366] : memref<100000x128xf32, #tpu.memory_space<hbm>> -> memref<128x128xf32, #tpu.memory_space<hbm>>
      %dma_wait3A_368 = arith.constant 0 : i32
      %dma_wait3A_369 = arith.constant 0 : i32
      %dma_wait3A_370 = tpu.memref_slice %arg9[%dma_wait3A_360, %dma_wait3A_368, %dma_wait3A_369] : memref<4x128x128xf32, #tpu.memory_space<vmem>> -> memref<1x128x128xf32, #tpu.memory_space<vmem>>
      %dma_wait3A_371 = tpu.memref_squeeze %dma_wait3A_370 : memref<1x128x128xf32, #tpu.memory_space<vmem>> -> memref<128x128xf32, #tpu.memory_space<vmem>>
      %dma_wait3A_372 = arith.constant 0 : i32
      %dma_wait3A_373 = arith.constant 0 : i32
      %dma_wait3A_374 = tpu.memref_slice %arg3[%dma_wait3A_372, %dma_wait3A_373] : memref<100000x128xf32, #tpu.memory_space<hbm>> -> memref<128x128xf32, #tpu.memory_space<hbm>>
      tpu.wait_dma2 semaphore(%arg14 : memref<!tpu.dma_semaphore, #tpu.memory_space<semaphore_mem>>) src(%dma_wait3A_374 : memref<128x128xf32, #tpu.memory_space<hbm>>) dst(%dma_wait3A_371 : memref<128x128xf32, #tpu.memory_space<vmem>>)
      %add3A_375 = arith.constant 3 : i32
      %add3A_376 = arith.addi %add3A_251, %add3A_375 : i32
      %run_scoped3A_377 = arith.constant 3 : i32
      %run_scoped3A_378 = arith.constant 0 : i32
      "tpu.region"() ({
        %run_scoped3A_396 = tpu.sem_alloc : memref<!tpu.dma_semaphore, #tpu.memory_space<semaphore_mem>>
        %dma_start3A_397 = arith.constant 0 : i32
        %dma_start3A_398 = arith.constant 0 : i32
        %dma_start3A_399 = tpu.memref_slice %arg9[%run_scoped3A_377, %dma_start3A_397, %dma_start3A_398] : memref<4x128x128xf32, #tpu.memory_space<vmem>> -> memref<1x128x128xf32, #tpu.memory_space<vmem>>
        %dma_start3A_400 = tpu.memref_squeeze %dma_start3A_399 : memref<1x128x128xf32, #tpu.memory_space<vmem>> -> memref<128x128xf32, #tpu.memory_space<vmem>>
        %dma_start3A_401 = arith.constant 0 : i32
        %dma_start3A_402 = tpu.memref_slice %arg8[%run_scoped3A_378, %add3A_376, %dma_start3A_401] : memref<2x20x128xi32, #tpu.memory_space<vmem>> -> memref<1x1x128xi32, #tpu.memory_space<vmem>>
        %dma_start3A_403 = tpu.memref_squeeze %dma_start3A_402 : memref<1x1x128xi32, #tpu.memory_space<vmem>> -> memref<128xi32, #tpu.memory_space<vmem>>
        %dma_start3A_404 = arith.constant 0 : i32
        %dma_start3A_405 = arith.constant 0 : i32
        %dma_start3A_406 = tpu.memref_slice %arg10[%dma_start3A_404, %dma_start3A_405] : memref<4096x128xf32, #tpu.memory_space<vmem_shared>> -> memref<4096x128xf32, #tpu.memory_space<vmem_shared>>
        tpu.enqueue_indirect_dma source(%dma_start3A_400 : memref<128x128xf32, #tpu.memory_space<vmem>>) target(%dma_start3A_406 : memref<4096x128xf32, #tpu.memory_space<vmem_shared>>) offsets(%dma_start3A_403 : memref<128xi32, #tpu.memory_space<vmem>>) semaphore(%run_scoped3A_396 : memref<!tpu.dma_semaphore, #tpu.memory_space<semaphore_mem>>) {add = true}
        %dma_wait3A_407 = arith.constant 0 : i32
        %dma_wait3A_408 = arith.constant 0 : i32
        %dma_wait3A_409 = tpu.memref_slice %arg9[%run_scoped3A_377, %dma_wait3A_407, %dma_wait3A_408] : memref<4x128x128xf32, #tpu.memory_space<vmem>> -> memref<1x128x128xf32, #tpu.memory_space<vmem>>
        %dma_wait3A_410 = tpu.memref_squeeze %dma_wait3A_409 : memref<1x128x128xf32, #tpu.memory_space<vmem>> -> memref<128x128xf32, #tpu.memory_space<vmem>>
        %dma_wait3A_411 = arith.constant 0 : i32
        %dma_wait3A_412 = tpu.memref_slice %arg8[%run_scoped3A_378, %add3A_376, %dma_wait3A_411] : memref<2x20x128xi32, #tpu.memory_space<vmem>> -> memref<1x1x128xi32, #tpu.memory_space<vmem>>
        %dma_wait3A_413 = tpu.memref_squeeze %dma_wait3A_412 : memref<1x1x128xi32, #tpu.memory_space<vmem>> -> memref<128xi32, #tpu.memory_space<vmem>>
        %dma_wait3A_414 = arith.constant 0 : i32
        %dma_wait3A_415 = arith.constant 0 : i32
        %dma_wait3A_416 = tpu.memref_slice %arg10[%dma_wait3A_414, %dma_wait3A_415] : memref<4096x128xf32, #tpu.memory_space<vmem_shared>> -> memref<4096x128xf32, #tpu.memory_space<vmem_shared>>
        tpu.wait_indirect_dma semaphore(%run_scoped3A_396 : memref<!tpu.dma_semaphore, #tpu.memory_space<semaphore_mem>>) src(%dma_wait3A_410 : memref<128x128xf32, #tpu.memory_space<vmem>>) dst(%dma_wait3A_416 : memref<4096x128xf32, #tpu.memory_space<vmem_shared>>)
        tpu.yield
      }) : () -> ()
      %add3A_379 = arith.constant 40 : i32
      %add3A_380 = arith.addi %add3A_379, %add3A_251 : i32
      %add3A_381 = arith.constant 4 : i32
      %add3A_382 = arith.addi %add3A_380, %add3A_381 : i32
      %add3A_383 = arith.constant 3 : i32
      %add3A_384 = arith.addi %add3A_382, %add3A_383 : i32
      %dma_start3A_385 = arith.constant 3 : i32
      %dma_start3A_386 = arith.constant 0 : i32
      %dma_start3A_387 = arith.constant 0 : i32
      %dma_start3A_388 = tpu.memref_slice %arg9[%dma_start3A_385, %dma_start3A_386, %dma_start3A_387] : memref<4x128x128xf32, #tpu.memory_space<vmem>> -> memref<1x128x128xf32, #tpu.memory_space<vmem>>
      %dma_start3A_389 = tpu.memref_squeeze %dma_start3A_388 : memref<1x128x128xf32, #tpu.memory_space<vmem>> -> memref<128x128xf32, #tpu.memory_space<vmem>>
      %dma_start3A_390 = arith.constant 0 : i32
      %dma_start3A_391 = tpu.memref_slice %arg7[%add3A_384, %dma_start3A_390] : memref<80x128xi32, #tpu.memory_space<vmem>> -> memref<1x128xi32, #tpu.memory_space<vmem>>
      %dma_start3A_392 = tpu.memref_squeeze %dma_start3A_391 : memref<1x128xi32, #tpu.memory_space<vmem>> -> memref<128xi32, #tpu.memory_space<vmem>>
      %dma_start3A_393 = arith.constant 0 : i32
      %dma_start3A_394 = arith.constant 0 : i32
      %dma_start3A_395 = tpu.memref_slice %arg3[%dma_start3A_393, %dma_start3A_394] : memref<100000x128xf32, #tpu.memory_space<hbm>> -> memref<100000x128xf32, #tpu.memory_space<hbm>>
      tpu.enqueue_indirect_dma source(%dma_start3A_395 : memref<100000x128xf32, #tpu.memory_space<hbm>>) target(%dma_start3A_389 : memref<128x128xf32, #tpu.memory_space<vmem>>) offsets(%dma_start3A_392 : memref<128xi32, #tpu.memory_space<vmem>>) semaphore(%arg14 : memref<!tpu.dma_semaphore, #tpu.memory_space<semaphore_mem>>)
    }
    %scan3A_133 = arith.constant 3 : i32
    %add3A_134 = arith.constant 128 : i32
    %add3A_135 = arith.addi %mul3A_2, %add3A_134 : i32
    %dma_wait3A_136 = arith.constant 0 : i32
    %dma_wait3A_137 = tpu.memref_slice %arg10[%add3A_135, %dma_wait3A_136] : memref<4096x128xf32, #tpu.memory_space<vmem_shared>> -> memref<128x128xf32, #tpu.memory_space<vmem_shared>>
    tpu.wait_dma2 semaphore(%arg18 : memref<!tpu.dma_semaphore, #tpu.memory_space<semaphore_mem>>) src(%arg5 : memref<128x128xf32, #tpu.memory_space<hbm>>) dst(%dma_wait3A_137 : memref<128x128xf32, #tpu.memory_space<vmem_shared>>)
    %scan3A_138 = arith.constant 0 : i32
    %scan3A_139 = arith.constant 2 : i32
    %scan3A_140 = arith.addi %scan3A_138, %scan3A_139 : i32
    %scan3A_141 = arith.constant 1 : i32
    scf.for %scan3A_247 = %scan3A_138 to %scan3A_140 step %scan3A_141  : i32 {
      %mul3A_248 = arith.constant 4 : i32
      %mul3A_249 = arith.muli %scan3A_247, %mul3A_248 : i32
      %add3A_250 = arith.constant 0 : i32
      %add3A_251 = arith.addi %add3A_250, %mul3A_249 : i32
      %dma_wait3A_252 = arith.constant 0 : i32
      %dma_wait3A_253 = arith.constant 0 : i32
      %dma_wait3A_254 = arith.constant 0 : i32
      %dma_wait3A_255 = tpu.memref_slice %arg9[%dma_wait3A_252, %dma_wait3A_253, %dma_wait3A_254] : memref<4x128x128xf32, #tpu.memory_space<vmem>> -> memref<1x128x128xf32, #tpu.memory_space<vmem>>
      %dma_wait3A_256 = tpu.memref_squeeze %dma_wait3A_255 : memref<1x128x128xf32, #tpu.memory_space<vmem>> -> memref<128x128xf32, #tpu.memory_space<vmem>>
      %dma_wait3A_257 = arith.constant 0 : i32
      %dma_wait3A_258 = arith.constant 0 : i32
      %dma_wait3A_259 = tpu.memref_slice %arg3[%dma_wait3A_257, %dma_wait3A_258] : memref<100000x128xf32, #tpu.memory_space<hbm>> -> memref<128x128xf32, #tpu.memory_space<hbm>>
      %dma_wait3A_260 = arith.constant 0 : i32
      %dma_wait3A_261 = arith.constant 0 : i32
      %dma_wait3A_262 = tpu.memref_slice %arg9[%dma_wait3A_252, %dma_wait3A_260, %dma_wait3A_261] : memref<4x128x128xf32, #tpu.memory_space<vmem>> -> memref<1x128x128xf32, #tpu.memory_space<vmem>>
      %dma_wait3A_263 = tpu.memref_squeeze %dma_wait3A_262 : memref<1x128x128xf32, #tpu.memory_space<vmem>> -> memref<128x128xf32, #tpu.memory_space<vmem>>
      %dma_wait3A_264 = arith.constant 0 : i32
      %dma_wait3A_265 = arith.constant 0 : i32
      %dma_wait3A_266 = tpu.memref_slice %arg3[%dma_wait3A_264, %dma_wait3A_265] : memref<100000x128xf32, #tpu.memory_space<hbm>> -> memref<128x128xf32, #tpu.memory_space<hbm>>
      tpu.wait_dma2 semaphore(%arg11 : memref<!tpu.dma_semaphore, #tpu.memory_space<semaphore_mem>>) src(%dma_wait3A_266 : memref<128x128xf32, #tpu.memory_space<hbm>>) dst(%dma_wait3A_263 : memref<128x128xf32, #tpu.memory_space<vmem>>)
      %add3A_267 = arith.constant 0 : i32
      %add3A_268 = arith.addi %add3A_251, %add3A_267 : i32
      %run_scoped3A_269 = arith.constant 0 : i32
      %run_scoped3A_270 = arith.constant 1 : i32
      "tpu.region"() ({
        %run_scoped3A_396 = tpu.sem_alloc : memref<!tpu.dma_semaphore, #tpu.memory_space<semaphore_mem>>
        %dma_start3A_397 = arith.constant 0 : i32
        %dma_start3A_398 = arith.constant 0 : i32
        %dma_start3A_399 = tpu.memref_slice %arg9[%run_scoped3A_269, %dma_start3A_397, %dma_start3A_398] : memref<4x128x128xf32, #tpu.memory_space<vmem>> -> memref<1x128x128xf32, #tpu.memory_space<vmem>>
        %dma_start3A_400 = tpu.memref_squeeze %dma_start3A_399 : memref<1x128x128xf32, #tpu.memory_space<vmem>> -> memref<128x128xf32, #tpu.memory_space<vmem>>
        %dma_start3A_401 = arith.constant 0 : i32
        %dma_start3A_402 = tpu.memref_slice %arg8[%run_scoped3A_270, %add3A_268, %dma_start3A_401] : memref<2x20x128xi32, #tpu.memory_space<vmem>> -> memref<1x1x128xi32, #tpu.memory_space<vmem>>
        %dma_start3A_403 = tpu.memref_squeeze %dma_start3A_402 : memref<1x1x128xi32, #tpu.memory_space<vmem>> -> memref<128xi32, #tpu.memory_space<vmem>>
        %dma_start3A_404 = arith.constant 0 : i32
        %dma_start3A_405 = arith.constant 0 : i32
        %dma_start3A_406 = tpu.memref_slice %arg10[%dma_start3A_404, %dma_start3A_405] : memref<4096x128xf32, #tpu.memory_space<vmem_shared>> -> memref<4096x128xf32, #tpu.memory_space<vmem_shared>>
        tpu.enqueue_indirect_dma source(%dma_start3A_400 : memref<128x128xf32, #tpu.memory_space<vmem>>) target(%dma_start3A_406 : memref<4096x128xf32, #tpu.memory_space<vmem_shared>>) offsets(%dma_start3A_403 : memref<128xi32, #tpu.memory_space<vmem>>) semaphore(%run_scoped3A_396 : memref<!tpu.dma_semaphore, #tpu.memory_space<semaphore_mem>>) {add = true}
        %dma_wait3A_407 = arith.constant 0 : i32
        %dma_wait3A_408 = arith.constant 0 : i32
        %dma_wait3A_409 = tpu.memref_slice %arg9[%run_scoped3A_269, %dma_wait3A_407, %dma_wait3A_408] : memref<4x128x128xf32, #tpu.memory_space<vmem>> -> memref<1x128x128xf32, #tpu.memory_space<vmem>>
        %dma_wait3A_410 = tpu.memref_squeeze %dma_wait3A_409 : memref<1x128x128xf32, #tpu.memory_space<vmem>> -> memref<128x128xf32, #tpu.memory_space<vmem>>
        %dma_wait3A_411 = arith.constant 0 : i32
        %dma_wait3A_412 = tpu.memref_slice %arg8[%run_scoped3A_270, %add3A_268, %dma_wait3A_411] : memref<2x20x128xi32, #tpu.memory_space<vmem>> -> memref<1x1x128xi32, #tpu.memory_space<vmem>>
        %dma_wait3A_413 = tpu.memref_squeeze %dma_wait3A_412 : memref<1x1x128xi32, #tpu.memory_space<vmem>> -> memref<128xi32, #tpu.memory_space<vmem>>
        %dma_wait3A_414 = arith.constant 0 : i32
        %dma_wait3A_415 = arith.constant 0 : i32
        %dma_wait3A_416 = tpu.memref_slice %arg10[%dma_wait3A_414, %dma_wait3A_415] : memref<4096x128xf32, #tpu.memory_space<vmem_shared>> -> memref<4096x128xf32, #tpu.memory_space<vmem_shared>>
        tpu.wait_indirect_dma semaphore(%run_scoped3A_396 : memref<!tpu.dma_semaphore, #tpu.memory_space<semaphore_mem>>) src(%dma_wait3A_410 : memref<128x128xf32, #tpu.memory_space<vmem>>) dst(%dma_wait3A_416 : memref<4096x128xf32, #tpu.memory_space<vmem_shared>>)
        tpu.yield
      }) : () -> ()
      %add3A_271 = arith.constant 60 : i32
      %add3A_272 = arith.addi %add3A_271, %add3A_251 : i32
      %add3A_273 = arith.constant 4 : i32
      %add3A_274 = arith.addi %add3A_272, %add3A_273 : i32
      %add3A_275 = arith.constant 0 : i32
      %add3A_276 = arith.addi %add3A_274, %add3A_275 : i32
      %dma_start3A_277 = arith.constant 0 : i32
      %dma_start3A_278 = arith.constant 0 : i32
      %dma_start3A_279 = arith.constant 0 : i32
      %dma_start3A_280 = tpu.memref_slice %arg9[%dma_start3A_277, %dma_start3A_278, %dma_start3A_279] : memref<4x128x128xf32, #tpu.memory_space<vmem>> -> memref<1x128x128xf32, #tpu.memory_space<vmem>>
      %dma_start3A_281 = tpu.memref_squeeze %dma_start3A_280 : memref<1x128x128xf32, #tpu.memory_space<vmem>> -> memref<128x128xf32, #tpu.memory_space<vmem>>
      %dma_start3A_282 = arith.constant 0 : i32
      %dma_start3A_283 = tpu.memref_slice %arg7[%add3A_276, %dma_start3A_282] : memref<80x128xi32, #tpu.memory_space<vmem>> -> memref<1x128xi32, #tpu.memory_space<vmem>>
      %dma_start3A_284 = tpu.memref_squeeze %dma_start3A_283 : memref<1x128xi32, #tpu.memory_space<vmem>> -> memref<128xi32, #tpu.memory_space<vmem>>
      %dma_start3A_285 = arith.constant 0 : i32
      %dma_start3A_286 = arith.constant 0 : i32
      %dma_start3A_287 = tpu.memref_slice %arg3[%dma_start3A_285, %dma_start3A_286] : memref<100000x128xf32, #tpu.memory_space<hbm>> -> memref<100000x128xf32, #tpu.memory_space<hbm>>
      tpu.enqueue_indirect_dma source(%dma_start3A_287 : memref<100000x128xf32, #tpu.memory_space<hbm>>) target(%dma_start3A_281 : memref<128x128xf32, #tpu.memory_space<vmem>>) offsets(%dma_start3A_284 : memref<128xi32, #tpu.memory_space<vmem>>) semaphore(%arg11 : memref<!tpu.dma_semaphore, #tpu.memory_space<semaphore_mem>>)
      %dma_wait3A_288 = arith.constant 1 : i32
      %dma_wait3A_289 = arith.constant 0 : i32
      %dma_wait3A_290 = arith.constant 0 : i32
      %dma_wait3A_291 = tpu.memref_slice %arg9[%dma_wait3A_288, %dma_wait3A_289, %dma_wait3A_290] : memref<4x128x128xf32, #tpu.memory_space<vmem>> -> memref<1x128x128xf32, #tpu.memory_space<vmem>>
      %dma_wait3A_292 = tpu.memref_squeeze %dma_wait3A_291 : memref<1x128x128xf32, #tpu.memory_space<vmem>> -> memref<128x128xf32, #tpu.memory_space<vmem>>
      %dma_wait3A_293 = arith.constant 0 : i32
      %dma_wait3A_294 = arith.constant 0 : i32
      %dma_wait3A_295 = tpu.memref_slice %arg3[%dma_wait3A_293, %dma_wait3A_294] : memref<100000x128xf32, #tpu.memory_space<hbm>> -> memref<128x128xf32, #tpu.memory_space<hbm>>
      %dma_wait3A_296 = arith.constant 0 : i32
      %dma_wait3A_297 = arith.constant 0 : i32
      %dma_wait3A_298 = tpu.memref_slice %arg9[%dma_wait3A_288, %dma_wait3A_296, %dma_wait3A_297] : memref<4x128x128xf32, #tpu.memory_space<vmem>> -> memref<1x128x128xf32, #tpu.memory_space<vmem>>
      %dma_wait3A_299 = tpu.memref_squeeze %dma_wait3A_298 : memref<1x128x128xf32, #tpu.memory_space<vmem>> -> memref<128x128xf32, #tpu.memory_space<vmem>>
      %dma_wait3A_300 = arith.constant 0 : i32
      %dma_wait3A_301 = arith.constant 0 : i32
      %dma_wait3A_302 = tpu.memref_slice %arg3[%dma_wait3A_300, %dma_wait3A_301] : memref<100000x128xf32, #tpu.memory_space<hbm>> -> memref<128x128xf32, #tpu.memory_space<hbm>>
      tpu.wait_dma2 semaphore(%arg12 : memref<!tpu.dma_semaphore, #tpu.memory_space<semaphore_mem>>) src(%dma_wait3A_302 : memref<128x128xf32, #tpu.memory_space<hbm>>) dst(%dma_wait3A_299 : memref<128x128xf32, #tpu.memory_space<vmem>>)
      %add3A_303 = arith.constant 1 : i32
      %add3A_304 = arith.addi %add3A_251, %add3A_303 : i32
      %run_scoped3A_305 = arith.constant 1 : i32
      %run_scoped3A_306 = arith.constant 1 : i32
      "tpu.region"() ({
        %run_scoped3A_396 = tpu.sem_alloc : memref<!tpu.dma_semaphore, #tpu.memory_space<semaphore_mem>>
        %dma_start3A_397 = arith.constant 0 : i32
        %dma_start3A_398 = arith.constant 0 : i32
        %dma_start3A_399 = tpu.memref_slice %arg9[%run_scoped3A_305, %dma_start3A_397, %dma_start3A_398] : memref<4x128x128xf32, #tpu.memory_space<vmem>> -> memref<1x128x128xf32, #tpu.memory_space<vmem>>
        %dma_start3A_400 = tpu.memref_squeeze %dma_start3A_399 : memref<1x128x128xf32, #tpu.memory_space<vmem>> -> memref<128x128xf32, #tpu.memory_space<vmem>>
        %dma_start3A_401 = arith.constant 0 : i32
        %dma_start3A_402 = tpu.memref_slice %arg8[%run_scoped3A_306, %add3A_304, %dma_start3A_401] : memref<2x20x128xi32, #tpu.memory_space<vmem>> -> memref<1x1x128xi32, #tpu.memory_space<vmem>>
        %dma_start3A_403 = tpu.memref_squeeze %dma_start3A_402 : memref<1x1x128xi32, #tpu.memory_space<vmem>> -> memref<128xi32, #tpu.memory_space<vmem>>
        %dma_start3A_404 = arith.constant 0 : i32
        %dma_start3A_405 = arith.constant 0 : i32
        %dma_start3A_406 = tpu.memref_slice %arg10[%dma_start3A_404, %dma_start3A_405] : memref<4096x128xf32, #tpu.memory_space<vmem_shared>> -> memref<4096x128xf32, #tpu.memory_space<vmem_shared>>
        tpu.enqueue_indirect_dma source(%dma_start3A_400 : memref<128x128xf32, #tpu.memory_space<vmem>>) target(%dma_start3A_406 : memref<4096x128xf32, #tpu.memory_space<vmem_shared>>) offsets(%dma_start3A_403 : memref<128xi32, #tpu.memory_space<vmem>>) semaphore(%run_scoped3A_396 : memref<!tpu.dma_semaphore, #tpu.memory_space<semaphore_mem>>) {add = true}
        %dma_wait3A_407 = arith.constant 0 : i32
        %dma_wait3A_408 = arith.constant 0 : i32
        %dma_wait3A_409 = tpu.memref_slice %arg9[%run_scoped3A_305, %dma_wait3A_407, %dma_wait3A_408] : memref<4x128x128xf32, #tpu.memory_space<vmem>> -> memref<1x128x128xf32, #tpu.memory_space<vmem>>
        %dma_wait3A_410 = tpu.memref_squeeze %dma_wait3A_409 : memref<1x128x128xf32, #tpu.memory_space<vmem>> -> memref<128x128xf32, #tpu.memory_space<vmem>>
        %dma_wait3A_411 = arith.constant 0 : i32
        %dma_wait3A_412 = tpu.memref_slice %arg8[%run_scoped3A_306, %add3A_304, %dma_wait3A_411] : memref<2x20x128xi32, #tpu.memory_space<vmem>> -> memref<1x1x128xi32, #tpu.memory_space<vmem>>
        %dma_wait3A_413 = tpu.memref_squeeze %dma_wait3A_412 : memref<1x1x128xi32, #tpu.memory_space<vmem>> -> memref<128xi32, #tpu.memory_space<vmem>>
        %dma_wait3A_414 = arith.constant 0 : i32
        %dma_wait3A_415 = arith.constant 0 : i32
        %dma_wait3A_416 = tpu.memref_slice %arg10[%dma_wait3A_414, %dma_wait3A_415] : memref<4096x128xf32, #tpu.memory_space<vmem_shared>> -> memref<4096x128xf32, #tpu.memory_space<vmem_shared>>
        tpu.wait_indirect_dma semaphore(%run_scoped3A_396 : memref<!tpu.dma_semaphore, #tpu.memory_space<semaphore_mem>>) src(%dma_wait3A_410 : memref<128x128xf32, #tpu.memory_space<vmem>>) dst(%dma_wait3A_416 : memref<4096x128xf32, #tpu.memory_space<vmem_shared>>)
        tpu.yield
      }) : () -> ()
      %add3A_307 = arith.constant 60 : i32
      %add3A_308 = arith.addi %add3A_307, %add3A_251 : i32
      %add3A_309 = arith.constant 4 : i32
      %add3A_310 = arith.addi %add3A_308, %add3A_309 : i32
      %add3A_311 = arith.constant 1 : i32
      %add3A_312 = arith.addi %add3A_310, %add3A_311 : i32
      %dma_start3A_313 = arith.constant 1 : i32
      %dma_start3A_314 = arith.constant 0 : i32
      %dma_start3A_315 = arith.constant 0 : i32
      %dma_start3A_316 = tpu.memref_slice %arg9[%dma_start3A_313, %dma_start3A_314, %dma_start3A_315] : memref<4x128x128xf32, #tpu.memory_space<vmem>> -> memref<1x128x128xf32, #tpu.memory_space<vmem>>
      %dma_start3A_317 = tpu.memref_squeeze %dma_start3A_316 : memref<1x128x128xf32, #tpu.memory_space<vmem>> -> memref<128x128xf32, #tpu.memory_space<vmem>>
      %dma_start3A_318 = arith.constant 0 : i32
      %dma_start3A_319 = tpu.memref_slice %arg7[%add3A_312, %dma_start3A_318] : memref<80x128xi32, #tpu.memory_space<vmem>> -> memref<1x128xi32, #tpu.memory_space<vmem>>
      %dma_start3A_320 = tpu.memref_squeeze %dma_start3A_319 : memref<1x128xi32, #tpu.memory_space<vmem>> -> memref<128xi32, #tpu.memory_space<vmem>>
      %dma_start3A_321 = arith.constant 0 : i32
      %dma_start3A_322 = arith.constant 0 : i32
      %dma_start3A_323 = tpu.memref_slice %arg3[%dma_start3A_321, %dma_start3A_322] : memref<100000x128xf32, #tpu.memory_space<hbm>> -> memref<100000x128xf32, #tpu.memory_space<hbm>>
      tpu.enqueue_indirect_dma source(%dma_start3A_323 : memref<100000x128xf32, #tpu.memory_space<hbm>>) target(%dma_start3A_317 : memref<128x128xf32, #tpu.memory_space<vmem>>) offsets(%dma_start3A_320 : memref<128xi32, #tpu.memory_space<vmem>>) semaphore(%arg12 : memref<!tpu.dma_semaphore, #tpu.memory_space<semaphore_mem>>)
      %dma_wait3A_324 = arith.constant 2 : i32
      %dma_wait3A_325 = arith.constant 0 : i32
      %dma_wait3A_326 = arith.constant 0 : i32
      %dma_wait3A_327 = tpu.memref_slice %arg9[%dma_wait3A_324, %dma_wait3A_325, %dma_wait3A_326] : memref<4x128x128xf32, #tpu.memory_space<vmem>> -> memref<1x128x128xf32, #tpu.memory_space<vmem>>
      %dma_wait3A_328 = tpu.memref_squeeze %dma_wait3A_327 : memref<1x128x128xf32, #tpu.memory_space<vmem>> -> memref<128x128xf32, #tpu.memory_space<vmem>>
      %dma_wait3A_329 = arith.constant 0 : i32
      %dma_wait3A_330 = arith.constant 0 : i32
      %dma_wait3A_331 = tpu.memref_slice %arg3[%dma_wait3A_329, %dma_wait3A_330] : memref<100000x128xf32, #tpu.memory_space<hbm>> -> memref<128x128xf32, #tpu.memory_space<hbm>>
      %dma_wait3A_332 = arith.constant 0 : i32
      %dma_wait3A_333 = arith.constant 0 : i32
      %dma_wait3A_334 = tpu.memref_slice %arg9[%dma_wait3A_324, %dma_wait3A_332, %dma_wait3A_333] : memref<4x128x128xf32, #tpu.memory_space<vmem>> -> memref<1x128x128xf32, #tpu.memory_space<vmem>>
      %dma_wait3A_335 = tpu.memref_squeeze %dma_wait3A_334 : memref<1x128x128xf32, #tpu.memory_space<vmem>> -> memref<128x128xf32, #tpu.memory_space<vmem>>
      %dma_wait3A_336 = arith.constant 0 : i32
      %dma_wait3A_337 = arith.constant 0 : i32
      %dma_wait3A_338 = tpu.memref_slice %arg3[%dma_wait3A_336, %dma_wait3A_337] : memref<100000x128xf32, #tpu.memory_space<hbm>> -> memref<128x128xf32, #tpu.memory_space<hbm>>
      tpu.wait_dma2 semaphore(%arg13 : memref<!tpu.dma_semaphore, #tpu.memory_space<semaphore_mem>>) src(%dma_wait3A_338 : memref<128x128xf32, #tpu.memory_space<hbm>>) dst(%dma_wait3A_335 : memref<128x128xf32, #tpu.memory_space<vmem>>)
      %add3A_339 = arith.constant 2 : i32
      %add3A_340 = arith.addi %add3A_251, %add3A_339 : i32
      %run_scoped3A_341 = arith.constant 2 : i32
      %run_scoped3A_342 = arith.constant 1 : i32
      "tpu.region"() ({
        %run_scoped3A_396 = tpu.sem_alloc : memref<!tpu.dma_semaphore, #tpu.memory_space<semaphore_mem>>
        %dma_start3A_397 = arith.constant 0 : i32
        %dma_start3A_398 = arith.constant 0 : i32
        %dma_start3A_399 = tpu.memref_slice %arg9[%run_scoped3A_341, %dma_start3A_397, %dma_start3A_398] : memref<4x128x128xf32, #tpu.memory_space<vmem>> -> memref<1x128x128xf32, #tpu.memory_space<vmem>>
        %dma_start3A_400 = tpu.memref_squeeze %dma_start3A_399 : memref<1x128x128xf32, #tpu.memory_space<vmem>> -> memref<128x128xf32, #tpu.memory_space<vmem>>
        %dma_start3A_401 = arith.constant 0 : i32
        %dma_start3A_402 = tpu.memref_slice %arg8[%run_scoped3A_342, %add3A_340, %dma_start3A_401] : memref<2x20x128xi32, #tpu.memory_space<vmem>> -> memref<1x1x128xi32, #tpu.memory_space<vmem>>
        %dma_start3A_403 = tpu.memref_squeeze %dma_start3A_402 : memref<1x1x128xi32, #tpu.memory_space<vmem>> -> memref<128xi32, #tpu.memory_space<vmem>>
        %dma_start3A_404 = arith.constant 0 : i32
        %dma_start3A_405 = arith.constant 0 : i32
        %dma_start3A_406 = tpu.memref_slice %arg10[%dma_start3A_404, %dma_start3A_405] : memref<4096x128xf32, #tpu.memory_space<vmem_shared>> -> memref<4096x128xf32, #tpu.memory_space<vmem_shared>>
        tpu.enqueue_indirect_dma source(%dma_start3A_400 : memref<128x128xf32, #tpu.memory_space<vmem>>) target(%dma_start3A_406 : memref<4096x128xf32, #tpu.memory_space<vmem_shared>>) offsets(%dma_start3A_403 : memref<128xi32, #tpu.memory_space<vmem>>) semaphore(%run_scoped3A_396 : memref<!tpu.dma_semaphore, #tpu.memory_space<semaphore_mem>>) {add = true}
        %dma_wait3A_407 = arith.constant 0 : i32
        %dma_wait3A_408 = arith.constant 0 : i32
        %dma_wait3A_409 = tpu.memref_slice %arg9[%run_scoped3A_341, %dma_wait3A_407, %dma_wait3A_408] : memref<4x128x128xf32, #tpu.memory_space<vmem>> -> memref<1x128x128xf32, #tpu.memory_space<vmem>>
        %dma_wait3A_410 = tpu.memref_squeeze %dma_wait3A_409 : memref<1x128x128xf32, #tpu.memory_space<vmem>> -> memref<128x128xf32, #tpu.memory_space<vmem>>
        %dma_wait3A_411 = arith.constant 0 : i32
        %dma_wait3A_412 = tpu.memref_slice %arg8[%run_scoped3A_342, %add3A_340, %dma_wait3A_411] : memref<2x20x128xi32, #tpu.memory_space<vmem>> -> memref<1x1x128xi32, #tpu.memory_space<vmem>>
        %dma_wait3A_413 = tpu.memref_squeeze %dma_wait3A_412 : memref<1x1x128xi32, #tpu.memory_space<vmem>> -> memref<128xi32, #tpu.memory_space<vmem>>
        %dma_wait3A_414 = arith.constant 0 : i32
        %dma_wait3A_415 = arith.constant 0 : i32
        %dma_wait3A_416 = tpu.memref_slice %arg10[%dma_wait3A_414, %dma_wait3A_415] : memref<4096x128xf32, #tpu.memory_space<vmem_shared>> -> memref<4096x128xf32, #tpu.memory_space<vmem_shared>>
        tpu.wait_indirect_dma semaphore(%run_scoped3A_396 : memref<!tpu.dma_semaphore, #tpu.memory_space<semaphore_mem>>) src(%dma_wait3A_410 : memref<128x128xf32, #tpu.memory_space<vmem>>) dst(%dma_wait3A_416 : memref<4096x128xf32, #tpu.memory_space<vmem_shared>>)
        tpu.yield
      }) : () -> ()
      %add3A_343 = arith.constant 60 : i32
      %add3A_344 = arith.addi %add3A_343, %add3A_251 : i32
      %add3A_345 = arith.constant 4 : i32
      %add3A_346 = arith.addi %add3A_344, %add3A_345 : i32
      %add3A_347 = arith.constant 2 : i32
      %add3A_348 = arith.addi %add3A_346, %add3A_347 : i32
      %dma_start3A_349 = arith.constant 2 : i32
      %dma_start3A_350 = arith.constant 0 : i32
      %dma_start3A_351 = arith.constant 0 : i32
      %dma_start3A_352 = tpu.memref_slice %arg9[%dma_start3A_349, %dma_start3A_350, %dma_start3A_351] : memref<4x128x128xf32, #tpu.memory_space<vmem>> -> memref<1x128x128xf32, #tpu.memory_space<vmem>>
      %dma_start3A_353 = tpu.memref_squeeze %dma_start3A_352 : memref<1x128x128xf32, #tpu.memory_space<vmem>> -> memref<128x128xf32, #tpu.memory_space<vmem>>
      %dma_start3A_354 = arith.constant 0 : i32
      %dma_start3A_355 = tpu.memref_slice %arg7[%add3A_348, %dma_start3A_354] : memref<80x128xi32, #tpu.memory_space<vmem>> -> memref<1x128xi32, #tpu.memory_space<vmem>>
      %dma_start3A_356 = tpu.memref_squeeze %dma_start3A_355 : memref<1x128xi32, #tpu.memory_space<vmem>> -> memref<128xi32, #tpu.memory_space<vmem>>
      %dma_start3A_357 = arith.constant 0 : i32
      %dma_start3A_358 = arith.constant 0 : i32
      %dma_start3A_359 = tpu.memref_slice %arg3[%dma_start3A_357, %dma_start3A_358] : memref<100000x128xf32, #tpu.memory_space<hbm>> -> memref<100000x128xf32, #tpu.memory_space<hbm>>
      tpu.enqueue_indirect_dma source(%dma_start3A_359 : memref<100000x128xf32, #tpu.memory_space<hbm>>) target(%dma_start3A_353 : memref<128x128xf32, #tpu.memory_space<vmem>>) offsets(%dma_start3A_356 : memref<128xi32, #tpu.memory_space<vmem>>) semaphore(%arg13 : memref<!tpu.dma_semaphore, #tpu.memory_space<semaphore_mem>>)
      %dma_wait3A_360 = arith.constant 3 : i32
      %dma_wait3A_361 = arith.constant 0 : i32
      %dma_wait3A_362 = arith.constant 0 : i32
      %dma_wait3A_363 = tpu.memref_slice %arg9[%dma_wait3A_360, %dma_wait3A_361, %dma_wait3A_362] : memref<4x128x128xf32, #tpu.memory_space<vmem>> -> memref<1x128x128xf32, #tpu.memory_space<vmem>>
      %dma_wait3A_364 = tpu.memref_squeeze %dma_wait3A_363 : memref<1x128x128xf32, #tpu.memory_space<vmem>> -> memref<128x128xf32, #tpu.memory_space<vmem>>
      %dma_wait3A_365 = arith.constant 0 : i32
      %dma_wait3A_366 = arith.constant 0 : i32
      %dma_wait3A_367 = tpu.memref_slice %arg3[%dma_wait3A_365, %dma_wait3A_366] : memref<100000x128xf32, #tpu.memory_space<hbm>> -> memref<128x128xf32, #tpu.memory_space<hbm>>
      %dma_wait3A_368 = arith.constant 0 : i32
      %dma_wait3A_369 = arith.constant 0 : i32
      %dma_wait3A_370 = tpu.memref_slice %arg9[%dma_wait3A_360, %dma_wait3A_368, %dma_wait3A_369] : memref<4x128x128xf32, #tpu.memory_space<vmem>> -> memref<1x128x128xf32, #tpu.memory_space<vmem>>
      %dma_wait3A_371 = tpu.memref_squeeze %dma_wait3A_370 : memref<1x128x128xf32, #tpu.memory_space<vmem>> -> memref<128x128xf32, #tpu.memory_space<vmem>>
      %dma_wait3A_372 = arith.constant 0 : i32
      %dma_wait3A_373 = arith.constant 0 : i32
      %dma_wait3A_374 = tpu.memref_slice %arg3[%dma_wait3A_372, %dma_wait3A_373] : memref<100000x128xf32, #tpu.memory_space<hbm>> -> memref<128x128xf32, #tpu.memory_space<hbm>>
      tpu.wait_dma2 semaphore(%arg14 : memref<!tpu.dma_semaphore, #tpu.memory_space<semaphore_mem>>) src(%dma_wait3A_374 : memref<128x128xf32, #tpu.memory_space<hbm>>) dst(%dma_wait3A_371 : memref<128x128xf32, #tpu.memory_space<vmem>>)
      %add3A_375 = arith.constant 3 : i32
      %add3A_376 = arith.addi %add3A_251, %add3A_375 : i32
      %run_scoped3A_377 = arith.constant 3 : i32
      %run_scoped3A_378 = arith.constant 1 : i32
      "tpu.region"() ({
        %run_scoped3A_396 = tpu.sem_alloc : memref<!tpu.dma_semaphore, #tpu.memory_space<semaphore_mem>>
        %dma_start3A_397 = arith.constant 0 : i32
        %dma_start3A_398 = arith.constant 0 : i32
        %dma_start3A_399 = tpu.memref_slice %arg9[%run_scoped3A_377, %dma_start3A_397, %dma_start3A_398] : memref<4x128x128xf32, #tpu.memory_space<vmem>> -> memref<1x128x128xf32, #tpu.memory_space<vmem>>
        %dma_start3A_400 = tpu.memref_squeeze %dma_start3A_399 : memref<1x128x128xf32, #tpu.memory_space<vmem>> -> memref<128x128xf32, #tpu.memory_space<vmem>>
        %dma_start3A_401 = arith.constant 0 : i32
        %dma_start3A_402 = tpu.memref_slice %arg8[%run_scoped3A_378, %add3A_376, %dma_start3A_401] : memref<2x20x128xi32, #tpu.memory_space<vmem>> -> memref<1x1x128xi32, #tpu.memory_space<vmem>>
        %dma_start3A_403 = tpu.memref_squeeze %dma_start3A_402 : memref<1x1x128xi32, #tpu.memory_space<vmem>> -> memref<128xi32, #tpu.memory_space<vmem>>
        %dma_start3A_404 = arith.constant 0 : i32
        %dma_start3A_405 = arith.constant 0 : i32
        %dma_start3A_406 = tpu.memref_slice %arg10[%dma_start3A_404, %dma_start3A_405] : memref<4096x128xf32, #tpu.memory_space<vmem_shared>> -> memref<4096x128xf32, #tpu.memory_space<vmem_shared>>
        tpu.enqueue_indirect_dma source(%dma_start3A_400 : memref<128x128xf32, #tpu.memory_space<vmem>>) target(%dma_start3A_406 : memref<4096x128xf32, #tpu.memory_space<vmem_shared>>) offsets(%dma_start3A_403 : memref<128xi32, #tpu.memory_space<vmem>>) semaphore(%run_scoped3A_396 : memref<!tpu.dma_semaphore, #tpu.memory_space<semaphore_mem>>) {add = true}
        %dma_wait3A_407 = arith.constant 0 : i32
        %dma_wait3A_408 = arith.constant 0 : i32
        %dma_wait3A_409 = tpu.memref_slice %arg9[%run_scoped3A_377, %dma_wait3A_407, %dma_wait3A_408] : memref<4x128x128xf32, #tpu.memory_space<vmem>> -> memref<1x128x128xf32, #tpu.memory_space<vmem>>
        %dma_wait3A_410 = tpu.memref_squeeze %dma_wait3A_409 : memref<1x128x128xf32, #tpu.memory_space<vmem>> -> memref<128x128xf32, #tpu.memory_space<vmem>>
        %dma_wait3A_411 = arith.constant 0 : i32
        %dma_wait3A_412 = tpu.memref_slice %arg8[%run_scoped3A_378, %add3A_376, %dma_wait3A_411] : memref<2x20x128xi32, #tpu.memory_space<vmem>> -> memref<1x1x128xi32, #tpu.memory_space<vmem>>
        %dma_wait3A_413 = tpu.memref_squeeze %dma_wait3A_412 : memref<1x1x128xi32, #tpu.memory_space<vmem>> -> memref<128xi32, #tpu.memory_space<vmem>>
        %dma_wait3A_414 = arith.constant 0 : i32
        %dma_wait3A_415 = arith.constant 0 : i32
        %dma_wait3A_416 = tpu.memref_slice %arg10[%dma_wait3A_414, %dma_wait3A_415] : memref<4096x128xf32, #tpu.memory_space<vmem_shared>> -> memref<4096x128xf32, #tpu.memory_space<vmem_shared>>
        tpu.wait_indirect_dma semaphore(%run_scoped3A_396 : memref<!tpu.dma_semaphore, #tpu.memory_space<semaphore_mem>>) src(%dma_wait3A_410 : memref<128x128xf32, #tpu.memory_space<vmem>>) dst(%dma_wait3A_416 : memref<4096x128xf32, #tpu.memory_space<vmem_shared>>)
        tpu.yield
      }) : () -> ()
      %add3A_379 = arith.constant 60 : i32
      %add3A_380 = arith.addi %add3A_379, %add3A_251 : i32
      %add3A_381 = arith.constant 4 : i32
      %add3A_382 = arith.addi %add3A_380, %add3A_381 : i32
      %add3A_383 = arith.constant 3 : i32
      %add3A_384 = arith.addi %add3A_382, %add3A_383 : i32
      %dma_start3A_385 = arith.constant 3 : i32
      %dma_start3A_386 = arith.constant 0 : i32
      %dma_start3A_387 = arith.constant 0 : i32
      %dma_start3A_388 = tpu.memref_slice %arg9[%dma_start3A_385, %dma_start3A_386, %dma_start3A_387] : memref<4x128x128xf32, #tpu.memory_space<vmem>> -> memref<1x128x128xf32, #tpu.memory_space<vmem>>
      %dma_start3A_389 = tpu.memref_squeeze %dma_start3A_388 : memref<1x128x128xf32, #tpu.memory_space<vmem>> -> memref<128x128xf32, #tpu.memory_space<vmem>>
      %dma_start3A_390 = arith.constant 0 : i32
      %dma_start3A_391 = tpu.memref_slice %arg7[%add3A_384, %dma_start3A_390] : memref<80x128xi32, #tpu.memory_space<vmem>> -> memref<1x128xi32, #tpu.memory_space<vmem>>
      %dma_start3A_392 = tpu.memref_squeeze %dma_start3A_391 : memref<1x128xi32, #tpu.memory_space<vmem>> -> memref<128xi32, #tpu.memory_space<vmem>>
      %dma_start3A_393 = arith.constant 0 : i32
      %dma_start3A_394 = arith.constant 0 : i32
      %dma_start3A_395 = tpu.memref_slice %arg3[%dma_start3A_393, %dma_start3A_394] : memref<100000x128xf32, #tpu.memory_space<hbm>> -> memref<100000x128xf32, #tpu.memory_space<hbm>>
      tpu.enqueue_indirect_dma source(%dma_start3A_395 : memref<100000x128xf32, #tpu.memory_space<hbm>>) target(%dma_start3A_389 : memref<128x128xf32, #tpu.memory_space<vmem>>) offsets(%dma_start3A_392 : memref<128xi32, #tpu.memory_space<vmem>>) semaphore(%arg14 : memref<!tpu.dma_semaphore, #tpu.memory_space<semaphore_mem>>)
    }
    %scan3A_142 = arith.constant 2 : i32
    %add3A_143 = arith.constant 0 : i32
    %add3A_144 = arith.addi %mul3A_2, %add3A_143 : i32
    %mul3A_145 = arith.constant 512 : i32
    %mul3A_146 = arith.muli %add3A, %mul3A_145 : i32
    %add3A_147 = arith.constant 256 : i32
    %add3A_148 = arith.addi %mul3A_146, %add3A_147 : i32
    %dma_start3A_149 = arith.constant 0 : i32
    %dma_start3A_150 = tpu.memref_slice %arg6[%add3A_148, %dma_start3A_149] : memref<16384x128xf32, #tpu.memory_space<hbm>> -> memref<128x128xf32, #tpu.memory_space<hbm>>
    %dma_start3A_151 = arith.constant 0 : i32
    %dma_start3A_152 = tpu.memref_slice %arg10[%add3A_144, %dma_start3A_151] : memref<4096x128xf32, #tpu.memory_space<vmem_shared>> -> memref<128x128xf32, #tpu.memory_space<vmem_shared>>
    tpu.enqueue_dma source(%dma_start3A_152 : memref<128x128xf32, #tpu.memory_space<vmem_shared>>) target(%dma_start3A_150 : memref<128x128xf32, #tpu.memory_space<hbm>>) target_semaphore(%arg15 : memref<!tpu.dma_semaphore, #tpu.memory_space<semaphore_mem>>)
    %scan3A_153 = arith.constant 0 : i32
    %scan3A_154 = arith.constant 2 : i32
    %scan3A_155 = arith.addi %scan3A_153, %scan3A_154 : i32
    %scan3A_156 = arith.constant 1 : i32
    scf.for %scan3A_247 = %scan3A_153 to %scan3A_155 step %scan3A_156  : i32 {
      %mul3A_248 = arith.constant 4 : i32
      %mul3A_249 = arith.muli %scan3A_247, %mul3A_248 : i32
      %add3A_250 = arith.constant 8 : i32
      %add3A_251 = arith.addi %add3A_250, %mul3A_249 : i32
      %dma_wait3A_252 = arith.constant 0 : i32
      %dma_wait3A_253 = arith.constant 0 : i32
      %dma_wait3A_254 = arith.constant 0 : i32
      %dma_wait3A_255 = tpu.memref_slice %arg9[%dma_wait3A_252, %dma_wait3A_253, %dma_wait3A_254] : memref<4x128x128xf32, #tpu.memory_space<vmem>> -> memref<1x128x128xf32, #tpu.memory_space<vmem>>
      %dma_wait3A_256 = tpu.memref_squeeze %dma_wait3A_255 : memref<1x128x128xf32, #tpu.memory_space<vmem>> -> memref<128x128xf32, #tpu.memory_space<vmem>>
      %dma_wait3A_257 = arith.constant 0 : i32
      %dma_wait3A_258 = arith.constant 0 : i32
      %dma_wait3A_259 = tpu.memref_slice %arg3[%dma_wait3A_257, %dma_wait3A_258] : memref<100000x128xf32, #tpu.memory_space<hbm>> -> memref<128x128xf32, #tpu.memory_space<hbm>>
      %dma_wait3A_260 = arith.constant 0 : i32
      %dma_wait3A_261 = arith.constant 0 : i32
      %dma_wait3A_262 = tpu.memref_slice %arg9[%dma_wait3A_252, %dma_wait3A_260, %dma_wait3A_261] : memref<4x128x128xf32, #tpu.memory_space<vmem>> -> memref<1x128x128xf32, #tpu.memory_space<vmem>>
      %dma_wait3A_263 = tpu.memref_squeeze %dma_wait3A_262 : memref<1x128x128xf32, #tpu.memory_space<vmem>> -> memref<128x128xf32, #tpu.memory_space<vmem>>
      %dma_wait3A_264 = arith.constant 0 : i32
      %dma_wait3A_265 = arith.constant 0 : i32
      %dma_wait3A_266 = tpu.memref_slice %arg3[%dma_wait3A_264, %dma_wait3A_265] : memref<100000x128xf32, #tpu.memory_space<hbm>> -> memref<128x128xf32, #tpu.memory_space<hbm>>
      tpu.wait_dma2 semaphore(%arg11 : memref<!tpu.dma_semaphore, #tpu.memory_space<semaphore_mem>>) src(%dma_wait3A_266 : memref<128x128xf32, #tpu.memory_space<hbm>>) dst(%dma_wait3A_263 : memref<128x128xf32, #tpu.memory_space<vmem>>)
      %add3A_267 = arith.constant 0 : i32
      %add3A_268 = arith.addi %add3A_251, %add3A_267 : i32
      %run_scoped3A_269 = arith.constant 0 : i32
      %run_scoped3A_270 = arith.constant 1 : i32
      "tpu.region"() ({
        %run_scoped3A_396 = tpu.sem_alloc : memref<!tpu.dma_semaphore, #tpu.memory_space<semaphore_mem>>
        %dma_start3A_397 = arith.constant 0 : i32
        %dma_start3A_398 = arith.constant 0 : i32
        %dma_start3A_399 = tpu.memref_slice %arg9[%run_scoped3A_269, %dma_start3A_397, %dma_start3A_398] : memref<4x128x128xf32, #tpu.memory_space<vmem>> -> memref<1x128x128xf32, #tpu.memory_space<vmem>>
        %dma_start3A_400 = tpu.memref_squeeze %dma_start3A_399 : memref<1x128x128xf32, #tpu.memory_space<vmem>> -> memref<128x128xf32, #tpu.memory_space<vmem>>
        %dma_start3A_401 = arith.constant 0 : i32
        %dma_start3A_402 = tpu.memref_slice %arg8[%run_scoped3A_270, %add3A_268, %dma_start3A_401] : memref<2x20x128xi32, #tpu.memory_space<vmem>> -> memref<1x1x128xi32, #tpu.memory_space<vmem>>
        %dma_start3A_403 = tpu.memref_squeeze %dma_start3A_402 : memref<1x1x128xi32, #tpu.memory_space<vmem>> -> memref<128xi32, #tpu.memory_space<vmem>>
        %dma_start3A_404 = arith.constant 0 : i32
        %dma_start3A_405 = arith.constant 0 : i32
        %dma_start3A_406 = tpu.memref_slice %arg10[%dma_start3A_404, %dma_start3A_405] : memref<4096x128xf32, #tpu.memory_space<vmem_shared>> -> memref<4096x128xf32, #tpu.memory_space<vmem_shared>>
        tpu.enqueue_indirect_dma source(%dma_start3A_400 : memref<128x128xf32, #tpu.memory_space<vmem>>) target(%dma_start3A_406 : memref<4096x128xf32, #tpu.memory_space<vmem_shared>>) offsets(%dma_start3A_403 : memref<128xi32, #tpu.memory_space<vmem>>) semaphore(%run_scoped3A_396 : memref<!tpu.dma_semaphore, #tpu.memory_space<semaphore_mem>>) {add = true}
        %dma_wait3A_407 = arith.constant 0 : i32
        %dma_wait3A_408 = arith.constant 0 : i32
        %dma_wait3A_409 = tpu.memref_slice %arg9[%run_scoped3A_269, %dma_wait3A_407, %dma_wait3A_408] : memref<4x128x128xf32, #tpu.memory_space<vmem>> -> memref<1x128x128xf32, #tpu.memory_space<vmem>>
        %dma_wait3A_410 = tpu.memref_squeeze %dma_wait3A_409 : memref<1x128x128xf32, #tpu.memory_space<vmem>> -> memref<128x128xf32, #tpu.memory_space<vmem>>
        %dma_wait3A_411 = arith.constant 0 : i32
        %dma_wait3A_412 = tpu.memref_slice %arg8[%run_scoped3A_270, %add3A_268, %dma_wait3A_411] : memref<2x20x128xi32, #tpu.memory_space<vmem>> -> memref<1x1x128xi32, #tpu.memory_space<vmem>>
        %dma_wait3A_413 = tpu.memref_squeeze %dma_wait3A_412 : memref<1x1x128xi32, #tpu.memory_space<vmem>> -> memref<128xi32, #tpu.memory_space<vmem>>
        %dma_wait3A_414 = arith.constant 0 : i32
        %dma_wait3A_415 = arith.constant 0 : i32
        %dma_wait3A_416 = tpu.memref_slice %arg10[%dma_wait3A_414, %dma_wait3A_415] : memref<4096x128xf32, #tpu.memory_space<vmem_shared>> -> memref<4096x128xf32, #tpu.memory_space<vmem_shared>>
        tpu.wait_indirect_dma semaphore(%run_scoped3A_396 : memref<!tpu.dma_semaphore, #tpu.memory_space<semaphore_mem>>) src(%dma_wait3A_410 : memref<128x128xf32, #tpu.memory_space<vmem>>) dst(%dma_wait3A_416 : memref<4096x128xf32, #tpu.memory_space<vmem_shared>>)
        tpu.yield
      }) : () -> ()
      %add3A_271 = arith.constant 60 : i32
      %add3A_272 = arith.addi %add3A_271, %add3A_251 : i32
      %add3A_273 = arith.constant 4 : i32
      %add3A_274 = arith.addi %add3A_272, %add3A_273 : i32
      %add3A_275 = arith.constant 0 : i32
      %add3A_276 = arith.addi %add3A_274, %add3A_275 : i32
      %dma_start3A_277 = arith.constant 0 : i32
      %dma_start3A_278 = arith.constant 0 : i32
      %dma_start3A_279 = arith.constant 0 : i32
      %dma_start3A_280 = tpu.memref_slice %arg9[%dma_start3A_277, %dma_start3A_278, %dma_start3A_279] : memref<4x128x128xf32, #tpu.memory_space<vmem>> -> memref<1x128x128xf32, #tpu.memory_space<vmem>>
      %dma_start3A_281 = tpu.memref_squeeze %dma_start3A_280 : memref<1x128x128xf32, #tpu.memory_space<vmem>> -> memref<128x128xf32, #tpu.memory_space<vmem>>
      %dma_start3A_282 = arith.constant 0 : i32
      %dma_start3A_283 = tpu.memref_slice %arg7[%add3A_276, %dma_start3A_282] : memref<80x128xi32, #tpu.memory_space<vmem>> -> memref<1x128xi32, #tpu.memory_space<vmem>>
      %dma_start3A_284 = tpu.memref_squeeze %dma_start3A_283 : memref<1x128xi32, #tpu.memory_space<vmem>> -> memref<128xi32, #tpu.memory_space<vmem>>
      %dma_start3A_285 = arith.constant 0 : i32
      %dma_start3A_286 = arith.constant 0 : i32
      %dma_start3A_287 = tpu.memref_slice %arg3[%dma_start3A_285, %dma_start3A_286] : memref<100000x128xf32, #tpu.memory_space<hbm>> -> memref<100000x128xf32, #tpu.memory_space<hbm>>
      tpu.enqueue_indirect_dma source(%dma_start3A_287 : memref<100000x128xf32, #tpu.memory_space<hbm>>) target(%dma_start3A_281 : memref<128x128xf32, #tpu.memory_space<vmem>>) offsets(%dma_start3A_284 : memref<128xi32, #tpu.memory_space<vmem>>) semaphore(%arg11 : memref<!tpu.dma_semaphore, #tpu.memory_space<semaphore_mem>>)
      %dma_wait3A_288 = arith.constant 1 : i32
      %dma_wait3A_289 = arith.constant 0 : i32
      %dma_wait3A_290 = arith.constant 0 : i32
      %dma_wait3A_291 = tpu.memref_slice %arg9[%dma_wait3A_288, %dma_wait3A_289, %dma_wait3A_290] : memref<4x128x128xf32, #tpu.memory_space<vmem>> -> memref<1x128x128xf32, #tpu.memory_space<vmem>>
      %dma_wait3A_292 = tpu.memref_squeeze %dma_wait3A_291 : memref<1x128x128xf32, #tpu.memory_space<vmem>> -> memref<128x128xf32, #tpu.memory_space<vmem>>
      %dma_wait3A_293 = arith.constant 0 : i32
      %dma_wait3A_294 = arith.constant 0 : i32
      %dma_wait3A_295 = tpu.memref_slice %arg3[%dma_wait3A_293, %dma_wait3A_294] : memref<100000x128xf32, #tpu.memory_space<hbm>> -> memref<128x128xf32, #tpu.memory_space<hbm>>
      %dma_wait3A_296 = arith.constant 0 : i32
      %dma_wait3A_297 = arith.constant 0 : i32
      %dma_wait3A_298 = tpu.memref_slice %arg9[%dma_wait3A_288, %dma_wait3A_296, %dma_wait3A_297] : memref<4x128x128xf32, #tpu.memory_space<vmem>> -> memref<1x128x128xf32, #tpu.memory_space<vmem>>
      %dma_wait3A_299 = tpu.memref_squeeze %dma_wait3A_298 : memref<1x128x128xf32, #tpu.memory_space<vmem>> -> memref<128x128xf32, #tpu.memory_space<vmem>>
      %dma_wait3A_300 = arith.constant 0 : i32
      %dma_wait3A_301 = arith.constant 0 : i32
      %dma_wait3A_302 = tpu.memref_slice %arg3[%dma_wait3A_300, %dma_wait3A_301] : memref<100000x128xf32, #tpu.memory_space<hbm>> -> memref<128x128xf32, #tpu.memory_space<hbm>>
      tpu.wait_dma2 semaphore(%arg12 : memref<!tpu.dma_semaphore, #tpu.memory_space<semaphore_mem>>) src(%dma_wait3A_302 : memref<128x128xf32, #tpu.memory_space<hbm>>) dst(%dma_wait3A_299 : memref<128x128xf32, #tpu.memory_space<vmem>>)
      %add3A_303 = arith.constant 1 : i32
      %add3A_304 = arith.addi %add3A_251, %add3A_303 : i32
      %run_scoped3A_305 = arith.constant 1 : i32
      %run_scoped3A_306 = arith.constant 1 : i32
      "tpu.region"() ({
        %run_scoped3A_396 = tpu.sem_alloc : memref<!tpu.dma_semaphore, #tpu.memory_space<semaphore_mem>>
        %dma_start3A_397 = arith.constant 0 : i32
        %dma_start3A_398 = arith.constant 0 : i32
        %dma_start3A_399 = tpu.memref_slice %arg9[%run_scoped3A_305, %dma_start3A_397, %dma_start3A_398] : memref<4x128x128xf32, #tpu.memory_space<vmem>> -> memref<1x128x128xf32, #tpu.memory_space<vmem>>
        %dma_start3A_400 = tpu.memref_squeeze %dma_start3A_399 : memref<1x128x128xf32, #tpu.memory_space<vmem>> -> memref<128x128xf32, #tpu.memory_space<vmem>>
        %dma_start3A_401 = arith.constant 0 : i32
        %dma_start3A_402 = tpu.memref_slice %arg8[%run_scoped3A_306, %add3A_304, %dma_start3A_401] : memref<2x20x128xi32, #tpu.memory_space<vmem>> -> memref<1x1x128xi32, #tpu.memory_space<vmem>>
        %dma_start3A_403 = tpu.memref_squeeze %dma_start3A_402 : memref<1x1x128xi32, #tpu.memory_space<vmem>> -> memref<128xi32, #tpu.memory_space<vmem>>
        %dma_start3A_404 = arith.constant 0 : i32
        %dma_start3A_405 = arith.constant 0 : i32
        %dma_start3A_406 = tpu.memref_slice %arg10[%dma_start3A_404, %dma_start3A_405] : memref<4096x128xf32, #tpu.memory_space<vmem_shared>> -> memref<4096x128xf32, #tpu.memory_space<vmem_shared>>
        tpu.enqueue_indirect_dma source(%dma_start3A_400 : memref<128x128xf32, #tpu.memory_space<vmem>>) target(%dma_start3A_406 : memref<4096x128xf32, #tpu.memory_space<vmem_shared>>) offsets(%dma_start3A_403 : memref<128xi32, #tpu.memory_space<vmem>>) semaphore(%run_scoped3A_396 : memref<!tpu.dma_semaphore, #tpu.memory_space<semaphore_mem>>) {add = true}
        %dma_wait3A_407 = arith.constant 0 : i32
        %dma_wait3A_408 = arith.constant 0 : i32
        %dma_wait3A_409 = tpu.memref_slice %arg9[%run_scoped3A_305, %dma_wait3A_407, %dma_wait3A_408] : memref<4x128x128xf32, #tpu.memory_space<vmem>> -> memref<1x128x128xf32, #tpu.memory_space<vmem>>
        %dma_wait3A_410 = tpu.memref_squeeze %dma_wait3A_409 : memref<1x128x128xf32, #tpu.memory_space<vmem>> -> memref<128x128xf32, #tpu.memory_space<vmem>>
        %dma_wait3A_411 = arith.constant 0 : i32
        %dma_wait3A_412 = tpu.memref_slice %arg8[%run_scoped3A_306, %add3A_304, %dma_wait3A_411] : memref<2x20x128xi32, #tpu.memory_space<vmem>> -> memref<1x1x128xi32, #tpu.memory_space<vmem>>
        %dma_wait3A_413 = tpu.memref_squeeze %dma_wait3A_412 : memref<1x1x128xi32, #tpu.memory_space<vmem>> -> memref<128xi32, #tpu.memory_space<vmem>>
        %dma_wait3A_414 = arith.constant 0 : i32
        %dma_wait3A_415 = arith.constant 0 : i32
        %dma_wait3A_416 = tpu.memref_slice %arg10[%dma_wait3A_414, %dma_wait3A_415] : memref<4096x128xf32, #tpu.memory_space<vmem_shared>> -> memref<4096x128xf32, #tpu.memory_space<vmem_shared>>
        tpu.wait_indirect_dma semaphore(%run_scoped3A_396 : memref<!tpu.dma_semaphore, #tpu.memory_space<semaphore_mem>>) src(%dma_wait3A_410 : memref<128x128xf32, #tpu.memory_space<vmem>>) dst(%dma_wait3A_416 : memref<4096x128xf32, #tpu.memory_space<vmem_shared>>)
        tpu.yield
      }) : () -> ()
      %add3A_307 = arith.constant 60 : i32
      %add3A_308 = arith.addi %add3A_307, %add3A_251 : i32
      %add3A_309 = arith.constant 4 : i32
      %add3A_310 = arith.addi %add3A_308, %add3A_309 : i32
      %add3A_311 = arith.constant 1 : i32
      %add3A_312 = arith.addi %add3A_310, %add3A_311 : i32
      %dma_start3A_313 = arith.constant 1 : i32
      %dma_start3A_314 = arith.constant 0 : i32
      %dma_start3A_315 = arith.constant 0 : i32
      %dma_start3A_316 = tpu.memref_slice %arg9[%dma_start3A_313, %dma_start3A_314, %dma_start3A_315] : memref<4x128x128xf32, #tpu.memory_space<vmem>> -> memref<1x128x128xf32, #tpu.memory_space<vmem>>
      %dma_start3A_317 = tpu.memref_squeeze %dma_start3A_316 : memref<1x128x128xf32, #tpu.memory_space<vmem>> -> memref<128x128xf32, #tpu.memory_space<vmem>>
      %dma_start3A_318 = arith.constant 0 : i32
      %dma_start3A_319 = tpu.memref_slice %arg7[%add3A_312, %dma_start3A_318] : memref<80x128xi32, #tpu.memory_space<vmem>> -> memref<1x128xi32, #tpu.memory_space<vmem>>
      %dma_start3A_320 = tpu.memref_squeeze %dma_start3A_319 : memref<1x128xi32, #tpu.memory_space<vmem>> -> memref<128xi32, #tpu.memory_space<vmem>>
      %dma_start3A_321 = arith.constant 0 : i32
      %dma_start3A_322 = arith.constant 0 : i32
      %dma_start3A_323 = tpu.memref_slice %arg3[%dma_start3A_321, %dma_start3A_322] : memref<100000x128xf32, #tpu.memory_space<hbm>> -> memref<100000x128xf32, #tpu.memory_space<hbm>>
      tpu.enqueue_indirect_dma source(%dma_start3A_323 : memref<100000x128xf32, #tpu.memory_space<hbm>>) target(%dma_start3A_317 : memref<128x128xf32, #tpu.memory_space<vmem>>) offsets(%dma_start3A_320 : memref<128xi32, #tpu.memory_space<vmem>>) semaphore(%arg12 : memref<!tpu.dma_semaphore, #tpu.memory_space<semaphore_mem>>)
      %dma_wait3A_324 = arith.constant 2 : i32
      %dma_wait3A_325 = arith.constant 0 : i32
      %dma_wait3A_326 = arith.constant 0 : i32
      %dma_wait3A_327 = tpu.memref_slice %arg9[%dma_wait3A_324, %dma_wait3A_325, %dma_wait3A_326] : memref<4x128x128xf32, #tpu.memory_space<vmem>> -> memref<1x128x128xf32, #tpu.memory_space<vmem>>
      %dma_wait3A_328 = tpu.memref_squeeze %dma_wait3A_327 : memref<1x128x128xf32, #tpu.memory_space<vmem>> -> memref<128x128xf32, #tpu.memory_space<vmem>>
      %dma_wait3A_329 = arith.constant 0 : i32
      %dma_wait3A_330 = arith.constant 0 : i32
      %dma_wait3A_331 = tpu.memref_slice %arg3[%dma_wait3A_329, %dma_wait3A_330] : memref<100000x128xf32, #tpu.memory_space<hbm>> -> memref<128x128xf32, #tpu.memory_space<hbm>>
      %dma_wait3A_332 = arith.constant 0 : i32
      %dma_wait3A_333 = arith.constant 0 : i32
      %dma_wait3A_334 = tpu.memref_slice %arg9[%dma_wait3A_324, %dma_wait3A_332, %dma_wait3A_333] : memref<4x128x128xf32, #tpu.memory_space<vmem>> -> memref<1x128x128xf32, #tpu.memory_space<vmem>>
      %dma_wait3A_335 = tpu.memref_squeeze %dma_wait3A_334 : memref<1x128x128xf32, #tpu.memory_space<vmem>> -> memref<128x128xf32, #tpu.memory_space<vmem>>
      %dma_wait3A_336 = arith.constant 0 : i32
      %dma_wait3A_337 = arith.constant 0 : i32
      %dma_wait3A_338 = tpu.memref_slice %arg3[%dma_wait3A_336, %dma_wait3A_337] : memref<100000x128xf32, #tpu.memory_space<hbm>> -> memref<128x128xf32, #tpu.memory_space<hbm>>
      tpu.wait_dma2 semaphore(%arg13 : memref<!tpu.dma_semaphore, #tpu.memory_space<semaphore_mem>>) src(%dma_wait3A_338 : memref<128x128xf32, #tpu.memory_space<hbm>>) dst(%dma_wait3A_335 : memref<128x128xf32, #tpu.memory_space<vmem>>)
      %add3A_339 = arith.constant 2 : i32
      %add3A_340 = arith.addi %add3A_251, %add3A_339 : i32
      %run_scoped3A_341 = arith.constant 2 : i32
      %run_scoped3A_342 = arith.constant 1 : i32
      "tpu.region"() ({
        %run_scoped3A_396 = tpu.sem_alloc : memref<!tpu.dma_semaphore, #tpu.memory_space<semaphore_mem>>
        %dma_start3A_397 = arith.constant 0 : i32
        %dma_start3A_398 = arith.constant 0 : i32
        %dma_start3A_399 = tpu.memref_slice %arg9[%run_scoped3A_341, %dma_start3A_397, %dma_start3A_398] : memref<4x128x128xf32, #tpu.memory_space<vmem>> -> memref<1x128x128xf32, #tpu.memory_space<vmem>>
        %dma_start3A_400 = tpu.memref_squeeze %dma_start3A_399 : memref<1x128x128xf32, #tpu.memory_space<vmem>> -> memref<128x128xf32, #tpu.memory_space<vmem>>
        %dma_start3A_401 = arith.constant 0 : i32
        %dma_start3A_402 = tpu.memref_slice %arg8[%run_scoped3A_342, %add3A_340, %dma_start3A_401] : memref<2x20x128xi32, #tpu.memory_space<vmem>> -> memref<1x1x128xi32, #tpu.memory_space<vmem>>
        %dma_start3A_403 = tpu.memref_squeeze %dma_start3A_402 : memref<1x1x128xi32, #tpu.memory_space<vmem>> -> memref<128xi32, #tpu.memory_space<vmem>>
        %dma_start3A_404 = arith.constant 0 : i32
        %dma_start3A_405 = arith.constant 0 : i32
        %dma_start3A_406 = tpu.memref_slice %arg10[%dma_start3A_404, %dma_start3A_405] : memref<4096x128xf32, #tpu.memory_space<vmem_shared>> -> memref<4096x128xf32, #tpu.memory_space<vmem_shared>>
        tpu.enqueue_indirect_dma source(%dma_start3A_400 : memref<128x128xf32, #tpu.memory_space<vmem>>) target(%dma_start3A_406 : memref<4096x128xf32, #tpu.memory_space<vmem_shared>>) offsets(%dma_start3A_403 : memref<128xi32, #tpu.memory_space<vmem>>) semaphore(%run_scoped3A_396 : memref<!tpu.dma_semaphore, #tpu.memory_space<semaphore_mem>>) {add = true}
        %dma_wait3A_407 = arith.constant 0 : i32
        %dma_wait3A_408 = arith.constant 0 : i32
        %dma_wait3A_409 = tpu.memref_slice %arg9[%run_scoped3A_341, %dma_wait3A_407, %dma_wait3A_408] : memref<4x128x128xf32, #tpu.memory_space<vmem>> -> memref<1x128x128xf32, #tpu.memory_space<vmem>>
        %dma_wait3A_410 = tpu.memref_squeeze %dma_wait3A_409 : memref<1x128x128xf32, #tpu.memory_space<vmem>> -> memref<128x128xf32, #tpu.memory_space<vmem>>
        %dma_wait3A_411 = arith.constant 0 : i32
        %dma_wait3A_412 = tpu.memref_slice %arg8[%run_scoped3A_342, %add3A_340, %dma_wait3A_411] : memref<2x20x128xi32, #tpu.memory_space<vmem>> -> memref<1x1x128xi32, #tpu.memory_space<vmem>>
        %dma_wait3A_413 = tpu.memref_squeeze %dma_wait3A_412 : memref<1x1x128xi32, #tpu.memory_space<vmem>> -> memref<128xi32, #tpu.memory_space<vmem>>
        %dma_wait3A_414 = arith.constant 0 : i32
        %dma_wait3A_415 = arith.constant 0 : i32
        %dma_wait3A_416 = tpu.memref_slice %arg10[%dma_wait3A_414, %dma_wait3A_415] : memref<4096x128xf32, #tpu.memory_space<vmem_shared>> -> memref<4096x128xf32, #tpu.memory_space<vmem_shared>>
        tpu.wait_indirect_dma semaphore(%run_scoped3A_396 : memref<!tpu.dma_semaphore, #tpu.memory_space<semaphore_mem>>) src(%dma_wait3A_410 : memref<128x128xf32, #tpu.memory_space<vmem>>) dst(%dma_wait3A_416 : memref<4096x128xf32, #tpu.memory_space<vmem_shared>>)
        tpu.yield
      }) : () -> ()
      %add3A_343 = arith.constant 60 : i32
      %add3A_344 = arith.addi %add3A_343, %add3A_251 : i32
      %add3A_345 = arith.constant 4 : i32
      %add3A_346 = arith.addi %add3A_344, %add3A_345 : i32
      %add3A_347 = arith.constant 2 : i32
      %add3A_348 = arith.addi %add3A_346, %add3A_347 : i32
      %dma_start3A_349 = arith.constant 2 : i32
      %dma_start3A_350 = arith.constant 0 : i32
      %dma_start3A_351 = arith.constant 0 : i32
      %dma_start3A_352 = tpu.memref_slice %arg9[%dma_start3A_349, %dma_start3A_350, %dma_start3A_351] : memref<4x128x128xf32, #tpu.memory_space<vmem>> -> memref<1x128x128xf32, #tpu.memory_space<vmem>>
      %dma_start3A_353 = tpu.memref_squeeze %dma_start3A_352 : memref<1x128x128xf32, #tpu.memory_space<vmem>> -> memref<128x128xf32, #tpu.memory_space<vmem>>
      %dma_start3A_354 = arith.constant 0 : i32
      %dma_start3A_355 = tpu.memref_slice %arg7[%add3A_348, %dma_start3A_354] : memref<80x128xi32, #tpu.memory_space<vmem>> -> memref<1x128xi32, #tpu.memory_space<vmem>>
      %dma_start3A_356 = tpu.memref_squeeze %dma_start3A_355 : memref<1x128xi32, #tpu.memory_space<vmem>> -> memref<128xi32, #tpu.memory_space<vmem>>
      %dma_start3A_357 = arith.constant 0 : i32
      %dma_start3A_358 = arith.constant 0 : i32
      %dma_start3A_359 = tpu.memref_slice %arg3[%dma_start3A_357, %dma_start3A_358] : memref<100000x128xf32, #tpu.memory_space<hbm>> -> memref<100000x128xf32, #tpu.memory_space<hbm>>
      tpu.enqueue_indirect_dma source(%dma_start3A_359 : memref<100000x128xf32, #tpu.memory_space<hbm>>) target(%dma_start3A_353 : memref<128x128xf32, #tpu.memory_space<vmem>>) offsets(%dma_start3A_356 : memref<128xi32, #tpu.memory_space<vmem>>) semaphore(%arg13 : memref<!tpu.dma_semaphore, #tpu.memory_space<semaphore_mem>>)
      %dma_wait3A_360 = arith.constant 3 : i32
      %dma_wait3A_361 = arith.constant 0 : i32
      %dma_wait3A_362 = arith.constant 0 : i32
      %dma_wait3A_363 = tpu.memref_slice %arg9[%dma_wait3A_360, %dma_wait3A_361, %dma_wait3A_362] : memref<4x128x128xf32, #tpu.memory_space<vmem>> -> memref<1x128x128xf32, #tpu.memory_space<vmem>>
      %dma_wait3A_364 = tpu.memref_squeeze %dma_wait3A_363 : memref<1x128x128xf32, #tpu.memory_space<vmem>> -> memref<128x128xf32, #tpu.memory_space<vmem>>
      %dma_wait3A_365 = arith.constant 0 : i32
      %dma_wait3A_366 = arith.constant 0 : i32
      %dma_wait3A_367 = tpu.memref_slice %arg3[%dma_wait3A_365, %dma_wait3A_366] : memref<100000x128xf32, #tpu.memory_space<hbm>> -> memref<128x128xf32, #tpu.memory_space<hbm>>
      %dma_wait3A_368 = arith.constant 0 : i32
      %dma_wait3A_369 = arith.constant 0 : i32
      %dma_wait3A_370 = tpu.memref_slice %arg9[%dma_wait3A_360, %dma_wait3A_368, %dma_wait3A_369] : memref<4x128x128xf32, #tpu.memory_space<vmem>> -> memref<1x128x128xf32, #tpu.memory_space<vmem>>
      %dma_wait3A_371 = tpu.memref_squeeze %dma_wait3A_370 : memref<1x128x128xf32, #tpu.memory_space<vmem>> -> memref<128x128xf32, #tpu.memory_space<vmem>>
      %dma_wait3A_372 = arith.constant 0 : i32
      %dma_wait3A_373 = arith.constant 0 : i32
      %dma_wait3A_374 = tpu.memref_slice %arg3[%dma_wait3A_372, %dma_wait3A_373] : memref<100000x128xf32, #tpu.memory_space<hbm>> -> memref<128x128xf32, #tpu.memory_space<hbm>>
      tpu.wait_dma2 semaphore(%arg14 : memref<!tpu.dma_semaphore, #tpu.memory_space<semaphore_mem>>) src(%dma_wait3A_374 : memref<128x128xf32, #tpu.memory_space<hbm>>) dst(%dma_wait3A_371 : memref<128x128xf32, #tpu.memory_space<vmem>>)
      %add3A_375 = arith.constant 3 : i32
      %add3A_376 = arith.addi %add3A_251, %add3A_375 : i32
      %run_scoped3A_377 = arith.constant 3 : i32
      %run_scoped3A_378 = arith.constant 1 : i32
      "tpu.region"() ({
        %run_scoped3A_396 = tpu.sem_alloc : memref<!tpu.dma_semaphore, #tpu.memory_space<semaphore_mem>>
        %dma_start3A_397 = arith.constant 0 : i32
        %dma_start3A_398 = arith.constant 0 : i32
        %dma_start3A_399 = tpu.memref_slice %arg9[%run_scoped3A_377, %dma_start3A_397, %dma_start3A_398] : memref<4x128x128xf32, #tpu.memory_space<vmem>> -> memref<1x128x128xf32, #tpu.memory_space<vmem>>
        %dma_start3A_400 = tpu.memref_squeeze %dma_start3A_399 : memref<1x128x128xf32, #tpu.memory_space<vmem>> -> memref<128x128xf32, #tpu.memory_space<vmem>>
        %dma_start3A_401 = arith.constant 0 : i32
        %dma_start3A_402 = tpu.memref_slice %arg8[%run_scoped3A_378, %add3A_376, %dma_start3A_401] : memref<2x20x128xi32, #tpu.memory_space<vmem>> -> memref<1x1x128xi32, #tpu.memory_space<vmem>>
        %dma_start3A_403 = tpu.memref_squeeze %dma_start3A_402 : memref<1x1x128xi32, #tpu.memory_space<vmem>> -> memref<128xi32, #tpu.memory_space<vmem>>
        %dma_start3A_404 = arith.constant 0 : i32
        %dma_start3A_405 = arith.constant 0 : i32
        %dma_start3A_406 = tpu.memref_slice %arg10[%dma_start3A_404, %dma_start3A_405] : memref<4096x128xf32, #tpu.memory_space<vmem_shared>> -> memref<4096x128xf32, #tpu.memory_space<vmem_shared>>
        tpu.enqueue_indirect_dma source(%dma_start3A_400 : memref<128x128xf32, #tpu.memory_space<vmem>>) target(%dma_start3A_406 : memref<4096x128xf32, #tpu.memory_space<vmem_shared>>) offsets(%dma_start3A_403 : memref<128xi32, #tpu.memory_space<vmem>>) semaphore(%run_scoped3A_396 : memref<!tpu.dma_semaphore, #tpu.memory_space<semaphore_mem>>) {add = true}
        %dma_wait3A_407 = arith.constant 0 : i32
        %dma_wait3A_408 = arith.constant 0 : i32
        %dma_wait3A_409 = tpu.memref_slice %arg9[%run_scoped3A_377, %dma_wait3A_407, %dma_wait3A_408] : memref<4x128x128xf32, #tpu.memory_space<vmem>> -> memref<1x128x128xf32, #tpu.memory_space<vmem>>
        %dma_wait3A_410 = tpu.memref_squeeze %dma_wait3A_409 : memref<1x128x128xf32, #tpu.memory_space<vmem>> -> memref<128x128xf32, #tpu.memory_space<vmem>>
        %dma_wait3A_411 = arith.constant 0 : i32
        %dma_wait3A_412 = tpu.memref_slice %arg8[%run_scoped3A_378, %add3A_376, %dma_wait3A_411] : memref<2x20x128xi32, #tpu.memory_space<vmem>> -> memref<1x1x128xi32, #tpu.memory_space<vmem>>
        %dma_wait3A_413 = tpu.memref_squeeze %dma_wait3A_412 : memref<1x1x128xi32, #tpu.memory_space<vmem>> -> memref<128xi32, #tpu.memory_space<vmem>>
        %dma_wait3A_414 = arith.constant 0 : i32
        %dma_wait3A_415 = arith.constant 0 : i32
        %dma_wait3A_416 = tpu.memref_slice %arg10[%dma_wait3A_414, %dma_wait3A_415] : memref<4096x128xf32, #tpu.memory_space<vmem_shared>> -> memref<4096x128xf32, #tpu.memory_space<vmem_shared>>
        tpu.wait_indirect_dma semaphore(%run_scoped3A_396 : memref<!tpu.dma_semaphore, #tpu.memory_space<semaphore_mem>>) src(%dma_wait3A_410 : memref<128x128xf32, #tpu.memory_space<vmem>>) dst(%dma_wait3A_416 : memref<4096x128xf32, #tpu.memory_space<vmem_shared>>)
        tpu.yield
      }) : () -> ()
      %add3A_379 = arith.constant 60 : i32
      %add3A_380 = arith.addi %add3A_379, %add3A_251 : i32
      %add3A_381 = arith.constant 4 : i32
      %add3A_382 = arith.addi %add3A_380, %add3A_381 : i32
      %add3A_383 = arith.constant 3 : i32
      %add3A_384 = arith.addi %add3A_382, %add3A_383 : i32
      %dma_start3A_385 = arith.constant 3 : i32
      %dma_start3A_386 = arith.constant 0 : i32
      %dma_start3A_387 = arith.constant 0 : i32
      %dma_start3A_388 = tpu.memref_slice %arg9[%dma_start3A_385, %dma_start3A_386, %dma_start3A_387] : memref<4x128x128xf32, #tpu.memory_space<vmem>> -> memref<1x128x128xf32, #tpu.memory_space<vmem>>
      %dma_start3A_389 = tpu.memref_squeeze %dma_start3A_388 : memref<1x128x128xf32, #tpu.memory_space<vmem>> -> memref<128x128xf32, #tpu.memory_space<vmem>>
      %dma_start3A_390 = arith.constant 0 : i32
      %dma_start3A_391 = tpu.memref_slice %arg7[%add3A_384, %dma_start3A_390] : memref<80x128xi32, #tpu.memory_space<vmem>> -> memref<1x128xi32, #tpu.memory_space<vmem>>
      %dma_start3A_392 = tpu.memref_squeeze %dma_start3A_391 : memref<1x128xi32, #tpu.memory_space<vmem>> -> memref<128xi32, #tpu.memory_space<vmem>>
      %dma_start3A_393 = arith.constant 0 : i32
      %dma_start3A_394 = arith.constant 0 : i32
      %dma_start3A_395 = tpu.memref_slice %arg3[%dma_start3A_393, %dma_start3A_394] : memref<100000x128xf32, #tpu.memory_space<hbm>> -> memref<100000x128xf32, #tpu.memory_space<hbm>>
      tpu.enqueue_indirect_dma source(%dma_start3A_395 : memref<100000x128xf32, #tpu.memory_space<hbm>>) target(%dma_start3A_389 : memref<128x128xf32, #tpu.memory_space<vmem>>) offsets(%dma_start3A_392 : memref<128xi32, #tpu.memory_space<vmem>>) semaphore(%arg14 : memref<!tpu.dma_semaphore, #tpu.memory_space<semaphore_mem>>)
    }
    %scan3A_157 = arith.constant 2 : i32
    %dma_wait3A_158 = arith.constant 0 : i32
    %dma_wait3A_159 = arith.constant 0 : i32
    %dma_wait3A_160 = arith.constant 0 : i32
    %dma_wait3A_161 = tpu.memref_slice %arg9[%dma_wait3A_158, %dma_wait3A_159, %dma_wait3A_160] : memref<4x128x128xf32, #tpu.memory_space<vmem>> -> memref<1x128x128xf32, #tpu.memory_space<vmem>>
    %dma_wait3A_162 = tpu.memref_squeeze %dma_wait3A_161 : memref<1x128x128xf32, #tpu.memory_space<vmem>> -> memref<128x128xf32, #tpu.memory_space<vmem>>
    %dma_wait3A_163 = arith.constant 0 : i32
    %dma_wait3A_164 = arith.constant 0 : i32
    %dma_wait3A_165 = tpu.memref_slice %arg3[%dma_wait3A_163, %dma_wait3A_164] : memref<100000x128xf32, #tpu.memory_space<hbm>> -> memref<128x128xf32, #tpu.memory_space<hbm>>
    %dma_wait3A_166 = arith.constant 0 : i32
    %dma_wait3A_167 = arith.constant 0 : i32
    %dma_wait3A_168 = tpu.memref_slice %arg9[%dma_wait3A_158, %dma_wait3A_166, %dma_wait3A_167] : memref<4x128x128xf32, #tpu.memory_space<vmem>> -> memref<1x128x128xf32, #tpu.memory_space<vmem>>
    %dma_wait3A_169 = tpu.memref_squeeze %dma_wait3A_168 : memref<1x128x128xf32, #tpu.memory_space<vmem>> -> memref<128x128xf32, #tpu.memory_space<vmem>>
    %dma_wait3A_170 = arith.constant 0 : i32
    %dma_wait3A_171 = arith.constant 0 : i32
    %dma_wait3A_172 = tpu.memref_slice %arg3[%dma_wait3A_170, %dma_wait3A_171] : memref<100000x128xf32, #tpu.memory_space<hbm>> -> memref<128x128xf32, #tpu.memory_space<hbm>>
    tpu.wait_dma2 semaphore(%arg11 : memref<!tpu.dma_semaphore, #tpu.memory_space<semaphore_mem>>) src(%dma_wait3A_172 : memref<128x128xf32, #tpu.memory_space<hbm>>) dst(%dma_wait3A_169 : memref<128x128xf32, #tpu.memory_space<vmem>>)
    %run_scoped3A = arith.constant 0 : i32
    %run_scoped3A_173 = arith.constant 1 : i32
    %run_scoped3A_174 = arith.constant 16 : i32
    "tpu.region"() ({
      %run_scoped3A_247 = tpu.sem_alloc : memref<!tpu.dma_semaphore, #tpu.memory_space<semaphore_mem>>
      %dma_start3A_248 = arith.constant 0 : i32
      %dma_start3A_249 = arith.constant 0 : i32
      %dma_start3A_250 = tpu.memref_slice %arg9[%run_scoped3A, %dma_start3A_248, %dma_start3A_249] : memref<4x128x128xf32, #tpu.memory_space<vmem>> -> memref<1x128x128xf32, #tpu.memory_space<vmem>>
      %dma_start3A_251 = tpu.memref_squeeze %dma_start3A_250 : memref<1x128x128xf32, #tpu.memory_space<vmem>> -> memref<128x128xf32, #tpu.memory_space<vmem>>
      %dma_start3A_252 = arith.constant 0 : i32
      %dma_start3A_253 = tpu.memref_slice %arg8[%run_scoped3A_173, %run_scoped3A_174, %dma_start3A_252] : memref<2x20x128xi32, #tpu.memory_space<vmem>> -> memref<1x1x128xi32, #tpu.memory_space<vmem>>
      %dma_start3A_254 = tpu.memref_squeeze %dma_start3A_253 : memref<1x1x128xi32, #tpu.memory_space<vmem>> -> memref<128xi32, #tpu.memory_space<vmem>>
      %dma_start3A_255 = arith.constant 0 : i32
      %dma_start3A_256 = arith.constant 0 : i32
      %dma_start3A_257 = tpu.memref_slice %arg10[%dma_start3A_255, %dma_start3A_256] : memref<4096x128xf32, #tpu.memory_space<vmem_shared>> -> memref<4096x128xf32, #tpu.memory_space<vmem_shared>>
      tpu.enqueue_indirect_dma source(%dma_start3A_251 : memref<128x128xf32, #tpu.memory_space<vmem>>) target(%dma_start3A_257 : memref<4096x128xf32, #tpu.memory_space<vmem_shared>>) offsets(%dma_start3A_254 : memref<128xi32, #tpu.memory_space<vmem>>) semaphore(%run_scoped3A_247 : memref<!tpu.dma_semaphore, #tpu.memory_space<semaphore_mem>>) {add = true}
      %dma_wait3A_258 = arith.constant 0 : i32
      %dma_wait3A_259 = arith.constant 0 : i32
      %dma_wait3A_260 = tpu.memref_slice %arg9[%run_scoped3A, %dma_wait3A_258, %dma_wait3A_259] : memref<4x128x128xf32, #tpu.memory_space<vmem>> -> memref<1x128x128xf32, #tpu.memory_space<vmem>>
      %dma_wait3A_261 = tpu.memref_squeeze %dma_wait3A_260 : memref<1x128x128xf32, #tpu.memory_space<vmem>> -> memref<128x128xf32, #tpu.memory_space<vmem>>
      %dma_wait3A_262 = arith.constant 0 : i32
      %dma_wait3A_263 = tpu.memref_slice %arg8[%run_scoped3A_173, %run_scoped3A_174, %dma_wait3A_262] : memref<2x20x128xi32, #tpu.memory_space<vmem>> -> memref<1x1x128xi32, #tpu.memory_space<vmem>>
      %dma_wait3A_264 = tpu.memref_squeeze %dma_wait3A_263 : memref<1x1x128xi32, #tpu.memory_space<vmem>> -> memref<128xi32, #tpu.memory_space<vmem>>
      %dma_wait3A_265 = arith.constant 0 : i32
      %dma_wait3A_266 = arith.constant 0 : i32
      %dma_wait3A_267 = tpu.memref_slice %arg10[%dma_wait3A_265, %dma_wait3A_266] : memref<4096x128xf32, #tpu.memory_space<vmem_shared>> -> memref<4096x128xf32, #tpu.memory_space<vmem_shared>>
      tpu.wait_indirect_dma semaphore(%run_scoped3A_247 : memref<!tpu.dma_semaphore, #tpu.memory_space<semaphore_mem>>) src(%dma_wait3A_261 : memref<128x128xf32, #tpu.memory_space<vmem>>) dst(%dma_wait3A_267 : memref<4096x128xf32, #tpu.memory_space<vmem_shared>>)
      tpu.yield
    }) : () -> ()
    %dma_wait3A_175 = arith.constant 1 : i32
    %dma_wait3A_176 = arith.constant 0 : i32
    %dma_wait3A_177 = arith.constant 0 : i32
    %dma_wait3A_178 = tpu.memref_slice %arg9[%dma_wait3A_175, %dma_wait3A_176, %dma_wait3A_177] : memref<4x128x128xf32, #tpu.memory_space<vmem>> -> memref<1x128x128xf32, #tpu.memory_space<vmem>>
    %dma_wait3A_179 = tpu.memref_squeeze %dma_wait3A_178 : memref<1x128x128xf32, #tpu.memory_space<vmem>> -> memref<128x128xf32, #tpu.memory_space<vmem>>
    %dma_wait3A_180 = arith.constant 0 : i32
    %dma_wait3A_181 = arith.constant 0 : i32
    %dma_wait3A_182 = tpu.memref_slice %arg3[%dma_wait3A_180, %dma_wait3A_181] : memref<100000x128xf32, #tpu.memory_space<hbm>> -> memref<128x128xf32, #tpu.memory_space<hbm>>
    %dma_wait3A_183 = arith.constant 0 : i32
    %dma_wait3A_184 = arith.constant 0 : i32
    %dma_wait3A_185 = tpu.memref_slice %arg9[%dma_wait3A_175, %dma_wait3A_183, %dma_wait3A_184] : memref<4x128x128xf32, #tpu.memory_space<vmem>> -> memref<1x128x128xf32, #tpu.memory_space<vmem>>
    %dma_wait3A_186 = tpu.memref_squeeze %dma_wait3A_185 : memref<1x128x128xf32, #tpu.memory_space<vmem>> -> memref<128x128xf32, #tpu.memory_space<vmem>>
    %dma_wait3A_187 = arith.constant 0 : i32
    %dma_wait3A_188 = arith.constant 0 : i32
    %dma_wait3A_189 = tpu.memref_slice %arg3[%dma_wait3A_187, %dma_wait3A_188] : memref<100000x128xf32, #tpu.memory_space<hbm>> -> memref<128x128xf32, #tpu.memory_space<hbm>>
    tpu.wait_dma2 semaphore(%arg12 : memref<!tpu.dma_semaphore, #tpu.memory_space<semaphore_mem>>) src(%dma_wait3A_189 : memref<128x128xf32, #tpu.memory_space<hbm>>) dst(%dma_wait3A_186 : memref<128x128xf32, #tpu.memory_space<vmem>>)
    %run_scoped3A_190 = arith.constant 1 : i32
    %run_scoped3A_191 = arith.constant 1 : i32
    %run_scoped3A_192 = arith.constant 17 : i32
    "tpu.region"() ({
      %run_scoped3A_247 = tpu.sem_alloc : memref<!tpu.dma_semaphore, #tpu.memory_space<semaphore_mem>>
      %dma_start3A_248 = arith.constant 0 : i32
      %dma_start3A_249 = arith.constant 0 : i32
      %dma_start3A_250 = tpu.memref_slice %arg9[%run_scoped3A_190, %dma_start3A_248, %dma_start3A_249] : memref<4x128x128xf32, #tpu.memory_space<vmem>> -> memref<1x128x128xf32, #tpu.memory_space<vmem>>
      %dma_start3A_251 = tpu.memref_squeeze %dma_start3A_250 : memref<1x128x128xf32, #tpu.memory_space<vmem>> -> memref<128x128xf32, #tpu.memory_space<vmem>>
      %dma_start3A_252 = arith.constant 0 : i32
      %dma_start3A_253 = tpu.memref_slice %arg8[%run_scoped3A_191, %run_scoped3A_192, %dma_start3A_252] : memref<2x20x128xi32, #tpu.memory_space<vmem>> -> memref<1x1x128xi32, #tpu.memory_space<vmem>>
      %dma_start3A_254 = tpu.memref_squeeze %dma_start3A_253 : memref<1x1x128xi32, #tpu.memory_space<vmem>> -> memref<128xi32, #tpu.memory_space<vmem>>
      %dma_start3A_255 = arith.constant 0 : i32
      %dma_start3A_256 = arith.constant 0 : i32
      %dma_start3A_257 = tpu.memref_slice %arg10[%dma_start3A_255, %dma_start3A_256] : memref<4096x128xf32, #tpu.memory_space<vmem_shared>> -> memref<4096x128xf32, #tpu.memory_space<vmem_shared>>
      tpu.enqueue_indirect_dma source(%dma_start3A_251 : memref<128x128xf32, #tpu.memory_space<vmem>>) target(%dma_start3A_257 : memref<4096x128xf32, #tpu.memory_space<vmem_shared>>) offsets(%dma_start3A_254 : memref<128xi32, #tpu.memory_space<vmem>>) semaphore(%run_scoped3A_247 : memref<!tpu.dma_semaphore, #tpu.memory_space<semaphore_mem>>) {add = true}
      %dma_wait3A_258 = arith.constant 0 : i32
      %dma_wait3A_259 = arith.constant 0 : i32
      %dma_wait3A_260 = tpu.memref_slice %arg9[%run_scoped3A_190, %dma_wait3A_258, %dma_wait3A_259] : memref<4x128x128xf32, #tpu.memory_space<vmem>> -> memref<1x128x128xf32, #tpu.memory_space<vmem>>
      %dma_wait3A_261 = tpu.memref_squeeze %dma_wait3A_260 : memref<1x128x128xf32, #tpu.memory_space<vmem>> -> memref<128x128xf32, #tpu.memory_space<vmem>>
      %dma_wait3A_262 = arith.constant 0 : i32
      %dma_wait3A_263 = tpu.memref_slice %arg8[%run_scoped3A_191, %run_scoped3A_192, %dma_wait3A_262] : memref<2x20x128xi32, #tpu.memory_space<vmem>> -> memref<1x1x128xi32, #tpu.memory_space<vmem>>
      %dma_wait3A_264 = tpu.memref_squeeze %dma_wait3A_263 : memref<1x1x128xi32, #tpu.memory_space<vmem>> -> memref<128xi32, #tpu.memory_space<vmem>>
      %dma_wait3A_265 = arith.constant 0 : i32
      %dma_wait3A_266 = arith.constant 0 : i32
      %dma_wait3A_267 = tpu.memref_slice %arg10[%dma_wait3A_265, %dma_wait3A_266] : memref<4096x128xf32, #tpu.memory_space<vmem_shared>> -> memref<4096x128xf32, #tpu.memory_space<vmem_shared>>
      tpu.wait_indirect_dma semaphore(%run_scoped3A_247 : memref<!tpu.dma_semaphore, #tpu.memory_space<semaphore_mem>>) src(%dma_wait3A_261 : memref<128x128xf32, #tpu.memory_space<vmem>>) dst(%dma_wait3A_267 : memref<4096x128xf32, #tpu.memory_space<vmem_shared>>)
      tpu.yield
    }) : () -> ()
    %dma_wait3A_193 = arith.constant 2 : i32
    %dma_wait3A_194 = arith.constant 0 : i32
    %dma_wait3A_195 = arith.constant 0 : i32
    %dma_wait3A_196 = tpu.memref_slice %arg9[%dma_wait3A_193, %dma_wait3A_194, %dma_wait3A_195] : memref<4x128x128xf32, #tpu.memory_space<vmem>> -> memref<1x128x128xf32, #tpu.memory_space<vmem>>
    %dma_wait3A_197 = tpu.memref_squeeze %dma_wait3A_196 : memref<1x128x128xf32, #tpu.memory_space<vmem>> -> memref<128x128xf32, #tpu.memory_space<vmem>>
    %dma_wait3A_198 = arith.constant 0 : i32
    %dma_wait3A_199 = arith.constant 0 : i32
    %dma_wait3A_200 = tpu.memref_slice %arg3[%dma_wait3A_198, %dma_wait3A_199] : memref<100000x128xf32, #tpu.memory_space<hbm>> -> memref<128x128xf32, #tpu.memory_space<hbm>>
    %dma_wait3A_201 = arith.constant 0 : i32
    %dma_wait3A_202 = arith.constant 0 : i32
    %dma_wait3A_203 = tpu.memref_slice %arg9[%dma_wait3A_193, %dma_wait3A_201, %dma_wait3A_202] : memref<4x128x128xf32, #tpu.memory_space<vmem>> -> memref<1x128x128xf32, #tpu.memory_space<vmem>>
    %dma_wait3A_204 = tpu.memref_squeeze %dma_wait3A_203 : memref<1x128x128xf32, #tpu.memory_space<vmem>> -> memref<128x128xf32, #tpu.memory_space<vmem>>
    %dma_wait3A_205 = arith.constant 0 : i32
    %dma_wait3A_206 = arith.constant 0 : i32
    %dma_wait3A_207 = tpu.memref_slice %arg3[%dma_wait3A_205, %dma_wait3A_206] : memref<100000x128xf32, #tpu.memory_space<hbm>> -> memref<128x128xf32, #tpu.memory_space<hbm>>
    tpu.wait_dma2 semaphore(%arg13 : memref<!tpu.dma_semaphore, #tpu.memory_space<semaphore_mem>>) src(%dma_wait3A_207 : memref<128x128xf32, #tpu.memory_space<hbm>>) dst(%dma_wait3A_204 : memref<128x128xf32, #tpu.memory_space<vmem>>)
    %run_scoped3A_208 = arith.constant 2 : i32
    %run_scoped3A_209 = arith.constant 1 : i32
    %run_scoped3A_210 = arith.constant 18 : i32
    "tpu.region"() ({
      %run_scoped3A_247 = tpu.sem_alloc : memref<!tpu.dma_semaphore, #tpu.memory_space<semaphore_mem>>
      %dma_start3A_248 = arith.constant 0 : i32
      %dma_start3A_249 = arith.constant 0 : i32
      %dma_start3A_250 = tpu.memref_slice %arg9[%run_scoped3A_208, %dma_start3A_248, %dma_start3A_249] : memref<4x128x128xf32, #tpu.memory_space<vmem>> -> memref<1x128x128xf32, #tpu.memory_space<vmem>>
      %dma_start3A_251 = tpu.memref_squeeze %dma_start3A_250 : memref<1x128x128xf32, #tpu.memory_space<vmem>> -> memref<128x128xf32, #tpu.memory_space<vmem>>
      %dma_start3A_252 = arith.constant 0 : i32
      %dma_start3A_253 = tpu.memref_slice %arg8[%run_scoped3A_209, %run_scoped3A_210, %dma_start3A_252] : memref<2x20x128xi32, #tpu.memory_space<vmem>> -> memref<1x1x128xi32, #tpu.memory_space<vmem>>
      %dma_start3A_254 = tpu.memref_squeeze %dma_start3A_253 : memref<1x1x128xi32, #tpu.memory_space<vmem>> -> memref<128xi32, #tpu.memory_space<vmem>>
      %dma_start3A_255 = arith.constant 0 : i32
      %dma_start3A_256 = arith.constant 0 : i32
      %dma_start3A_257 = tpu.memref_slice %arg10[%dma_start3A_255, %dma_start3A_256] : memref<4096x128xf32, #tpu.memory_space<vmem_shared>> -> memref<4096x128xf32, #tpu.memory_space<vmem_shared>>
      tpu.enqueue_indirect_dma source(%dma_start3A_251 : memref<128x128xf32, #tpu.memory_space<vmem>>) target(%dma_start3A_257 : memref<4096x128xf32, #tpu.memory_space<vmem_shared>>) offsets(%dma_start3A_254 : memref<128xi32, #tpu.memory_space<vmem>>) semaphore(%run_scoped3A_247 : memref<!tpu.dma_semaphore, #tpu.memory_space<semaphore_mem>>) {add = true}
      %dma_wait3A_258 = arith.constant 0 : i32
      %dma_wait3A_259 = arith.constant 0 : i32
      %dma_wait3A_260 = tpu.memref_slice %arg9[%run_scoped3A_208, %dma_wait3A_258, %dma_wait3A_259] : memref<4x128x128xf32, #tpu.memory_space<vmem>> -> memref<1x128x128xf32, #tpu.memory_space<vmem>>
      %dma_wait3A_261 = tpu.memref_squeeze %dma_wait3A_260 : memref<1x128x128xf32, #tpu.memory_space<vmem>> -> memref<128x128xf32, #tpu.memory_space<vmem>>
      %dma_wait3A_262 = arith.constant 0 : i32
      %dma_wait3A_263 = tpu.memref_slice %arg8[%run_scoped3A_209, %run_scoped3A_210, %dma_wait3A_262] : memref<2x20x128xi32, #tpu.memory_space<vmem>> -> memref<1x1x128xi32, #tpu.memory_space<vmem>>
      %dma_wait3A_264 = tpu.memref_squeeze %dma_wait3A_263 : memref<1x1x128xi32, #tpu.memory_space<vmem>> -> memref<128xi32, #tpu.memory_space<vmem>>
      %dma_wait3A_265 = arith.constant 0 : i32
      %dma_wait3A_266 = arith.constant 0 : i32
      %dma_wait3A_267 = tpu.memref_slice %arg10[%dma_wait3A_265, %dma_wait3A_266] : memref<4096x128xf32, #tpu.memory_space<vmem_shared>> -> memref<4096x128xf32, #tpu.memory_space<vmem_shared>>
      tpu.wait_indirect_dma semaphore(%run_scoped3A_247 : memref<!tpu.dma_semaphore, #tpu.memory_space<semaphore_mem>>) src(%dma_wait3A_261 : memref<128x128xf32, #tpu.memory_space<vmem>>) dst(%dma_wait3A_267 : memref<4096x128xf32, #tpu.memory_space<vmem_shared>>)
      tpu.yield
    }) : () -> ()
    %dma_wait3A_211 = arith.constant 3 : i32
    %dma_wait3A_212 = arith.constant 0 : i32
    %dma_wait3A_213 = arith.constant 0 : i32
    %dma_wait3A_214 = tpu.memref_slice %arg9[%dma_wait3A_211, %dma_wait3A_212, %dma_wait3A_213] : memref<4x128x128xf32, #tpu.memory_space<vmem>> -> memref<1x128x128xf32, #tpu.memory_space<vmem>>
    %dma_wait3A_215 = tpu.memref_squeeze %dma_wait3A_214 : memref<1x128x128xf32, #tpu.memory_space<vmem>> -> memref<128x128xf32, #tpu.memory_space<vmem>>
    %dma_wait3A_216 = arith.constant 0 : i32
    %dma_wait3A_217 = arith.constant 0 : i32
    %dma_wait3A_218 = tpu.memref_slice %arg3[%dma_wait3A_216, %dma_wait3A_217] : memref<100000x128xf32, #tpu.memory_space<hbm>> -> memref<128x128xf32, #tpu.memory_space<hbm>>
    %dma_wait3A_219 = arith.constant 0 : i32
    %dma_wait3A_220 = arith.constant 0 : i32
    %dma_wait3A_221 = tpu.memref_slice %arg9[%dma_wait3A_211, %dma_wait3A_219, %dma_wait3A_220] : memref<4x128x128xf32, #tpu.memory_space<vmem>> -> memref<1x128x128xf32, #tpu.memory_space<vmem>>
    %dma_wait3A_222 = tpu.memref_squeeze %dma_wait3A_221 : memref<1x128x128xf32, #tpu.memory_space<vmem>> -> memref<128x128xf32, #tpu.memory_space<vmem>>
    %dma_wait3A_223 = arith.constant 0 : i32
    %dma_wait3A_224 = arith.constant 0 : i32
    %dma_wait3A_225 = tpu.memref_slice %arg3[%dma_wait3A_223, %dma_wait3A_224] : memref<100000x128xf32, #tpu.memory_space<hbm>> -> memref<128x128xf32, #tpu.memory_space<hbm>>
    tpu.wait_dma2 semaphore(%arg14 : memref<!tpu.dma_semaphore, #tpu.memory_space<semaphore_mem>>) src(%dma_wait3A_225 : memref<128x128xf32, #tpu.memory_space<hbm>>) dst(%dma_wait3A_222 : memref<128x128xf32, #tpu.memory_space<vmem>>)
    %run_scoped3A_226 = arith.constant 3 : i32
    %run_scoped3A_227 = arith.constant 1 : i32
    %run_scoped3A_228 = arith.constant 19 : i32
    "tpu.region"() ({
      %run_scoped3A_247 = tpu.sem_alloc : memref<!tpu.dma_semaphore, #tpu.memory_space<semaphore_mem>>
      %dma_start3A_248 = arith.constant 0 : i32
      %dma_start3A_249 = arith.constant 0 : i32
      %dma_start3A_250 = tpu.memref_slice %arg9[%run_scoped3A_226, %dma_start3A_248, %dma_start3A_249] : memref<4x128x128xf32, #tpu.memory_space<vmem>> -> memref<1x128x128xf32, #tpu.memory_space<vmem>>
      %dma_start3A_251 = tpu.memref_squeeze %dma_start3A_250 : memref<1x128x128xf32, #tpu.memory_space<vmem>> -> memref<128x128xf32, #tpu.memory_space<vmem>>
      %dma_start3A_252 = arith.constant 0 : i32
      %dma_start3A_253 = tpu.memref_slice %arg8[%run_scoped3A_227, %run_scoped3A_228, %dma_start3A_252] : memref<2x20x128xi32, #tpu.memory_space<vmem>> -> memref<1x1x128xi32, #tpu.memory_space<vmem>>
      %dma_start3A_254 = tpu.memref_squeeze %dma_start3A_253 : memref<1x1x128xi32, #tpu.memory_space<vmem>> -> memref<128xi32, #tpu.memory_space<vmem>>
      %dma_start3A_255 = arith.constant 0 : i32
      %dma_start3A_256 = arith.constant 0 : i32
      %dma_start3A_257 = tpu.memref_slice %arg10[%dma_start3A_255, %dma_start3A_256] : memref<4096x128xf32, #tpu.memory_space<vmem_shared>> -> memref<4096x128xf32, #tpu.memory_space<vmem_shared>>
      tpu.enqueue_indirect_dma source(%dma_start3A_251 : memref<128x128xf32, #tpu.memory_space<vmem>>) target(%dma_start3A_257 : memref<4096x128xf32, #tpu.memory_space<vmem_shared>>) offsets(%dma_start3A_254 : memref<128xi32, #tpu.memory_space<vmem>>) semaphore(%run_scoped3A_247 : memref<!tpu.dma_semaphore, #tpu.memory_space<semaphore_mem>>) {add = true}
      %dma_wait3A_258 = arith.constant 0 : i32
      %dma_wait3A_259 = arith.constant 0 : i32
      %dma_wait3A_260 = tpu.memref_slice %arg9[%run_scoped3A_226, %dma_wait3A_258, %dma_wait3A_259] : memref<4x128x128xf32, #tpu.memory_space<vmem>> -> memref<1x128x128xf32, #tpu.memory_space<vmem>>
      %dma_wait3A_261 = tpu.memref_squeeze %dma_wait3A_260 : memref<1x128x128xf32, #tpu.memory_space<vmem>> -> memref<128x128xf32, #tpu.memory_space<vmem>>
      %dma_wait3A_262 = arith.constant 0 : i32
      %dma_wait3A_263 = tpu.memref_slice %arg8[%run_scoped3A_227, %run_scoped3A_228, %dma_wait3A_262] : memref<2x20x128xi32, #tpu.memory_space<vmem>> -> memref<1x1x128xi32, #tpu.memory_space<vmem>>
      %dma_wait3A_264 = tpu.memref_squeeze %dma_wait3A_263 : memref<1x1x128xi32, #tpu.memory_space<vmem>> -> memref<128xi32, #tpu.memory_space<vmem>>
      %dma_wait3A_265 = arith.constant 0 : i32
      %dma_wait3A_266 = arith.constant 0 : i32
      %dma_wait3A_267 = tpu.memref_slice %arg10[%dma_wait3A_265, %dma_wait3A_266] : memref<4096x128xf32, #tpu.memory_space<vmem_shared>> -> memref<4096x128xf32, #tpu.memory_space<vmem_shared>>
      tpu.wait_indirect_dma semaphore(%run_scoped3A_247 : memref<!tpu.dma_semaphore, #tpu.memory_space<semaphore_mem>>) src(%dma_wait3A_261 : memref<128x128xf32, #tpu.memory_space<vmem>>) dst(%dma_wait3A_267 : memref<4096x128xf32, #tpu.memory_space<vmem_shared>>)
      tpu.yield
    }) : () -> ()
    %barrier3A = arith.constant 0 : index
    tpu.barrier barrier_id(%barrier3A)
    %add3A_229 = arith.constant 128 : i32
    %add3A_230 = arith.addi %mul3A_2, %add3A_229 : i32
    %mul3A_231 = arith.constant 512 : i32
    %mul3A_232 = arith.muli %add3A, %mul3A_231 : i32
    %add3A_233 = arith.constant 384 : i32
    %add3A_234 = arith.addi %mul3A_232, %add3A_233 : i32
    %dma_start3A_235 = arith.constant 0 : i32
    %dma_start3A_236 = tpu.memref_slice %arg6[%add3A_234, %dma_start3A_235] : memref<16384x128xf32, #tpu.memory_space<hbm>> -> memref<128x128xf32, #tpu.memory_space<hbm>>
    %dma_start3A_237 = arith.constant 0 : i32
    %dma_start3A_238 = tpu.memref_slice %arg10[%add3A_230, %dma_start3A_237] : memref<4096x128xf32, #tpu.memory_space<vmem_shared>> -> memref<128x128xf32, #tpu.memory_space<vmem_shared>>
    tpu.enqueue_dma source(%dma_start3A_238 : memref<128x128xf32, #tpu.memory_space<vmem_shared>>) target(%dma_start3A_236 : memref<128x128xf32, #tpu.memory_space<hbm>>) target_semaphore(%arg16 : memref<!tpu.dma_semaphore, #tpu.memory_space<semaphore_mem>>)
    %add3A_239 = arith.constant 0 : i32
    %add3A_240 = arith.addi %mul3A_2, %add3A_239 : i32
    %dma_wait3A_241 = arith.constant 0 : i32
    %dma_wait3A_242 = tpu.memref_slice %arg10[%add3A_240, %dma_wait3A_241] : memref<4096x128xf32, #tpu.memory_space<vmem_shared>> -> memref<128x128xf32, #tpu.memory_space<vmem_shared>>
    tpu.wait_dma2 semaphore(%arg15 : memref<!tpu.dma_semaphore, #tpu.memory_space<semaphore_mem>>) src(%arg5 : memref<128x128xf32, #tpu.memory_space<hbm>>) dst(%dma_wait3A_242 : memref<128x128xf32, #tpu.memory_space<vmem_shared>>)
    %add3A_243 = arith.constant 128 : i32
    %add3A_244 = arith.addi %mul3A_2, %add3A_243 : i32
    %dma_wait3A_245 = arith.constant 0 : i32
    %dma_wait3A_246 = tpu.memref_slice %arg10[%add3A_244, %dma_wait3A_245] : memref<4096x128xf32, #tpu.memory_space<vmem_shared>> -> memref<128x128xf32, #tpu.memory_space<vmem_shared>>
    tpu.wait_dma2 semaphore(%arg16 : memref<!tpu.dma_semaphore, #tpu.memory_space<semaphore_mem>>) src(%arg5 : memref<128x128xf32, #tpu.memory_space<hbm>>) dst(%dma_wait3A_246 : memref<128x128xf32, #tpu.memory_space<vmem_shared>>)
    return
  }
}

module attributes {stable_mosaic.version = 14 : i64} {
  func.func @_tc_body(%arg0: i32, %arg1: memref<2048x128xf32, #tpu.memory_space<vmem>>, %arg2: memref<128x128xf32, #tpu.memory_space<vmem>>, %arg3: memref<8x128xf32, #tpu.memory_space<vmem>>, %arg4: memref<2048x128xf32, #tpu.memory_space<vmem>>) attributes {dimension_semantics = [#tpu.dimension_semantics<arbitrary>], iteration_bounds = array<i64: 8>, scalar_prefetch = 0 : i64, scratch_operands = 0 : i64, tpu.core_type = #tpu.core_type<tc>, window_params = [{transform_indices = @transform_0, window_bounds = array<i64: 2048, 128>}, {pipeline_mode = #tpu.pipeline_mode<synchronous>, transform_indices = @transform_1, window_bounds = array<i64: 128, 128>}, {pipeline_mode = #tpu.pipeline_mode<synchronous>, transform_indices = @transform_2, window_bounds = array<i64: 8, 128>}, {transform_indices = @transform_3, window_bounds = array<i64: 2048, 128>}]} {
    %get3A = arith.constant 0 : index
    %get3A_0 = arith.constant 0 : index
    %get3A_1 = vector.load %arg3[%get3A, %get3A_0] : memref<8x128xf32, #tpu.memory_space<vmem>>, vector<8x128xf32>
    %slice3A = vector.extract_strided_slice %get3A_1 {offsets = [0, 0], sizes = [1, 128], strides = [1, 1]} : vector<8x128xf32> to vector<1x128xf32>
    %slice3A_2 = vector.extract_strided_slice %get3A_1 {offsets = [1, 0], sizes = [1, 128], strides = [1, 1]} : vector<8x128xf32> to vector<1x128xf32>
    %slice3A_3 = vector.extract_strided_slice %get3A_1 {offsets = [2, 0], sizes = [1, 128], strides = [1, 1]} : vector<8x128xf32> to vector<1x128xf32>
    %slice3A_4 = vector.extract_strided_slice %get3A_1 {offsets = [3, 0], sizes = [1, 128], strides = [1, 1]} : vector<8x128xf32> to vector<1x128xf32>
    %slice3A_5 = vector.extract_strided_slice %get3A_1 {offsets = [4, 0], sizes = [1, 128], strides = [1, 1]} : vector<8x128xf32> to vector<1x128xf32>
    %slice3A_6 = vector.extract_strided_slice %get3A_1 {offsets = [5, 0], sizes = [1, 128], strides = [1, 1]} : vector<8x128xf32> to vector<1x128xf32>
    %slice3A_7 = vector.extract_strided_slice %get3A_1 {offsets = [6, 0], sizes = [1, 128], strides = [1, 1]} : vector<8x128xf32> to vector<1x128xf32>
    %get3A_8 = arith.constant 0 : index
    %get3A_9 = arith.constant 0 : index
    %get3A_10 = vector.load %arg1[%get3A_8, %get3A_9] : memref<2048x128xf32, #tpu.memory_space<vmem>>, vector<2048x128xf32>
    %mul3A = arith.constant 5.000000e-02 : f32
    %mul3A_11 = vector.broadcast %mul3A : f32 to vector<2048x128xf32>
    %mul3A_12 = arith.mulf %get3A_10, %mul3A_11 : vector<2048x128xf32>
    %get3A_13 = arith.constant 0 : index
    %get3A_14 = arith.constant 0 : index
    %get3A_15 = vector.load %arg2[%get3A_13, %get3A_14] : memref<128x128xf32, #tpu.memory_space<vmem>>, vector<128x128xf32>
    %dot_general3A = arith.constant dense<0.000000e+00> : vector<2048x128xf32>
    %dot_general3A_16 = tpu.matmul %mul3A_12, %get3A_15, %dot_general3A {dimension_numbers = #tpu.dot_dimension_numbers<[1], [0], [0], [1], [0, 0, 1, 1], [], []>, transpose_lhs_hint = false} : vector<2048x128xf32>, vector<128x128xf32>, vector<2048x128xf32> -> vector<2048x128xf32>
    %add3A = vector.broadcast %slice3A : vector<1x128xf32> to vector<2048x128xf32>
    %add3A_17 = arith.addf %dot_general3A_16, %add3A : vector<2048x128xf32>
    %sub3A = vector.broadcast %slice3A_4 : vector<1x128xf32> to vector<2048x128xf32>
    %sub3A_18 = arith.subf %add3A_17, %sub3A : vector<2048x128xf32>
    %add3A_19 = arith.constant 1.000000e-03 : f32
    %add3A_20 = vector.broadcast %add3A_19 : f32 to vector<1x128xf32>
    %add3A_21 = arith.addf %slice3A_5, %add3A_20 : vector<1x128xf32>
    %sqrt3A = math.sqrt %add3A_21 : vector<1x128xf32>
    %div3A = vector.broadcast %sqrt3A : vector<1x128xf32> to vector<2048x128xf32>
    %div3A_22 = arith.divf %sub3A_18, %div3A : vector<2048x128xf32>
    %mul3A_23 = vector.broadcast %slice3A_2 : vector<1x128xf32> to vector<2048x128xf32>
    %mul3A_24 = arith.mulf %div3A_22, %mul3A_23 : vector<2048x128xf32>
    %add3A_25 = vector.broadcast %slice3A_3 : vector<1x128xf32> to vector<2048x128xf32>
    %add3A_26 = arith.addf %mul3A_24, %add3A_25 : vector<2048x128xf32>
    %reduce_sum3A = arith.constant dense<0.000000e+00> : vector<2048xf32>
    %reduce_sum3A_27 = vector.multi_reduction <add>, %add3A_26, %reduce_sum3A [1] : vector<2048x128xf32> to vector<2048xf32>
    %broadcast_in_dim3A = vector.shape_cast %reduce_sum3A_27 : vector<2048xf32> to vector<2048x1xf32>
    %div3A_28 = arith.constant 1.280000e+02 : f32
    %div3A_29 = vector.broadcast %div3A_28 : f32 to vector<2048x1xf32>
    %div3A_30 = arith.divf %broadcast_in_dim3A, %div3A_29 : vector<2048x1xf32>
    %sub3A_31 = vector.broadcast %div3A_30 : vector<2048x1xf32> to vector<2048x128xf32>
    %sub3A_32 = arith.subf %add3A_26, %sub3A_31 : vector<2048x128xf32>
    %square3A = arith.mulf %sub3A_32, %sub3A_32 : vector<2048x128xf32>
    %reduce_sum3A_33 = arith.constant dense<0.000000e+00> : vector<2048xf32>
    %reduce_sum3A_34 = vector.multi_reduction <add>, %square3A, %reduce_sum3A_33 [1] : vector<2048x128xf32> to vector<2048xf32>
    %broadcast_in_dim3A_35 = vector.shape_cast %reduce_sum3A_34 : vector<2048xf32> to vector<2048x1xf32>
    %div3A_36 = arith.constant 1.280000e+02 : f32
    %div3A_37 = vector.broadcast %div3A_36 : f32 to vector<2048x1xf32>
    %div3A_38 = arith.divf %broadcast_in_dim3A_35, %div3A_37 : vector<2048x1xf32>
    %sub3A_39 = vector.broadcast %div3A_30 : vector<2048x1xf32> to vector<2048x128xf32>
    %sub3A_40 = arith.subf %add3A_26, %sub3A_39 : vector<2048x128xf32>
    %add3A_41 = arith.constant 1.000000e-03 : f32
    %add3A_42 = vector.broadcast %add3A_41 : f32 to vector<2048x1xf32>
    %add3A_43 = arith.addf %div3A_38, %add3A_42 : vector<2048x1xf32>
    %sqrt3A_44 = math.sqrt %add3A_43 : vector<2048x1xf32>
    %div3A_45 = vector.broadcast %sqrt3A_44 : vector<2048x1xf32> to vector<2048x128xf32>
    %div3A_46 = arith.divf %sub3A_40, %div3A_45 : vector<2048x128xf32>
    %mul3A_47 = vector.broadcast %slice3A_6 : vector<1x128xf32> to vector<2048x128xf32>
    %mul3A_48 = arith.mulf %div3A_46, %mul3A_47 : vector<2048x128xf32>
    %add3A_49 = vector.broadcast %slice3A_7 : vector<1x128xf32> to vector<2048x128xf32>
    %add3A_50 = arith.addf %mul3A_48, %add3A_49 : vector<2048x128xf32>
    %swap3A = arith.constant 0 : index
    %swap3A_51 = arith.constant 0 : index
    %swap3A_52 = vector.load %arg4[%swap3A, %swap3A_51] : memref<2048x128xf32, #tpu.memory_space<vmem>>, vector<2048x128xf32>
    tpu.vector_store %arg4[%swap3A, %swap3A_51], %add3A_50 {strides = array<i32>} : memref<2048x128xf32, #tpu.memory_space<vmem>>, vector<2048x128xf32>,
    return
  }
  func.func @transform_0(%arg0: i32) -> (i32, i32) {
    %c0_i32 = arith.constant 0 : i32
    %c0_i32_0 = arith.constant 0 : i32
    return %arg0, %c0_i32 : i32, i32
  }
  func.func @transform_1(%arg0: i32) -> (i32, i32) {
    %c0_i32 = arith.constant 0 : i32
    %c0_i32_0 = arith.constant 0 : i32
    %c0_i32_1 = arith.constant 0 : i32
    return %c0_i32, %c0_i32_0 : i32, i32
  }
  func.func @transform_2(%arg0: i32) -> (i32, i32) {
    %c0_i32 = arith.constant 0 : i32
    %c0_i32_0 = arith.constant 0 : i32
    %c0_i32_1 = arith.constant 0 : i32
    return %c0_i32, %c0_i32_0 : i32, i32
  }
  func.func @transform_3(%arg0: i32) -> (i32, i32) {
    %c0_i32 = arith.constant 0 : i32
    %c0_i32_0 = arith.constant 0 : i32
    return %arg0, %c0_i32 : i32, i32
  }
}

</mosaic_0001>

<sc_bundles>
// kernel: kernel.4.cloned.1.call-start
scs
__scs_entry_jumppad:
0x0: {  	(pc) =	sbr.rel $0x88, $3  }
0x1: {  	(tag) =	ssettag $0x0;
	lr =	simm.s32 $0x1  }
0x2: {  	[smem:$0x3F97] =	sst lr;
	_ =	strace $0xD0000000  }
0x3: {  	_ = 	snop  }
0x4: {  	_ = 	snop  }
0x5: {  	_ = 	snop  }
0x6: {  	_ = 	snop  }
0x7: {  	_ = 	snop  }
__scs_overlays_trampoline_lowered:
0x8: {  	[smem:$0x3FA6] =	sst s0  }
0x9: {  	[smem:$0x3FA7] =	sst s1  }
0xa: {  	[smem:$0x3FA8] =	sst s2  }
0xb: {  	[smem:$0x3FA9] =	sst s3  }
0xc: {  	[smem:$0x3FAA] =	sst s4  }
0xd: {  	[smem:$0x3FAB] =	sst s5  }
0xe: {  	[smem:$0x3FAC] =	sst s6  }
0xf: {  	[smem:$0x3FAD] =	sst s7  }
0x10: {  	[smem:$0x3FAE] =	sst s8  }
0x11: {  	[smem:$0x3FAF] =	sst s9;
	s0 =	simm.s32 @!p0 $0x0  }
0x12: {  	s1 =	sld [smem:$0x3F95];
	s0 =	simm.s32 @p0 $0x1  }
0x13: {  	[smem:$0x3FB0] =	sst s0;
	s0 =	simm.s32 @!p1 $0x0  }
0x14: {  	s2 =	sld [smem:$0x3F94];
	s0 =	simm.s32 @p1 $0x1  }
0x15: {  	[smem:$0x3FB1] =	sst s0;
	s0 =	simm.s32 @!p2 $0x0  }
0x16: {  	s3 =	sld [smem:$0x3FDB];
	s0 =	simm.s32 @p2 $0x1  }
0x17: {  	s4 =	simm.s32 $0x1BF5;
	[smem:$0x3FB3] =	sst s0  }
0x18: {  	s0 =	sld [smem:$0x3F96];
	_ =	swait.ge [sflag:s4], $0x0  }
0x19: {  	s7 =	sld [smem:$0x3F97]  }
0x1a: {  	s8 =	sadd.s32 $0xFFFFE003, lr  }
0x1b: {  	s9 =	sadd.s32 $0xFFFFFEF7, lr;
	s5 =	simm.s32 $0xFFFFFFFF;
	p2 =	slt.u32 s8, $0xFFFFF086  }
0x1c: {  	p1 =	slt.u32 s9, $0xF7A;
	s5 =	simm.s32 @!p2 $0x0  }
0x1d: {  	s5 =	simm.s32 @p1 $0x1;
	p0 =	seq.s32 s7, s2  }
0x1e: {  	s7 =	smul.u32 @!p0 $0xF7A, s2;
	p2 =	seq.s32 @!p0 s5, $0x0  }
0x1f: {  	s9 =	smul.u32 $0xF7A, s1;
	s8 =	simm.s32 @!p0 $0x1BF5;
	p2 =	por !p2, p0  }
0x20: {  	[sflag:s8] =	ssyncset.s32 @!p0 $0xFFFFF086;
	s6 =	sadd.s32 @!p0 s3, s7;
	s7 =	simm.s32 @!p0 $0x108  }
0x21: {  	s3 =	sadd.s32 s3, s9;
	s6 =	sadd.s32 @!p0 $0x88, s6;
	s7 =	simm.s32 @p2 $0x1082  }
0x22: {  	[simem:s7], [sflag:s8] =	dma.local @!p0 [hbm:s6], $0xF7A  }
0x23: {  	s9 =	sor.u32 $0xD0000000, s2;
	s6 =	simm.s32 $0x108;
	_ =	swait.ge @!p0 [sflag:s8], $0x0  }
0x24: {  	s3 =	sadd.s32 $0x88, s3;
	s6 =	simm.s32 @!p1 $0x1082;
	[sflag:s4] =	ssyncset.s32 $0xFFFFF086  }
0x25: {  	[simem:s6], [sflag:s4] =	dma.local [hbm:s3], $0xF7A  }
0x26: {  	[smem:$0x3F97] =	sst s1;
	(tag) =	ssettag s2;
	_ =	strace s9  }
0x27: {  	s1 =	sld [smem:$0x3FA7]  }
0x28: {  	s2 =	sld [smem:$0x3FA8]  }
0x29: {  	s4 =	sld [smem:$0x3FAA]  }
0x2a: {  	p0 =	seq.s32 s5, $0x0;
	s5 =	sld [smem:$0x3FAB]  }
0x2b: {  	s6 =	sld [smem:$0x3FAC]  }
0x2c: {  	s7 =	sld [smem:$0x3FAD]  }
0x2d: {  	s3 =	simm.s32 $0x108;
	s8 =	sld [smem:$0x3FAE]  }
0x2e: {  	s3 =	simm.s32 @!p0 $0x1082;
	s9 =	sld [smem:$0x3FAF]  }
0x2f: {  	lr =	sadd.s32 s0, s3;
	s0 =	sld [smem:$0x3FA6]  }
0x30: {  	s3 =	sld [smem:$0x3FA9]  }
0x31: {  	[smem:$0x3FB2] =	sst s10  }
0x32: {  	s10 =	sld [smem:$0x3FB0];
	_ =	sdelay $0x3  }
0x33: {  	p0 =	seq.s32 s10, $0x1;
	s10 =	sld [smem:$0x3FB2];
	_ =	sdelay $0x3  }
0x34: {  	[smem:$0x3FB2] =	sst s10  }
0x35: {  	s10 =	sld [smem:$0x3FB1];
	_ =	sdelay $0x3  }
0x36: {  	p1 =	seq.s32 s10, $0x1;
	s10 =	sld [smem:$0x3FB2];
	_ =	sdelay $0x3  }
0x37: {  	[smem:$0x3FB2] =	sst s10  }
0x38: {  	s10 =	sld [smem:$0x3FB3]  }
0x39: {  	_ = 	snop;
	(pc) =	sbr.ind lr, $3  }
0x3a: {  	_ = 	snop  }
0x3b: {  	_ = 	snop  }
0x3c: {  	p2 =	seq.s32 s10, $0x1;
	s10 =	sld [smem:$0x3FB2]  }
0x3d: {  	_ =	shalt  }
0x3e: {  	_ =	shalt  }
0x3f: {  	_ =	shalt  }
0x40: {  	_ =	shalt  }
0x41: {  	_ =	shalt  }
0x42: {  	_ =	shalt  }
0x43: {  	_ =	shalt  }
0x44: {  	_ =	shalt  }
0x45: {  	_ =	shalt  }
0x46: {  	_ =	shalt  }
0x47: {  	_ =	shalt  }
0x48: {  	_ =	shalt  }
0x49: {  	_ =	shalt  }
0x4a: {  	_ =	shalt  }
0x4b: {  	_ =	shalt  }
0x4c: {  	_ =	shalt  }
0x4d: {  	_ =	shalt  }
0x4e: {  	_ =	shalt  }
0x4f: {  	_ =	shalt  }
0x50: {  	_ =	shalt  }
0x51: {  	_ =	shalt  }
0x52: {  	_ =	shalt  }
0x53: {  	_ =	shalt  }
0x54: {  	_ =	shalt  }
0x55: {  	_ =	shalt  }
0x56: {  	_ =	shalt  }
0x57: {  	_ =	shalt  }
0x58: {  	_ =	shalt  }
0x59: {  	_ =	shalt  }
0x5a: {  	_ =	shalt  }
0x5b: {  	_ =	shalt  }
0x5c: {  	_ =	shalt  }
0x5d: {  	_ =	shalt  }
0x5e: {  	_ =	shalt  }
0x5f: {  	_ =	shalt  }
0x60: {  	_ =	shalt  }
0x61: {  	_ =	shalt  }
0x62: {  	_ =	shalt  }
0x63: {  	_ =	shalt  }
0x64: {  	_ =	shalt  }
0x65: {  	_ =	shalt  }
0x66: {  	_ =	shalt  }
0x67: {  	_ =	shalt  }
0x68: {  	_ =	shalt  }
0x69: {  	_ =	shalt  }
0x6a: {  	_ =	shalt  }
0x6b: {  	_ =	shalt  }
0x6c: {  	_ =	shalt  }
0x6d: {  	_ =	shalt  }
0x6e: {  	_ =	shalt  }
0x6f: {  	_ =	shalt  }
0x70: {  	_ =	shalt  }
0x71: {  	_ =	shalt  }
0x72: {  	_ =	shalt  }
0x73: {  	_ =	shalt  }
0x74: {  	_ =	shalt  }
0x75: {  	_ =	shalt  }
0x76: {  	_ =	shalt  }
0x77: {  	_ =	shalt  }
0x78: {  	_ =	shalt  }
0x79: {  	_ =	shalt  }
0x7a: {  	_ =	shalt  }
0x7b: {  	_ =	shalt  }
0x7c: {  	_ =	shalt  }
0x7d: {  	_ =	shalt  }
0x7e: {  	_ =	shalt  }
0x7f: {  	_ =	shalt  }
0x80: {  	_ =	shalt  }
0x81: {  	_ =	shalt  }
0x82: {  	_ =	shalt  }
0x83: {  	_ =	shalt  }
0x84: {  	_ =	shalt  }
0x85: {  	_ =	shalt  }
0x86: {  	_ =	shalt  }
0x87: {  	_ =	shalt  }
.Lfunc_end0:
.L_simem_size_0:
called_computation_lowered:
.L_overlay_start_0:
0x88: {  	s2 =	sld [smem:$0x3FD9]  }
0x89: {  	s3 =	sld [smem:$0x3FFE];
	_ =	sdelay $0x1  }
0x8a: {  	s1 =	srdreg.scid  }
0x8b: {  	s0 =	sand.u32 $0x1, s1  }
0x8c: {  	s17 =	sshll.u32 s0, $0xA;
	s2 =	sadd.s32 s3, s2  }
0x8d: {  	s2 =	sadd.s32 s2, s17  }
0x8e: {  	[smem:$0x3FBE] =	sst s2  }
0x8f: {  	_ = 	snop  }
0x90: {  	s2 =	sld [smem:$0x3FC8]  }
0x91: {  	s18 =	sld [smem:$0x3FD0];
	(tm) =	ssettm $0x1  }
0x92: {  	s4 =	sld [smem:$0x3FFB];
	_ =	sdelay $0x3  }
0x93: {  	_ =	strace s4  }
0x94: {  	s4 =	sld [smem:$0x3FFC];
	_ =	sdelay $0x3  }
0x95: {  	_ =	strace s4  }
0x96: {  	s4 =	sld [smem:$0x3FFD];
	_ =	sdelay $0x3  }
0x97: {  	_ =	strace s4  }
0x98: {  	_ =	strace $0x8FFFFFFF  }
0x99: {  	s19 =	sld [smem:$0x3FDB];
	_ =	sdelay $0x1  }
0x9a: {  	s5 =	simm.s32 $_scs_section_size  }
0x9b: {  	s6 =	simm.s32 $_size__tile_overlayer_lowered;
	s7 =	simm.s32 $_tile_overlayer_lowered  }
0x9c: {  	s22 =	simm.s32 $0x1BFF;
	s21 =	sshll.u32 s7, $0x1;
	s4 =	sadd.s32 s5, s19  }
0x9d: {  	s8 =	simm.s32 $0x0;
	s20 =	sshll.u32 s6, $0x1;
	s6 =	sadd.s32 s21, s4  }
0x9e: {  	[timem:s8], [sflag:s22] =	dma.local [hbm:s6], s20  }
0x9f: {  	_ =	swait.ge [sflag:s22], s20  }
0xa0: {  	s5 =	ssub.s32 $0x0, s20;
	[sflag:s22] =	ssyncset.done $0x0  }
0xa1: {  	[sflag:s22] =	ssyncadd.s32 s5;
	_ =	sdelay $0x1  }
0xa2: {  	s23 =	simm.s32 $0x1B8B  }
0xa3: {  	_ =	swait.ge [sflag:s23], $0x1  }
0xa4: {  	[sflag:s23] =	ssyncset.done $0x0  }
0xa5: {  	s25 =	simm.s32 $0x1B8E;
	s24 =	sld [smem:$0x3FFE];
	[sflag:s23] =	ssyncadd.s32 $0xFFFFFFFF  }
0xa6: {  	s26 =	simm.s32 $execute0_lowered;
	[smem:$0x3FD2] =	sst s25  }
0xa7: {  	s6 =	sshll.u32 s26, $0x1;
	_ =	strace $0x80000046;
	[dreg:$0x1] =	wrdreg $0xFFFFFFFF  }
0xa8: {  	s28 =	simm.s32 $_size_execute0_lowered;
	s4 =	sadd.s32 s4, s6;
	[dreg:$0x0] =	wrdreg $0x0  }
0xa9: {  	s6 =	sshll.u32 s28, $0x1;
	[dreg:$0x2] =	wrdreg s4  }
0xaa: {  	[dreg:$0x3] =	wrdreg s6  }
0xab: {  	[dreg:$0x4] =	wrdreg $0xC0  }
0xac: {  	_ =	task [dreg:s8], $0x5FFFF  }
0xad: {  	[dreg:$0x1] =	wrdreg $0xFFFFFFFF  }
0xae: {  	[dreg:$0x0] =	wrdreg $0x60  }
0xaf: {  	[dreg:$0x2] =	wrdreg s24  }
0xb0: {  	[dreg:$0x3] =	wrdreg s2  }
0xb1: {  	[dreg:$0x4] =	wrdreg s18  }
0xb2: {  	[dreg:$0x5] =	wrdreg $0x140000  }
0xb3: {  	[dreg:$0x6] =	wrdreg $0x9  }
0xb4: {  	_ =	task.clear_ibuf [dreg:s8], $0x7FFFF;
	_ =	strace $0x90000046  }
0xb5: {  	s29 =	simm.s32 $0x9;
	_ =	strace $0x80000048  }
0xb6: {  	_ =	swait.ge [sflag:s29], $0x1  }
0xb7: {  	[sflag:s29] =	ssyncadd.s32 $0xFFFFFFFF  }
0xb8: {  	_ =	strace $0x90000048  }
0xb9: {  	_ =	sfence  }
0xba: {  	s30 =	sld [smem:$0x0];
	_ =	sdelay $0x2  }
0xbb: {  	s31 =	sshll.u32 s1, $0xD;
	s1 =	sshrl.u32 s1, $0x2  }
0xbc: {  	s3 =	sand.u32 $0x4000, s31;
	s1 =	sadd.s32 s1, s30  }
0xbd: {  	s0 =	sor.u32 s3, s0;
	s1 =	sshll.u32 s1, $0x11  }
0xbe: {  	s0 =	sor.u32 s1, s0  }
0xbf: {  	s0 =	sadd.s32 $0x8F2B, s0  }
0xc0: {  	[sflag:s0] =	ssyncadd.remote.s32 $0x1  }
0xc1: {  	_ =	sfence.sel $0xFFFF  }
0xc2: {  	[dreg:$0x0] =	wrdreg $0xFFFFFFFF;
	(pc) =	sbr.abs _section_cstart, $3  }
0xc3: {  	[dreg:$0x1] =	wrdreg $0xFFFFFFFF  }
0xc4: {  	_ =	task.clear_ibuf [dreg:s8], $0x2FFFF;
	_ =	strace $0x9FFFFFFF  }
0xc5: {  	(tm) =	ssettm $0x7FFFFFFF  }
tec
execute0_lowered:
.L_overlay_start_1:
0x0: {  	(tag) =	ssettag $0x1  }
0x1: {  	s0 =	rddreg [dreg:$0x0]  }
0x2: {  	s3 =	rddreg [dreg:$0x1]  }
0x3: {  	s4 =	rddreg [dreg:$0x2]  }
0x4: {  	s2 =	rddreg [dreg:$0x3];
	s20 =	simm.s32 $0x0  }
0x5: {  	s26 =	simm.s32 $0x100;
	[smem:$0x7FF] =	sst s20  }
0x6: {  	s31 =	simm.s32 $0x180;
	_ =	strace $0x80000047;
	[dreg:$0xa] =	wrdreg s26  }
0x7: {  	s9 =	simm.s32 $0x400;
	[dreg:$0xb] =	wrdreg s31  }
0x8: {  	s10 =	simm.s32 $0x480;
	[dreg:$0x10] =	wrdreg s9  }
0x9: {  	s11 =	simm.s32 $0x500;
	[dreg:$0x11] =	wrdreg s10  }
0xa: {  	s12 =	simm.s32 $0x580;
	[dreg:$0x12] =	wrdreg s11  }
0xb: {  	s13 =	simm.s32 $0x600;
	[dreg:$0x13] =	wrdreg s12  }
0xc: {  	s14 =	simm.s32 $0x680;
	[dreg:$0x14] =	wrdreg s13  }
0xd: {  	s15 =	simm.s32 $0x700;
	[dreg:$0x15] =	wrdreg s14  }
0xe: {  	s16 =	simm.s32 $0x780;
	[dreg:$0x16] =	wrdreg s15  }
0xf: {  	s17 =	simm.s32 $0x800;
	[dreg:$0x17] =	wrdreg s16  }
0x10: {  	s18 =	simm.s32 $0x880;
	[dreg:$0x18] =	wrdreg s17  }
0x11: {  	s19 =	simm.s32 $0x900;
	[dreg:$0x19] =	wrdreg s18  }
0x12: {  	s21 =	simm.s32 $0x980;
	[dreg:$0x1a] =	wrdreg s19  }
0x13: {  	[dreg:$0x1b] =	wrdreg s21;
	s26 =	simm.s32 $0xC00  }
0x14: {  	s31 =	simm.s32 $0xC80;
	[smem:$0x7C5] =	sst s26  }
0x15: {  	s9 =	simm.s32 $0xF00;
	[smem:$0x7C6] =	sst s31  }
0x16: {  	s10 =	simm.s32 $0xF80;
	[smem:$0x7CB] =	sst s9  }
0x17: {  	s11 =	simm.s32 $0x1000;
	[smem:$0x7CC] =	sst s10  }
0x18: {  	s12 =	simm.s32 $0x1080;
	[smem:$0x7CD] =	sst s11  }
0x19: {  	s13 =	simm.s32 $0x1100;
	[smem:$0x7CE] =	sst s12  }
0x1a: {  	s14 =	simm.s32 $0x1180;
	[smem:$0x7CF] =	sst s13  }
0x1b: {  	s15 =	simm.s32 $0x1200;
	[smem:$0x7D0] =	sst s14  }
0x1c: {  	s16 =	simm.s32 $0x1280;
	[smem:$0x7D1] =	sst s15  }
0x1d: {  	s17 =	simm.s32 $0x1300;
	[smem:$0x7D2] =	sst s16  }
0x1e: {  	s30 =	stileid.u32;
	s18 =	simm.s32 $0x1380;
	[smem:$0x7D3] =	sst s17  }
0x1f: {  	s7 =	smul.u32 $0x300, s30;
	s19 =	simm.s32 $0x1400;
	[smem:$0x7D4] =	sst s18  }
0x20: {  	s21 =	simm.s32 $0x1480;
	[smem:$0x7D5] =	sst s19  }
0x21: {  	s22 =	sadd.s32 s7, s0;
	s7 =	simm.s32 $0x300;
	[smem:$0x7D6] =	sst s21  }
0x22: {  	s26 =	simm.s32 $0x1700;
	[dreg:$0xe] =	wrdreg s7  }
0x23: {  	s31 =	simm.s32 $0x1780;
	[smem:$0x7DB] =	sst s26  }
0x24: {  	s9 =	simm.s32 $0x1A00;
	[smem:$0x7DC] =	sst s31  }
0x25: {  	s10 =	simm.s32 $0x1A80;
	[smem:$0x7E1] =	sst s9  }
0x26: {  	s11 =	simm.s32 $0x1B00;
	[smem:$0x7E2] =	sst s10  }
0x27: {  	s1 =	srdreg.scid;
	s12 =	simm.s32 $0x1B80;
	[smem:$0x7E3] =	sst s11  }
0x28: {  	s1 =	sand.u32 $0x1, s1;
	s13 =	simm.s32 $0x1C00;
	[smem:$0x7E4] =	sst s12  }
0x29: {  	s5 =	sshll.u32 s30, $0x1;
	s14 =	simm.s32 $0x1C80;
	[smem:$0x7E5] =	sst s13  }
0x2a: {  	s5 =	sor.u32 s1, s5;
	s16 =	simm.s32 $0x1D00;
	[smem:$0x7E6] =	sst s14  }
0x2b: {  	s6 =	smul.u32 $0x500, s5;
	s17 =	simm.s32 $0x1D80;
	[smem:$0x7E7] =	sst s16  }
0x2c: {  	s5 =	sshll.u32 s5, $0xD;
	s19 =	simm.s32 $0x1E00;
	[smem:$0x7E8] =	sst s17  }
0x2d: {  	s8 =	sadd.s32 s4, s5;
	[smem:$0x7E9] =	sst s19  }
0x2e: {  	s5 =	sadd.s32 $0xB600, s22;
	[smem:$0x7C3] =	sst s8  }
0x2f: {  	s22 =	simm.s32 $0xA00;
	[smem:$0x7C4] =	sst s5  }
0x30: {  	s7 =	simm.s32 $0xE00;
	[dreg:$0x1c] =	wrdreg s22  }
0x31: {  	s26 =	simm.s32 $0x1F80;
	[smem:$0x7C9] =	sst s7  }
0x32: {  	s31 =	simm.s32 $0x2000;
	[smem:$0x7EC] =	sst s26  }
0x33: {  	s9 =	simm.s32 $0x2180;
	[smem:$0x7ED] =	sst s31  }
0x34: {  	s10 =	simm.s32 $0x2200;
	[smem:$0x7F0] =	sst s9  }
0x35: {  	s11 =	simm.s32 $0x2280;
	[smem:$0x7F1] =	sst s10  }
0x36: {  	s12 =	simm.s32 $0x2300;
	[smem:$0x7F2] =	sst s11  }
0x37: {  	s1 =	ssub.s32 $0x2, s1;
	s13 =	simm.s32 $0x2380;
	[smem:$0x7F3] =	sst s12  }
0x38: {  	s15 =	sshrl.u32 s1, $0x1;
	s14 =	simm.s32 $0x2400;
	[smem:$0x7F4] =	sst s13  }
0x39: {  	s1 =	ssub.s32 s1, s15;
	s15 =	simm.s32 $0x2480;
	[smem:$0x7F5] =	sst s14  }
0x3a: {  	s16 =	simm.s32 $0x2500;
	[smem:$0x7F6] =	sst s15  }
0x3b: {  	s19 =	sshll.u32 s30, $0x6;
	[smem:$0x7F7] =	sst s16  }
0x3c: {  	s4 =	sadd.s32 $0x800, s8;
	[smem:$0x7FD] =	sst s19  }
0x3d: {  	s23 =	sadd.s32 $0x1000, s8;
	[dreg:$0x6] =	wrdreg s4  }
0x3e: {  	s24 =	sadd.s32 $0x1800, s8;
	[dreg:$0x7] =	wrdreg s23  }
0x3f: {  	s25 =	sadd.s32 $0x180, s5;
	[dreg:$0x8] =	wrdreg s24  }
0x40: {  	s5 =	simm.s32 $0x200;
	[dreg:$0x9] =	wrdreg s25  }
0x41: {  	s8 =	simm.s32 $0x380;
	[dreg:$0xc] =	wrdreg s5  }
0x42: {  	s29 =	simm.s32 $0x7;
	s22 =	simm.s32 $0x1500;
	[dreg:$0xf] =	wrdreg s8  }
0x43: {  	p0 =	por $0x0, $0x0;
	s7 =	simm.s32 $0x1900;
	[smem:$0x7D7] =	sst s22  }
0x44: {  	s6 =	sadd.s32 s6, s0;
	s31 =	simm.s32 $0x2780;
	[smem:$0x7DF] =	sst s7  }
0x45: {  	s28 =	simm.s32 $0x3D00;
	s6 =	sadd.s32 $0x1600, s6;
	[smem:$0x7FC] =	sst s31  }
0x46: {  	s21 =	sadd.s32 $0xE600, s0;
	s23 =	simm.s32 $0xA80;
	[dreg:$0x5] =	wrdreg s6  }
0x47: {  	s18 =	sshll.u32 s30, $0xF;
	s24 =	simm.s32 $0xB00;
	[dreg:$0x1d] =	wrdreg s23  }
0x48: {  	s1 =	smax.u32 s1, $0x1;
	s25 =	simm.s32 $0xB80;
	[dreg:$0x1e] =	wrdreg s24  }
0x49: {  	s26 =	sor.u32 $0x1C07, s19;
	s5 =	simm.s32 $0xD00;
	[dreg:$0x1f] =	wrdreg s25  }
0x4a: {  	s17 =	sor.u32 $0x1C08, s19;
	s8 =	simm.s32 $0xE80;
	[smem:$0x7C7] =	sst s5  }
0x4b: {  	s10 =	simm.s32 $0x4000;
	s7 =	simm.s32 $0x2080;
	[smem:$0x7CA] =	sst s8  }
0x4c: {  	s22 =	sadd.s32 s18, s2;
	s18 =	simm.s32 $0x2580;
	[smem:$0x7EE] =	sst s7  }
0x4d: {  	s9 =	simm.s32 $0x8000;
	s6 =	simm.s32 $0x280;
	[smem:$0x7F8] =	sst s18  }
0x4e: {  	s14 =	simm.s32 $0x1;
	s23 =	simm.s32 $0x1580;
	[dreg:$0xd] =	wrdreg s6  }
0x4f: {  	s12 =	simm.s32 $0x2;
	s24 =	simm.s32 $0x1600;
	[smem:$0x7D8] =	sst s23  }
0x50: {  	s13 =	simm.s32 $0x3;
	s25 =	simm.s32 $0x1680;
	[smem:$0x7D9] =	sst s24  }
0x51: {  	s11 =	simm.s32 $0x4;
	s5 =	simm.s32 $0x1800;
	[smem:$0x7DA] =	sst s25  }
0x52: {  	s15 =	simm.s32 $0x5;
	s8 =	simm.s32 $0x1980;
	[smem:$0x7DD] =	sst s5  }
0x53: {  	s16 =	simm.s32 $0x6;
	s4 =	simm.s32 $0x9;
	[smem:$0x7E0] =	sst s8  }
0x54: {  	p1 =	sne.s32 s1, $0x1;
	s6 =	simm.s32 $0xD80;
	s18 =	rddreg [dreg:$0x5]  }
0x55: {  	s7 =	simm.s32 $0x10000;
	s23 =	simm.s32 $0x1E80;
	[smem:$0x7C8] =	sst s6  }
0x56: {  	s24 =	sadd.s32 $0x4000, s22;
	s25 =	simm.s32 $0x1F00;
	[smem:$0x7EA] =	sst s23  }
0x57: {  	s8 =	simm.s32 $0x2100;
	s6 =	simm.s32 $0x1880;
	[smem:$0x7EB] =	sst s25  }
.Ltmp0:
0x58: {  	[smem:$0x7EF] =	sst s8;
	s25 =	sshrl.u32 s22, $0x3;
	(pc) =	sbr.rel @!p1 .LBB2_1-.Ltmp0, $4  }
0x59: {  	s5 =	sshrl.u32 s24, $0x3;
	s22 =	simm.s32 $0x2600;
	[smem:$0x7DE] =	sst s6  }
0x5a: {  	s8 =	simm.s32 $0xC000;
	s23 =	simm.s32 $0x2680;
	[smem:$0x7F9] =	sst s22  }
0x5b: {  	s24 =	simm.s32 $0x2700;
	s6 =	simm.s32 $0x80;
	[smem:$0x7FA] =	sst s23  }
0x5c: {  	[smem:$0x7FB] =	sst s24;
	s22 =	sadd.s32 $0xFFFFFFFF, s1;
	s23 =	simm.s32 $0x8  }
0x5d: {  	[tilespmem:s20], [sflag:$0x9] =	stream.linear.gather [hbm4b:s18+s20], $0x2800, $0x38;
	[tilespmem:$0x1C000] =	vst v63  }
0x5e: {  	_ =	swait.ge [sflag:s4], $0x2800  }
0x5f: {  	s24 =	sld [smem:$0x7C4]  }
0x60: {  	[sflag:s4] =	ssyncset.done $0x0  }
0x61: {  	[smem:$0x7BF] =	sst s17;
	s17 =	simm.s32 $0x2800;
	[sflag:s4] =	ssyncadd.s32 $0xFFFFD800  }
0x62: {  	[tilespmem:s17], [sflag:$0x9] =	stream.linear.gather [hbm4b:s24+s20], $0xA00, $0x38;
	[tilespmem:$0x1C000] =	vst v63  }
0x63: {  	s15 =	simm.s32 $0x3400;
	s1 =	rddreg [dreg:$0x9]  }
0x64: {  	[tilespmem:s15], [sflag:$0x9] =	stream.linear.gather [hbm4b:s1+s20], $0xA00, $0x38;
	[tilespmem:$0x1C000] =	vst v63  }
0x65: {  	_ =	swait.ge [sflag:s4], $0x1400  }
0x66: {  	[sflag:s4] =	ssyncset.done $0x0  }
0x67: {  	[sflag:s4] =	ssyncadd.s32 $0xFFFFEC00  }
0x68: {  	[spmem:s25], [sflag:s26] =	dma.local [hbm:s21], $0x800  }
0x69: {  	s31 =	sld [smem:$0x7BF];
	_ =	sdelay $0x2  }
0x6a: {  	[spmem:s5], [sflag:s31] =	dma.local [hbm:s21], $0x800  }
0x6b: {  	[tilespmem:s10], [sflag:$0x1] =	stream.indirect.gather [hbm4b:s3+s6], $0x80, s20, s6, $0xb8;
	[tilespmem:$0x1C000] =	vst v63  }
0x6c: {  	_ = 	snop  }
0x6d: {  	[tilespmem:s9], [sflag:$0x2] =	stream.indirect.gather [hbm4b:s3+s6], $0x80, s6, s6, $0xb8;
	[tilespmem:$0x1C000] =	vst v63  }
0x6e: {  	s1 =	rddreg [dreg:$0xa]  }
0x6f: {  	[tilespmem:s8], [sflag:$0x3] =	stream.indirect.gather [hbm4b:s3+s6], $0x80, s1, s6, $0xb8;
	[tilespmem:$0x1C000] =	vst v63  }
0x70: {  	s0 =	rddreg [dreg:$0xb]  }
0x71: {  	[tilespmem:s7], [sflag:$0x4] =	stream.indirect.gather [hbm4b:s3+s6], $0x80, s0, s6, $0xb8;
	[tilespmem:$0x1C000] =	vst v63  }
0x72: {  	_ =	swait.ge [sflag:s29], $0x800  }
0x73: {  	[sflag:s29] =	ssyncset.done $0x0  }
0x74: {  	[sflag:s29] =	ssyncadd.s32 $0xFFFFF800  }
0x75: {  	_ =	swait.ge [sflag:s14], $0x4000  }
0x76: {  	[sflag:s14] =	ssyncset.done $0x0  }
0x77: {  	[sflag:s14] =	ssyncadd.s32 $0xFFFFC000  }
0x78: {  	[spmem:s2] =	stream.indirect.scatter.add.f32 [tilespmem:s10], [sflag:$0x9], $0x80, s17, s6, $0xb8;
	[tilespmem:$0x1C000] =	vst v63  }
0x79: {  	_ =	swait.ge [sflag:s4], $0x4000  }
0x7a: {  	[sflag:s4] =	ssyncset.done $0x0  }
0x7b: {  	s16 =	rddreg [dreg:$0xc];
	[sflag:s4] =	ssyncadd.s32 $0xFFFFC000  }
0x7c: {  	[tilespmem:s10], [sflag:$0x1] =	stream.indirect.gather [hbm4b:s3+s6], $0x80, s16, s6, $0xb8;
	[tilespmem:$0x1C000] =	vst v63  }
0x7d: {  	_ =	swait.ge [sflag:s12], $0x4000  }
0x7e: {  	[sflag:s12] =	ssyncset.done $0x0  }
0x7f: {  	s30 =	smov.u32 s26;
	s26 =	simm.s32 $0x2880;
	[sflag:s12] =	ssyncadd.s32 $0xFFFFC000  }
0x80: {  	[spmem:s2] =	stream.indirect.scatter.add.f32 [tilespmem:s9], [sflag:$0x9], $0x80, s26, s6, $0xb8;
	[tilespmem:$0x1C000] =	vst v63  }
0x81: {  	_ =	swait.ge [sflag:s4], $0x4000  }
0x82: {  	[sflag:s4] =	ssyncset.done $0x0  }
0x83: {  	s18 =	rddreg [dreg:$0xd];
	[sflag:s4] =	ssyncadd.s32 $0xFFFFC000  }
0x84: {  	[tilespmem:s9], [sflag:$0x2] =	stream.indirect.gather [hbm4b:s3+s6], $0x80, s18, s6, $0xb8;
	[tilespmem:$0x1C000] =	vst v63  }
0x85: {  	_ =	swait.ge [sflag:s13], $0x4000  }
0x86: {  	[sflag:s13] =	ssyncset.done $0x0  }
0x87: {  	s24 =	simm.s32 $0x2900;
	[sflag:s13] =	ssyncadd.s32 $0xFFFFC000  }
0x88: {  	[spmem:s2] =	stream.indirect.scatter.add.f32 [tilespmem:s8], [sflag:$0x9], $0x80, s24, s6, $0xb8;
	[tilespmem:$0x1C000] =	vst v63  }
0x89: {  	_ =	swait.ge [sflag:s4], $0x4000  }
0x8a: {  	[sflag:s4] =	ssyncset.done $0x0  }
0x8b: {  	s20 =	rddreg [dreg:$0xe];
	[sflag:s4] =	ssyncadd.s32 $0xFFFFC000  }
0x8c: {  	[tilespmem:s8], [sflag:$0x3] =	stream.indirect.gather [hbm4b:s3+s6], $0x80, s20, s6, $0xb8;
	[tilespmem:$0x1C000] =	vst v63  }
0x8d: {  	_ =	swait.ge [sflag:s11], $0x4000  }
0x8e: {  	[sflag:s11] =	ssyncset.done $0x0  }
0x8f: {  	s23 =	simm.s32 $0x2980;
	[sflag:s11] =	ssyncadd.s32 $0xFFFFC000  }
0x90: {  	[spmem:s2] =	stream.indirect.scatter.add.f32 [tilespmem:s7], [sflag:$0x9], $0x80, s23, s6, $0xb8;
	[tilespmem:$0x1C000] =	vst v63  }
0x91: {  	_ =	swait.ge [sflag:s4], $0x4000  }
0x92: {  	[sflag:s4] =	ssyncset.done $0x0  }
0x93: {  	s31 =	rddreg [dreg:$0xf];
	[sflag:s4] =	ssyncadd.s32 $0xFFFFC000  }
0x94: {  	[tilespmem:s7], [sflag:$0x4] =	stream.indirect.gather [hbm4b:s3+s6], $0x80, s31, s6, $0xb8;
	[tilespmem:$0x1C000] =	vst v63  }
0x95: {  	_ =	swait.ge [sflag:s14], $0x4000  }
0x96: {  	[sflag:s14] =	ssyncset.done $0x0  }
0x97: {  	s0 =	simm.s32 $0x2A00;
	[sflag:s14] =	ssyncadd.s32 $0xFFFFC000  }
0x98: {  	[spmem:s2] =	stream.indirect.scatter.add.f32 [tilespmem:s10], [sflag:$0x9], $0x80, s0, s6, $0xb8;
	[tilespmem:$0x1C000] =	vst v63  }
0x99: {  	_ =	swait.ge [sflag:s4], $0x4000  }
0x9a: {  	[sflag:s4] =	ssyncset.done $0x0  }
0x9b: {  	s16 =	rddreg [dreg:$0x10];
	[sflag:s4] =	ssyncadd.s32 $0xFFFFC000  }
0x9c: {  	[tilespmem:s10], [sflag:$0x1] =	stream.indirect.gather [hbm4b:s3+s6], $0x80, s16, s6, $0xb8;
	[tilespmem:$0x1C000] =	vst v63  }
0x9d: {  	_ =	swait.ge [sflag:s12], $0x4000  }
0x9e: {  	[sflag:s12] =	ssyncset.done $0x0  }
0x9f: {  	s31 =	simm.s32 $0x2A80;
	[sflag:s12] =	ssyncadd.s32 $0xFFFFC000  }
0xa0: {  	[spmem:s2] =	stream.indirect.scatter.add.f32 [tilespmem:s9], [sflag:$0x9], $0x80, s31, s6, $0xb8;
	[tilespmem:$0x1C000] =	vst v63  }
0xa1: {  	_ =	swait.ge [sflag:s4], $0x4000  }
0xa2: {  	[sflag:s4] =	ssyncset.done $0x0  }
0xa3: {  	s18 =	rddreg [dreg:$0x11];
	[sflag:s4] =	ssyncadd.s32 $0xFFFFC000  }
0xa4: {  	[tilespmem:s9], [sflag:$0x2] =	stream.indirect.gather [hbm4b:s3+s6], $0x80, s18, s6, $0xb8;
	[tilespmem:$0x1C000] =	vst v63  }
0xa5: {  	_ =	swait.ge [sflag:s13], $0x4000  }
0xa6: {  	[sflag:s13] =	ssyncset.done $0x0  }
0xa7: {  	s20 =	simm.s32 $0x2B00;
	[sflag:s13] =	ssyncadd.s32 $0xFFFFC000  }
0xa8: {  	[spmem:s2] =	stream.indirect.scatter.add.f32 [tilespmem:s8], [sflag:$0x9], $0x80, s20, s6, $0xb8;
	[tilespmem:$0x1C000] =	vst v63  }
0xa9: {  	_ =	swait.ge [sflag:s4], $0x4000  }
0xaa: {  	[sflag:s4] =	ssyncset.done $0x0  }
0xab: {  	s23 =	rddreg [dreg:$0x12];
	[sflag:s4] =	ssyncadd.s32 $0xFFFFC000  }
0xac: {  	[tilespmem:s8], [sflag:$0x3] =	stream.indirect.gather [hbm4b:s3+s6], $0x80, s23, s6, $0xb8;
	[tilespmem:$0x1C000] =	vst v63  }
0xad: {  	_ =	swait.ge [sflag:s11], $0x4000  }
0xae: {  	[sflag:s11] =	ssyncset.done $0x0  }
0xaf: {  	s0 =	simm.s32 $0x2B80;
	[sflag:s11] =	ssyncadd.s32 $0xFFFFC000  }
0xb0: {  	[spmem:s2] =	stream.indirect.scatter.add.f32 [tilespmem:s7], [sflag:$0x9], $0x80, s0, s6, $0xb8;
	[tilespmem:$0x1C000] =	vst v63  }
0xb1: {  	_ =	swait.ge [sflag:s4], $0x4000  }
0xb2: {  	[sflag:s4] =	ssyncset.done $0x0  }
0xb3: {  	s16 =	rddreg [dreg:$0x13];
	[sflag:s4] =	ssyncadd.s32 $0xFFFFC000  }
0xb4: {  	[tilespmem:s7], [sflag:$0x4] =	stream.indirect.gather [hbm4b:s3+s6], $0x80, s16, s6, $0xb8;
	[tilespmem:$0x1C000] =	vst v63  }
0xb5: {  	_ =	swait.ge [sflag:s14], $0x4000  }
0xb6: {  	[sflag:s14] =	ssyncset.done $0x0  }
0xb7: {  	s18 =	simm.s32 $0x2C00;
	[sflag:s14] =	ssyncadd.s32 $0xFFFFC000  }
0xb8: {  	[spmem:s2] =	stream.indirect.scatter.add.f32 [tilespmem:s10], [sflag:$0x9], $0x80, s18, s6, $0xb8;
	[tilespmem:$0x1C000] =	vst v63  }
0xb9: {  	_ =	swait.ge [sflag:s4], $0x4000  }
0xba: {  	[sflag:s4] =	ssyncset.done $0x0  }
0xbb: {  	s20 =	rddreg [dreg:$0x14];
	[sflag:s4] =	ssyncadd.s32 $0xFFFFC000  }
0xbc: {  	[tilespmem:s10], [sflag:$0x1] =	stream.indirect.gather [hbm4b:s3+s6], $0x80, s20, s6, $0xb8;
	[tilespmem:$0x1C000] =	vst v63  }
0xbd: {  	_ =	swait.ge [sflag:s12], $0x4000  }
0xbe: {  	[sflag:s12] =	ssyncset.done $0x0  }
0xbf: {  	s23 =	simm.s32 $0x2C80;
	[sflag:s12] =	ssyncadd.s32 $0xFFFFC000  }
0xc0: {  	[spmem:s2] =	stream.indirect.scatter.add.f32 [tilespmem:s9], [sflag:$0x9], $0x80, s23, s6, $0xb8;
	[tilespmem:$0x1C000] =	vst v63  }
0xc1: {  	_ =	swait.ge [sflag:s4], $0x4000  }
0xc2: {  	[sflag:s4] =	ssyncset.done $0x0  }
0xc3: {  	s0 =	rddreg [dreg:$0x15];
	[sflag:s4] =	ssyncadd.s32 $0xFFFFC000  }
0xc4: {  	[tilespmem:s9], [sflag:$0x2] =	stream.indirect.gather [hbm4b:s3+s6], $0x80, s0, s6, $0xb8;
	[tilespmem:$0x1C000] =	vst v63  }
0xc5: {  	_ =	swait.ge [sflag:s13], $0x4000  }
0xc6: {  	[sflag:s13] =	ssyncset.done $0x0  }
0xc7: {  	s16 =	simm.s32 $0x2D00;
	[sflag:s13] =	ssyncadd.s32 $0xFFFFC000  }
0xc8: {  	[spmem:s2] =	stream.indirect.scatter.add.f32 [tilespmem:s8], [sflag:$0x9], $0x80, s16, s6, $0xb8;
	[tilespmem:$0x1C000] =	vst v63  }
0xc9: {  	_ =	swait.ge [sflag:s4], $0x4000  }
0xca: {  	[sflag:s4] =	ssyncset.done $0x0  }
0xcb: {  	s18 =	rddreg [dreg:$0x16];
	[sflag:s4] =	ssyncadd.s32 $0xFFFFC000  }
0xcc: {  	[tilespmem:s8], [sflag:$0x3] =	stream.indirect.gather [hbm4b:s3+s6], $0x80, s18, s6, $0xb8;
	[tilespmem:$0x1C000] =	vst v63  }
0xcd: {  	_ =	swait.ge [sflag:s11], $0x4000  }
0xce: {  	[sflag:s11] =	ssyncset.done $0x0  }
0xcf: {  	s20 =	simm.s32 $0x2D80;
	[sflag:s11] =	ssyncadd.s32 $0xFFFFC000  }
0xd0: {  	[spmem:s2] =	stream.indirect.scatter.add.f32 [tilespmem:s7], [sflag:$0x9], $0x80, s20, s6, $0xb8;
	[tilespmem:$0x1C000] =	vst v63  }
0xd1: {  	_ =	swait.ge [sflag:s4], $0x4000  }
0xd2: {  	[sflag:s4] =	ssyncset.done $0x0  }
0xd3: {  	s16 =	rddreg [dreg:$0x17];
	[sflag:s4] =	ssyncadd.s32 $0xFFFFC000  }
0xd4: {  	[tilespmem:s7], [sflag:$0x4] =	stream.indirect.gather [hbm4b:s3+s6], $0x80, s16, s6, $0xb8;
	[tilespmem:$0x1C000] =	vst v63  }
0xd5: {  	_ =	swait.ge [sflag:s14], $0x4000  }
0xd6: {  	[sflag:s14] =	ssyncset.done $0x0  }
0xd7: {  	s20 =	simm.s32 $0x2E00;
	[sflag:s14] =	ssyncadd.s32 $0xFFFFC000  }
0xd8: {  	[spmem:s2] =	stream.indirect.scatter.add.f32 [tilespmem:s10], [sflag:$0x9], $0x80, s20, s6, $0xb8;
	[tilespmem:$0x1C000] =	vst v63  }
0xd9: {  	_ =	swait.ge [sflag:s4], $0x4000  }
0xda: {  	[sflag:s4] =	ssyncset.done $0x0  }
0xdb: {  	s16 =	rddreg [dreg:$0x18];
	[sflag:s4] =	ssyncadd.s32 $0xFFFFC000  }
0xdc: {  	[tilespmem:s10], [sflag:$0x1] =	stream.indirect.gather [hbm4b:s3+s6], $0x80, s16, s6, $0xb8;
	[tilespmem:$0x1C000] =	vst v63  }
0xdd: {  	_ =	swait.ge [sflag:s12], $0x4000  }
0xde: {  	[sflag:s12] =	ssyncset.done $0x0  }
0xdf: {  	s20 =	simm.s32 $0x2E80;
	[sflag:s12] =	ssyncadd.s32 $0xFFFFC000  }
0xe0: {  	[spmem:s2] =	stream.indirect.scatter.add.f32 [tilespmem:s9], [sflag:$0x9], $0x80, s20, s6, $0xb8;
	[tilespmem:$0x1C000] =	vst v63  }
0xe1: {  	_ =	swait.ge [sflag:s4], $0x4000  }
0xe2: {  	[sflag:s4] =	ssyncset.done $0x0  }
0xe3: {  	s16 =	rddreg [dreg:$0x19];
	[sflag:s4] =	ssyncadd.s32 $0xFFFFC000  }
0xe4: {  	[tilespmem:s9], [sflag:$0x2] =	stream.indirect.gather [hbm4b:s3+s6], $0x80, s16, s6, $0xb8;
	[tilespmem:$0x1C000] =	vst v63  }
0xe5: {  	_ =	swait.ge [sflag:s13], $0x4000  }
0xe6: {  	[sflag:s13] =	ssyncset.done $0x0  }
0xe7: {  	s20 =	simm.s32 $0x2F00;
	[sflag:s13] =	ssyncadd.s32 $0xFFFFC000  }
0xe8: {  	[spmem:s2] =	stream.indirect.scatter.add.f32 [tilespmem:s8], [sflag:$0x9], $0x80, s20, s6, $0xb8;
	[tilespmem:$0x1C000] =	vst v63  }
0xe9: {  	_ =	swait.ge [sflag:s4], $0x4000  }
0xea: {  	[sflag:s4] =	ssyncset.done $0x0  }
0xeb: {  	s20 =	rddreg [dreg:$0x1a];
	[sflag:s4] =	ssyncadd.s32 $0xFFFFC000  }
0xec: {  	[tilespmem:s8], [sflag:$0x3] =	stream.indirect.gather [hbm4b:s3+s6], $0x80, s20, s6, $0xb8;
	[tilespmem:$0x1C000] =	vst v63  }
0xed: {  	_ =	swait.ge [sflag:s11], $0x4000  }
0xee: {  	[sflag:s11] =	ssyncset.done $0x0  }
0xef: {  	s20 =	simm.s32 $0x2F80;
	[sflag:s11] =	ssyncadd.s32 $0xFFFFC000  }
0xf0: {  	[spmem:s2] =	stream.indirect.scatter.add.f32 [tilespmem:s7], [sflag:$0x9], $0x80, s20, s6, $0xb8;
	[tilespmem:$0x1C000] =	vst v63  }
0xf1: {  	_ =	swait.ge [sflag:s4], $0x4000  }
0xf2: {  	[sflag:s4] =	ssyncset.done $0x0  }
0xf3: {  	s20 =	rddreg [dreg:$0x1b];
	[sflag:s4] =	ssyncadd.s32 $0xFFFFC000  }
0xf4: {  	[tilespmem:s7], [sflag:$0x4] =	stream.indirect.gather [hbm4b:s3+s6], $0x80, s20, s6, $0xb8;
	[tilespmem:$0x1C000] =	vst v63  }
0xf5: {  	_ =	swait.ge [sflag:s14], $0x4000  }
0xf6: {  	[sflag:s14] =	ssyncset.done $0x0  }
0xf7: {  	s20 =	simm.s32 $0x3000;
	[sflag:s14] =	ssyncadd.s32 $0xFFFFC000  }
0xf8: {  	[spmem:s2] =	stream.indirect.scatter.add.f32 [tilespmem:s10], [sflag:$0x9], $0x80, s20, s6, $0xb8;
	[tilespmem:$0x1C000] =	vst v63  }
0xf9: {  	_ =	swait.ge [sflag:s4], $0x4000  }
0xfa: {  	[sflag:s4] =	ssyncset.done $0x0  }
0xfb: {  	s20 =	rddreg [dreg:$0x1c];
	[sflag:s4] =	ssyncadd.s32 $0xFFFFC000  }
0xfc: {  	[tilespmem:s10], [sflag:$0x1] =	stream.indirect.gather [hbm4b:s3+s6], $0x80, s20, s6, $0xb8;
	[tilespmem:$0x1C000] =	vst v63  }
0xfd: {  	_ =	swait.ge [sflag:s12], $0x4000  }
0xfe: {  	[sflag:s12] =	ssyncset.done $0x0  }
0xff: {  	s20 =	simm.s32 $0x3080;
	[sflag:s12] =	ssyncadd.s32 $0xFFFFC000  }
0x100: {  	[spmem:s2] =	stream.indirect.scatter.add.f32 [tilespmem:s9], [sflag:$0x9], $0x80, s20, s6, $0xb8;
	[tilespmem:$0x1C000] =	vst v63  }
0x101: {  	_ =	swait.ge [sflag:s4], $0x4000  }
0x102: {  	[sflag:s4] =	ssyncset.done $0x0  }
0x103: {  	s20 =	rddreg [dreg:$0x1d];
	[sflag:s4] =	ssyncadd.s32 $0xFFFFC000  }
0x104: {  	[tilespmem:s9], [sflag:$0x2] =	stream.indirect.gather [hbm4b:s3+s6], $0x80, s20, s6, $0xb8;
	[tilespmem:$0x1C000] =	vst v63  }
0x105: {  	_ =	swait.ge [sflag:s13], $0x4000  }
0x106: {  	[sflag:s13] =	ssyncset.done $0x0  }
0x107: {  	s20 =	simm.s32 $0x3100;
	[sflag:s13] =	ssyncadd.s32 $0xFFFFC000  }
0x108: {  	[spmem:s2] =	stream.indirect.scatter.add.f32 [tilespmem:s8], [sflag:$0x9], $0x80, s20, s6, $0xb8;
	[tilespmem:$0x1C000] =	vst v63  }
0x109: {  	_ =	swait.ge [sflag:s4], $0x4000  }
0x10a: {  	[sflag:s4] =	ssyncset.done $0x0  }
0x10b: {  	s20 =	rddreg [dreg:$0x1e];
	[sflag:s4] =	ssyncadd.s32 $0xFFFFC000  }
0x10c: {  	[tilespmem:s8], [sflag:$0x3] =	stream.indirect.gather [hbm4b:s3+s6], $0x80, s20, s6, $0xb8;
	[tilespmem:$0x1C000] =	vst v63  }
0x10d: {  	_ =	swait.ge [sflag:s11], $0x4000  }
0x10e: {  	[sflag:s11] =	ssyncset.done $0x0  }
0x10f: {  	s20 =	simm.s32 $0x3180;
	[sflag:s11] =	ssyncadd.s32 $0xFFFFC000  }
0x110: {  	[spmem:s2] =	stream.indirect.scatter.add.f32 [tilespmem:s7], [sflag:$0x9], $0x80, s20, s6, $0xb8;
	[tilespmem:$0x1C000] =	vst v63  }
0x111: {  	_ =	swait.ge [sflag:s4], $0x4000  }
0x112: {  	[sflag:s4] =	ssyncset.done $0x0  }
0x113: {  	s0 =	simm.s32 $0x8;
	s20 =	rddreg [dreg:$0x1f];
	[sflag:s4] =	ssyncadd.s32 $0xFFFFC000  }
0x114: {  	[tilespmem:s7], [sflag:$0x4] =	stream.indirect.gather [hbm4b:s3+s6], $0x80, s20, s6, $0xb8;
	[tilespmem:$0x1C000] =	vst v63  }
0x115: {  	_ =	swait.ge [sflag:s0], $0x800  }
0x116: {  	[sflag:s0] =	ssyncset.done $0x0  }
0x117: {  	[sflag:s0] =	ssyncadd.s32 $0xFFFFF800  }
0x118: {  	_ =	swait.ge [sflag:s14], $0x4000  }
0x119: {  	[sflag:s14] =	ssyncset.done $0x0  }
0x11a: {  	s15 =	simm.s32 $0x3400;
	[sflag:s14] =	ssyncadd.s32 $0xFFFFC000  }
0x11b: {  	[spmem:s2] =	stream.indirect.scatter.add.f32 [tilespmem:s10], [sflag:$0x9], $0x80, s15, s6, $0xb8;
	[tilespmem:$0x1C000] =	vst v63  }
0x11c: {  	_ =	swait.ge [sflag:s4], $0x4000  }
0x11d: {  	s0 =	sld [smem:$0x7C5]  }
0x11e: {  	[sflag:s4] =	ssyncset.done $0x0  }
0x11f: {  	[sflag:s4] =	ssyncadd.s32 $0xFFFFC000  }
0x120: {  	[tilespmem:s10], [sflag:$0x1] =	stream.indirect.gather [hbm4b:s3+s6], $0x80, s0, s6, $0xb8;
	[tilespmem:$0x1C000] =	vst v63  }
0x121: {  	_ =	swait.ge [sflag:s12], $0x4000  }
0x122: {  	[sflag:s12] =	ssyncset.done $0x0  }
0x123: {  	s1 =	simm.s32 $0x3480;
	[sflag:s12] =	ssyncadd.s32 $0xFFFFC000  }
0x124: {  	[spmem:s2] =	stream.indirect.scatter.add.f32 [tilespmem:s9], [sflag:$0x9], $0x80, s1, s6, $0xb8;
	[tilespmem:$0x1C000] =	vst v63  }
0x125: {  	_ =	swait.ge [sflag:s4], $0x4000  }
0x126: {  	s15 =	sld [smem:$0x7C6]  }
0x127: {  	[sflag:s4] =	ssyncset.done $0x0  }
0x128: {  	[sflag:s4] =	ssyncadd.s32 $0xFFFFC000  }
0x129: {  	[tilespmem:s9], [sflag:$0x2] =	stream.indirect.gather [hbm4b:s3+s6], $0x80, s15, s6, $0xb8;
	[tilespmem:$0x1C000] =	vst v63  }
0x12a: {  	_ =	swait.ge [sflag:s13], $0x4000  }
0x12b: {  	[sflag:s13] =	ssyncset.done $0x0  }
0x12c: {  	s20 =	simm.s32 $0x3500;
	[sflag:s13] =	ssyncadd.s32 $0xFFFFC000  }
0x12d: {  	[spmem:s2] =	stream.indirect.scatter.add.f32 [tilespmem:s8], [sflag:$0x9], $0x80, s20, s6, $0xb8;
	[tilespmem:$0x1C000] =	vst v63  }
0x12e: {  	_ =	swait.ge [sflag:s4], $0x4000  }
0x12f: {  	s0 =	sld [smem:$0x7C7]  }
0x130: {  	[sflag:s4] =	ssyncset.done $0x0  }
0x131: {  	[sflag:s4] =	ssyncadd.s32 $0xFFFFC000  }
0x132: {  	[tilespmem:s8], [sflag:$0x3] =	stream.indirect.gather [hbm4b:s3+s6], $0x80, s0, s6, $0xb8;
	[tilespmem:$0x1C000] =	vst v63  }
0x133: {  	_ =	swait.ge [sflag:s11], $0x4000  }
0x134: {  	[sflag:s11] =	ssyncset.done $0x0  }
0x135: {  	s1 =	simm.s32 $0x3580;
	[sflag:s11] =	ssyncadd.s32 $0xFFFFC000  }
0x136: {  	[spmem:s2] =	stream.indirect.scatter.add.f32 [tilespmem:s7], [sflag:$0x9], $0x80, s1, s6, $0xb8;
	[tilespmem:$0x1C000] =	vst v63  }
0x137: {  	_ =	swait.ge [sflag:s4], $0x4000  }
0x138: {  	s15 =	sld [smem:$0x7C8]  }
0x139: {  	[sflag:s4] =	ssyncset.done $0x0  }
0x13a: {  	[sflag:s4] =	ssyncadd.s32 $0xFFFFC000  }
0x13b: {  	[tilespmem:s7], [sflag:$0x4] =	stream.indirect.gather [hbm4b:s3+s6], $0x80, s15, s6, $0xb8;
	[tilespmem:$0x1C000] =	vst v63  }
0x13c: {  	_ =	swait.ge [sflag:s14], $0x4000  }
0x13d: {  	[sflag:s14] =	ssyncset.done $0x0  }
0x13e: {  	s20 =	simm.s32 $0x3600;
	[sflag:s14] =	ssyncadd.s32 $0xFFFFC000  }
0x13f: {  	[spmem:s2] =	stream.indirect.scatter.add.f32 [tilespmem:s10], [sflag:$0x9], $0x80, s20, s6, $0xb8;
	[tilespmem:$0x1C000] =	vst v63  }
0x140: {  	_ =	swait.ge [sflag:s4], $0x4000  }
0x141: {  	s0 =	sld [smem:$0x7C9]  }
0x142: {  	[sflag:s4] =	ssyncset.done $0x0  }
0x143: {  	[sflag:s4] =	ssyncadd.s32 $0xFFFFC000  }
0x144: {  	[tilespmem:s10], [sflag:$0x1] =	stream.indirect.gather [hbm4b:s3+s6], $0x80, s0, s6, $0xb8;
	[tilespmem:$0x1C000] =	vst v63  }
0x145: {  	_ =	swait.ge [sflag:s12], $0x4000  }
0x146: {  	[sflag:s12] =	ssyncset.done $0x0  }
0x147: {  	s1 =	simm.s32 $0x3680;
	[sflag:s12] =	ssyncadd.s32 $0xFFFFC000  }
0x148: {  	[spmem:s2] =	stream.indirect.scatter.add.f32 [tilespmem:s9], [sflag:$0x9], $0x80, s1, s6, $0xb8;
	[tilespmem:$0x1C000] =	vst v63  }
0x149: {  	_ =	swait.ge [sflag:s4], $0x4000  }
0x14a: {  	s15 =	sld [smem:$0x7CA]  }
0x14b: {  	[sflag:s4] =	ssyncset.done $0x0  }
0x14c: {  	[sflag:s4] =	ssyncadd.s32 $0xFFFFC000  }
0x14d: {  	[tilespmem:s9], [sflag:$0x2] =	stream.indirect.gather [hbm4b:s3+s6], $0x80, s15, s6, $0xb8;
	[tilespmem:$0x1C000] =	vst v63  }
0x14e: {  	_ =	swait.ge [sflag:s13], $0x4000  }
0x14f: {  	[sflag:s13] =	ssyncset.done $0x0  }
0x150: {  	s20 =	simm.s32 $0x3700;
	[sflag:s13] =	ssyncadd.s32 $0xFFFFC000  }
0x151: {  	[spmem:s2] =	stream.indirect.scatter.add.f32 [tilespmem:s8], [sflag:$0x9], $0x80, s20, s6, $0xb8;
	[tilespmem:$0x1C000] =	vst v63  }
0x152: {  	_ =	swait.ge [sflag:s4], $0x4000  }
0x153: {  	s0 =	sld [smem:$0x7CB]  }
0x154: {  	[sflag:s4] =	ssyncset.done $0x0  }
0x155: {  	[sflag:s4] =	ssyncadd.s32 $0xFFFFC000  }
0x156: {  	[tilespmem:s8], [sflag:$0x3] =	stream.indirect.gather [hbm4b:s3+s6], $0x80, s0, s6, $0xb8;
	[tilespmem:$0x1C000] =	vst v63  }
0x157: {  	_ =	swait.ge [sflag:s11], $0x4000  }
0x158: {  	[sflag:s11] =	ssyncset.done $0x0  }
0x159: {  	s1 =	simm.s32 $0x3780;
	[sflag:s11] =	ssyncadd.s32 $0xFFFFC000  }
0x15a: {  	[spmem:s2] =	stream.indirect.scatter.add.f32 [tilespmem:s7], [sflag:$0x9], $0x80, s1, s6, $0xb8;
	[tilespmem:$0x1C000] =	vst v63  }
0x15b: {  	_ =	swait.ge [sflag:s4], $0x4000  }
0x15c: {  	s15 =	sld [smem:$0x7CC]  }
0x15d: {  	[sflag:s4] =	ssyncset.done $0x0;
	s0 =	sld [smem:$0x7C3]  }
0x15e: {  	s16 =	simm.s32 $0x5;
	s20 =	sor.u32 $0x1C05, s19;
	[sflag:s4] =	ssyncadd.s32 $0xFFFFC000  }
0x15f: {  	[tilespmem:s7], [sflag:$0x4] =	stream.indirect.gather [hbm4b:s3+s6], $0x80, s15, s6, $0xb8;
	[tilespmem:$0x1C000] =	vst v63  }
0x160: {  	[hbm:s0], [sflag:s20] =	dma.local [spmem:s25], $0x800  }
0x161: {  	_ =	swait.ge [sflag:s16], $0x800  }
0x162: {  	[sflag:s16] =	ssyncset.done $0x0  }
0x163: {  	[smem:$0x7BE] =	sst s30;
	[sflag:s16] =	ssyncadd.s32 $0xFFFFF800  }
0x164: {  	[spmem:s25], [sflag:s30] =	dma.local [hbm:s21], $0x800  }
0x165: {  	_ =	swait.ge [sflag:s14], $0x4000  }
0x166: {  	[sflag:s14] =	ssyncset.done $0x0  }
0x167: {  	s1 =	simm.s32 $0x3800;
	[sflag:s14] =	ssyncadd.s32 $0xFFFFC000  }
0x168: {  	[spmem:s2] =	stream.indirect.scatter.add.f32 [tilespmem:s10], [sflag:$0x9], $0x80, s1, s6, $0xb8;
	[tilespmem:$0x1C000] =	vst v63  }
0x169: {  	_ =	swait.ge [sflag:s4], $0x4000  }
0x16a: {  	s15 =	sld [smem:$0x7CD]  }
0x16b: {  	[sflag:s4] =	ssyncset.done $0x0  }
0x16c: {  	[sflag:s4] =	ssyncadd.s32 $0xFFFFC000  }
0x16d: {  	[tilespmem:s10], [sflag:$0x1] =	stream.indirect.gather [hbm4b:s3+s6], $0x80, s15, s6, $0xb8;
	[tilespmem:$0x1C000] =	vst v63  }
0x16e: {  	_ =	swait.ge [sflag:s12], $0x4000  }
0x16f: {  	[sflag:s12] =	ssyncset.done $0x0  }
0x170: {  	s30 =	simm.s32 $0x3880;
	[sflag:s12] =	ssyncadd.s32 $0xFFFFC000  }
0x171: {  	[spmem:s2] =	stream.indirect.scatter.add.f32 [tilespmem:s9], [sflag:$0x9], $0x80, s30, s6, $0xb8;
	[tilespmem:$0x1C000] =	vst v63  }
0x172: {  	_ =	swait.ge [sflag:s4], $0x4000  }
0x173: {  	s0 =	sld [smem:$0x7CE]  }
0x174: {  	[sflag:s4] =	ssyncset.done $0x0  }
0x175: {  	[sflag:s4] =	ssyncadd.s32 $0xFFFFC000  }
0x176: {  	[tilespmem:s9], [sflag:$0x2] =	stream.indirect.gather [hbm4b:s3+s6], $0x80, s0, s6, $0xb8;
	[tilespmem:$0x1C000] =	vst v63  }
0x177: {  	_ =	swait.ge [sflag:s13], $0x4000  }
0x178: {  	[sflag:s13] =	ssyncset.done $0x0  }
0x179: {  	s1 =	simm.s32 $0x3900;
	[sflag:s13] =	ssyncadd.s32 $0xFFFFC000  }
0x17a: {  	[spmem:s2] =	stream.indirect.scatter.add.f32 [tilespmem:s8], [sflag:$0x9], $0x80, s1, s6, $0xb8;
	[tilespmem:$0x1C000] =	vst v63  }
0x17b: {  	_ =	swait.ge [sflag:s4], $0x4000  }
0x17c: {  	s15 =	sld [smem:$0x7CF]  }
0x17d: {  	[sflag:s4] =	ssyncset.done $0x0  }
0x17e: {  	[sflag:s4] =	ssyncadd.s32 $0xFFFFC000  }
0x17f: {  	[tilespmem:s8], [sflag:$0x3] =	stream.indirect.gather [hbm4b:s3+s6], $0x80, s15, s6, $0xb8;
	[tilespmem:$0x1C000] =	vst v63  }
0x180: {  	_ =	swait.ge [sflag:s11], $0x4000  }
0x181: {  	[sflag:s11] =	ssyncset.done $0x0  }
0x182: {  	s30 =	simm.s32 $0x3980;
	[sflag:s11] =	ssyncadd.s32 $0xFFFFC000  }
0x183: {  	[spmem:s2] =	stream.indirect.scatter.add.f32 [tilespmem:s7], [sflag:$0x9], $0x80, s30, s6, $0xb8;
	[tilespmem:$0x1C000] =	vst v63  }
0x184: {  	_ =	swait.ge [sflag:s4], $0x4000  }
0x185: {  	s0 =	sld [smem:$0x7D0]  }
0x186: {  	[sflag:s4] =	ssyncset.done $0x0  }
0x187: {  	[sflag:s4] =	ssyncadd.s32 $0xFFFFC000  }
0x188: {  	[tilespmem:s7], [sflag:$0x4] =	stream.indirect.gather [hbm4b:s3+s6], $0x80, s0, s6, $0xb8;
	[tilespmem:$0x1C000] =	vst v63  }
0x189: {  	_ =	swait.ge [sflag:s14], $0x4000  }
0x18a: {  	[sflag:s14] =	ssyncset.done $0x0  }
0x18b: {  	s1 =	simm.s32 $0x3A00;
	[sflag:s14] =	ssyncadd.s32 $0xFFFFC000  }
0x18c: {  	[spmem:s2] =	stream.indirect.scatter.add.f32 [tilespmem:s10], [sflag:$0x9], $0x80, s1, s6, $0xb8;
	[tilespmem:$0x1C000] =	vst v63  }
0x18d: {  	_ =	swait.ge [sflag:s4], $0x4000  }
0x18e: {  	s15 =	sld [smem:$0x7D1]  }
0x18f: {  	[sflag:s4] =	ssyncset.done $0x0  }
0x190: {  	[sflag:s4] =	ssyncadd.s32 $0xFFFFC000  }
0x191: {  	[tilespmem:s10], [sflag:$0x1] =	stream.indirect.gather [hbm4b:s3+s6], $0x80, s15, s6, $0xb8;
	[tilespmem:$0x1C000] =	vst v63  }
0x192: {  	_ =	swait.ge [sflag:s12], $0x4000  }
0x193: {  	[sflag:s12] =	ssyncset.done $0x0  }
0x194: {  	[smem:$0x7C1] =	sst s5;
	s5 =	simm.s32 $0x3A80;
	[sflag:s12] =	ssyncadd.s32 $0xFFFFC000  }
0x195: {  	[spmem:s2] =	stream.indirect.scatter.add.f32 [tilespmem:s9], [sflag:$0x9], $0x80, s5, s6, $0xb8;
	[tilespmem:$0x1C000] =	vst v63  }
0x196: {  	_ =	swait.ge [sflag:s4], $0x4000  }
0x197: {  	s30 =	sld [smem:$0x7D2]  }
0x198: {  	[sflag:s4] =	ssyncset.done $0x0  }
0x199: {  	[sflag:s4] =	ssyncadd.s32 $0xFFFFC000  }
0x19a: {  	[tilespmem:s9], [sflag:$0x2] =	stream.indirect.gather [hbm4b:s3+s6], $0x80, s30, s6, $0xb8;
	[tilespmem:$0x1C000] =	vst v63  }
0x19b: {  	_ =	swait.ge [sflag:s13], $0x4000  }
0x19c: {  	[sflag:s13] =	ssyncset.done $0x0  }
0x19d: {  	s30 =	simm.s32 $0x3B00;
	[sflag:s13] =	ssyncadd.s32 $0xFFFFC000  }
0x19e: {  	[spmem:s2] =	stream.indirect.scatter.add.f32 [tilespmem:s8], [sflag:$0x9], $0x80, s30, s6, $0xb8;
	[tilespmem:$0x1C000] =	vst v63  }
0x19f: {  	_ =	swait.ge [sflag:s4], $0x4000  }
0x1a0: {  	s0 =	sld [smem:$0x7D3]  }
0x1a1: {  	[sflag:s4] =	ssyncset.done $0x0  }
0x1a2: {  	[sflag:s4] =	ssyncadd.s32 $0xFFFFC000  }
0x1a3: {  	[tilespmem:s8], [sflag:$0x3] =	stream.indirect.gather [hbm4b:s3+s6], $0x80, s0, s6, $0xb8;
	[tilespmem:$0x1C000] =	vst v63  }
0x1a4: {  	_ =	swait.ge [sflag:s11], $0x4000  }
0x1a5: {  	[sflag:s11] =	ssyncset.done $0x0  }
0x1a6: {  	s18 =	simm.s32 $0x3B80;
	[sflag:s11] =	ssyncadd.s32 $0xFFFFC000  }
0x1a7: {  	[spmem:s2] =	stream.indirect.scatter.add.f32 [tilespmem:s7], [sflag:$0x9], $0x80, s18, s6, $0xb8;
	[tilespmem:$0x1C000] =	vst v63  }
0x1a8: {  	_ =	swait.ge [sflag:s4], $0x4000  }
0x1a9: {  	s15 =	sld [smem:$0x7D4]  }
0x1aa: {  	[sflag:s4] =	ssyncset.done $0x0  }
0x1ab: {  	[sflag:s4] =	ssyncadd.s32 $0xFFFFC000  }
0x1ac: {  	[tilespmem:s7], [sflag:$0x4] =	stream.indirect.gather [hbm4b:s3+s6], $0x80, s15, s6, $0xb8;
	[tilespmem:$0x1C000] =	vst v63  }
0x1ad: {  	_ =	swait.ge [sflag:s14], $0x4000  }
0x1ae: {  	[sflag:s14] =	ssyncset.done $0x0  }
0x1af: {  	s23 =	simm.s32 $0x3C00;
	[sflag:s14] =	ssyncadd.s32 $0xFFFFC000  }
0x1b0: {  	[spmem:s2] =	stream.indirect.scatter.add.f32 [tilespmem:s10], [sflag:$0x9], $0x80, s23, s6, $0xb8;
	[tilespmem:$0x1C000] =	vst v63  }
0x1b1: {  	_ =	swait.ge [sflag:s4], $0x4000  }
0x1b2: {  	s18 =	sld [smem:$0x7D5]  }
0x1b3: {  	[sflag:s4] =	ssyncset.done $0x0  }
0x1b4: {  	[sflag:s4] =	ssyncadd.s32 $0xFFFFC000  }
0x1b5: {  	[tilespmem:s10], [sflag:$0x1] =	stream.indirect.gather [hbm4b:s3+s6], $0x80, s18, s6, $0xb8;
	[tilespmem:$0x1C000] =	vst v63  }
0x1b6: {  	_ =	swait.ge [sflag:s12], $0x4000  }
0x1b7: {  	[sflag:s12] =	ssyncset.done $0x0  }
0x1b8: {  	s23 =	simm.s32 $0x3C80;
	[sflag:s12] =	ssyncadd.s32 $0xFFFFC000  }
0x1b9: {  	[spmem:s2] =	stream.indirect.scatter.add.f32 [tilespmem:s9], [sflag:$0x9], $0x80, s23, s6, $0xb8;
	[tilespmem:$0x1C000] =	vst v63  }
0x1ba: {  	_ =	swait.ge [sflag:s4], $0x4000  }
0x1bb: {  	s0 =	sld [smem:$0x7D6]  }
0x1bc: {  	[sflag:s4] =	ssyncset.done $0x0  }
0x1bd: {  	[sflag:s4] =	ssyncadd.s32 $0xFFFFC000  }
0x1be: {  	[tilespmem:s9], [sflag:$0x2] =	stream.indirect.gather [hbm4b:s3+s6], $0x80, s0, s6, $0xb8;
	[tilespmem:$0x1C000] =	vst v63  }
0x1bf: {  	_ =	swait.ge [sflag:s13], $0x4000  }
0x1c0: {  	[sflag:s13] =	ssyncset.done $0x0  }
0x1c1: {  	[sflag:s13] =	ssyncadd.s32 $0xFFFFC000  }
0x1c2: {  	[spmem:s2] =	stream.indirect.scatter.add.f32 [tilespmem:s8], [sflag:$0x9], $0x80, s28, s6, $0xb8;
	[tilespmem:$0x1C000] =	vst v63  }
0x1c3: {  	_ =	swait.ge [sflag:s4], $0x4000  }
0x1c4: {  	s15 =	sld [smem:$0x7D7]  }
0x1c5: {  	[sflag:s4] =	ssyncset.done $0x0  }
0x1c6: {  	[sflag:s4] =	ssyncadd.s32 $0xFFFFC000  }
0x1c7: {  	[tilespmem:s8], [sflag:$0x3] =	stream.indirect.gather [hbm4b:s3+s6], $0x80, s15, s6, $0xb8;
	[tilespmem:$0x1C000] =	vst v63  }
0x1c8: {  	_ =	swait.ge [sflag:s11], $0x4000  }
0x1c9: {  	[sflag:s11] =	ssyncset.done $0x0  }
0x1ca: {  	s18 =	simm.s32 $0x3D80;
	[sflag:s11] =	ssyncadd.s32 $0xFFFFC000  }
0x1cb: {  	[spmem:s2] =	stream.indirect.scatter.add.f32 [tilespmem:s7], [sflag:$0x9], $0x80, s18, s6, $0xb8;
	[tilespmem:$0x1C000] =	vst v63  }
0x1cc: {  	_ =	swait.ge [sflag:s4], $0x4000  }
0x1cd: {  	s23 =	sld [smem:$0x7D8]  }
0x1ce: {  	[sflag:s4] =	ssyncset.done $0x0  }
0x1cf: {  	[sflag:s4] =	ssyncadd.s32 $0xFFFFC000  }
0x1d0: {  	[tilespmem:s7], [sflag:$0x4] =	stream.indirect.gather [hbm4b:s3+s6], $0x80, s23, s6, $0xb8;
	[tilespmem:$0x1C000] =	vst v63  }
0x1d1: {  	_ =	swait.ge [sflag:s29], $0x800  }
0x1d2: {  	[sflag:s29] =	ssyncset.done $0x0  }
0x1d3: {  	[sflag:s29] =	ssyncadd.s32 $0xFFFFF800  }
0x1d4: {  	_ =	swait.ge [sflag:s14], $0x4000  }
0x1d5: {  	[sflag:s14] =	ssyncset.done $0x0  }
0x1d6: {  	[sflag:s14] =	ssyncadd.s32 $0xFFFFC000  }
0x1d7: {  	[spmem:s2] =	stream.indirect.scatter.add.f32 [tilespmem:s10], [sflag:$0x9], $0x80, s17, s6, $0xb8;
	[tilespmem:$0x1C000] =	vst v63  }
0x1d8: {  	s17 =	sld [smem:$0x7BF];
	_ =	swait.ge [sflag:s4], $0x4000  }
0x1d9: {  	s28 =	sld [smem:$0x7D9]  }
0x1da: {  	[sflag:s4] =	ssyncset.done $0x0  }
0x1db: {  	[sflag:s4] =	ssyncadd.s32 $0xFFFFC000  }
0x1dc: {  	[tilespmem:s10], [sflag:$0x1] =	stream.indirect.gather [hbm4b:s3+s6], $0x80, s28, s6, $0xb8;
	[tilespmem:$0x1C000] =	vst v63  }
0x1dd: {  	_ =	swait.ge [sflag:s12], $0x4000  }
0x1de: {  	[sflag:s12] =	ssyncset.done $0x0  }
0x1df: {  	[sflag:s12] =	ssyncadd.s32 $0xFFFFC000  }
0x1e0: {  	[spmem:s2] =	stream.indirect.scatter.add.f32 [tilespmem:s9], [sflag:$0x9], $0x80, s26, s6, $0xb8;
	[tilespmem:$0x1C000] =	vst v63  }
0x1e1: {  	_ =	swait.ge [sflag:s4], $0x4000  }
0x1e2: {  	s29 =	sld [smem:$0x7DA]  }
0x1e3: {  	[sflag:s4] =	ssyncset.done $0x0  }
0x1e4: {  	[sflag:s4] =	ssyncadd.s32 $0xFFFFC000  }
0x1e5: {  	[tilespmem:s9], [sflag:$0x2] =	stream.indirect.gather [hbm4b:s3+s6], $0x80, s29, s6, $0xb8;
	[tilespmem:$0x1C000] =	vst v63  }
0x1e6: {  	_ =	swait.ge [sflag:s13], $0x4000  }
0x1e7: {  	[sflag:s13] =	ssyncset.done $0x0  }
0x1e8: {  	[sflag:s13] =	ssyncadd.s32 $0xFFFFC000  }
0x1e9: {  	[spmem:s2] =	stream.indirect.scatter.add.f32 [tilespmem:s8], [sflag:$0x9], $0x80, s24, s6, $0xb8;
	[tilespmem:$0x1C000] =	vst v63  }
0x1ea: {  	_ =	swait.ge [sflag:s4], $0x4000  }
0x1eb: {  	s0 =	sld [smem:$0x7DB]  }
0x1ec: {  	[sflag:s4] =	ssyncset.done $0x0  }
0x1ed: {  	[sflag:s4] =	ssyncadd.s32 $0xFFFFC000  }
0x1ee: {  	[tilespmem:s8], [sflag:$0x3] =	stream.indirect.gather [hbm4b:s3+s6], $0x80, s0, s6, $0xb8;
	[tilespmem:$0x1C000] =	vst v63  }
0x1ef: {  	_ =	swait.ge [sflag:s11], $0x4000  }
0x1f0: {  	[sflag:s11] =	ssyncset.done $0x0  }
0x1f1: {  	s15 =	simm.s32 $0x2980;
	[sflag:s11] =	ssyncadd.s32 $0xFFFFC000  }
0x1f2: {  	[spmem:s2] =	stream.indirect.scatter.add.f32 [tilespmem:s7], [sflag:$0x9], $0x80, s15, s6, $0xb8;
	[tilespmem:$0x1C000] =	vst v63  }
0x1f3: {  	_ =	swait.ge [sflag:s4], $0x4000  }
0x1f4: {  	s18 =	sld [smem:$0x7DC]  }
0x1f5: {  	[sflag:s4] =	ssyncset.done $0x0  }
0x1f6: {  	[sflag:s4] =	ssyncadd.s32 $0xFFFFC000  }
0x1f7: {  	[tilespmem:s7], [sflag:$0x4] =	stream.indirect.gather [hbm4b:s3+s6], $0x80, s18, s6, $0xb8;
	[tilespmem:$0x1C000] =	vst v63  }
0x1f8: {  	_ =	swait.ge [sflag:s14], $0x4000  }
0x1f9: {  	[sflag:s14] =	ssyncset.done $0x0  }
0x1fa: {  	s23 =	simm.s32 $0x2A00;
	[sflag:s14] =	ssyncadd.s32 $0xFFFFC000  }
0x1fb: {  	[spmem:s2] =	stream.indirect.scatter.add.f32 [tilespmem:s10], [sflag:$0x9], $0x80, s23, s6, $0xb8;
	[tilespmem:$0x1C000] =	vst v63  }
0x1fc: {  	_ =	swait.ge [sflag:s4], $0x4000  }
0x1fd: {  	s24 =	sld [smem:$0x7DD]  }
0x1fe: {  	[sflag:s4] =	ssyncset.done $0x0  }
0x1ff: {  	[sflag:s4] =	ssyncadd.s32 $0xFFFFC000  }
0x200: {  	[tilespmem:s10], [sflag:$0x1] =	stream.indirect.gather [hbm4b:s3+s6], $0x80, s24, s6, $0xb8;
	[tilespmem:$0x1C000] =	vst v63  }
0x201: {  	_ =	swait.ge [sflag:s12], $0x4000  }
0x202: {  	[sflag:s12] =	ssyncset.done $0x0  }
0x203: {  	[sflag:s12] =	ssyncadd.s32 $0xFFFFC000  }
0x204: {  	[spmem:s2] =	stream.indirect.scatter.add.f32 [tilespmem:s9], [sflag:$0x9], $0x80, s31, s6, $0xb8;
	[tilespmem:$0x1C000] =	vst v63  }
0x205: {  	_ =	swait.ge [sflag:s4], $0x4000  }
0x206: {  	s26 =	sld [smem:$0x7DE]  }
0x207: {  	[sflag:s4] =	ssyncset.done $0x0  }
0x208: {  	[sflag:s4] =	ssyncadd.s32 $0xFFFFC000  }
0x209: {  	[tilespmem:s9], [sflag:$0x2] =	stream.indirect.gather [hbm4b:s3+s6], $0x80, s26, s6, $0xb8;
	[tilespmem:$0x1C000] =	vst v63  }
0x20a: {  	_ =	swait.ge [sflag:s13], $0x4000  }
0x20b: {  	[sflag:s13] =	ssyncset.done $0x0  }
0x20c: {  	s28 =	simm.s32 $0x2B00;
	[sflag:s13] =	ssyncadd.s32 $0xFFFFC000  }
0x20d: {  	[spmem:s2] =	stream.indirect.scatter.add.f32 [tilespmem:s8], [sflag:$0x9], $0x80, s28, s6, $0xb8;
	[tilespmem:$0x1C000] =	vst v63  }
0x20e: {  	_ =	swait.ge [sflag:s4], $0x4000  }
0x20f: {  	s29 =	sld [smem:$0x7DF]  }
0x210: {  	[sflag:s4] =	ssyncset.done $0x0  }
0x211: {  	[sflag:s4] =	ssyncadd.s32 $0xFFFFC000  }
0x212: {  	[tilespmem:s8], [sflag:$0x3] =	stream.indirect.gather [hbm4b:s3+s6], $0x80, s29, s6, $0xb8;
	[tilespmem:$0x1C000] =	vst v63  }
0x213: {  	_ =	swait.ge [sflag:s11], $0x4000  }
0x214: {  	[sflag:s11] =	ssyncset.done $0x0  }
0x215: {  	s31 =	simm.s32 $0x2B80;
	[sflag:s11] =	ssyncadd.s32 $0xFFFFC000  }
0x216: {  	[spmem:s2] =	stream.indirect.scatter.add.f32 [tilespmem:s7], [sflag:$0x9], $0x80, s31, s6, $0xb8;
	[tilespmem:$0x1C000] =	vst v63  }
0x217: {  	_ =	swait.ge [sflag:s4], $0x4000  }
0x218: {  	s0 =	sld [smem:$0x7E0]  }
0x219: {  	s19 =	sor.u32 $0x1C06, s19;
	[sflag:s4] =	ssyncset.done $0x0;
	s15 =	sld [smem:$0x7C1]  }
0x21a: {  	s16 =	simm.s32 $0x6;
	s1 =	rddreg [dreg:$0x6];
	[sflag:s4] =	ssyncadd.s32 $0xFFFFC000  }
0x21b: {  	[tilespmem:s7], [sflag:$0x4] =	stream.indirect.gather [hbm4b:s3+s6], $0x80, s0, s6, $0xb8;
	[tilespmem:$0x1C000] =	vst v63  }
0x21c: {  	[hbm:s1], [sflag:s19] =	dma.local [spmem:s15], $0x800  }
0x21d: {  	_ =	swait.ge [sflag:s16], $0x800  }
0x21e: {  	s18 =	sld [smem:$0x7C1]  }
0x21f: {  	[sflag:s16] =	ssyncset.done $0x0  }
0x220: {  	[sflag:s16] =	ssyncadd.s32 $0xFFFFF800  }
0x221: {  	[spmem:s18], [sflag:s17] =	dma.local [hbm:s21], $0x800  }
0x222: {  	_ =	swait.ge [sflag:s14], $0x4000  }
0x223: {  	[sflag:s14] =	ssyncset.done $0x0  }
0x224: {  	s23 =	simm.s32 $0x2C00;
	[sflag:s14] =	ssyncadd.s32 $0xFFFFC000  }
0x225: {  	[spmem:s2] =	stream.indirect.scatter.add.f32 [tilespmem:s10], [sflag:$0x9], $0x80, s23, s6, $0xb8;
	[tilespmem:$0x1C000] =	vst v63  }
0x226: {  	_ =	swait.ge [sflag:s4], $0x4000  }
0x227: {  	s1 =	sld [smem:$0x7E1]  }
0x228: {  	[sflag:s4] =	ssyncset.done $0x0  }
0x229: {  	[sflag:s4] =	ssyncadd.s32 $0xFFFFC000  }
0x22a: {  	[tilespmem:s10], [sflag:$0x1] =	stream.indirect.gather [hbm4b:s3+s6], $0x80, s1, s6, $0xb8;
	[tilespmem:$0x1C000] =	vst v63  }
0x22b: {  	_ =	swait.ge [sflag:s12], $0x4000  }
0x22c: {  	[sflag:s12] =	ssyncset.done $0x0  }
0x22d: {  	s15 =	simm.s32 $0x2C80;
	[sflag:s12] =	ssyncadd.s32 $0xFFFFC000  }
0x22e: {  	[spmem:s2] =	stream.indirect.scatter.add.f32 [tilespmem:s9], [sflag:$0x9], $0x80, s15, s6, $0xb8;
	[tilespmem:$0x1C000] =	vst v63  }
0x22f: {  	_ =	swait.ge [sflag:s4], $0x4000  }
0x230: {  	s18 =	sld [smem:$0x7E2]  }
0x231: {  	[sflag:s4] =	ssyncset.done $0x0  }
0x232: {  	[sflag:s4] =	ssyncadd.s32 $0xFFFFC000  }
0x233: {  	[tilespmem:s9], [sflag:$0x2] =	stream.indirect.gather [hbm4b:s3+s6], $0x80, s18, s6, $0xb8;
	[tilespmem:$0x1C000] =	vst v63  }
0x234: {  	_ =	swait.ge [sflag:s13], $0x4000  }
0x235: {  	[sflag:s13] =	ssyncset.done $0x0  }
0x236: {  	s23 =	simm.s32 $0x2D00;
	[sflag:s13] =	ssyncadd.s32 $0xFFFFC000  }
0x237: {  	[spmem:s2] =	stream.indirect.scatter.add.f32 [tilespmem:s8], [sflag:$0x9], $0x80, s23, s6, $0xb8;
	[tilespmem:$0x1C000] =	vst v63  }
0x238: {  	_ =	swait.ge [sflag:s4], $0x4000  }
0x239: {  	s1 =	sld [smem:$0x7E3]  }
0x23a: {  	[sflag:s4] =	ssyncset.done $0x0  }
0x23b: {  	[sflag:s4] =	ssyncadd.s32 $0xFFFFC000  }
0x23c: {  	[tilespmem:s8], [sflag:$0x3] =	stream.indirect.gather [hbm4b:s3+s6], $0x80, s1, s6, $0xb8;
	[tilespmem:$0x1C000] =	vst v63  }
0x23d: {  	_ =	swait.ge [sflag:s11], $0x4000  }
0x23e: {  	[sflag:s11] =	ssyncset.done $0x0  }
0x23f: {  	s15 =	simm.s32 $0x2D80;
	[sflag:s11] =	ssyncadd.s32 $0xFFFFC000  }
0x240: {  	[spmem:s2] =	stream.indirect.scatter.add.f32 [tilespmem:s7], [sflag:$0x9], $0x80, s15, s6, $0xb8;
	[tilespmem:$0x1C000] =	vst v63  }
0x241: {  	_ =	swait.ge [sflag:s4], $0x4000  }
0x242: {  	s18 =	sld [smem:$0x7E4]  }
0x243: {  	[sflag:s4] =	ssyncset.done $0x0  }
0x244: {  	[sflag:s4] =	ssyncadd.s32 $0xFFFFC000  }
0x245: {  	[tilespmem:s7], [sflag:$0x4] =	stream.indirect.gather [hbm4b:s3+s6], $0x80, s18, s6, $0xb8;
	[tilespmem:$0x1C000] =	vst v63  }
0x246: {  	_ =	swait.ge [sflag:s14], $0x4000  }
0x247: {  	[sflag:s14] =	ssyncset.done $0x0  }
0x248: {  	s1 =	simm.s32 $0x2E00;
	[sflag:s14] =	ssyncadd.s32 $0xFFFFC000  }
0x249: {  	[spmem:s2] =	stream.indirect.scatter.add.f32 [tilespmem:s10], [sflag:$0x9], $0x80, s1, s6, $0xb8;
	[tilespmem:$0x1C000] =	vst v63  }
0x24a: {  	_ =	swait.ge [sflag:s4], $0x4000  }
0x24b: {  	s15 =	sld [smem:$0x7E5]  }
0x24c: {  	[sflag:s4] =	ssyncset.done $0x0  }
0x24d: {  	[sflag:s4] =	ssyncadd.s32 $0xFFFFC000  }
0x24e: {  	[tilespmem:s10], [sflag:$0x1] =	stream.indirect.gather [hbm4b:s3+s6], $0x80, s15, s6, $0xb8;
	[tilespmem:$0x1C000] =	vst v63  }
0x24f: {  	_ =	swait.ge [sflag:s12], $0x4000  }
0x250: {  	[sflag:s12] =	ssyncset.done $0x0  }
0x251: {  	s18 =	simm.s32 $0x2E80;
	[sflag:s12] =	ssyncadd.s32 $0xFFFFC000  }
0x252: {  	[spmem:s2] =	stream.indirect.scatter.add.f32 [tilespmem:s9], [sflag:$0x9], $0x80, s18, s6, $0xb8;
	[tilespmem:$0x1C000] =	vst v63  }
0x253: {  	_ =	swait.ge [sflag:s4], $0x4000  }
0x254: {  	s1 =	sld [smem:$0x7E6]  }
0x255: {  	[sflag:s4] =	ssyncset.done $0x0  }
0x256: {  	[sflag:s4] =	ssyncadd.s32 $0xFFFFC000  }
0x257: {  	[tilespmem:s9], [sflag:$0x2] =	stream.indirect.gather [hbm4b:s3+s6], $0x80, s1, s6, $0xb8;
	[tilespmem:$0x1C000] =	vst v63  }
0x258: {  	_ =	swait.ge [sflag:s13], $0x4000  }
0x259: {  	[sflag:s13] =	ssyncset.done $0x0  }
0x25a: {  	s15 =	simm.s32 $0x2F00;
	[sflag:s13] =	ssyncadd.s32 $0xFFFFC000  }
0x25b: {  	[spmem:s2] =	stream.indirect.scatter.add.f32 [tilespmem:s8], [sflag:$0x9], $0x80, s15, s6, $0xb8;
	[tilespmem:$0x1C000] =	vst v63  }
0x25c: {  	_ =	swait.ge [sflag:s4], $0x4000  }
0x25d: {  	s18 =	sld [smem:$0x7E7]  }
0x25e: {  	[sflag:s4] =	ssyncset.done $0x0  }
0x25f: {  	[sflag:s4] =	ssyncadd.s32 $0xFFFFC000  }
0x260: {  	[tilespmem:s8], [sflag:$0x3] =	stream.indirect.gather [hbm4b:s3+s6], $0x80, s18, s6, $0xb8;
	[tilespmem:$0x1C000] =	vst v63  }
0x261: {  	_ =	swait.ge [sflag:s11], $0x4000  }
0x262: {  	[sflag:s11] =	ssyncset.done $0x0  }
0x263: {  	s1 =	simm.s32 $0x2F80;
	[sflag:s11] =	ssyncadd.s32 $0xFFFFC000  }
0x264: {  	[spmem:s2] =	stream.indirect.scatter.add.f32 [tilespmem:s7], [sflag:$0x9], $0x80, s1, s6, $0xb8;
	[tilespmem:$0x1C000] =	vst v63  }
0x265: {  	_ =	swait.ge [sflag:s4], $0x4000  }
0x266: {  	s18 =	sld [smem:$0x7E8]  }
0x267: {  	[sflag:s4] =	ssyncset.done $0x0  }
0x268: {  	[sflag:s4] =	ssyncadd.s32 $0xFFFFC000  }
0x269: {  	[tilespmem:s7], [sflag:$0x4] =	stream.indirect.gather [hbm4b:s3+s6], $0x80, s18, s6, $0xb8;
	[tilespmem:$0x1C000] =	vst v63  }
0x26a: {  	_ =	swait.ge [sflag:s14], $0x4000  }
0x26b: {  	[sflag:s14] =	ssyncset.done $0x0  }
0x26c: {  	s1 =	simm.s32 $0x3000;
	[sflag:s14] =	ssyncadd.s32 $0xFFFFC000  }
0x26d: {  	[spmem:s2] =	stream.indirect.scatter.add.f32 [tilespmem:s10], [sflag:$0x9], $0x80, s1, s6, $0xb8;
	[tilespmem:$0x1C000] =	vst v63  }
0x26e: {  	_ =	swait.ge [sflag:s4], $0x4000  }
0x26f: {  	s18 =	sld [smem:$0x7E9]  }
0x270: {  	[sflag:s4] =	ssyncset.done $0x0  }
0x271: {  	[sflag:s4] =	ssyncadd.s32 $0xFFFFC000  }
0x272: {  	[tilespmem:s10], [sflag:$0x1] =	stream.indirect.gather [hbm4b:s3+s6], $0x80, s18, s6, $0xb8;
	[tilespmem:$0x1C000] =	vst v63  }
0x273: {  	_ =	swait.ge [sflag:s12], $0x4000  }
0x274: {  	[sflag:s12] =	ssyncset.done $0x0  }
0x275: {  	s1 =	simm.s32 $0x3080;
	[sflag:s12] =	ssyncadd.s32 $0xFFFFC000  }
0x276: {  	[spmem:s2] =	stream.indirect.scatter.add.f32 [tilespmem:s9], [sflag:$0x9], $0x80, s1, s6, $0xb8;
	[tilespmem:$0x1C000] =	vst v63  }
0x277: {  	_ =	swait.ge [sflag:s4], $0x4000  }
0x278: {  	s18 =	sld [smem:$0x7EA]  }
0x279: {  	[sflag:s4] =	ssyncset.done $0x0  }
0x27a: {  	[sflag:s4] =	ssyncadd.s32 $0xFFFFC000  }
0x27b: {  	[tilespmem:s9], [sflag:$0x2] =	stream.indirect.gather [hbm4b:s3+s6], $0x80, s18, s6, $0xb8;
	[tilespmem:$0x1C000] =	vst v63  }
0x27c: {  	_ =	swait.ge [sflag:s13], $0x4000  }
0x27d: {  	[sflag:s13] =	ssyncset.done $0x0  }
0x27e: {  	s1 =	simm.s32 $0x3100;
	[sflag:s13] =	ssyncadd.s32 $0xFFFFC000  }
0x27f: {  	[spmem:s2] =	stream.indirect.scatter.add.f32 [tilespmem:s8], [sflag:$0x9], $0x80, s1, s6, $0xb8;
	[tilespmem:$0x1C000] =	vst v63  }
0x280: {  	_ =	swait.ge [sflag:s4], $0x4000  }
0x281: {  	s18 =	sld [smem:$0x7EB]  }
0x282: {  	[sflag:s4] =	ssyncset.done $0x0  }
0x283: {  	[sflag:s4] =	ssyncadd.s32 $0xFFFFC000  }
0x284: {  	[tilespmem:s8], [sflag:$0x3] =	stream.indirect.gather [hbm4b:s3+s6], $0x80, s18, s6, $0xb8;
	[tilespmem:$0x1C000] =	vst v63  }
0x285: {  	_ =	swait.ge [sflag:s11], $0x4000  }
0x286: {  	[sflag:s11] =	ssyncset.done $0x0  }
0x287: {  	s1 =	simm.s32 $0x3180;
	[sflag:s11] =	ssyncadd.s32 $0xFFFFC000  }
0x288: {  	[spmem:s2] =	stream.indirect.scatter.add.f32 [tilespmem:s7], [sflag:$0x9], $0x80, s1, s6, $0xb8;
	[tilespmem:$0x1C000] =	vst v63  }
0x289: {  	_ =	swait.ge [sflag:s4], $0x4000  }
0x28a: {  	s18 =	sld [smem:$0x7EC]  }
0x28b: {  	[sflag:s4] =	ssyncset.done $0x0  }
0x28c: {  	s23 =	simm.s32 $0x8;
	[sflag:s4] =	ssyncadd.s32 $0xFFFFC000  }
0x28d: {  	[tilespmem:s7], [sflag:$0x4] =	stream.indirect.gather [hbm4b:s3+s6], $0x80, s18, s6, $0xb8;
	[tilespmem:$0x1C000] =	vst v63  }
0x28e: {  	_ =	swait.ge [sflag:s23], $0x800  }
0x28f: {  	[sflag:s23] =	ssyncset.done $0x0  }
0x290: {  	[sflag:s23] =	ssyncadd.s32 $0xFFFFF800  }
0x291: {  	_ =	swait.ge [sflag:s14], $0x4000  }
0x292: {  	[sflag:s14] =	ssyncset.done $0x0  }
0x293: {  	s1 =	simm.s32 $0x3400;
	[sflag:s14] =	ssyncadd.s32 $0xFFFFC000  }
0x294: {  	[spmem:s2] =	stream.indirect.scatter.add.f32 [tilespmem:s10], [sflag:$0x9], $0x80, s1, s6, $0xb8;
	[tilespmem:$0x1C000] =	vst v63  }
0x295: {  	_ =	swait.ge [sflag:s4], $0x4000  }
0x296: {  	s18 =	sld [smem:$0x7ED]  }
0x297: {  	[sflag:s4] =	ssyncset.done $0x0  }
0x298: {  	[sflag:s4] =	ssyncadd.s32 $0xFFFFC000  }
0x299: {  	[tilespmem:s10], [sflag:$0x1] =	stream.indirect.gather [hbm4b:s3+s6], $0x80, s18, s6, $0xb8;
	[tilespmem:$0x1C000] =	vst v63  }
0x29a: {  	_ =	swait.ge [sflag:s12], $0x4000  }
0x29b: {  	[sflag:s12] =	ssyncset.done $0x0  }
0x29c: {  	s1 =	simm.s32 $0x3480;
	[sflag:s12] =	ssyncadd.s32 $0xFFFFC000  }
0x29d: {  	[spmem:s2] =	stream.indirect.scatter.add.f32 [tilespmem:s9], [sflag:$0x9], $0x80, s1, s6, $0xb8;
	[tilespmem:$0x1C000] =	vst v63  }
0x29e: {  	_ =	swait.ge [sflag:s4], $0x4000  }
0x29f: {  	s18 =	sld [smem:$0x7EE]  }
0x2a0: {  	[sflag:s4] =	ssyncset.done $0x0  }
0x2a1: {  	[sflag:s4] =	ssyncadd.s32 $0xFFFFC000  }
0x2a2: {  	[tilespmem:s9], [sflag:$0x2] =	stream.indirect.gather [hbm4b:s3+s6], $0x80, s18, s6, $0xb8;
	[tilespmem:$0x1C000] =	vst v63  }
0x2a3: {  	_ =	swait.ge [sflag:s13], $0x4000  }
0x2a4: {  	[sflag:s13] =	ssyncset.done $0x0  }
0x2a5: {  	s1 =	simm.s32 $0x3500;
	[sflag:s13] =	ssyncadd.s32 $0xFFFFC000  }
0x2a6: {  	[spmem:s2] =	stream.indirect.scatter.add.f32 [tilespmem:s8], [sflag:$0x9], $0x80, s1, s6, $0xb8;
	[tilespmem:$0x1C000] =	vst v63  }
0x2a7: {  	_ =	swait.ge [sflag:s4], $0x4000  }
0x2a8: {  	s18 =	sld [smem:$0x7EF]  }
0x2a9: {  	[sflag:s4] =	ssyncset.done $0x0  }
0x2aa: {  	[sflag:s4] =	ssyncadd.s32 $0xFFFFC000  }
0x2ab: {  	[tilespmem:s8], [sflag:$0x3] =	stream.indirect.gather [hbm4b:s3+s6], $0x80, s18, s6, $0xb8;
	[tilespmem:$0x1C000] =	vst v63  }
0x2ac: {  	_ =	swait.ge [sflag:s11], $0x4000  }
0x2ad: {  	[sflag:s11] =	ssyncset.done $0x0  }
0x2ae: {  	s1 =	simm.s32 $0x3580;
	[sflag:s11] =	ssyncadd.s32 $0xFFFFC000  }
0x2af: {  	[spmem:s2] =	stream.indirect.scatter.add.f32 [tilespmem:s7], [sflag:$0x9], $0x80, s1, s6, $0xb8;
	[tilespmem:$0x1C000] =	vst v63  }
0x2b0: {  	_ =	swait.ge [sflag:s4], $0x4000  }
0x2b1: {  	s18 =	sld [smem:$0x7F0]  }
0x2b2: {  	[sflag:s4] =	ssyncset.done $0x0  }
0x2b3: {  	[sflag:s4] =	ssyncadd.s32 $0xFFFFC000  }
0x2b4: {  	[tilespmem:s7], [sflag:$0x4] =	stream.indirect.gather [hbm4b:s3+s6], $0x80, s18, s6, $0xb8;
	[tilespmem:$0x1C000] =	vst v63  }
0x2b5: {  	_ =	swait.ge [sflag:s14], $0x4000  }
0x2b6: {  	[sflag:s14] =	ssyncset.done $0x0  }
0x2b7: {  	s1 =	simm.s32 $0x3600;
	[sflag:s14] =	ssyncadd.s32 $0xFFFFC000  }
0x2b8: {  	[spmem:s2] =	stream.indirect.scatter.add.f32 [tilespmem:s10], [sflag:$0x9], $0x80, s1, s6, $0xb8;
	[tilespmem:$0x1C000] =	vst v63  }
0x2b9: {  	_ =	swait.ge [sflag:s4], $0x4000  }
0x2ba: {  	s18 =	sld [smem:$0x7F1]  }
0x2bb: {  	[sflag:s4] =	ssyncset.done $0x0  }
0x2bc: {  	[sflag:s4] =	ssyncadd.s32 $0xFFFFC000  }
0x2bd: {  	[tilespmem:s10], [sflag:$0x1] =	stream.indirect.gather [hbm4b:s3+s6], $0x80, s18, s6, $0xb8;
	[tilespmem:$0x1C000] =	vst v63  }
0x2be: {  	_ =	swait.ge [sflag:s12], $0x4000  }
0x2bf: {  	[sflag:s12] =	ssyncset.done $0x0  }
0x2c0: {  	s1 =	simm.s32 $0x3680;
	[sflag:s12] =	ssyncadd.s32 $0xFFFFC000  }
0x2c1: {  	[spmem:s2] =	stream.indirect.scatter.add.f32 [tilespmem:s9], [sflag:$0x9], $0x80, s1, s6, $0xb8;
	[tilespmem:$0x1C000] =	vst v63  }
0x2c2: {  	_ =	swait.ge [sflag:s4], $0x4000  }
0x2c3: {  	s18 =	sld [smem:$0x7F2]  }
0x2c4: {  	[sflag:s4] =	ssyncset.done $0x0  }
0x2c5: {  	[sflag:s4] =	ssyncadd.s32 $0xFFFFC000  }
0x2c6: {  	[tilespmem:s9], [sflag:$0x2] =	stream.indirect.gather [hbm4b:s3+s6], $0x80, s18, s6, $0xb8;
	[tilespmem:$0x1C000] =	vst v63  }
0x2c7: {  	_ =	swait.ge [sflag:s13], $0x4000  }
0x2c8: {  	[sflag:s13] =	ssyncset.done $0x0  }
0x2c9: {  	s1 =	simm.s32 $0x3700;
	[sflag:s13] =	ssyncadd.s32 $0xFFFFC000  }
0x2ca: {  	[spmem:s2] =	stream.indirect.scatter.add.f32 [tilespmem:s8], [sflag:$0x9], $0x80, s1, s6, $0xb8;
	[tilespmem:$0x1C000] =	vst v63  }
0x2cb: {  	_ =	swait.ge [sflag:s4], $0x4000  }
0x2cc: {  	s18 =	sld [smem:$0x7F3]  }
0x2cd: {  	[sflag:s4] =	ssyncset.done $0x0  }
0x2ce: {  	[sflag:s4] =	ssyncadd.s32 $0xFFFFC000  }
0x2cf: {  	[tilespmem:s8], [sflag:$0x3] =	stream.indirect.gather [hbm4b:s3+s6], $0x80, s18, s6, $0xb8;
	[tilespmem:$0x1C000] =	vst v63  }
0x2d0: {  	_ =	swait.ge [sflag:s11], $0x4000  }
0x2d1: {  	[sflag:s11] =	ssyncset.done $0x0  }
0x2d2: {  	s1 =	simm.s32 $0x3780;
	[sflag:s11] =	ssyncadd.s32 $0xFFFFC000  }
0x2d3: {  	[spmem:s2] =	stream.indirect.scatter.add.f32 [tilespmem:s7], [sflag:$0x9], $0x80, s1, s6, $0xb8;
	[tilespmem:$0x1C000] =	vst v63  }
0x2d4: {  	_ =	swait.ge [sflag:s4], $0x4000  }
0x2d5: {  	s18 =	sld [smem:$0x7F4]  }
0x2d6: {  	[sflag:s4] =	ssyncset.done $0x0;
	s1 =	rddreg [dreg:$0x7]  }
0x2d7: {  	[smem:$0x7C0] =	sst s20;
	[sflag:s4] =	ssyncadd.s32 $0xFFFFC000  }
0x2d8: {  	[tilespmem:s7], [sflag:$0x4] =	stream.indirect.gather [hbm4b:s3+s6], $0x80, s18, s6, $0xb8;
	[tilespmem:$0x1C000] =	vst v63  }
0x2d9: {  	[hbm:s1], [sflag:s20] =	dma.local [spmem:s25], $0x800  }
0x2da: {  	_ =	swait.ge [sflag:s14], $0x4000  }
0x2db: {  	[sflag:s14] =	ssyncset.done $0x0  }
0x2dc: {  	s1 =	simm.s32 $0x3800;
	[sflag:s14] =	ssyncadd.s32 $0xFFFFC000  }
0x2dd: {  	[spmem:s2] =	stream.indirect.scatter.add.f32 [tilespmem:s10], [sflag:$0x9], $0x80, s1, s6, $0xb8;
	[tilespmem:$0x1C000] =	vst v63  }
0x2de: {  	_ =	swait.ge [sflag:s4], $0x4000  }
0x2df: {  	s18 =	sld [smem:$0x7F5]  }
0x2e0: {  	[sflag:s4] =	ssyncset.done $0x0  }
0x2e1: {  	[sflag:s4] =	ssyncadd.s32 $0xFFFFC000  }
0x2e2: {  	[tilespmem:s10], [sflag:$0x1] =	stream.indirect.gather [hbm4b:s3+s6], $0x80, s18, s6, $0xb8;
	[tilespmem:$0x1C000] =	vst v63  }
0x2e3: {  	_ =	swait.ge [sflag:s12], $0x4000  }
0x2e4: {  	[sflag:s12] =	ssyncset.done $0x0  }
0x2e5: {  	s20 =	simm.s32 $0x3880;
	[sflag:s12] =	ssyncadd.s32 $0xFFFFC000  }
0x2e6: {  	[spmem:s2] =	stream.indirect.scatter.add.f32 [tilespmem:s9], [sflag:$0x9], $0x80, s20, s6, $0xb8;
	[tilespmem:$0x1C000] =	vst v63  }
0x2e7: {  	_ =	swait.ge [sflag:s4], $0x4000  }
0x2e8: {  	s1 =	sld [smem:$0x7F6]  }
0x2e9: {  	[sflag:s4] =	ssyncset.done $0x0  }
0x2ea: {  	[sflag:s4] =	ssyncadd.s32 $0xFFFFC000  }
0x2eb: {  	[tilespmem:s9], [sflag:$0x2] =	stream.indirect.gather [hbm4b:s3+s6], $0x80, s1, s6, $0xb8;
	[tilespmem:$0x1C000] =	vst v63  }
0x2ec: {  	_ =	swait.ge [sflag:s13], $0x4000  }
0x2ed: {  	[sflag:s13] =	ssyncset.done $0x0  }
0x2ee: {  	s18 =	simm.s32 $0x3900;
	[sflag:s13] =	ssyncadd.s32 $0xFFFFC000  }
0x2ef: {  	[spmem:s2] =	stream.indirect.scatter.add.f32 [tilespmem:s8], [sflag:$0x9], $0x80, s18, s6, $0xb8;
	[tilespmem:$0x1C000] =	vst v63  }
0x2f0: {  	_ =	swait.ge [sflag:s4], $0x4000  }
0x2f1: {  	s20 =	sld [smem:$0x7F7]  }
0x2f2: {  	[sflag:s4] =	ssyncset.done $0x0  }
0x2f3: {  	[sflag:s4] =	ssyncadd.s32 $0xFFFFC000  }
0x2f4: {  	[tilespmem:s8], [sflag:$0x3] =	stream.indirect.gather [hbm4b:s3+s6], $0x80, s20, s6, $0xb8;
	[tilespmem:$0x1C000] =	vst v63  }
0x2f5: {  	_ =	swait.ge [sflag:s11], $0x4000  }
0x2f6: {  	[sflag:s11] =	ssyncset.done $0x0  }
0x2f7: {  	s1 =	simm.s32 $0x3980;
	[sflag:s11] =	ssyncadd.s32 $0xFFFFC000  }
0x2f8: {  	[spmem:s2] =	stream.indirect.scatter.add.f32 [tilespmem:s7], [sflag:$0x9], $0x80, s1, s6, $0xb8;
	[tilespmem:$0x1C000] =	vst v63  }
0x2f9: {  	_ =	swait.ge [sflag:s4], $0x4000  }
0x2fa: {  	s18 =	sld [smem:$0x7F8]  }
0x2fb: {  	[sflag:s4] =	ssyncset.done $0x0  }
0x2fc: {  	[sflag:s4] =	ssyncadd.s32 $0xFFFFC000  }
0x2fd: {  	[tilespmem:s7], [sflag:$0x4] =	stream.indirect.gather [hbm4b:s3+s6], $0x80, s18, s6, $0xb8;
	[tilespmem:$0x1C000] =	vst v63  }
0x2fe: {  	_ =	swait.ge [sflag:s14], $0x4000  }
0x2ff: {  	[sflag:s14] =	ssyncset.done $0x0  }
0x300: {  	s20 =	simm.s32 $0x3A00;
	[sflag:s14] =	ssyncadd.s32 $0xFFFFC000  }
0x301: {  	[spmem:s2] =	stream.indirect.scatter.add.f32 [tilespmem:s10], [sflag:$0x9], $0x80, s20, s6, $0xb8;
	[tilespmem:$0x1C000] =	vst v63  }
0x302: {  	_ =	swait.ge [sflag:s4], $0x4000  }
0x303: {  	s1 =	sld [smem:$0x7F9]  }
0x304: {  	[sflag:s4] =	ssyncset.done $0x0  }
0x305: {  	[sflag:s4] =	ssyncadd.s32 $0xFFFFC000  }
0x306: {  	[tilespmem:s10], [sflag:$0x1] =	stream.indirect.gather [hbm4b:s3+s6], $0x80, s1, s6, $0xb8;
	[tilespmem:$0x1C000] =	vst v63  }
0x307: {  	_ =	swait.ge [sflag:s12], $0x4000  }
0x308: {  	[sflag:s12] =	ssyncset.done $0x0  }
0x309: {  	[sflag:s12] =	ssyncadd.s32 $0xFFFFC000  }
0x30a: {  	[spmem:s2] =	stream.indirect.scatter.add.f32 [tilespmem:s9], [sflag:$0x9], $0x80, s5, s6, $0xb8;
	[tilespmem:$0x1C000] =	vst v63  }
0x30b: {  	s5 =	sld [smem:$0x7C1];
	_ =	swait.ge [sflag:s4], $0x4000  }
0x30c: {  	s18 =	sld [smem:$0x7FA]  }
0x30d: {  	[sflag:s4] =	ssyncset.done $0x0  }
0x30e: {  	[sflag:s4] =	ssyncadd.s32 $0xFFFFC000  }
0x30f: {  	[tilespmem:s9], [sflag:$0x2] =	stream.indirect.gather [hbm4b:s3+s6], $0x80, s18, s6, $0xb8;
	[tilespmem:$0x1C000] =	vst v63  }
0x310: {  	_ =	swait.ge [sflag:s13], $0x4000  }
0x311: {  	[sflag:s13] =	ssyncset.done $0x0  }
0x312: {  	[sflag:s13] =	ssyncadd.s32 $0xFFFFC000  }
0x313: {  	[spmem:s2] =	stream.indirect.scatter.add.f32 [tilespmem:s8], [sflag:$0x9], $0x80, s30, s6, $0xb8;
	[tilespmem:$0x1C000] =	vst v63  }
0x314: {  	_ =	swait.ge [sflag:s4], $0x4000  }
0x315: {  	s20 =	sld [smem:$0x7FB]  }
0x316: {  	[sflag:s4] =	ssyncset.done $0x0  }
0x317: {  	[sflag:s4] =	ssyncadd.s32 $0xFFFFC000  }
0x318: {  	[tilespmem:s8], [sflag:$0x3] =	stream.indirect.gather [hbm4b:s3+s6], $0x80, s20, s6, $0xb8;
	[tilespmem:$0x1C000] =	vst v63  }
0x319: {  	_ =	swait.ge [sflag:s11], $0x4000  }
0x31a: {  	[sflag:s11] =	ssyncset.done $0x0  }
0x31b: {  	s28 =	simm.s32 $0x3B80;
	[sflag:s11] =	ssyncadd.s32 $0xFFFFC000  }
0x31c: {  	[spmem:s2] =	stream.indirect.scatter.add.f32 [tilespmem:s7], [sflag:$0x9], $0x80, s28, s6, $0xb8;
	[tilespmem:$0x1C000] =	vst v63  }
0x31d: {  	_ =	swait.ge [sflag:s4], $0x4000  }
0x31e: {  	s30 =	sld [smem:$0x7FC]  }
0x31f: {  	[sflag:s4] =	ssyncset.done $0x0  }
0x320: {  	[sflag:s4] =	ssyncadd.s32 $0xFFFFC000  }
0x321: {  	[tilespmem:s7], [sflag:$0x4] =	stream.indirect.gather [hbm4b:s3+s6], $0x80, s30, s6, $0xb8;
	[tilespmem:$0x1C000] =	vst v63  }
0x322: {  	_ =	swait.ge [sflag:s14], $0x4000  }
0x323: {  	[sflag:s14] =	ssyncset.done $0x0  }
0x324: {  	s26 =	simm.s32 $0x3C00;
	[sflag:s14] =	ssyncadd.s32 $0xFFFFC000  }
0x325: {  	[spmem:s2] =	stream.indirect.scatter.add.f32 [tilespmem:s10], [sflag:$0x9], $0x80, s26, s6, $0xb8;
	[tilespmem:$0x1C000] =	vst v63  }
0x326: {  	_ =	swait.ge [sflag:s4], $0x4000  }
0x327: {  	[sflag:s4] =	ssyncset.done $0x0  }
0x328: {  	[sflag:s4] =	ssyncadd.s32 $0xFFFFC000  }
0x329: {  	_ =	swait.ge [sflag:s12], $0x4000  }
0x32a: {  	[sflag:s12] =	ssyncset.done $0x0  }
0x32b: {  	s29 =	simm.s32 $0x3C80;
	[sflag:s12] =	ssyncadd.s32 $0xFFFFC000  }
0x32c: {  	[spmem:s2] =	stream.indirect.scatter.add.f32 [tilespmem:s9], [sflag:$0x9], $0x80, s29, s6, $0xb8;
	[tilespmem:$0x1C000] =	vst v63  }
0x32d: {  	_ =	swait.ge [sflag:s4], $0x4000  }
0x32e: {  	[sflag:s4] =	ssyncset.done $0x0  }
0x32f: {  	[sflag:s4] =	ssyncadd.s32 $0xFFFFC000  }
0x330: {  	_ =	swait.ge [sflag:s13], $0x4000  }
0x331: {  	[sflag:s13] =	ssyncset.done $0x0  }
0x332: {  	s31 =	simm.s32 $0x3D00;
	[sflag:s13] =	ssyncadd.s32 $0xFFFFC000  }
0x333: {  	[spmem:s2] =	stream.indirect.scatter.add.f32 [tilespmem:s8], [sflag:$0x9], $0x80, s31, s6, $0xb8;
	[tilespmem:$0x1C000] =	vst v63  }
0x334: {  	_ =	swait.ge [sflag:s4], $0x4000  }
0x335: {  	[sflag:s4] =	ssyncset.done $0x0  }
0x336: {  	[sflag:s4] =	ssyncadd.s32 $0xFFFFC000  }
0x337: {  	_ =	swait.ge [sflag:s11], $0x4000  }
0x338: {  	[sflag:s11] =	ssyncset.done $0x0  }
0x339: {  	s24 =	simm.s32 $0x3D80;
	[sflag:s11] =	ssyncadd.s32 $0xFFFFC000  }
0x33a: {  	[spmem:s2] =	stream.indirect.scatter.add.f32 [tilespmem:s7], [sflag:$0x9], $0x80, s24, s6, $0xb8;
	[tilespmem:$0x1C000] =	vst v63  }
0x33b: {  	_ =	swait.ge [sflag:s4], $0x4000  }
0x33c: {  	[sflag:s4] =	ssyncset.done $0x0  }
0x33d: {  	[sflag:s4] =	ssyncadd.s32 $0xFFFFC000  }
0x33e: {  	[bflag:$0x0] =	sbarrier.arrive $0xFFFF  }
0x33f: {  	s31 =	rddreg [dreg:$0x8]  }
0x340: {  	p1 =	sne.s32 s22, $0x1;
	s15 =	simm.s32 $0x5;
	[smem:$0x7C2] =	sst s19  }
0x341: {  	[hbm:s31], [sflag:s19] =	dma.local [spmem:s5], $0x800  }
.Ltmp1:
0x342: {  	_ =	swait.ge [sflag:s15], $0x800;
	(pc) =	sbr.rel @!p1 .LBB2_7-.Ltmp1, $4  }
0x343: {  	[sflag:s15] =	ssyncset.done $0x0  }
0x344: {  	[sflag:s15] =	ssyncadd.s32 $0xFFFFF800  }
0x345: {  	p0 =	por $0x1, $0x1;
	s0 =	sadd.s32 $0xFFFFFFFF, s22;
	_ =	swait.ge [sflag:s16], $0x800  }
0x346: {  	s1 =	simm.s32 $0x7;
	s18 =	rddreg [dreg:$0x5];
	[sflag:s16] =	ssyncset.done $0x0  }
0x347: {  	s30 =	simm.s32 $0x2900;
	s29 =	simm.s32 $0x2980  }
0x348: {  	s28 =	simm.s32 $0x2B80;
	s31 =	simm.s32 $0x3A00;
	s22 =	simm.s32 $0x3D00  }
.LBB2_4:
0x349: {  	[sflag:s16] =	ssyncadd.s32 $0xFFFFF800;
	s15 =	simm.s32 $0x0  }
0x34a: {  	[tilespmem:s15], [sflag:$0x9] =	stream.linear.gather [hbm4b:s18+s15], $0x2800, $0x38;
	[tilespmem:$0x1C000] =	vst v63  }
0x34b: {  	_ =	swait.ge [sflag:s4], $0x2800  }
0x34c: {  	s19 =	sld [smem:$0x7C4]  }
0x34d: {  	[sflag:s4] =	ssyncset.done $0x0  }
0x34e: {  	s17 =	simm.s32 $0x2800;
	[sflag:s4] =	ssyncadd.s32 $0xFFFFD800  }
0x34f: {  	[tilespmem:s17], [sflag:$0x9] =	stream.linear.gather [hbm4b:s19+s15], $0xA00, $0x38;
	[tilespmem:$0x1C000] =	vst v63  }
0x350: {  	s23 =	simm.s32 $0x3400;
	s20 =	rddreg [dreg:$0x9]  }
0x351: {  	[tilespmem:s23], [sflag:$0x9] =	stream.linear.gather [hbm4b:s20+s15], $0xA00, $0x38;
	[tilespmem:$0x1C000] =	vst v63  }
0x352: {  	_ =	swait.ge [sflag:s4], $0x1400  }
0x353: {  	s26 =	sld [smem:$0x7BE]  }
0x354: {  	[sflag:s4] =	ssyncset.done $0x0  }
0x355: {  	[sflag:s4] =	ssyncadd.s32 $0xFFFFEC00  }
0x356: {  	[spmem:s25], [sflag:s26] =	dma.local [hbm:s21], $0x800  }
0x357: {  	s24 =	sld [smem:$0x7BF];
	_ =	sdelay $0x2  }
0x358: {  	[spmem:s5], [sflag:s24] =	dma.local [hbm:s21], $0x800  }
0x359: {  	[tilespmem:s10], [sflag:$0x1] =	stream.indirect.gather [hbm4b:s3+s6], $0x80, s15, s6, $0xb8;
	[tilespmem:$0x1C000] =	vst v63  }
0x35a: {  	_ = 	snop  }
0x35b: {  	[tilespmem:s9], [sflag:$0x2] =	stream.indirect.gather [hbm4b:s3+s6], $0x80, s6, s6, $0xb8;
	[tilespmem:$0x1C000] =	vst v63  }
0x35c: {  	s18 =	rddreg [dreg:$0xa]  }
0x35d: {  	[tilespmem:s8], [sflag:$0x3] =	stream.indirect.gather [hbm4b:s3+s6], $0x80, s18, s6, $0xb8;
	[tilespmem:$0x1C000] =	vst v63  }
0x35e: {  	s5 =	rddreg [dreg:$0xb]  }
0x35f: {  	[tilespmem:s7], [sflag:$0x4] =	stream.indirect.gather [hbm4b:s3+s6], $0x80, s5, s6, $0xb8;
	[tilespmem:$0x1C000] =	vst v63  }
0x360: {  	_ =	swait.ge [sflag:s1], $0x800  }
0x361: {  	[sflag:s1] =	ssyncset.done $0x0  }
0x362: {  	[sflag:s1] =	ssyncadd.s32 $0xFFFFF800  }
0x363: {  	_ =	swait.ge [sflag:s14], $0x4000  }
0x364: {  	[sflag:s14] =	ssyncset.done $0x0  }
0x365: {  	[sflag:s14] =	ssyncadd.s32 $0xFFFFC000  }
0x366: {  	[spmem:s2] =	stream.indirect.scatter.add.f32 [tilespmem:s10], [sflag:$0x9], $0x80, s17, s6, $0xb8;
	[tilespmem:$0x1C000] =	vst v63  }
0x367: {  	_ =	swait.ge [sflag:s4], $0x4000  }
0x368: {  	[sflag:s4] =	ssyncset.done $0x0  }
0x369: {  	s15 =	rddreg [dreg:$0xc];
	[sflag:s4] =	ssyncadd.s32 $0xFFFFC000  }
0x36a: {  	[tilespmem:s10], [sflag:$0x1] =	stream.indirect.gather [hbm4b:s3+s6], $0x80, s15, s6, $0xb8;
	[tilespmem:$0x1C000] =	vst v63  }
0x36b: {  	_ =	swait.ge [sflag:s12], $0x4000  }
0x36c: {  	[sflag:s12] =	ssyncset.done $0x0  }
0x36d: {  	s19 =	simm.s32 $0x2880;
	[sflag:s12] =	ssyncadd.s32 $0xFFFFC000  }
0x36e: {  	[spmem:s2] =	stream.indirect.scatter.add.f32 [tilespmem:s9], [sflag:$0x9], $0x80, s19, s6, $0xb8;
	[tilespmem:$0x1C000] =	vst v63  }
0x36f: {  	_ =	swait.ge [sflag:s4], $0x4000  }
0x370: {  	[sflag:s4] =	ssyncset.done $0x0  }
0x371: {  	s16 =	rddreg [dreg:$0xd];
	[sflag:s4] =	ssyncadd.s32 $0xFFFFC000  }
0x372: {  	[tilespmem:s9], [sflag:$0x2] =	stream.indirect.gather [hbm4b:s3+s6], $0x80, s16, s6, $0xb8;
	[tilespmem:$0x1C000] =	vst v63  }
0x373: {  	_ =	swait.ge [sflag:s13], $0x4000  }
0x374: {  	[sflag:s13] =	ssyncset.done $0x0  }
0x375: {  	[sflag:s13] =	ssyncadd.s32 $0xFFFFC000  }
0x376: {  	[spmem:s2] =	stream.indirect.scatter.add.f32 [tilespmem:s8], [sflag:$0x9], $0x80, s30, s6, $0xb8;
	[tilespmem:$0x1C000] =	vst v63  }
0x377: {  	_ =	swait.ge [sflag:s4], $0x4000  }
0x378: {  	[sflag:s4] =	ssyncset.done $0x0  }
0x379: {  	s23 =	rddreg [dreg:$0xe];
	[sflag:s4] =	ssyncadd.s32 $0xFFFFC000  }
0x37a: {  	[tilespmem:s8], [sflag:$0x3] =	stream.indirect.gather [hbm4b:s3+s6], $0x80, s23, s6, $0xb8;
	[tilespmem:$0x1C000] =	vst v63  }
0x37b: {  	_ =	swait.ge [sflag:s11], $0x4000  }
0x37c: {  	[sflag:s11] =	ssyncset.done $0x0  }
0x37d: {  	[sflag:s11] =	ssyncadd.s32 $0xFFFFC000  }
0x37e: {  	[spmem:s2] =	stream.indirect.scatter.add.f32 [tilespmem:s7], [sflag:$0x9], $0x80, s29, s6, $0xb8;
	[tilespmem:$0x1C000] =	vst v63  }
0x37f: {  	_ =	swait.ge [sflag:s4], $0x4000  }
0x380: {  	[sflag:s4] =	ssyncset.done $0x0  }
0x381: {  	s24 =	rddreg [dreg:$0xf];
	[sflag:s4] =	ssyncadd.s32 $0xFFFFC000  }
0x382: {  	[tilespmem:s7], [sflag:$0x4] =	stream.indirect.gather [hbm4b:s3+s6], $0x80, s24, s6, $0xb8;
	[tilespmem:$0x1C000] =	vst v63  }
0x383: {  	_ =	swait.ge [sflag:s14], $0x4000  }
0x384: {  	[sflag:s14] =	ssyncset.done $0x0  }
0x385: {  	s24 =	simm.s32 $0x2A00;
	[sflag:s14] =	ssyncadd.s32 $0xFFFFC000  }
0x386: {  	[spmem:s2] =	stream.indirect.scatter.add.f32 [tilespmem:s10], [sflag:$0x9], $0x80, s24, s6, $0xb8;
	[tilespmem:$0x1C000] =	vst v63  }
0x387: {  	_ =	swait.ge [sflag:s4], $0x4000  }
0x388: {  	[sflag:s4] =	ssyncset.done $0x0  }
0x389: {  	s1 =	rddreg [dreg:$0x10];
	[sflag:s4] =	ssyncadd.s32 $0xFFFFC000  }
0x38a: {  	[tilespmem:s10], [sflag:$0x1] =	stream.indirect.gather [hbm4b:s3+s6], $0x80, s1, s6, $0xb8;
	[tilespmem:$0x1C000] =	vst v63  }
0x38b: {  	_ =	swait.ge [sflag:s12], $0x4000  }
0x38c: {  	[sflag:s12] =	ssyncset.done $0x0  }
0x38d: {  	s15 =	simm.s32 $0x2A80;
	[sflag:s12] =	ssyncadd.s32 $0xFFFFC000  }
0x38e: {  	[spmem:s2] =	stream.indirect.scatter.add.f32 [tilespmem:s9], [sflag:$0x9], $0x80, s15, s6, $0xb8;
	[tilespmem:$0x1C000] =	vst v63  }
0x38f: {  	_ =	swait.ge [sflag:s4], $0x4000  }
0x390: {  	[sflag:s4] =	ssyncset.done $0x0  }
0x391: {  	s5 =	rddreg [dreg:$0x11];
	[sflag:s4] =	ssyncadd.s32 $0xFFFFC000  }
0x392: {  	[tilespmem:s9], [sflag:$0x2] =	stream.indirect.gather [hbm4b:s3+s6], $0x80, s5, s6, $0xb8;
	[tilespmem:$0x1C000] =	vst v63  }
0x393: {  	_ =	swait.ge [sflag:s13], $0x4000  }
0x394: {  	[sflag:s13] =	ssyncset.done $0x0  }
0x395: {  	s23 =	simm.s32 $0x2B00;
	[sflag:s13] =	ssyncadd.s32 $0xFFFFC000  }
0x396: {  	[spmem:s2] =	stream.indirect.scatter.add.f32 [tilespmem:s8], [sflag:$0x9], $0x80, s23, s6, $0xb8;
	[tilespmem:$0x1C000] =	vst v63  }
0x397: {  	_ =	swait.ge [sflag:s4], $0x4000  }
0x398: {  	[sflag:s4] =	ssyncset.done $0x0  }
0x399: {  	s16 =	rddreg [dreg:$0x12];
	[sflag:s4] =	ssyncadd.s32 $0xFFFFC000  }
0x39a: {  	[tilespmem:s8], [sflag:$0x3] =	stream.indirect.gather [hbm4b:s3+s6], $0x80, s16, s6, $0xb8;
	[tilespmem:$0x1C000] =	vst v63  }
0x39b: {  	_ =	swait.ge [sflag:s11], $0x4000  }
0x39c: {  	[sflag:s11] =	ssyncset.done $0x0  }
0x39d: {  	[sflag:s11] =	ssyncadd.s32 $0xFFFFC000  }
0x39e: {  	[spmem:s2] =	stream.indirect.scatter.add.f32 [tilespmem:s7], [sflag:$0x9], $0x80, s28, s6, $0xb8;
	[tilespmem:$0x1C000] =	vst v63  }
0x39f: {  	_ =	swait.ge [sflag:s4], $0x4000  }
0x3a0: {  	[sflag:s4] =	ssyncset.done $0x0  }
0x3a1: {  	s1 =	rddreg [dreg:$0x13];
	[sflag:s4] =	ssyncadd.s32 $0xFFFFC000  }
0x3a2: {  	[tilespmem:s7], [sflag:$0x4] =	stream.indirect.gather [hbm4b:s3+s6], $0x80, s1, s6, $0xb8;
	[tilespmem:$0x1C000] =	vst v63  }
0x3a3: {  	_ =	swait.ge [sflag:s14], $0x4000  }
0x3a4: {  	[sflag:s14] =	ssyncset.done $0x0  }
0x3a5: {  	s5 =	simm.s32 $0x2C00;
	[sflag:s14] =	ssyncadd.s32 $0xFFFFC000  }
0x3a6: {  	[spmem:s2] =	stream.indirect.scatter.add.f32 [tilespmem:s10], [sflag:$0x9], $0x80, s5, s6, $0xb8;
	[tilespmem:$0x1C000] =	vst v63  }
0x3a7: {  	_ =	swait.ge [sflag:s4], $0x4000  }
0x3a8: {  	[sflag:s4] =	ssyncset.done $0x0  }
0x3a9: {  	s16 =	rddreg [dreg:$0x14];
	[sflag:s4] =	ssyncadd.s32 $0xFFFFC000  }
0x3aa: {  	[tilespmem:s10], [sflag:$0x1] =	stream.indirect.gather [hbm4b:s3+s6], $0x80, s16, s6, $0xb8;
	[tilespmem:$0x1C000] =	vst v63  }
0x3ab: {  	_ =	swait.ge [sflag:s12], $0x4000  }
0x3ac: {  	[sflag:s12] =	ssyncset.done $0x0  }
0x3ad: {  	s18 =	simm.s32 $0x2C80;
	[sflag:s12] =	ssyncadd.s32 $0xFFFFC000  }
0x3ae: {  	[spmem:s2] =	stream.indirect.scatter.add.f32 [tilespmem:s9], [sflag:$0x9], $0x80, s18, s6, $0xb8;
	[tilespmem:$0x1C000] =	vst v63  }
0x3af: {  	_ =	swait.ge [sflag:s4], $0x4000  }
0x3b0: {  	[sflag:s4] =	ssyncset.done $0x0  }
0x3b1: {  	s1 =	rddreg [dreg:$0x15];
	[sflag:s4] =	ssyncadd.s32 $0xFFFFC000  }
0x3b2: {  	[tilespmem:s9], [sflag:$0x2] =	stream.indirect.gather [hbm4b:s3+s6], $0x80, s1, s6, $0xb8;
	[tilespmem:$0x1C000] =	vst v63  }
0x3b3: {  	_ =	swait.ge [sflag:s13], $0x4000  }
0x3b4: {  	[sflag:s13] =	ssyncset.done $0x0  }
0x3b5: {  	s5 =	simm.s32 $0x2D00;
	[sflag:s13] =	ssyncadd.s32 $0xFFFFC000  }
0x3b6: {  	[spmem:s2] =	stream.indirect.scatter.add.f32 [tilespmem:s8], [sflag:$0x9], $0x80, s5, s6, $0xb8;
	[tilespmem:$0x1C000] =	vst v63  }
0x3b7: {  	_ =	swait.ge [sflag:s4], $0x4000  }
0x3b8: {  	[sflag:s4] =	ssyncset.done $0x0  }
0x3b9: {  	s16 =	rddreg [dreg:$0x16];
	[sflag:s4] =	ssyncadd.s32 $0xFFFFC000  }
0x3ba: {  	[tilespmem:s8], [sflag:$0x3] =	stream.indirect.gather [hbm4b:s3+s6], $0x80, s16, s6, $0xb8;
	[tilespmem:$0x1C000] =	vst v63  }
0x3bb: {  	_ =	swait.ge [sflag:s11], $0x4000  }
0x3bc: {  	[sflag:s11] =	ssyncset.done $0x0  }
0x3bd: {  	s18 =	simm.s32 $0x2D80;
	[sflag:s11] =	ssyncadd.s32 $0xFFFFC000  }
0x3be: {  	[spmem:s2] =	stream.indirect.scatter.add.f32 [tilespmem:s7], [sflag:$0x9], $0x80, s18, s6, $0xb8;
	[tilespmem:$0x1C000] =	vst v63  }
0x3bf: {  	_ =	swait.ge [sflag:s4], $0x4000  }
0x3c0: {  	[sflag:s4] =	ssyncset.done $0x0  }
0x3c1: {  	s16 =	rddreg [dreg:$0x17];
	[sflag:s4] =	ssyncadd.s32 $0xFFFFC000  }
0x3c2: {  	[tilespmem:s7], [sflag:$0x4] =	stream.indirect.gather [hbm4b:s3+s6], $0x80, s16, s6, $0xb8;
	[tilespmem:$0x1C000] =	vst v63  }
0x3c3: {  	_ =	swait.ge [sflag:s14], $0x4000  }
0x3c4: {  	[sflag:s14] =	ssyncset.done $0x0  }
0x3c5: {  	s18 =	simm.s32 $0x2E00;
	[sflag:s14] =	ssyncadd.s32 $0xFFFFC000  }
0x3c6: {  	[spmem:s2] =	stream.indirect.scatter.add.f32 [tilespmem:s10], [sflag:$0x9], $0x80, s18, s6, $0xb8;
	[tilespmem:$0x1C000] =	vst v63  }
0x3c7: {  	_ =	swait.ge [sflag:s4], $0x4000  }
0x3c8: {  	[sflag:s4] =	ssyncset.done $0x0  }
0x3c9: {  	s16 =	rddreg [dreg:$0x18];
	[sflag:s4] =	ssyncadd.s32 $0xFFFFC000  }
0x3ca: {  	[tilespmem:s10], [sflag:$0x1] =	stream.indirect.gather [hbm4b:s3+s6], $0x80, s16, s6, $0xb8;
	[tilespmem:$0x1C000] =	vst v63  }
0x3cb: {  	_ =	swait.ge [sflag:s12], $0x4000  }
0x3cc: {  	[sflag:s12] =	ssyncset.done $0x0  }
0x3cd: {  	s18 =	simm.s32 $0x2E80;
	[sflag:s12] =	ssyncadd.s32 $0xFFFFC000  }
0x3ce: {  	[spmem:s2] =	stream.indirect.scatter.add.f32 [tilespmem:s9], [sflag:$0x9], $0x80, s18, s6, $0xb8;
	[tilespmem:$0x1C000] =	vst v63  }
0x3cf: {  	_ =	swait.ge [sflag:s4], $0x4000  }
0x3d0: {  	[sflag:s4] =	ssyncset.done $0x0  }
0x3d1: {  	s16 =	rddreg [dreg:$0x19];
	[sflag:s4] =	ssyncadd.s32 $0xFFFFC000  }
0x3d2: {  	[tilespmem:s9], [sflag:$0x2] =	stream.indirect.gather [hbm4b:s3+s6], $0x80, s16, s6, $0xb8;
	[tilespmem:$0x1C000] =	vst v63  }
0x3d3: {  	_ =	swait.ge [sflag:s13], $0x4000  }
0x3d4: {  	[sflag:s13] =	ssyncset.done $0x0  }
0x3d5: {  	s18 =	simm.s32 $0x2F00;
	[sflag:s13] =	ssyncadd.s32 $0xFFFFC000  }
0x3d6: {  	[spmem:s2] =	stream.indirect.scatter.add.f32 [tilespmem:s8], [sflag:$0x9], $0x80, s18, s6, $0xb8;
	[tilespmem:$0x1C000] =	vst v63  }
0x3d7: {  	_ =	swait.ge [sflag:s4], $0x4000  }
0x3d8: {  	[sflag:s4] =	ssyncset.done $0x0  }
0x3d9: {  	s5 =	rddreg [dreg:$0x1a];
	[sflag:s4] =	ssyncadd.s32 $0xFFFFC000  }
0x3da: {  	[tilespmem:s8], [sflag:$0x3] =	stream.indirect.gather [hbm4b:s3+s6], $0x80, s5, s6, $0xb8;
	[tilespmem:$0x1C000] =	vst v63  }
0x3db: {  	_ =	swait.ge [sflag:s11], $0x4000  }
0x3dc: {  	[sflag:s11] =	ssyncset.done $0x0  }
0x3dd: {  	s18 =	simm.s32 $0x2F80;
	[sflag:s11] =	ssyncadd.s32 $0xFFFFC000  }
0x3de: {  	[spmem:s2] =	stream.indirect.scatter.add.f32 [tilespmem:s7], [sflag:$0x9], $0x80, s18, s6, $0xb8;
	[tilespmem:$0x1C000] =	vst v63  }
0x3df: {  	_ =	swait.ge [sflag:s4], $0x4000  }
0x3e0: {  	[sflag:s4] =	ssyncset.done $0x0  }
0x3e1: {  	s5 =	rddreg [dreg:$0x1b];
	[sflag:s4] =	ssyncadd.s32 $0xFFFFC000  }
0x3e2: {  	[tilespmem:s7], [sflag:$0x4] =	stream.indirect.gather [hbm4b:s3+s6], $0x80, s5, s6, $0xb8;
	[tilespmem:$0x1C000] =	vst v63  }
0x3e3: {  	_ =	swait.ge [sflag:s14], $0x4000  }
0x3e4: {  	[sflag:s14] =	ssyncset.done $0x0  }
0x3e5: {  	s18 =	simm.s32 $0x3000;
	[sflag:s14] =	ssyncadd.s32 $0xFFFFC000  }
0x3e6: {  	[spmem:s2] =	stream.indirect.scatter.add.f32 [tilespmem:s10], [sflag:$0x9], $0x80, s18, s6, $0xb8;
	[tilespmem:$0x1C000] =	vst v63  }
0x3e7: {  	_ =	swait.ge [sflag:s4], $0x4000  }
0x3e8: {  	[sflag:s4] =	ssyncset.done $0x0  }
0x3e9: {  	s5 =	rddreg [dreg:$0x1c];
	[sflag:s4] =	ssyncadd.s32 $0xFFFFC000  }
0x3ea: {  	[tilespmem:s10], [sflag:$0x1] =	stream.indirect.gather [hbm4b:s3+s6], $0x80, s5, s6, $0xb8;
	[tilespmem:$0x1C000] =	vst v63  }
0x3eb: {  	_ =	swait.ge [sflag:s12], $0x4000  }
0x3ec: {  	[sflag:s12] =	ssyncset.done $0x0  }
0x3ed: {  	s18 =	simm.s32 $0x3080;
	[sflag:s12] =	ssyncadd.s32 $0xFFFFC000  }
0x3ee: {  	[spmem:s2] =	stream.indirect.scatter.add.f32 [tilespmem:s9], [sflag:$0x9], $0x80, s18, s6, $0xb8;
	[tilespmem:$0x1C000] =	vst v63  }
0x3ef: {  	_ =	swait.ge [sflag:s4], $0x4000  }
0x3f0: {  	[sflag:s4] =	ssyncset.done $0x0  }
0x3f1: {  	s5 =	rddreg [dreg:$0x1d];
	[sflag:s4] =	ssyncadd.s32 $0xFFFFC000  }
0x3f2: {  	[tilespmem:s9], [sflag:$0x2] =	stream.indirect.gather [hbm4b:s3+s6], $0x80, s5, s6, $0xb8;
	[tilespmem:$0x1C000] =	vst v63  }
0x3f3: {  	_ =	swait.ge [sflag:s13], $0x4000  }
0x3f4: {  	[sflag:s13] =	ssyncset.done $0x0  }
0x3f5: {  	s18 =	simm.s32 $0x3100;
	[sflag:s13] =	ssyncadd.s32 $0xFFFFC000  }
0x3f6: {  	[spmem:s2] =	stream.indirect.scatter.add.f32 [tilespmem:s8], [sflag:$0x9], $0x80, s18, s6, $0xb8;
	[tilespmem:$0x1C000] =	vst v63  }
0x3f7: {  	_ =	swait.ge [sflag:s4], $0x4000  }
0x3f8: {  	[sflag:s4] =	ssyncset.done $0x0  }
0x3f9: {  	s5 =	rddreg [dreg:$0x1e];
	[sflag:s4] =	ssyncadd.s32 $0xFFFFC000  }
0x3fa: {  	[tilespmem:s8], [sflag:$0x3] =	stream.indirect.gather [hbm4b:s3+s6], $0x80, s5, s6, $0xb8;
	[tilespmem:$0x1C000] =	vst v63  }
0x3fb: {  	_ =	swait.ge [sflag:s11], $0x4000  }
0x3fc: {  	[sflag:s11] =	ssyncset.done $0x0  }
0x3fd: {  	s18 =	simm.s32 $0x3180;
	[sflag:s11] =	ssyncadd.s32 $0xFFFFC000  }
0x3fe: {  	[spmem:s2] =	stream.indirect.scatter.add.f32 [tilespmem:s7], [sflag:$0x9], $0x80, s18, s6, $0xb8;
	[tilespmem:$0x1C000] =	vst v63  }
0x3ff: {  	_ =	swait.ge [sflag:s4], $0x4000  }
0x400: {  	[sflag:s4] =	ssyncset.done $0x0  }
0x401: {  	s1 =	simm.s32 $0x8;
	s5 =	rddreg [dreg:$0x1f];
	[sflag:s4] =	ssyncadd.s32 $0xFFFFC000  }
0x402: {  	[tilespmem:s7], [sflag:$0x4] =	stream.indirect.gather [hbm4b:s3+s6], $0x80, s5, s6, $0xb8;
	[tilespmem:$0x1C000] =	vst v63  }
0x403: {  	_ =	swait.ge [sflag:s1], $0x800  }
0x404: {  	[sflag:s1] =	ssyncset.done $0x0  }
0x405: {  	[sflag:s1] =	ssyncadd.s32 $0xFFFFF800  }
0x406: {  	_ =	swait.ge [sflag:s14], $0x4000  }
0x407: {  	[sflag:s14] =	ssyncset.done $0x0  }
0x408: {  	s20 =	simm.s32 $0x3400;
	[sflag:s14] =	ssyncadd.s32 $0xFFFFC000  }
0x409: {  	[spmem:s2] =	stream.indirect.scatter.add.f32 [tilespmem:s10], [sflag:$0x9], $0x80, s20, s6, $0xb8;
	[tilespmem:$0x1C000] =	vst v63  }
0x40a: {  	_ =	swait.ge [sflag:s4], $0x4000  }
0x40b: {  	s5 =	sld [smem:$0x7C5]  }
0x40c: {  	[sflag:s4] =	ssyncset.done $0x0  }
0x40d: {  	[sflag:s4] =	ssyncadd.s32 $0xFFFFC000  }
0x40e: {  	[tilespmem:s10], [sflag:$0x1] =	stream.indirect.gather [hbm4b:s3+s6], $0x80, s5, s6, $0xb8;
	[tilespmem:$0x1C000] =	vst v63  }
0x40f: {  	_ =	swait.ge [sflag:s12], $0x4000  }
0x410: {  	[sflag:s12] =	ssyncset.done $0x0  }
0x411: {  	s20 =	simm.s32 $0x3480;
	[sflag:s12] =	ssyncadd.s32 $0xFFFFC000  }
0x412: {  	[spmem:s2] =	stream.indirect.scatter.add.f32 [tilespmem:s9], [sflag:$0x9], $0x80, s20, s6, $0xb8;
	[tilespmem:$0x1C000] =	vst v63  }
0x413: {  	_ =	swait.ge [sflag:s4], $0x4000  }
0x414: {  	s5 =	sld [smem:$0x7C6]  }
0x415: {  	[sflag:s4] =	ssyncset.done $0x0  }
0x416: {  	[sflag:s4] =	ssyncadd.s32 $0xFFFFC000  }
0x417: {  	[tilespmem:s9], [sflag:$0x2] =	stream.indirect.gather [hbm4b:s3+s6], $0x80, s5, s6, $0xb8;
	[tilespmem:$0x1C000] =	vst v63  }
0x418: {  	_ =	swait.ge [sflag:s13], $0x4000  }
0x419: {  	[sflag:s13] =	ssyncset.done $0x0  }
0x41a: {  	s20 =	simm.s32 $0x3500;
	[sflag:s13] =	ssyncadd.s32 $0xFFFFC000  }
0x41b: {  	[spmem:s2] =	stream.indirect.scatter.add.f32 [tilespmem:s8], [sflag:$0x9], $0x80, s20, s6, $0xb8;
	[tilespmem:$0x1C000] =	vst v63  }
0x41c: {  	_ =	swait.ge [sflag:s4], $0x4000  }
0x41d: {  	s5 =	sld [smem:$0x7C7]  }
0x41e: {  	[sflag:s4] =	ssyncset.done $0x0  }
0x41f: {  	[sflag:s4] =	ssyncadd.s32 $0xFFFFC000  }
0x420: {  	[tilespmem:s8], [sflag:$0x3] =	stream.indirect.gather [hbm4b:s3+s6], $0x80, s5, s6, $0xb8;
	[tilespmem:$0x1C000] =	vst v63  }
0x421: {  	_ =	swait.ge [sflag:s11], $0x4000  }
0x422: {  	[sflag:s11] =	ssyncset.done $0x0  }
0x423: {  	s20 =	simm.s32 $0x3580;
	[sflag:s11] =	ssyncadd.s32 $0xFFFFC000  }
0x424: {  	[spmem:s2] =	stream.indirect.scatter.add.f32 [tilespmem:s7], [sflag:$0x9], $0x80, s20, s6, $0xb8;
	[tilespmem:$0x1C000] =	vst v63  }
0x425: {  	_ =	swait.ge [sflag:s4], $0x4000  }
0x426: {  	s5 =	sld [smem:$0x7C8]  }
0x427: {  	[sflag:s4] =	ssyncset.done $0x0  }
0x428: {  	[sflag:s4] =	ssyncadd.s32 $0xFFFFC000  }
0x429: {  	[tilespmem:s7], [sflag:$0x4] =	stream.indirect.gather [hbm4b:s3+s6], $0x80, s5, s6, $0xb8;
	[tilespmem:$0x1C000] =	vst v63  }
0x42a: {  	_ =	swait.ge [sflag:s14], $0x4000  }
0x42b: {  	[sflag:s14] =	ssyncset.done $0x0  }
0x42c: {  	s20 =	simm.s32 $0x3600;
	[sflag:s14] =	ssyncadd.s32 $0xFFFFC000  }
0x42d: {  	[spmem:s2] =	stream.indirect.scatter.add.f32 [tilespmem:s10], [sflag:$0x9], $0x80, s20, s6, $0xb8;
	[tilespmem:$0x1C000] =	vst v63  }
0x42e: {  	_ =	swait.ge [sflag:s4], $0x4000  }
0x42f: {  	s5 =	sld [smem:$0x7C9]  }
0x430: {  	[sflag:s4] =	ssyncset.done $0x0  }
0x431: {  	[sflag:s4] =	ssyncadd.s32 $0xFFFFC000  }
0x432: {  	[tilespmem:s10], [sflag:$0x1] =	stream.indirect.gather [hbm4b:s3+s6], $0x80, s5, s6, $0xb8;
	[tilespmem:$0x1C000] =	vst v63  }
0x433: {  	_ =	swait.ge [sflag:s12], $0x4000  }
0x434: {  	[sflag:s12] =	ssyncset.done $0x0  }
0x435: {  	s20 =	simm.s32 $0x3680;
	[sflag:s12] =	ssyncadd.s32 $0xFFFFC000  }
0x436: {  	[spmem:s2] =	stream.indirect.scatter.add.f32 [tilespmem:s9], [sflag:$0x9], $0x80, s20, s6, $0xb8;
	[tilespmem:$0x1C000] =	vst v63  }
0x437: {  	_ =	swait.ge [sflag:s4], $0x4000  }
0x438: {  	s5 =	sld [smem:$0x7CA]  }
0x439: {  	[sflag:s4] =	ssyncset.done $0x0  }
0x43a: {  	[sflag:s4] =	ssyncadd.s32 $0xFFFFC000  }
0x43b: {  	[tilespmem:s9], [sflag:$0x2] =	stream.indirect.gather [hbm4b:s3+s6], $0x80, s5, s6, $0xb8;
	[tilespmem:$0x1C000] =	vst v63  }
0x43c: {  	_ =	swait.ge [sflag:s13], $0x4000  }
0x43d: {  	[sflag:s13] =	ssyncset.done $0x0  }
0x43e: {  	s20 =	simm.s32 $0x3700;
	[sflag:s13] =	ssyncadd.s32 $0xFFFFC000  }
0x43f: {  	[spmem:s2] =	stream.indirect.scatter.add.f32 [tilespmem:s8], [sflag:$0x9], $0x80, s20, s6, $0xb8;
	[tilespmem:$0x1C000] =	vst v63  }
0x440: {  	_ =	swait.ge [sflag:s4], $0x4000  }
0x441: {  	s5 =	sld [smem:$0x7CB]  }
0x442: {  	[sflag:s4] =	ssyncset.done $0x0  }
0x443: {  	[sflag:s4] =	ssyncadd.s32 $0xFFFFC000  }
0x444: {  	[tilespmem:s8], [sflag:$0x3] =	stream.indirect.gather [hbm4b:s3+s6], $0x80, s5, s6, $0xb8;
	[tilespmem:$0x1C000] =	vst v63  }
0x445: {  	_ =	swait.ge [sflag:s11], $0x4000  }
0x446: {  	[sflag:s11] =	ssyncset.done $0x0  }
0x447: {  	s20 =	simm.s32 $0x3780;
	[sflag:s11] =	ssyncadd.s32 $0xFFFFC000  }
0x448: {  	[spmem:s2] =	stream.indirect.scatter.add.f32 [tilespmem:s7], [sflag:$0x9], $0x80, s20, s6, $0xb8;
	[tilespmem:$0x1C000] =	vst v63  }
0x449: {  	_ =	swait.ge [sflag:s4], $0x4000  }
0x44a: {  	s5 =	sld [smem:$0x7CC]  }
0x44b: {  	[sflag:s4] =	ssyncset.done $0x0  }
0x44c: {  	s20 =	sld [smem:$0x7C3];
	[sflag:s4] =	ssyncadd.s32 $0xFFFFC000  }
0x44d: {  	[tilespmem:s7], [sflag:$0x4] =	stream.indirect.gather [hbm4b:s3+s6], $0x80, s5, s6, $0xb8;
	[tilespmem:$0x1C000] =	vst v63  }
0x44e: {  	s5 =	sld [smem:$0x7C0];
	_ =	sdelay $0x1  }
0x44f: {  	s16 =	simm.s32 $0x5  }
0x450: {  	[hbm:s20], [sflag:s5] =	dma.local [spmem:s25], $0x800  }
0x451: {  	_ =	swait.ge [sflag:s16], $0x800  }
0x452: {  	[sflag:s16] =	ssyncset.done $0x0  }
0x453: {  	[sflag:s16] =	ssyncadd.s32 $0xFFFFF800  }
0x454: {  	[spmem:s25], [sflag:s26] =	dma.local [hbm:s21], $0x800  }
0x455: {  	_ =	swait.ge [sflag:s14], $0x4000  }
0x456: {  	[sflag:s14] =	ssyncset.done $0x0  }
0x457: {  	s26 =	simm.s32 $0x3800;
	[sflag:s14] =	ssyncadd.s32 $0xFFFFC000  }
0x458: {  	[spmem:s2] =	stream.indirect.scatter.add.f32 [tilespmem:s10], [sflag:$0x9], $0x80, s26, s6, $0xb8;
	[tilespmem:$0x1C000] =	vst v63  }
0x459: {  	_ =	swait.ge [sflag:s4], $0x4000  }
0x45a: {  	s20 =	sld [smem:$0x7CD]  }
0x45b: {  	[sflag:s4] =	ssyncset.done $0x0  }
0x45c: {  	[sflag:s4] =	ssyncadd.s32 $0xFFFFC000  }
0x45d: {  	[tilespmem:s10], [sflag:$0x1] =	stream.indirect.gather [hbm4b:s3+s6], $0x80, s20, s6, $0xb8;
	[tilespmem:$0x1C000] =	vst v63  }
0x45e: {  	_ =	swait.ge [sflag:s12], $0x4000  }
0x45f: {  	[sflag:s12] =	ssyncset.done $0x0  }
0x460: {  	s26 =	simm.s32 $0x3880;
	[sflag:s12] =	ssyncadd.s32 $0xFFFFC000  }
0x461: {  	[spmem:s2] =	stream.indirect.scatter.add.f32 [tilespmem:s9], [sflag:$0x9], $0x80, s26, s6, $0xb8;
	[tilespmem:$0x1C000] =	vst v63  }
0x462: {  	_ =	swait.ge [sflag:s4], $0x4000  }
0x463: {  	s20 =	sld [smem:$0x7CE]  }
0x464: {  	[sflag:s4] =	ssyncset.done $0x0  }
0x465: {  	[sflag:s4] =	ssyncadd.s32 $0xFFFFC000  }
0x466: {  	[tilespmem:s9], [sflag:$0x2] =	stream.indirect.gather [hbm4b:s3+s6], $0x80, s20, s6, $0xb8;
	[tilespmem:$0x1C000] =	vst v63  }
0x467: {  	_ =	swait.ge [sflag:s13], $0x4000  }
0x468: {  	[sflag:s13] =	ssyncset.done $0x0  }
0x469: {  	s26 =	simm.s32 $0x3900;
	[sflag:s13] =	ssyncadd.s32 $0xFFFFC000  }
0x46a: {  	[spmem:s2] =	stream.indirect.scatter.add.f32 [tilespmem:s8], [sflag:$0x9], $0x80, s26, s6, $0xb8;
	[tilespmem:$0x1C000] =	vst v63  }
0x46b: {  	_ =	swait.ge [sflag:s4], $0x4000  }
0x46c: {  	s20 =	sld [smem:$0x7CF]  }
0x46d: {  	[sflag:s4] =	ssyncset.done $0x0  }
0x46e: {  	[sflag:s4] =	ssyncadd.s32 $0xFFFFC000  }
0x46f: {  	[tilespmem:s8], [sflag:$0x3] =	stream.indirect.gather [hbm4b:s3+s6], $0x80, s20, s6, $0xb8;
	[tilespmem:$0x1C000] =	vst v63  }
0x470: {  	_ =	swait.ge [sflag:s11], $0x4000  }
0x471: {  	[sflag:s11] =	ssyncset.done $0x0  }
0x472: {  	s26 =	simm.s32 $0x3980;
	[sflag:s11] =	ssyncadd.s32 $0xFFFFC000  }
0x473: {  	[spmem:s2] =	stream.indirect.scatter.add.f32 [tilespmem:s7], [sflag:$0x9], $0x80, s26, s6, $0xb8;
	[tilespmem:$0x1C000] =	vst v63  }
0x474: {  	_ =	swait.ge [sflag:s4], $0x4000  }
0x475: {  	s20 =	sld [smem:$0x7D0]  }
0x476: {  	[sflag:s4] =	ssyncset.done $0x0  }
0x477: {  	[sflag:s4] =	ssyncadd.s32 $0xFFFFC000  }
0x478: {  	[tilespmem:s7], [sflag:$0x4] =	stream.indirect.gather [hbm4b:s3+s6], $0x80, s20, s6, $0xb8;
	[tilespmem:$0x1C000] =	vst v63  }
0x479: {  	_ =	swait.ge [sflag:s14], $0x4000  }
0x47a: {  	[sflag:s14] =	ssyncset.done $0x0  }
0x47b: {  	[sflag:s14] =	ssyncadd.s32 $0xFFFFC000  }
0x47c: {  	[spmem:s2] =	stream.indirect.scatter.add.f32 [tilespmem:s10], [sflag:$0x9], $0x80, s31, s6, $0xb8;
	[tilespmem:$0x1C000] =	vst v63  }
0x47d: {  	_ =	swait.ge [sflag:s4], $0x4000  }
0x47e: {  	s26 =	sld [smem:$0x7D1]  }
0x47f: {  	[sflag:s4] =	ssyncset.done $0x0  }
0x480: {  	[sflag:s4] =	ssyncadd.s32 $0xFFFFC000  }
0x481: {  	[tilespmem:s10], [sflag:$0x1] =	stream.indirect.gather [hbm4b:s3+s6], $0x80, s26, s6, $0xb8;
	[tilespmem:$0x1C000] =	vst v63  }
0x482: {  	_ =	swait.ge [sflag:s12], $0x4000  }
0x483: {  	[sflag:s12] =	ssyncset.done $0x0  }
0x484: {  	s20 =	simm.s32 $0x3A80;
	[sflag:s12] =	ssyncadd.s32 $0xFFFFC000  }
0x485: {  	[spmem:s2] =	stream.indirect.scatter.add.f32 [tilespmem:s9], [sflag:$0x9], $0x80, s20, s6, $0xb8;
	[tilespmem:$0x1C000] =	vst v63  }
0x486: {  	_ =	swait.ge [sflag:s4], $0x4000  }
0x487: {  	s26 =	sld [smem:$0x7D2]  }
0x488: {  	[sflag:s4] =	ssyncset.done $0x0  }
0x489: {  	[sflag:s4] =	ssyncadd.s32 $0xFFFFC000  }
0x48a: {  	[tilespmem:s9], [sflag:$0x2] =	stream.indirect.gather [hbm4b:s3+s6], $0x80, s26, s6, $0xb8;
	[tilespmem:$0x1C000] =	vst v63  }
0x48b: {  	_ =	swait.ge [sflag:s13], $0x4000  }
0x48c: {  	[sflag:s13] =	ssyncset.done $0x0  }
0x48d: {  	s20 =	simm.s32 $0x3B00;
	[sflag:s13] =	ssyncadd.s32 $0xFFFFC000  }
0x48e: {  	[spmem:s2] =	stream.indirect.scatter.add.f32 [tilespmem:s8], [sflag:$0x9], $0x80, s20, s6, $0xb8;
	[tilespmem:$0x1C000] =	vst v63  }
0x48f: {  	_ =	swait.ge [sflag:s4], $0x4000  }
0x490: {  	s26 =	sld [smem:$0x7D3]  }
0x491: {  	[sflag:s4] =	ssyncset.done $0x0  }
0x492: {  	[sflag:s4] =	ssyncadd.s32 $0xFFFFC000  }
0x493: {  	[tilespmem:s8], [sflag:$0x3] =	stream.indirect.gather [hbm4b:s3+s6], $0x80, s26, s6, $0xb8;
	[tilespmem:$0x1C000] =	vst v63  }
0x494: {  	_ =	swait.ge [sflag:s11], $0x4000  }
0x495: {  	[sflag:s11] =	ssyncset.done $0x0  }
0x496: {  	s20 =	simm.s32 $0x3B80;
	[sflag:s11] =	ssyncadd.s32 $0xFFFFC000  }
0x497: {  	[spmem:s2] =	stream.indirect.scatter.add.f32 [tilespmem:s7], [sflag:$0x9], $0x80, s20, s6, $0xb8;
	[tilespmem:$0x1C000] =	vst v63  }
0x498: {  	_ =	swait.ge [sflag:s4], $0x4000  }
0x499: {  	s26 =	sld [smem:$0x7D4]  }
0x49a: {  	[sflag:s4] =	ssyncset.done $0x0  }
0x49b: {  	[sflag:s4] =	ssyncadd.s32 $0xFFFFC000  }
0x49c: {  	[tilespmem:s7], [sflag:$0x4] =	stream.indirect.gather [hbm4b:s3+s6], $0x80, s26, s6, $0xb8;
	[tilespmem:$0x1C000] =	vst v63  }
0x49d: {  	_ =	swait.ge [sflag:s14], $0x4000  }
0x49e: {  	[sflag:s14] =	ssyncset.done $0x0  }
0x49f: {  	s20 =	simm.s32 $0x3C00;
	[sflag:s14] =	ssyncadd.s32 $0xFFFFC000  }
0x4a0: {  	[spmem:s2] =	stream.indirect.scatter.add.f32 [tilespmem:s10], [sflag:$0x9], $0x80, s20, s6, $0xb8;
	[tilespmem:$0x1C000] =	vst v63  }
0x4a1: {  	_ =	swait.ge [sflag:s4], $0x4000  }
0x4a2: {  	s26 =	sld [smem:$0x7D5]  }
0x4a3: {  	[sflag:s4] =	ssyncset.done $0x0  }
0x4a4: {  	[sflag:s4] =	ssyncadd.s32 $0xFFFFC000  }
0x4a5: {  	[tilespmem:s10], [sflag:$0x1] =	stream.indirect.gather [hbm4b:s3+s6], $0x80, s26, s6, $0xb8;
	[tilespmem:$0x1C000] =	vst v63  }
0x4a6: {  	_ =	swait.ge [sflag:s12], $0x4000  }
0x4a7: {  	[sflag:s12] =	ssyncset.done $0x0  }
0x4a8: {  	s26 =	simm.s32 $0x3C80;
	[sflag:s12] =	ssyncadd.s32 $0xFFFFC000  }
0x4a9: {  	[spmem:s2] =	stream.indirect.scatter.add.f32 [tilespmem:s9], [sflag:$0x9], $0x80, s26, s6, $0xb8;
	[tilespmem:$0x1C000] =	vst v63  }
0x4aa: {  	_ =	swait.ge [sflag:s4], $0x4000  }
0x4ab: {  	s20 =	sld [smem:$0x7D6]  }
0x4ac: {  	[sflag:s4] =	ssyncset.done $0x0  }
0x4ad: {  	[sflag:s4] =	ssyncadd.s32 $0xFFFFC000  }
0x4ae: {  	[tilespmem:s9], [sflag:$0x2] =	stream.indirect.gather [hbm4b:s3+s6], $0x80, s20, s6, $0xb8;
	[tilespmem:$0x1C000] =	vst v63  }
0x4af: {  	_ =	swait.ge [sflag:s13], $0x4000  }
0x4b0: {  	[sflag:s13] =	ssyncset.done $0x0  }
0x4b1: {  	[sflag:s13] =	ssyncadd.s32 $0xFFFFC000  }
0x4b2: {  	[spmem:s2] =	stream.indirect.scatter.add.f32 [tilespmem:s8], [sflag:$0x9], $0x80, s22, s6, $0xb8;
	[tilespmem:$0x1C000] =	vst v63  }
0x4b3: {  	_ =	swait.ge [sflag:s4], $0x4000  }
0x4b4: {  	s20 =	sld [smem:$0x7D7]  }
0x4b5: {  	[sflag:s4] =	ssyncset.done $0x0  }
0x4b6: {  	[sflag:s4] =	ssyncadd.s32 $0xFFFFC000  }
0x4b7: {  	[tilespmem:s8], [sflag:$0x3] =	stream.indirect.gather [hbm4b:s3+s6], $0x80, s20, s6, $0xb8;
	[tilespmem:$0x1C000] =	vst v63  }
0x4b8: {  	_ =	swait.ge [sflag:s11], $0x4000  }
0x4b9: {  	[sflag:s11] =	ssyncset.done $0x0  }
0x4ba: {  	s20 =	simm.s32 $0x3D80;
	[sflag:s11] =	ssyncadd.s32 $0xFFFFC000  }
0x4bb: {  	[spmem:s2] =	stream.indirect.scatter.add.f32 [tilespmem:s7], [sflag:$0x9], $0x80, s20, s6, $0xb8;
	[tilespmem:$0x1C000] =	vst v63  }
0x4bc: {  	_ =	swait.ge [sflag:s4], $0x4000  }
0x4bd: {  	s18 =	sld [smem:$0x7D8]  }
0x4be: {  	[sflag:s4] =	ssyncset.done $0x0  }
0x4bf: {  	s1 =	simm.s32 $0x7;
	[sflag:s4] =	ssyncadd.s32 $0xFFFFC000  }
0x4c0: {  	[tilespmem:s7], [sflag:$0x4] =	stream.indirect.gather [hbm4b:s3+s6], $0x80, s18, s6, $0xb8;
	[tilespmem:$0x1C000] =	vst v63  }
0x4c1: {  	_ =	swait.ge [sflag:s1], $0x800  }
0x4c2: {  	[sflag:s1] =	ssyncset.done $0x0  }
0x4c3: {  	[sflag:s1] =	ssyncadd.s32 $0xFFFFF800  }
0x4c4: {  	_ =	swait.ge [sflag:s14], $0x4000  }
0x4c5: {  	[sflag:s14] =	ssyncset.done $0x0  }
0x4c6: {  	[sflag:s14] =	ssyncadd.s32 $0xFFFFC000  }
0x4c7: {  	[spmem:s2] =	stream.indirect.scatter.add.f32 [tilespmem:s10], [sflag:$0x9], $0x80, s17, s6, $0xb8;
	[tilespmem:$0x1C000] =	vst v63  }
0x4c8: {  	s17 =	sld [smem:$0x7BF];
	_ =	swait.ge [sflag:s4], $0x4000  }
0x4c9: {  	s18 =	sld [smem:$0x7D9]  }
0x4ca: {  	[sflag:s4] =	ssyncset.done $0x0  }
0x4cb: {  	[sflag:s4] =	ssyncadd.s32 $0xFFFFC000  }
0x4cc: {  	[tilespmem:s10], [sflag:$0x1] =	stream.indirect.gather [hbm4b:s3+s6], $0x80, s18, s6, $0xb8;
	[tilespmem:$0x1C000] =	vst v63  }
0x4cd: {  	_ =	swait.ge [sflag:s12], $0x4000  }
0x4ce: {  	[sflag:s12] =	ssyncset.done $0x0  }
0x4cf: {  	[sflag:s12] =	ssyncadd.s32 $0xFFFFC000  }
0x4d0: {  	[spmem:s2] =	stream.indirect.scatter.add.f32 [tilespmem:s9], [sflag:$0x9], $0x80, s19, s6, $0xb8;
	[tilespmem:$0x1C000] =	vst v63  }
0x4d1: {  	_ =	swait.ge [sflag:s4], $0x4000  }
0x4d2: {  	s19 =	sld [smem:$0x7DA]  }
0x4d3: {  	[sflag:s4] =	ssyncset.done $0x0  }
0x4d4: {  	[sflag:s4] =	ssyncadd.s32 $0xFFFFC000  }
0x4d5: {  	[tilespmem:s9], [sflag:$0x2] =	stream.indirect.gather [hbm4b:s3+s6], $0x80, s19, s6, $0xb8;
	[tilespmem:$0x1C000] =	vst v63  }
0x4d6: {  	_ =	swait.ge [sflag:s13], $0x4000  }
0x4d7: {  	[sflag:s13] =	ssyncset.done $0x0  }
0x4d8: {  	[sflag:s13] =	ssyncadd.s32 $0xFFFFC000  }
0x4d9: {  	[spmem:s2] =	stream.indirect.scatter.add.f32 [tilespmem:s8], [sflag:$0x9], $0x80, s30, s6, $0xb8;
	[tilespmem:$0x1C000] =	vst v63  }
0x4da: {  	_ =	swait.ge [sflag:s4], $0x4000  }
0x4db: {  	s19 =	sld [smem:$0x7DB]  }
0x4dc: {  	[sflag:s4] =	ssyncset.done $0x0  }
0x4dd: {  	[sflag:s4] =	ssyncadd.s32 $0xFFFFC000  }
0x4de: {  	[tilespmem:s8], [sflag:$0x3] =	stream.indirect.gather [hbm4b:s3+s6], $0x80, s19, s6, $0xb8;
	[tilespmem:$0x1C000] =	vst v63  }
0x4df: {  	_ =	swait.ge [sflag:s11], $0x4000  }
0x4e0: {  	[sflag:s11] =	ssyncset.done $0x0  }
0x4e1: {  	[sflag:s11] =	ssyncadd.s32 $0xFFFFC000  }
0x4e2: {  	[spmem:s2] =	stream.indirect.scatter.add.f32 [tilespmem:s7], [sflag:$0x9], $0x80, s29, s6, $0xb8;
	[tilespmem:$0x1C000] =	vst v63  }
0x4e3: {  	_ =	swait.ge [sflag:s4], $0x4000  }
0x4e4: {  	s19 =	sld [smem:$0x7DC]  }
0x4e5: {  	[sflag:s4] =	ssyncset.done $0x0  }
0x4e6: {  	[sflag:s4] =	ssyncadd.s32 $0xFFFFC000  }
0x4e7: {  	[tilespmem:s7], [sflag:$0x4] =	stream.indirect.gather [hbm4b:s3+s6], $0x80, s19, s6, $0xb8;
	[tilespmem:$0x1C000] =	vst v63  }
0x4e8: {  	_ =	swait.ge [sflag:s14], $0x4000  }
0x4e9: {  	[sflag:s14] =	ssyncset.done $0x0  }
0x4ea: {  	[sflag:s14] =	ssyncadd.s32 $0xFFFFC000  }
0x4eb: {  	[spmem:s2] =	stream.indirect.scatter.add.f32 [tilespmem:s10], [sflag:$0x9], $0x80, s24, s6, $0xb8;
	[tilespmem:$0x1C000] =	vst v63  }
0x4ec: {  	_ =	swait.ge [sflag:s4], $0x4000  }
0x4ed: {  	s24 =	sld [smem:$0x7DD]  }
0x4ee: {  	[sflag:s4] =	ssyncset.done $0x0  }
0x4ef: {  	[sflag:s4] =	ssyncadd.s32 $0xFFFFC000  }
0x4f0: {  	[tilespmem:s10], [sflag:$0x1] =	stream.indirect.gather [hbm4b:s3+s6], $0x80, s24, s6, $0xb8;
	[tilespmem:$0x1C000] =	vst v63  }
0x4f1: {  	_ =	swait.ge [sflag:s12], $0x4000  }
0x4f2: {  	[sflag:s12] =	ssyncset.done $0x0  }
0x4f3: {  	[sflag:s12] =	ssyncadd.s32 $0xFFFFC000  }
0x4f4: {  	[spmem:s2] =	stream.indirect.scatter.add.f32 [tilespmem:s9], [sflag:$0x9], $0x80, s15, s6, $0xb8;
	[tilespmem:$0x1C000] =	vst v63  }
0x4f5: {  	_ =	swait.ge [sflag:s4], $0x4000  }
0x4f6: {  	s19 =	sld [smem:$0x7DE]  }
0x4f7: {  	[sflag:s4] =	ssyncset.done $0x0  }
0x4f8: {  	[sflag:s4] =	ssyncadd.s32 $0xFFFFC000  }
0x4f9: {  	[tilespmem:s9], [sflag:$0x2] =	stream.indirect.gather [hbm4b:s3+s6], $0x80, s19, s6, $0xb8;
	[tilespmem:$0x1C000] =	vst v63  }
0x4fa: {  	_ =	swait.ge [sflag:s13], $0x4000  }
0x4fb: {  	[sflag:s13] =	ssyncset.done $0x0  }
0x4fc: {  	[sflag:s13] =	ssyncadd.s32 $0xFFFFC000  }
0x4fd: {  	[spmem:s2] =	stream.indirect.scatter.add.f32 [tilespmem:s8], [sflag:$0x9], $0x80, s23, s6, $0xb8;
	[tilespmem:$0x1C000] =	vst v63  }
0x4fe: {  	_ =	swait.ge [sflag:s4], $0x4000  }
0x4ff: {  	s23 =	sld [smem:$0x7DF]  }
0x500: {  	[sflag:s4] =	ssyncset.done $0x0  }
0x501: {  	[sflag:s4] =	ssyncadd.s32 $0xFFFFC000  }
0x502: {  	[tilespmem:s8], [sflag:$0x3] =	stream.indirect.gather [hbm4b:s3+s6], $0x80, s23, s6, $0xb8;
	[tilespmem:$0x1C000] =	vst v63  }
0x503: {  	_ =	swait.ge [sflag:s11], $0x4000  }
0x504: {  	[sflag:s11] =	ssyncset.done $0x0  }
0x505: {  	[sflag:s11] =	ssyncadd.s32 $0xFFFFC000  }
0x506: {  	[spmem:s2] =	stream.indirect.scatter.add.f32 [tilespmem:s7], [sflag:$0x9], $0x80, s28, s6, $0xb8;
	[tilespmem:$0x1C000] =	vst v63  }
0x507: {  	_ =	swait.ge [sflag:s4], $0x4000  }
0x508: {  	s24 =	sld [smem:$0x7E0]  }
0x509: {  	[sflag:s4] =	ssyncset.done $0x0  }
0x50a: {  	s23 =	sld [smem:$0x7C1];
	[sflag:s4] =	ssyncadd.s32 $0xFFFFC000  }
0x50b: {  	[tilespmem:s7], [sflag:$0x4] =	stream.indirect.gather [hbm4b:s3+s6], $0x80, s24, s6, $0xb8;
	[tilespmem:$0x1C000] =	vst v63  }
0x50c: {  	s24 =	sld [smem:$0x7C2];
	_ =	sdelay $0x1  }
0x50d: {  	s16 =	simm.s32 $0x6;
	s15 =	rddreg [dreg:$0x6]  }
0x50e: {  	[hbm:s15], [sflag:s24] =	dma.local [spmem:s23], $0x800  }
0x50f: {  	_ =	swait.ge [sflag:s16], $0x800  }
0x510: {  	s15 =	sld [smem:$0x7C1]  }
0x511: {  	[sflag:s16] =	ssyncset.done $0x0  }
0x512: {  	[sflag:s16] =	ssyncadd.s32 $0xFFFFF800  }
0x513: {  	[spmem:s15], [sflag:s17] =	dma.local [hbm:s21], $0x800  }
0x514: {  	_ =	swait.ge [sflag:s14], $0x4000  }
0x515: {  	[sflag:s14] =	ssyncset.done $0x0  }
0x516: {  	s18 =	simm.s32 $0x2C00;
	[sflag:s14] =	ssyncadd.s32 $0xFFFFC000  }
0x517: {  	[spmem:s2] =	stream.indirect.scatter.add.f32 [tilespmem:s10], [sflag:$0x9], $0x80, s18, s6, $0xb8;
	[tilespmem:$0x1C000] =	vst v63  }
0x518: {  	_ =	swait.ge [sflag:s4], $0x4000  }
0x519: {  	s19 =	sld [smem:$0x7E1]  }
0x51a: {  	[sflag:s4] =	ssyncset.done $0x0  }
0x51b: {  	[sflag:s4] =	ssyncadd.s32 $0xFFFFC000  }
0x51c: {  	[tilespmem:s10], [sflag:$0x1] =	stream.indirect.gather [hbm4b:s3+s6], $0x80, s19, s6, $0xb8;
	[tilespmem:$0x1C000] =	vst v63  }
0x51d: {  	_ =	swait.ge [sflag:s12], $0x4000  }
0x51e: {  	[sflag:s12] =	ssyncset.done $0x0  }
0x51f: {  	s23 =	simm.s32 $0x2C80;
	[sflag:s12] =	ssyncadd.s32 $0xFFFFC000  }
0x520: {  	[spmem:s2] =	stream.indirect.scatter.add.f32 [tilespmem:s9], [sflag:$0x9], $0x80, s23, s6, $0xb8;
	[tilespmem:$0x1C000] =	vst v63  }
0x521: {  	_ =	swait.ge [sflag:s4], $0x4000  }
0x522: {  	s15 =	sld [smem:$0x7E2]  }
0x523: {  	[sflag:s4] =	ssyncset.done $0x0  }
0x524: {  	[sflag:s4] =	ssyncadd.s32 $0xFFFFC000  }
0x525: {  	[tilespmem:s9], [sflag:$0x2] =	stream.indirect.gather [hbm4b:s3+s6], $0x80, s15, s6, $0xb8;
	[tilespmem:$0x1C000] =	vst v63  }
0x526: {  	_ =	swait.ge [sflag:s13], $0x4000  }
0x527: {  	[sflag:s13] =	ssyncset.done $0x0  }
0x528: {  	s18 =	simm.s32 $0x2D00;
	[sflag:s13] =	ssyncadd.s32 $0xFFFFC000  }
0x529: {  	[spmem:s2] =	stream.indirect.scatter.add.f32 [tilespmem:s8], [sflag:$0x9], $0x80, s18, s6, $0xb8;
	[tilespmem:$0x1C000] =	vst v63  }
0x52a: {  	_ =	swait.ge [sflag:s4], $0x4000  }
0x52b: {  	s19 =	sld [smem:$0x7E3]  }
0x52c: {  	[sflag:s4] =	ssyncset.done $0x0  }
0x52d: {  	[sflag:s4] =	ssyncadd.s32 $0xFFFFC000  }
0x52e: {  	[tilespmem:s8], [sflag:$0x3] =	stream.indirect.gather [hbm4b:s3+s6], $0x80, s19, s6, $0xb8;
	[tilespmem:$0x1C000] =	vst v63  }
0x52f: {  	_ =	swait.ge [sflag:s11], $0x4000  }
0x530: {  	[sflag:s11] =	ssyncset.done $0x0  }
0x531: {  	s23 =	simm.s32 $0x2D80;
	[sflag:s11] =	ssyncadd.s32 $0xFFFFC000  }
0x532: {  	[spmem:s2] =	stream.indirect.scatter.add.f32 [tilespmem:s7], [sflag:$0x9], $0x80, s23, s6, $0xb8;
	[tilespmem:$0x1C000] =	vst v63  }
0x533: {  	_ =	swait.ge [sflag:s4], $0x4000  }
0x534: {  	s15 =	sld [smem:$0x7E4]  }
0x535: {  	[sflag:s4] =	ssyncset.done $0x0  }
0x536: {  	[sflag:s4] =	ssyncadd.s32 $0xFFFFC000  }
0x537: {  	[tilespmem:s7], [sflag:$0x4] =	stream.indirect.gather [hbm4b:s3+s6], $0x80, s15, s6, $0xb8;
	[tilespmem:$0x1C000] =	vst v63  }
0x538: {  	_ =	swait.ge [sflag:s14], $0x4000  }
0x539: {  	[sflag:s14] =	ssyncset.done $0x0  }
0x53a: {  	s19 =	simm.s32 $0x2E00;
	[sflag:s14] =	ssyncadd.s32 $0xFFFFC000  }
0x53b: {  	[spmem:s2] =	stream.indirect.scatter.add.f32 [tilespmem:s10], [sflag:$0x9], $0x80, s19, s6, $0xb8;
	[tilespmem:$0x1C000] =	vst v63  }
0x53c: {  	_ =	swait.ge [sflag:s4], $0x4000  }
0x53d: {  	s15 =	sld [smem:$0x7E5]  }
0x53e: {  	[sflag:s4] =	ssyncset.done $0x0  }
0x53f: {  	[sflag:s4] =	ssyncadd.s32 $0xFFFFC000  }
0x540: {  	[tilespmem:s10], [sflag:$0x1] =	stream.indirect.gather [hbm4b:s3+s6], $0x80, s15, s6, $0xb8;
	[tilespmem:$0x1C000] =	vst v63  }
0x541: {  	_ =	swait.ge [sflag:s12], $0x4000  }
0x542: {  	[sflag:s12] =	ssyncset.done $0x0  }
0x543: {  	s19 =	simm.s32 $0x2E80;
	[sflag:s12] =	ssyncadd.s32 $0xFFFFC000  }
0x544: {  	[spmem:s2] =	stream.indirect.scatter.add.f32 [tilespmem:s9], [sflag:$0x9], $0x80, s19, s6, $0xb8;
	[tilespmem:$0x1C000] =	vst v63  }
0x545: {  	_ =	swait.ge [sflag:s4], $0x4000  }
0x546: {  	s15 =	sld [smem:$0x7E6]  }
0x547: {  	[sflag:s4] =	ssyncset.done $0x0  }
0x548: {  	[sflag:s4] =	ssyncadd.s32 $0xFFFFC000  }
0x549: {  	[tilespmem:s9], [sflag:$0x2] =	stream.indirect.gather [hbm4b:s3+s6], $0x80, s15, s6, $0xb8;
	[tilespmem:$0x1C000] =	vst v63  }
0x54a: {  	_ =	swait.ge [sflag:s13], $0x4000  }
0x54b: {  	[sflag:s13] =	ssyncset.done $0x0  }
0x54c: {  	s18 =	simm.s32 $0x2F00;
	[sflag:s13] =	ssyncadd.s32 $0xFFFFC000  }
0x54d: {  	[spmem:s2] =	stream.indirect.scatter.add.f32 [tilespmem:s8], [sflag:$0x9], $0x80, s18, s6, $0xb8;
	[tilespmem:$0x1C000] =	vst v63  }
0x54e: {  	_ =	swait.ge [sflag:s4], $0x4000  }
0x54f: {  	s19 =	sld [smem:$0x7E7]  }
0x550: {  	[sflag:s4] =	ssyncset.done $0x0  }
0x551: {  	[sflag:s4] =	ssyncadd.s32 $0xFFFFC000  }
0x552: {  	[tilespmem:s8], [sflag:$0x3] =	stream.indirect.gather [hbm4b:s3+s6], $0x80, s19, s6, $0xb8;
	[tilespmem:$0x1C000] =	vst v63  }
0x553: {  	_ =	swait.ge [sflag:s11], $0x4000  }
0x554: {  	[sflag:s11] =	ssyncset.done $0x0  }
0x555: {  	s19 =	simm.s32 $0x2F80;
	[sflag:s11] =	ssyncadd.s32 $0xFFFFC000  }
0x556: {  	[spmem:s2] =	stream.indirect.scatter.add.f32 [tilespmem:s7], [sflag:$0x9], $0x80, s19, s6, $0xb8;
	[tilespmem:$0x1C000] =	vst v63  }
0x557: {  	_ =	swait.ge [sflag:s4], $0x4000  }
0x558: {  	s19 =	sld [smem:$0x7E8]  }
0x559: {  	[sflag:s4] =	ssyncset.done $0x0  }
0x55a: {  	[sflag:s4] =	ssyncadd.s32 $0xFFFFC000  }
0x55b: {  	[tilespmem:s7], [sflag:$0x4] =	stream.indirect.gather [hbm4b:s3+s6], $0x80, s19, s6, $0xb8;
	[tilespmem:$0x1C000] =	vst v63  }
0x55c: {  	_ =	swait.ge [sflag:s14], $0x4000  }
0x55d: {  	[sflag:s14] =	ssyncset.done $0x0  }
0x55e: {  	s19 =	simm.s32 $0x3000;
	[sflag:s14] =	ssyncadd.s32 $0xFFFFC000  }
0x55f: {  	[spmem:s2] =	stream.indirect.scatter.add.f32 [tilespmem:s10], [sflag:$0x9], $0x80, s19, s6, $0xb8;
	[tilespmem:$0x1C000] =	vst v63  }
0x560: {  	_ =	swait.ge [sflag:s4], $0x4000  }
0x561: {  	s19 =	sld [smem:$0x7E9]  }
0x562: {  	[sflag:s4] =	ssyncset.done $0x0  }
0x563: {  	[sflag:s4] =	ssyncadd.s32 $0xFFFFC000  }
0x564: {  	[tilespmem:s10], [sflag:$0x1] =	stream.indirect.gather [hbm4b:s3+s6], $0x80, s19, s6, $0xb8;
	[tilespmem:$0x1C000] =	vst v63  }
0x565: {  	_ =	swait.ge [sflag:s12], $0x4000  }
0x566: {  	[sflag:s12] =	ssyncset.done $0x0  }
0x567: {  	s19 =	simm.s32 $0x3080;
	[sflag:s12] =	ssyncadd.s32 $0xFFFFC000  }
0x568: {  	[spmem:s2] =	stream.indirect.scatter.add.f32 [tilespmem:s9], [sflag:$0x9], $0x80, s19, s6, $0xb8;
	[tilespmem:$0x1C000] =	vst v63  }
0x569: {  	_ =	swait.ge [sflag:s4], $0x4000  }
0x56a: {  	s19 =	sld [smem:$0x7EA]  }
0x56b: {  	[sflag:s4] =	ssyncset.done $0x0  }
0x56c: {  	[sflag:s4] =	ssyncadd.s32 $0xFFFFC000  }
0x56d: {  	[tilespmem:s9], [sflag:$0x2] =	stream.indirect.gather [hbm4b:s3+s6], $0x80, s19, s6, $0xb8;
	[tilespmem:$0x1C000] =	vst v63  }
0x56e: {  	_ =	swait.ge [sflag:s13], $0x4000  }
0x56f: {  	[sflag:s13] =	ssyncset.done $0x0  }
0x570: {  	s19 =	simm.s32 $0x3100;
	[sflag:s13] =	ssyncadd.s32 $0xFFFFC000  }
0x571: {  	[spmem:s2] =	stream.indirect.scatter.add.f32 [tilespmem:s8], [sflag:$0x9], $0x80, s19, s6, $0xb8;
	[tilespmem:$0x1C000] =	vst v63  }
0x572: {  	_ =	swait.ge [sflag:s4], $0x4000  }
0x573: {  	s19 =	sld [smem:$0x7EB]  }
0x574: {  	[sflag:s4] =	ssyncset.done $0x0  }
0x575: {  	[sflag:s4] =	ssyncadd.s32 $0xFFFFC000  }
0x576: {  	[tilespmem:s8], [sflag:$0x3] =	stream.indirect.gather [hbm4b:s3+s6], $0x80, s19, s6, $0xb8;
	[tilespmem:$0x1C000] =	vst v63  }
0x577: {  	_ =	swait.ge [sflag:s11], $0x4000  }
0x578: {  	[sflag:s11] =	ssyncset.done $0x0  }
0x579: {  	s19 =	simm.s32 $0x3180;
	[sflag:s11] =	ssyncadd.s32 $0xFFFFC000  }
0x57a: {  	[spmem:s2] =	stream.indirect.scatter.add.f32 [tilespmem:s7], [sflag:$0x9], $0x80, s19, s6, $0xb8;
	[tilespmem:$0x1C000] =	vst v63  }
0x57b: {  	_ =	swait.ge [sflag:s4], $0x4000  }
0x57c: {  	s19 =	sld [smem:$0x7EC]  }
0x57d: {  	[sflag:s4] =	ssyncset.done $0x0  }
0x57e: {  	s23 =	simm.s32 $0x8;
	[sflag:s4] =	ssyncadd.s32 $0xFFFFC000  }
0x57f: {  	[tilespmem:s7], [sflag:$0x4] =	stream.indirect.gather [hbm4b:s3+s6], $0x80, s19, s6, $0xb8;
	[tilespmem:$0x1C000] =	vst v63  }
0x580: {  	_ =	swait.ge [sflag:s23], $0x800  }
0x581: {  	[sflag:s23] =	ssyncset.done $0x0  }
0x582: {  	[sflag:s23] =	ssyncadd.s32 $0xFFFFF800  }
0x583: {  	_ =	swait.ge [sflag:s14], $0x4000  }
0x584: {  	[sflag:s14] =	ssyncset.done $0x0  }
0x585: {  	s19 =	simm.s32 $0x3400;
	[sflag:s14] =	ssyncadd.s32 $0xFFFFC000  }
0x586: {  	[spmem:s2] =	stream.indirect.scatter.add.f32 [tilespmem:s10], [sflag:$0x9], $0x80, s19, s6, $0xb8;
	[tilespmem:$0x1C000] =	vst v63  }
0x587: {  	_ =	swait.ge [sflag:s4], $0x4000  }
0x588: {  	s19 =	sld [smem:$0x7ED]  }
0x589: {  	[sflag:s4] =	ssyncset.done $0x0  }
0x58a: {  	[sflag:s4] =	ssyncadd.s32 $0xFFFFC000  }
0x58b: {  	[tilespmem:s10], [sflag:$0x1] =	stream.indirect.gather [hbm4b:s3+s6], $0x80, s19, s6, $0xb8;
	[tilespmem:$0x1C000] =	vst v63  }
0x58c: {  	_ =	swait.ge [sflag:s12], $0x4000  }
0x58d: {  	[sflag:s12] =	ssyncset.done $0x0  }
0x58e: {  	s19 =	simm.s32 $0x3480;
	[sflag:s12] =	ssyncadd.s32 $0xFFFFC000  }
0x58f: {  	[spmem:s2] =	stream.indirect.scatter.add.f32 [tilespmem:s9], [sflag:$0x9], $0x80, s19, s6, $0xb8;
	[tilespmem:$0x1C000] =	vst v63  }
0x590: {  	_ =	swait.ge [sflag:s4], $0x4000  }
0x591: {  	s19 =	sld [smem:$0x7EE]  }
0x592: {  	[sflag:s4] =	ssyncset.done $0x0  }
0x593: {  	[sflag:s4] =	ssyncadd.s32 $0xFFFFC000  }
0x594: {  	[tilespmem:s9], [sflag:$0x2] =	stream.indirect.gather [hbm4b:s3+s6], $0x80, s19, s6, $0xb8;
	[tilespmem:$0x1C000] =	vst v63  }
0x595: {  	_ =	swait.ge [sflag:s13], $0x4000  }
0x596: {  	[sflag:s13] =	ssyncset.done $0x0  }
0x597: {  	s19 =	simm.s32 $0x3500;
	[sflag:s13] =	ssyncadd.s32 $0xFFFFC000  }
0x598: {  	[spmem:s2] =	stream.indirect.scatter.add.f32 [tilespmem:s8], [sflag:$0x9], $0x80, s19, s6, $0xb8;
	[tilespmem:$0x1C000] =	vst v63  }
0x599: {  	_ =	swait.ge [sflag:s4], $0x4000  }
0x59a: {  	s19 =	sld [smem:$0x7EF]  }
0x59b: {  	[sflag:s4] =	ssyncset.done $0x0  }
0x59c: {  	[sflag:s4] =	ssyncadd.s32 $0xFFFFC000  }
0x59d: {  	[tilespmem:s8], [sflag:$0x3] =	stream.indirect.gather [hbm4b:s3+s6], $0x80, s19, s6, $0xb8;
	[tilespmem:$0x1C000] =	vst v63  }
0x59e: {  	_ =	swait.ge [sflag:s11], $0x4000  }
0x59f: {  	[sflag:s11] =	ssyncset.done $0x0  }
0x5a0: {  	s19 =	simm.s32 $0x3580;
	[sflag:s11] =	ssyncadd.s32 $0xFFFFC000  }
0x5a1: {  	[spmem:s2] =	stream.indirect.scatter.add.f32 [tilespmem:s7], [sflag:$0x9], $0x80, s19, s6, $0xb8;
	[tilespmem:$0x1C000] =	vst v63  }
0x5a2: {  	_ =	swait.ge [sflag:s4], $0x4000  }
0x5a3: {  	s19 =	sld [smem:$0x7F0]  }
0x5a4: {  	[sflag:s4] =	ssyncset.done $0x0  }
0x5a5: {  	[sflag:s4] =	ssyncadd.s32 $0xFFFFC000  }
0x5a6: {  	[tilespmem:s7], [sflag:$0x4] =	stream.indirect.gather [hbm4b:s3+s6], $0x80, s19, s6, $0xb8;
	[tilespmem:$0x1C000] =	vst v63  }
0x5a7: {  	_ =	swait.ge [sflag:s14], $0x4000  }
0x5a8: {  	[sflag:s14] =	ssyncset.done $0x0  }
0x5a9: {  	s19 =	simm.s32 $0x3600;
	[sflag:s14] =	ssyncadd.s32 $0xFFFFC000  }
0x5aa: {  	[spmem:s2] =	stream.indirect.scatter.add.f32 [tilespmem:s10], [sflag:$0x9], $0x80, s19, s6, $0xb8;
	[tilespmem:$0x1C000] =	vst v63  }
0x5ab: {  	_ =	swait.ge [sflag:s4], $0x4000  }
0x5ac: {  	s19 =	sld [smem:$0x7F1]  }
0x5ad: {  	[sflag:s4] =	ssyncset.done $0x0  }
0x5ae: {  	[sflag:s4] =	ssyncadd.s32 $0xFFFFC000  }
0x5af: {  	[tilespmem:s10], [sflag:$0x1] =	stream.indirect.gather [hbm4b:s3+s6], $0x80, s19, s6, $0xb8;
	[tilespmem:$0x1C000] =	vst v63  }
0x5b0: {  	_ =	swait.ge [sflag:s12], $0x4000  }
0x5b1: {  	[sflag:s12] =	ssyncset.done $0x0  }
0x5b2: {  	s19 =	simm.s32 $0x3680;
	[sflag:s12] =	ssyncadd.s32 $0xFFFFC000  }
0x5b3: {  	[spmem:s2] =	stream.indirect.scatter.add.f32 [tilespmem:s9], [sflag:$0x9], $0x80, s19, s6, $0xb8;
	[tilespmem:$0x1C000] =	vst v63  }
0x5b4: {  	_ =	swait.ge [sflag:s4], $0x4000  }
0x5b5: {  	s19 =	sld [smem:$0x7F2]  }
0x5b6: {  	[sflag:s4] =	ssyncset.done $0x0  }
0x5b7: {  	[sflag:s4] =	ssyncadd.s32 $0xFFFFC000  }
0x5b8: {  	[tilespmem:s9], [sflag:$0x2] =	stream.indirect.gather [hbm4b:s3+s6], $0x80, s19, s6, $0xb8;
	[tilespmem:$0x1C000] =	vst v63  }
0x5b9: {  	_ =	swait.ge [sflag:s13], $0x4000  }
0x5ba: {  	[sflag:s13] =	ssyncset.done $0x0  }
0x5bb: {  	s19 =	simm.s32 $0x3700;
	[sflag:s13] =	ssyncadd.s32 $0xFFFFC000  }
0x5bc: {  	[spmem:s2] =	stream.indirect.scatter.add.f32 [tilespmem:s8], [sflag:$0x9], $0x80, s19, s6, $0xb8;
	[tilespmem:$0x1C000] =	vst v63  }
0x5bd: {  	_ =	swait.ge [sflag:s4], $0x4000  }
0x5be: {  	s19 =	sld [smem:$0x7F3]  }
0x5bf: {  	[sflag:s4] =	ssyncset.done $0x0  }
0x5c0: {  	[sflag:s4] =	ssyncadd.s32 $0xFFFFC000  }
0x5c1: {  	[tilespmem:s8], [sflag:$0x3] =	stream.indirect.gather [hbm4b:s3+s6], $0x80, s19, s6, $0xb8;
	[tilespmem:$0x1C000] =	vst v63  }
0x5c2: {  	_ =	swait.ge [sflag:s11], $0x4000  }
0x5c3: {  	[sflag:s11] =	ssyncset.done $0x0  }
0x5c4: {  	s19 =	simm.s32 $0x3780;
	[sflag:s11] =	ssyncadd.s32 $0xFFFFC000  }
0x5c5: {  	[spmem:s2] =	stream.indirect.scatter.add.f32 [tilespmem:s7], [sflag:$0x9], $0x80, s19, s6, $0xb8;
	[tilespmem:$0x1C000] =	vst v63  }
0x5c6: {  	_ =	swait.ge [sflag:s4], $0x4000  }
0x5c7: {  	s18 =	sld [smem:$0x7F4]  }
0x5c8: {  	[sflag:s4] =	ssyncset.done $0x0  }
0x5c9: {  	s19 =	rddreg [dreg:$0x7];
	[sflag:s4] =	ssyncadd.s32 $0xFFFFC000  }
0x5ca: {  	[tilespmem:s7], [sflag:$0x4] =	stream.indirect.gather [hbm4b:s3+s6], $0x80, s18, s6, $0xb8;
	[tilespmem:$0x1C000] =	vst v63  }
0x5cb: {  	[hbm:s19], [sflag:s5] =	dma.local [spmem:s25], $0x800  }
0x5cc: {  	_ =	swait.ge [sflag:s14], $0x4000  }
0x5cd: {  	[sflag:s14] =	ssyncset.done $0x0  }
0x5ce: {  	s19 =	simm.s32 $0x3800;
	[sflag:s14] =	ssyncadd.s32 $0xFFFFC000  }
0x5cf: {  	[spmem:s2] =	stream.indirect.scatter.add.f32 [tilespmem:s10], [sflag:$0x9], $0x80, s19, s6, $0xb8;
	[tilespmem:$0x1C000] =	vst v63  }
0x5d0: {  	_ =	swait.ge [sflag:s4], $0x4000  }
0x5d1: {  	s5 =	sld [smem:$0x7F5]  }
0x5d2: {  	[sflag:s4] =	ssyncset.done $0x0  }
0x5d3: {  	[sflag:s4] =	ssyncadd.s32 $0xFFFFC000  }
0x5d4: {  	[tilespmem:s10], [sflag:$0x1] =	stream.indirect.gather [hbm4b:s3+s6], $0x80, s5, s6, $0xb8;
	[tilespmem:$0x1C000] =	vst v63  }
0x5d5: {  	_ =	swait.ge [sflag:s12], $0x4000  }
0x5d6: {  	[sflag:s12] =	ssyncset.done $0x0  }
0x5d7: {  	s19 =	simm.s32 $0x3880;
	[sflag:s12] =	ssyncadd.s32 $0xFFFFC000  }
0x5d8: {  	[spmem:s2] =	stream.indirect.scatter.add.f32 [tilespmem:s9], [sflag:$0x9], $0x80, s19, s6, $0xb8;
	[tilespmem:$0x1C000] =	vst v63  }
0x5d9: {  	_ =	swait.ge [sflag:s4], $0x4000  }
0x5da: {  	s5 =	sld [smem:$0x7F6]  }
0x5db: {  	[sflag:s4] =	ssyncset.done $0x0  }
0x5dc: {  	[sflag:s4] =	ssyncadd.s32 $0xFFFFC000  }
0x5dd: {  	[tilespmem:s9], [sflag:$0x2] =	stream.indirect.gather [hbm4b:s3+s6], $0x80, s5, s6, $0xb8;
	[tilespmem:$0x1C000] =	vst v63  }
0x5de: {  	_ =	swait.ge [sflag:s13], $0x4000  }
0x5df: {  	[sflag:s13] =	ssyncset.done $0x0  }
0x5e0: {  	s19 =	simm.s32 $0x3900;
	[sflag:s13] =	ssyncadd.s32 $0xFFFFC000  }
0x5e1: {  	[spmem:s2] =	stream.indirect.scatter.add.f32 [tilespmem:s8], [sflag:$0x9], $0x80, s19, s6, $0xb8;
	[tilespmem:$0x1C000] =	vst v63  }
0x5e2: {  	_ =	swait.ge [sflag:s4], $0x4000  }
0x5e3: {  	s5 =	sld [smem:$0x7F7]  }
0x5e4: {  	[sflag:s4] =	ssyncset.done $0x0  }
0x5e5: {  	[sflag:s4] =	ssyncadd.s32 $0xFFFFC000  }
0x5e6: {  	[tilespmem:s8], [sflag:$0x3] =	stream.indirect.gather [hbm4b:s3+s6], $0x80, s5, s6, $0xb8;
	[tilespmem:$0x1C000] =	vst v63  }
0x5e7: {  	_ =	swait.ge [sflag:s11], $0x4000  }
0x5e8: {  	[sflag:s11] =	ssyncset.done $0x0  }
0x5e9: {  	s18 =	simm.s32 $0x3980;
	[sflag:s11] =	ssyncadd.s32 $0xFFFFC000  }
0x5ea: {  	[spmem:s2] =	stream.indirect.scatter.add.f32 [tilespmem:s7], [sflag:$0x9], $0x80, s18, s6, $0xb8;
	[tilespmem:$0x1C000] =	vst v63  }
0x5eb: {  	_ =	swait.ge [sflag:s4], $0x4000  }
0x5ec: {  	s19 =	sld [smem:$0x7F8]  }
0x5ed: {  	[sflag:s4] =	ssyncset.done $0x0  }
0x5ee: {  	[sflag:s4] =	ssyncadd.s32 $0xFFFFC000  }
0x5ef: {  	[tilespmem:s7], [sflag:$0x4] =	stream.indirect.gather [hbm4b:s3+s6], $0x80, s19, s6, $0xb8;
	[tilespmem:$0x1C000] =	vst v63  }
0x5f0: {  	_ =	swait.ge [sflag:s14], $0x4000  }
0x5f1: {  	[sflag:s14] =	ssyncset.done $0x0  }
0x5f2: {  	[sflag:s14] =	ssyncadd.s32 $0xFFFFC000  }
0x5f3: {  	[spmem:s2] =	stream.indirect.scatter.add.f32 [tilespmem:s10], [sflag:$0x9], $0x80, s31, s6, $0xb8;
	[tilespmem:$0x1C000] =	vst v63  }
0x5f4: {  	_ =	swait.ge [sflag:s4], $0x4000  }
0x5f5: {  	s5 =	sld [smem:$0x7F9]  }
0x5f6: {  	[sflag:s4] =	ssyncset.done $0x0  }
0x5f7: {  	[sflag:s4] =	ssyncadd.s32 $0xFFFFC000  }
0x5f8: {  	[tilespmem:s10], [sflag:$0x1] =	stream.indirect.gather [hbm4b:s3+s6], $0x80, s5, s6, $0xb8;
	[tilespmem:$0x1C000] =	vst v63  }
0x5f9: {  	_ =	swait.ge [sflag:s12], $0x4000  }
0x5fa: {  	[sflag:s12] =	ssyncset.done $0x0  }
0x5fb: {  	s18 =	simm.s32 $0x3A80;
	[sflag:s12] =	ssyncadd.s32 $0xFFFFC000  }
0x5fc: {  	[spmem:s2] =	stream.indirect.scatter.add.f32 [tilespmem:s9], [sflag:$0x9], $0x80, s18, s6, $0xb8;
	[tilespmem:$0x1C000] =	vst v63  }
0x5fd: {  	s5 =	sld [smem:$0x7C1];
	_ =	swait.ge [sflag:s4], $0x4000  }
0x5fe: {  	s19 =	sld [smem:$0x7FA]  }
0x5ff: {  	[sflag:s4] =	ssyncset.done $0x0  }
0x600: {  	[sflag:s4] =	ssyncadd.s32 $0xFFFFC000  }
0x601: {  	[tilespmem:s9], [sflag:$0x2] =	stream.indirect.gather [hbm4b:s3+s6], $0x80, s19, s6, $0xb8;
	[tilespmem:$0x1C000] =	vst v63  }
0x602: {  	_ =	swait.ge [sflag:s13], $0x4000  }
0x603: {  	[sflag:s13] =	ssyncset.done $0x0  }
0x604: {  	s19 =	simm.s32 $0x3B00;
	[sflag:s13] =	ssyncadd.s32 $0xFFFFC000  }
0x605: {  	[spmem:s2] =	stream.indirect.scatter.add.f32 [tilespmem:s8], [sflag:$0x9], $0x80, s19, s6, $0xb8;
	[tilespmem:$0x1C000] =	vst v63  }
0x606: {  	_ =	swait.ge [sflag:s4], $0x4000  }
0x607: {  	s19 =	sld [smem:$0x7FB]  }
0x608: {  	[sflag:s4] =	ssyncset.done $0x0  }
0x609: {  	[sflag:s4] =	ssyncadd.s32 $0xFFFFC000  }
0x60a: {  	[tilespmem:s8], [sflag:$0x3] =	stream.indirect.gather [hbm4b:s3+s6], $0x80, s19, s6, $0xb8;
	[tilespmem:$0x1C000] =	vst v63  }
0x60b: {  	_ =	swait.ge [sflag:s11], $0x4000  }
0x60c: {  	[sflag:s11] =	ssyncset.done $0x0  }
0x60d: {  	s19 =	simm.s32 $0x3B80;
	[sflag:s11] =	ssyncadd.s32 $0xFFFFC000  }
0x60e: {  	[spmem:s2] =	stream.indirect.scatter.add.f32 [tilespmem:s7], [sflag:$0x9], $0x80, s19, s6, $0xb8;
	[tilespmem:$0x1C000] =	vst v63  }
0x60f: {  	_ =	swait.ge [sflag:s4], $0x4000  }
0x610: {  	s19 =	sld [smem:$0x7FC]  }
0x611: {  	[sflag:s4] =	ssyncset.done $0x0  }
0x612: {  	[sflag:s4] =	ssyncadd.s32 $0xFFFFC000  }
0x613: {  	[tilespmem:s7], [sflag:$0x4] =	stream.indirect.gather [hbm4b:s3+s6], $0x80, s19, s6, $0xb8;
	[tilespmem:$0x1C000] =	vst v63  }
0x614: {  	_ =	swait.ge [sflag:s14], $0x4000  }
0x615: {  	[sflag:s14] =	ssyncset.done $0x0  }
0x616: {  	s19 =	simm.s32 $0x3C00;
	[sflag:s14] =	ssyncadd.s32 $0xFFFFC000  }
0x617: {  	[spmem:s2] =	stream.indirect.scatter.add.f32 [tilespmem:s10], [sflag:$0x9], $0x80, s19, s6, $0xb8;
	[tilespmem:$0x1C000] =	vst v63  }
0x618: {  	_ =	swait.ge [sflag:s4], $0x4000  }
0x619: {  	[sflag:s4] =	ssyncset.done $0x0  }
0x61a: {  	[sflag:s4] =	ssyncadd.s32 $0xFFFFC000  }
0x61b: {  	_ =	swait.ge [sflag:s12], $0x4000  }
0x61c: {  	[sflag:s12] =	ssyncset.done $0x0  }
0x61d: {  	[sflag:s12] =	ssyncadd.s32 $0xFFFFC000  }
0x61e: {  	[spmem:s2] =	stream.indirect.scatter.add.f32 [tilespmem:s9], [sflag:$0x9], $0x80, s26, s6, $0xb8;
	[tilespmem:$0x1C000] =	vst v63  }
0x61f: {  	_ =	swait.ge [sflag:s4], $0x4000  }
0x620: {  	[sflag:s4] =	ssyncset.done $0x0  }
0x621: {  	[sflag:s4] =	ssyncadd.s32 $0xFFFFC000  }
0x622: {  	_ =	swait.ge [sflag:s13], $0x4000  }
0x623: {  	[sflag:s13] =	ssyncset.done $0x0  }
0x624: {  	[sflag:s13] =	ssyncadd.s32 $0xFFFFC000  }
0x625: {  	[spmem:s2] =	stream.indirect.scatter.add.f32 [tilespmem:s8], [sflag:$0x9], $0x80, s22, s6, $0xb8;
	[tilespmem:$0x1C000] =	vst v63  }
0x626: {  	_ =	swait.ge [sflag:s4], $0x4000  }
0x627: {  	[sflag:s4] =	ssyncset.done $0x0  }
0x628: {  	[sflag:s4] =	ssyncadd.s32 $0xFFFFC000  }
0x629: {  	_ =	swait.ge [sflag:s11], $0x4000  }
0x62a: {  	[sflag:s11] =	ssyncset.done $0x0  }
0x62b: {  	[sflag:s11] =	ssyncadd.s32 $0xFFFFC000  }
0x62c: {  	[spmem:s2] =	stream.indirect.scatter.add.f32 [tilespmem:s7], [sflag:$0x9], $0x80, s20, s6, $0xb8;
	[tilespmem:$0x1C000] =	vst v63  }
0x62d: {  	_ =	swait.ge [sflag:s4], $0x4000  }
0x62e: {  	[sflag:s4] =	ssyncset.done $0x0  }
0x62f: {  	[sflag:s4] =	ssyncadd.s32 $0xFFFFC000  }
0x630: {  	[bflag:$0x0] =	sbarrier.arrive $0xFFFF  }
0x631: {  	p1 =	sne.s32 s0, $0x1;
	s15 =	simm.s32 $0x5;
	s26 =	rddreg [dreg:$0x8]  }
0x632: {  	[hbm:s26], [sflag:s24] =	dma.local [spmem:s5], $0x800  }
.Ltmp2:
0x633: {  	_ =	swait.ge [sflag:s15], $0x800;
	(pc) =	sbr.rel @p1 .LBB2_4-.Ltmp2, $4  }
0x634: {  	[sflag:s15] =	ssyncset.done $0x0  }
0x635: {  	[sflag:s15] =	ssyncadd.s32 $0xFFFFF800  }
0x636: {  	_ =	swait.ge [sflag:s16], $0x800  }
0x637: {  	s0 =	sadd.s32 $0xFFFFFFFF, s0;
	s18 =	rddreg [dreg:$0x5];
	[sflag:s16] =	ssyncset.done $0x0  }
0x638: {  	s1 =	sld [smem:$0x7C4]  }
0x639: {  	s20 =	sld [smem:$0x7C3];
	s30 =	stileid.u32;
	s28 =	simm.s32 $0x3D00  }
0x63a: {  	s31 =	simm.s32 $0x3C00;
	s24 =	simm.s32 $0x3B80;
	s26 =	sld [smem:$0x7BE]  }
.LBB2_6:
0x63b: {  	[sflag:s16] =	ssyncadd.s32 @p0 $0xFFFFF800;
	s19 =	simm.s32 $0x0  }
0x63c: {  	[tilespmem:s19], [sflag:$0x9] =	stream.linear.gather [hbm4b:s18+s19], $0x2800, $0x38;
	[tilespmem:$0x1C000] =	vst v63  }
0x63d: {  	_ =	swait.ge [sflag:s4], $0x2800  }
0x63e: {  	[sflag:s4] =	ssyncset.done $0x0  }
0x63f: {  	s29 =	simm.s32 $0x2800;
	[sflag:s4] =	ssyncadd.s32 $0xFFFFD800  }
0x640: {  	[tilespmem:s29], [sflag:$0x9] =	stream.linear.gather [hbm4b:s1+s19], $0xA00, $0x38;
	[tilespmem:$0x1C000] =	vst v63  }
0x641: {  	s18 =	simm.s32 $0x3400;
	s0 =	rddreg [dreg:$0x9]  }
0x642: {  	[tilespmem:s18], [sflag:$0x9] =	stream.linear.gather [hbm4b:s0+s19], $0xA00, $0x38;
	[tilespmem:$0x1C000] =	vst v63  }
0x643: {  	_ =	swait.ge [sflag:s4], $0x1400  }
0x644: {  	[sflag:s4] =	ssyncset.done $0x0  }
0x645: {  	[sflag:s4] =	ssyncadd.s32 $0xFFFFEC00  }
0x646: {  	[spmem:s25], [sflag:s26] =	dma.local [hbm:s21], $0x800  }
0x647: {  	[spmem:s5], [sflag:s17] =	dma.local [hbm:s21], $0x800  }
0x648: {  	[tilespmem:s10], [sflag:$0x1] =	stream.indirect.gather [hbm4b:s3+s6], $0x80, s19, s6, $0xb8;
	[tilespmem:$0x1C000] =	vst v63  }
0x649: {  	_ = 	snop  }
0x64a: {  	[tilespmem:s9], [sflag:$0x2] =	stream.indirect.gather [hbm4b:s3+s6], $0x80, s6, s6, $0xb8;
	[tilespmem:$0x1C000] =	vst v63  }
0x64b: {  	s19 =	rddreg [dreg:$0xa]  }
0x64c: {  	[tilespmem:s8], [sflag:$0x3] =	stream.indirect.gather [hbm4b:s3+s6], $0x80, s19, s6, $0xb8;
	[tilespmem:$0x1C000] =	vst v63  }
0x64d: {  	s22 =	rddreg [dreg:$0xb]  }
0x64e: {  	[tilespmem:s7], [sflag:$0x4] =	stream.indirect.gather [hbm4b:s3+s6], $0x80, s22, s6, $0xb8;
	[tilespmem:$0x1C000] =	vst v63  }
0x64f: {  	s22 =	simm.s32 $0x7  }
0x650: {  	_ =	swait.ge [sflag:s22], $0x800  }
0x651: {  	[sflag:s22] =	ssyncset.done $0x0  }
0x652: {  	[sflag:s22] =	ssyncadd.s32 $0xFFFFF800  }
0x653: {  	_ =	swait.ge [sflag:s14], $0x4000  }
0x654: {  	[sflag:s14] =	ssyncset.done $0x0  }
0x655: {  	[sflag:s14] =	ssyncadd.s32 $0xFFFFC000  }
0x656: {  	[spmem:s2] =	stream.indirect.scatter.add.f32 [tilespmem:s10], [sflag:$0x9], $0x80, s29, s6, $0xb8;
	[tilespmem:$0x1C000] =	vst v63  }
0x657: {  	_ =	swait.ge [sflag:s4], $0x4000  }
0x658: {  	[sflag:s4] =	ssyncset.done $0x0  }
0x659: {  	s1 =	rddreg [dreg:$0xc];
	[sflag:s4] =	ssyncadd.s32 $0xFFFFC000  }
0x65a: {  	[tilespmem:s10], [sflag:$0x1] =	stream.indirect.gather [hbm4b:s3+s6], $0x80, s1, s6, $0xb8;
	[tilespmem:$0x1C000] =	vst v63  }
0x65b: {  	_ =	swait.ge [sflag:s12], $0x4000  }
0x65c: {  	[sflag:s12] =	ssyncset.done $0x0  }
0x65d: {  	s19 =	simm.s32 $0x2880;
	[sflag:s12] =	ssyncadd.s32 $0xFFFFC000  }
0x65e: {  	[spmem:s2] =	stream.indirect.scatter.add.f32 [tilespmem:s9], [sflag:$0x9], $0x80, s19, s6, $0xb8;
	[tilespmem:$0x1C000] =	vst v63  }
0x65f: {  	_ =	swait.ge [sflag:s4], $0x4000  }
0x660: {  	[sflag:s4] =	ssyncset.done $0x0  }
0x661: {  	s1 =	rddreg [dreg:$0xd];
	[sflag:s4] =	ssyncadd.s32 $0xFFFFC000  }
0x662: {  	[tilespmem:s9], [sflag:$0x2] =	stream.indirect.gather [hbm4b:s3+s6], $0x80, s1, s6, $0xb8;
	[tilespmem:$0x1C000] =	vst v63  }
0x663: {  	_ =	swait.ge [sflag:s13], $0x4000  }
0x664: {  	[sflag:s13] =	ssyncset.done $0x0  }
0x665: {  	s19 =	simm.s32 $0x2900;
	[sflag:s13] =	ssyncadd.s32 $0xFFFFC000  }
0x666: {  	[spmem:s2] =	stream.indirect.scatter.add.f32 [tilespmem:s8], [sflag:$0x9], $0x80, s19, s6, $0xb8;
	[tilespmem:$0x1C000] =	vst v63  }
0x667: {  	_ =	swait.ge [sflag:s4], $0x4000  }
0x668: {  	[sflag:s4] =	ssyncset.done $0x0  }
0x669: {  	s1 =	rddreg [dreg:$0xe];
	[sflag:s4] =	ssyncadd.s32 $0xFFFFC000  }
0x66a: {  	[tilespmem:s8], [sflag:$0x3] =	stream.indirect.gather [hbm4b:s3+s6], $0x80, s1, s6, $0xb8;
	[tilespmem:$0x1C000] =	vst v63  }
0x66b: {  	_ =	swait.ge [sflag:s11], $0x4000  }
0x66c: {  	[sflag:s11] =	ssyncset.done $0x0  }
0x66d: {  	s19 =	simm.s32 $0x2980;
	[sflag:s11] =	ssyncadd.s32 $0xFFFFC000  }
0x66e: {  	[spmem:s2] =	stream.indirect.scatter.add.f32 [tilespmem:s7], [sflag:$0x9], $0x80, s19, s6, $0xb8;
	[tilespmem:$0x1C000] =	vst v63  }
0x66f: {  	_ =	swait.ge [sflag:s4], $0x4000  }
0x670: {  	[sflag:s4] =	ssyncset.done $0x0  }
0x671: {  	s1 =	rddreg [dreg:$0xf];
	[sflag:s4] =	ssyncadd.s32 $0xFFFFC000  }
0x672: {  	[tilespmem:s7], [sflag:$0x4] =	stream.indirect.gather [hbm4b:s3+s6], $0x80, s1, s6, $0xb8;
	[tilespmem:$0x1C000] =	vst v63  }
0x673: {  	_ =	swait.ge [sflag:s14], $0x4000  }
0x674: {  	[sflag:s14] =	ssyncset.done $0x0  }
0x675: {  	s19 =	simm.s32 $0x2A00;
	[sflag:s14] =	ssyncadd.s32 $0xFFFFC000  }
0x676: {  	[spmem:s2] =	stream.indirect.scatter.add.f32 [tilespmem:s10], [sflag:$0x9], $0x80, s19, s6, $0xb8;
	[tilespmem:$0x1C000] =	vst v63  }
0x677: {  	_ =	swait.ge [sflag:s4], $0x4000  }
0x678: {  	[sflag:s4] =	ssyncset.done $0x0  }
0x679: {  	s1 =	rddreg [dreg:$0x10];
	[sflag:s4] =	ssyncadd.s32 $0xFFFFC000  }
0x67a: {  	[tilespmem:s10], [sflag:$0x1] =	stream.indirect.gather [hbm4b:s3+s6], $0x80, s1, s6, $0xb8;
	[tilespmem:$0x1C000] =	vst v63  }
0x67b: {  	_ =	swait.ge [sflag:s12], $0x4000  }
0x67c: {  	[sflag:s12] =	ssyncset.done $0x0  }
0x67d: {  	s19 =	simm.s32 $0x2A80;
	[sflag:s12] =	ssyncadd.s32 $0xFFFFC000  }
0x67e: {  	[spmem:s2] =	stream.indirect.scatter.add.f32 [tilespmem:s9], [sflag:$0x9], $0x80, s19, s6, $0xb8;
	[tilespmem:$0x1C000] =	vst v63  }
0x67f: {  	_ =	swait.ge [sflag:s4], $0x4000  }
0x680: {  	[sflag:s4] =	ssyncset.done $0x0  }
0x681: {  	s1 =	rddreg [dreg:$0x11];
	[sflag:s4] =	ssyncadd.s32 $0xFFFFC000  }
0x682: {  	[tilespmem:s9], [sflag:$0x2] =	stream.indirect.gather [hbm4b:s3+s6], $0x80, s1, s6, $0xb8;
	[tilespmem:$0x1C000] =	vst v63  }
0x683: {  	_ =	swait.ge [sflag:s13], $0x4000  }
0x684: {  	[sflag:s13] =	ssyncset.done $0x0  }
0x685: {  	s19 =	simm.s32 $0x2B00;
	[sflag:s13] =	ssyncadd.s32 $0xFFFFC000  }
0x686: {  	[spmem:s2] =	stream.indirect.scatter.add.f32 [tilespmem:s8], [sflag:$0x9], $0x80, s19, s6, $0xb8;
	[tilespmem:$0x1C000] =	vst v63  }
0x687: {  	_ =	swait.ge [sflag:s4], $0x4000  }
0x688: {  	[sflag:s4] =	ssyncset.done $0x0  }
0x689: {  	s1 =	rddreg [dreg:$0x12];
	[sflag:s4] =	ssyncadd.s32 $0xFFFFC000  }
0x68a: {  	[tilespmem:s8], [sflag:$0x3] =	stream.indirect.gather [hbm4b:s3+s6], $0x80, s1, s6, $0xb8;
	[tilespmem:$0x1C000] =	vst v63  }
0x68b: {  	_ =	swait.ge [sflag:s11], $0x4000  }
0x68c: {  	[sflag:s11] =	ssyncset.done $0x0  }
0x68d: {  	s19 =	simm.s32 $0x2B80;
	[sflag:s11] =	ssyncadd.s32 $0xFFFFC000  }
0x68e: {  	[spmem:s2] =	stream.indirect.scatter.add.f32 [tilespmem:s7], [sflag:$0x9], $0x80, s19, s6, $0xb8;
	[tilespmem:$0x1C000] =	vst v63  }
0x68f: {  	_ =	swait.ge [sflag:s4], $0x4000  }
0x690: {  	[sflag:s4] =	ssyncset.done $0x0  }
0x691: {  	s1 =	rddreg [dreg:$0x13];
	[sflag:s4] =	ssyncadd.s32 $0xFFFFC000  }
0x692: {  	[tilespmem:s7], [sflag:$0x4] =	stream.indirect.gather [hbm4b:s3+s6], $0x80, s1, s6, $0xb8;
	[tilespmem:$0x1C000] =	vst v63  }
0x693: {  	_ =	swait.ge [sflag:s14], $0x4000  }
0x694: {  	[sflag:s14] =	ssyncset.done $0x0  }
0x695: {  	s19 =	simm.s32 $0x2C00;
	[sflag:s14] =	ssyncadd.s32 $0xFFFFC000  }
0x696: {  	[spmem:s2] =	stream.indirect.scatter.add.f32 [tilespmem:s10], [sflag:$0x9], $0x80, s19, s6, $0xb8;
	[tilespmem:$0x1C000] =	vst v63  }
0x697: {  	_ =	swait.ge [sflag:s4], $0x4000  }
0x698: {  	[sflag:s4] =	ssyncset.done $0x0  }
0x699: {  	s1 =	rddreg [dreg:$0x14];
	[sflag:s4] =	ssyncadd.s32 $0xFFFFC000  }
0x69a: {  	[tilespmem:s10], [sflag:$0x1] =	stream.indirect.gather [hbm4b:s3+s6], $0x80, s1, s6, $0xb8;
	[tilespmem:$0x1C000] =	vst v63  }
0x69b: {  	_ =	swait.ge [sflag:s12], $0x4000  }
0x69c: {  	[sflag:s12] =	ssyncset.done $0x0  }
0x69d: {  	s19 =	simm.s32 $0x2C80;
	[sflag:s12] =	ssyncadd.s32 $0xFFFFC000  }
0x69e: {  	[spmem:s2] =	stream.indirect.scatter.add.f32 [tilespmem:s9], [sflag:$0x9], $0x80, s19, s6, $0xb8;
	[tilespmem:$0x1C000] =	vst v63  }
0x69f: {  	_ =	swait.ge [sflag:s4], $0x4000  }
0x6a0: {  	[sflag:s4] =	ssyncset.done $0x0  }
0x6a1: {  	s1 =	rddreg [dreg:$0x15];
	[sflag:s4] =	ssyncadd.s32 $0xFFFFC000  }
0x6a2: {  	[tilespmem:s9], [sflag:$0x2] =	stream.indirect.gather [hbm4b:s3+s6], $0x80, s1, s6, $0xb8;
	[tilespmem:$0x1C000] =	vst v63  }
0x6a3: {  	_ =	swait.ge [sflag:s13], $0x4000  }
0x6a4: {  	[sflag:s13] =	ssyncset.done $0x0  }
0x6a5: {  	s19 =	simm.s32 $0x2D00;
	[sflag:s13] =	ssyncadd.s32 $0xFFFFC000  }
0x6a6: {  	[spmem:s2] =	stream.indirect.scatter.add.f32 [tilespmem:s8], [sflag:$0x9], $0x80, s19, s6, $0xb8;
	[tilespmem:$0x1C000] =	vst v63  }
0x6a7: {  	_ =	swait.ge [sflag:s4], $0x4000  }
0x6a8: {  	[sflag:s4] =	ssyncset.done $0x0  }
0x6a9: {  	s1 =	rddreg [dreg:$0x16];
	[sflag:s4] =	ssyncadd.s32 $0xFFFFC000  }
0x6aa: {  	[tilespmem:s8], [sflag:$0x3] =	stream.indirect.gather [hbm4b:s3+s6], $0x80, s1, s6, $0xb8;
	[tilespmem:$0x1C000] =	vst v63  }
0x6ab: {  	_ =	swait.ge [sflag:s11], $0x4000  }
0x6ac: {  	[sflag:s11] =	ssyncset.done $0x0  }
0x6ad: {  	s19 =	simm.s32 $0x2D80;
	[sflag:s11] =	ssyncadd.s32 $0xFFFFC000  }
0x6ae: {  	[spmem:s2] =	stream.indirect.scatter.add.f32 [tilespmem:s7], [sflag:$0x9], $0x80, s19, s6, $0xb8;
	[tilespmem:$0x1C000] =	vst v63  }
0x6af: {  	_ =	swait.ge [sflag:s4], $0x4000  }
0x6b0: {  	[sflag:s4] =	ssyncset.done $0x0  }
0x6b1: {  	s1 =	rddreg [dreg:$0x17];
	[sflag:s4] =	ssyncadd.s32 $0xFFFFC000  }
0x6b2: {  	[tilespmem:s7], [sflag:$0x4] =	stream.indirect.gather [hbm4b:s3+s6], $0x80, s1, s6, $0xb8;
	[tilespmem:$0x1C000] =	vst v63  }
0x6b3: {  	_ =	swait.ge [sflag:s14], $0x4000  }
0x6b4: {  	[sflag:s14] =	ssyncset.done $0x0  }
0x6b5: {  	s19 =	simm.s32 $0x2E00;
	[sflag:s14] =	ssyncadd.s32 $0xFFFFC000  }
0x6b6: {  	[spmem:s2] =	stream.indirect.scatter.add.f32 [tilespmem:s10], [sflag:$0x9], $0x80, s19, s6, $0xb8;
	[tilespmem:$0x1C000] =	vst v63  }
0x6b7: {  	_ =	swait.ge [sflag:s4], $0x4000  }
0x6b8: {  	[sflag:s4] =	ssyncset.done $0x0  }
0x6b9: {  	s1 =	rddreg [dreg:$0x18];
	[sflag:s4] =	ssyncadd.s32 $0xFFFFC000  }
0x6ba: {  	[tilespmem:s10], [sflag:$0x1] =	stream.indirect.gather [hbm4b:s3+s6], $0x80, s1, s6, $0xb8;
	[tilespmem:$0x1C000] =	vst v63  }
0x6bb: {  	_ =	swait.ge [sflag:s12], $0x4000  }
0x6bc: {  	[sflag:s12] =	ssyncset.done $0x0  }
0x6bd: {  	s19 =	simm.s32 $0x2E80;
	[sflag:s12] =	ssyncadd.s32 $0xFFFFC000  }
0x6be: {  	[spmem:s2] =	stream.indirect.scatter.add.f32 [tilespmem:s9], [sflag:$0x9], $0x80, s19, s6, $0xb8;
	[tilespmem:$0x1C000] =	vst v63  }
0x6bf: {  	_ =	swait.ge [sflag:s4], $0x4000  }
0x6c0: {  	[sflag:s4] =	ssyncset.done $0x0  }
0x6c1: {  	s1 =	rddreg [dreg:$0x19];
	[sflag:s4] =	ssyncadd.s32 $0xFFFFC000  }
0x6c2: {  	[tilespmem:s9], [sflag:$0x2] =	stream.indirect.gather [hbm4b:s3+s6], $0x80, s1, s6, $0xb8;
	[tilespmem:$0x1C000] =	vst v63  }
0x6c3: {  	_ =	swait.ge [sflag:s13], $0x4000  }
0x6c4: {  	[sflag:s13] =	ssyncset.done $0x0  }
0x6c5: {  	s19 =	simm.s32 $0x2F00;
	[sflag:s13] =	ssyncadd.s32 $0xFFFFC000  }
0x6c6: {  	[spmem:s2] =	stream.indirect.scatter.add.f32 [tilespmem:s8], [sflag:$0x9], $0x80, s19, s6, $0xb8;
	[tilespmem:$0x1C000] =	vst v63  }
0x6c7: {  	_ =	swait.ge [sflag:s4], $0x4000  }
0x6c8: {  	[sflag:s4] =	ssyncset.done $0x0  }
0x6c9: {  	s1 =	rddreg [dreg:$0x1a];
	[sflag:s4] =	ssyncadd.s32 $0xFFFFC000  }
0x6ca: {  	[tilespmem:s8], [sflag:$0x3] =	stream.indirect.gather [hbm4b:s3+s6], $0x80, s1, s6, $0xb8;
	[tilespmem:$0x1C000] =	vst v63  }
0x6cb: {  	_ =	swait.ge [sflag:s11], $0x4000  }
0x6cc: {  	[sflag:s11] =	ssyncset.done $0x0  }
0x6cd: {  	s19 =	simm.s32 $0x2F80;
	[sflag:s11] =	ssyncadd.s32 $0xFFFFC000  }
0x6ce: {  	[spmem:s2] =	stream.indirect.scatter.add.f32 [tilespmem:s7], [sflag:$0x9], $0x80, s19, s6, $0xb8;
	[tilespmem:$0x1C000] =	vst v63  }
0x6cf: {  	_ =	swait.ge [sflag:s4], $0x4000  }
0x6d0: {  	[sflag:s4] =	ssyncset.done $0x0  }
0x6d1: {  	s1 =	rddreg [dreg:$0x1b];
	[sflag:s4] =	ssyncadd.s32 $0xFFFFC000  }
0x6d2: {  	[tilespmem:s7], [sflag:$0x4] =	stream.indirect.gather [hbm4b:s3+s6], $0x80, s1, s6, $0xb8;
	[tilespmem:$0x1C000] =	vst v63  }
0x6d3: {  	_ =	swait.ge [sflag:s14], $0x4000  }
0x6d4: {  	[sflag:s14] =	ssyncset.done $0x0  }
0x6d5: {  	s19 =	simm.s32 $0x3000;
	[sflag:s14] =	ssyncadd.s32 $0xFFFFC000  }
0x6d6: {  	[spmem:s2] =	stream.indirect.scatter.add.f32 [tilespmem:s10], [sflag:$0x9], $0x80, s19, s6, $0xb8;
	[tilespmem:$0x1C000] =	vst v63  }
0x6d7: {  	_ =	swait.ge [sflag:s4], $0x4000  }
0x6d8: {  	[sflag:s4] =	ssyncset.done $0x0  }
0x6d9: {  	s1 =	rddreg [dreg:$0x1c];
	[sflag:s4] =	ssyncadd.s32 $0xFFFFC000  }
0x6da: {  	[tilespmem:s10], [sflag:$0x1] =	stream.indirect.gather [hbm4b:s3+s6], $0x80, s1, s6, $0xb8;
	[tilespmem:$0x1C000] =	vst v63  }
0x6db: {  	_ =	swait.ge [sflag:s12], $0x4000  }
0x6dc: {  	[sflag:s12] =	ssyncset.done $0x0  }
0x6dd: {  	s19 =	simm.s32 $0x3080;
	[sflag:s12] =	ssyncadd.s32 $0xFFFFC000  }
0x6de: {  	[spmem:s2] =	stream.indirect.scatter.add.f32 [tilespmem:s9], [sflag:$0x9], $0x80, s19, s6, $0xb8;
	[tilespmem:$0x1C000] =	vst v63  }
0x6df: {  	_ =	swait.ge [sflag:s4], $0x4000  }
0x6e0: {  	[sflag:s4] =	ssyncset.done $0x0  }
0x6e1: {  	s1 =	rddreg [dreg:$0x1d];
	[sflag:s4] =	ssyncadd.s32 $0xFFFFC000  }
0x6e2: {  	[tilespmem:s9], [sflag:$0x2] =	stream.indirect.gather [hbm4b:s3+s6], $0x80, s1, s6, $0xb8;
	[tilespmem:$0x1C000] =	vst v63  }
0x6e3: {  	_ =	swait.ge [sflag:s13], $0x4000  }
0x6e4: {  	[sflag:s13] =	ssyncset.done $0x0  }
0x6e5: {  	s19 =	simm.s32 $0x3100;
	[sflag:s13] =	ssyncadd.s32 $0xFFFFC000  }
0x6e6: {  	[spmem:s2] =	stream.indirect.scatter.add.f32 [tilespmem:s8], [sflag:$0x9], $0x80, s19, s6, $0xb8;
	[tilespmem:$0x1C000] =	vst v63  }
0x6e7: {  	_ =	swait.ge [sflag:s4], $0x4000  }
0x6e8: {  	[sflag:s4] =	ssyncset.done $0x0  }
0x6e9: {  	s1 =	rddreg [dreg:$0x1e];
	[sflag:s4] =	ssyncadd.s32 $0xFFFFC000  }
0x6ea: {  	[tilespmem:s8], [sflag:$0x3] =	stream.indirect.gather [hbm4b:s3+s6], $0x80, s1, s6, $0xb8;
	[tilespmem:$0x1C000] =	vst v63  }
0x6eb: {  	_ =	swait.ge [sflag:s11], $0x4000  }
0x6ec: {  	[sflag:s11] =	ssyncset.done $0x0  }
0x6ed: {  	s19 =	simm.s32 $0x3180;
	[sflag:s11] =	ssyncadd.s32 $0xFFFFC000  }
0x6ee: {  	[spmem:s2] =	stream.indirect.scatter.add.f32 [tilespmem:s7], [sflag:$0x9], $0x80, s19, s6, $0xb8;
	[tilespmem:$0x1C000] =	vst v63  }
0x6ef: {  	_ =	swait.ge [sflag:s4], $0x4000  }
0x6f0: {  	[sflag:s4] =	ssyncset.done $0x0  }
0x6f1: {  	s1 =	rddreg [dreg:$0x1f];
	[sflag:s4] =	ssyncadd.s32 $0xFFFFC000  }
0x6f2: {  	[tilespmem:s7], [sflag:$0x4] =	stream.indirect.gather [hbm4b:s3+s6], $0x80, s1, s6, $0xb8;
	[tilespmem:$0x1C000] =	vst v63  }
0x6f3: {  	_ =	swait.ge [sflag:s23], $0x800  }
0x6f4: {  	[sflag:s23] =	ssyncset.done $0x0  }
0x6f5: {  	[sflag:s23] =	ssyncadd.s32 $0xFFFFF800  }
0x6f6: {  	_ =	swait.ge [sflag:s14], $0x4000  }
0x6f7: {  	[sflag:s14] =	ssyncset.done $0x0  }
0x6f8: {  	s18 =	simm.s32 $0x3400;
	[sflag:s14] =	ssyncadd.s32 $0xFFFFC000  }
0x6f9: {  	[spmem:s2] =	stream.indirect.scatter.add.f32 [tilespmem:s10], [sflag:$0x9], $0x80, s18, s6, $0xb8;
	[tilespmem:$0x1C000] =	vst v63  }
0x6fa: {  	_ =	swait.ge [sflag:s4], $0x4000  }
0x6fb: {  	s18 =	sld [smem:$0x7C5]  }
0x6fc: {  	[sflag:s4] =	ssyncset.done $0x0  }
0x6fd: {  	[sflag:s4] =	ssyncadd.s32 $0xFFFFC000  }
0x6fe: {  	[tilespmem:s10], [sflag:$0x1] =	stream.indirect.gather [hbm4b:s3+s6], $0x80, s18, s6, $0xb8;
	[tilespmem:$0x1C000] =	vst v63  }
0x6ff: {  	_ =	swait.ge [sflag:s12], $0x4000  }
0x700: {  	[sflag:s12] =	ssyncset.done $0x0  }
0x701: {  	s19 =	simm.s32 $0x3480;
	[sflag:s12] =	ssyncadd.s32 $0xFFFFC000  }
0x702: {  	[spmem:s2] =	stream.indirect.scatter.add.f32 [tilespmem:s9], [sflag:$0x9], $0x80, s19, s6, $0xb8;
	[tilespmem:$0x1C000] =	vst v63  }
0x703: {  	_ =	swait.ge [sflag:s4], $0x4000  }
0x704: {  	s1 =	sld [smem:$0x7C6]  }
0x705: {  	[sflag:s4] =	ssyncset.done $0x0  }
0x706: {  	[sflag:s4] =	ssyncadd.s32 $0xFFFFC000  }
0x707: {  	[tilespmem:s9], [sflag:$0x2] =	stream.indirect.gather [hbm4b:s3+s6], $0x80, s1, s6, $0xb8;
	[tilespmem:$0x1C000] =	vst v63  }
0x708: {  	_ =	swait.ge [sflag:s13], $0x4000  }
0x709: {  	[sflag:s13] =	ssyncset.done $0x0  }
0x70a: {  	s18 =	simm.s32 $0x3500;
	[sflag:s13] =	ssyncadd.s32 $0xFFFFC000  }
0x70b: {  	[spmem:s2] =	stream.indirect.scatter.add.f32 [tilespmem:s8], [sflag:$0x9], $0x80, s18, s6, $0xb8;
	[tilespmem:$0x1C000] =	vst v63  }
0x70c: {  	_ =	swait.ge [sflag:s4], $0x4000  }
0x70d: {  	s19 =	sld [smem:$0x7C7]  }
0x70e: {  	[sflag:s4] =	ssyncset.done $0x0  }
0x70f: {  	[sflag:s4] =	ssyncadd.s32 $0xFFFFC000  }
0x710: {  	[tilespmem:s8], [sflag:$0x3] =	stream.indirect.gather [hbm4b:s3+s6], $0x80, s19, s6, $0xb8;
	[tilespmem:$0x1C000] =	vst v63  }
0x711: {  	_ =	swait.ge [sflag:s11], $0x4000  }
0x712: {  	[sflag:s11] =	ssyncset.done $0x0  }
0x713: {  	s1 =	simm.s32 $0x3580;
	[sflag:s11] =	ssyncadd.s32 $0xFFFFC000  }
0x714: {  	[spmem:s2] =	stream.indirect.scatter.add.f32 [tilespmem:s7], [sflag:$0x9], $0x80, s1, s6, $0xb8;
	[tilespmem:$0x1C000] =	vst v63  }
0x715: {  	_ =	swait.ge [sflag:s4], $0x4000  }
0x716: {  	s18 =	sld [smem:$0x7C8]  }
0x717: {  	[sflag:s4] =	ssyncset.done $0x0  }
0x718: {  	[sflag:s4] =	ssyncadd.s32 $0xFFFFC000  }
0x719: {  	[tilespmem:s7], [sflag:$0x4] =	stream.indirect.gather [hbm4b:s3+s6], $0x80, s18, s6, $0xb8;
	[tilespmem:$0x1C000] =	vst v63  }
0x71a: {  	_ =	swait.ge [sflag:s14], $0x4000  }
0x71b: {  	[sflag:s14] =	ssyncset.done $0x0  }
0x71c: {  	s19 =	simm.s32 $0x3600;
	[sflag:s14] =	ssyncadd.s32 $0xFFFFC000  }
0x71d: {  	[spmem:s2] =	stream.indirect.scatter.add.f32 [tilespmem:s10], [sflag:$0x9], $0x80, s19, s6, $0xb8;
	[tilespmem:$0x1C000] =	vst v63  }
0x71e: {  	_ =	swait.ge [sflag:s4], $0x4000  }
0x71f: {  	s1 =	sld [smem:$0x7C9]  }
0x720: {  	[sflag:s4] =	ssyncset.done $0x0  }
0x721: {  	[sflag:s4] =	ssyncadd.s32 $0xFFFFC000  }
0x722: {  	[tilespmem:s10], [sflag:$0x1] =	stream.indirect.gather [hbm4b:s3+s6], $0x80, s1, s6, $0xb8;
	[tilespmem:$0x1C000] =	vst v63  }
0x723: {  	_ =	swait.ge [sflag:s12], $0x4000  }
0x724: {  	[sflag:s12] =	ssyncset.done $0x0  }
0x725: {  	s18 =	simm.s32 $0x3680;
	[sflag:s12] =	ssyncadd.s32 $0xFFFFC000  }
0x726: {  	[spmem:s2] =	stream.indirect.scatter.add.f32 [tilespmem:s9], [sflag:$0x9], $0x80, s18, s6, $0xb8;
	[tilespmem:$0x1C000] =	vst v63  }
0x727: {  	_ =	swait.ge [sflag:s4], $0x4000  }
0x728: {  	s19 =	sld [smem:$0x7CA]  }
0x729: {  	[sflag:s4] =	ssyncset.done $0x0  }
0x72a: {  	[sflag:s4] =	ssyncadd.s32 $0xFFFFC000  }
0x72b: {  	[tilespmem:s9], [sflag:$0x2] =	stream.indirect.gather [hbm4b:s3+s6], $0x80, s19, s6, $0xb8;
	[tilespmem:$0x1C000] =	vst v63  }
0x72c: {  	_ =	swait.ge [sflag:s13], $0x4000  }
0x72d: {  	[sflag:s13] =	ssyncset.done $0x0  }
0x72e: {  	s1 =	simm.s32 $0x3700;
	[sflag:s13] =	ssyncadd.s32 $0xFFFFC000  }
0x72f: {  	[spmem:s2] =	stream.indirect.scatter.add.f32 [tilespmem:s8], [sflag:$0x9], $0x80, s1, s6, $0xb8;
	[tilespmem:$0x1C000] =	vst v63  }
0x730: {  	_ =	swait.ge [sflag:s4], $0x4000  }
0x731: {  	s18 =	sld [smem:$0x7CB]  }
0x732: {  	[sflag:s4] =	ssyncset.done $0x0  }
0x733: {  	[sflag:s4] =	ssyncadd.s32 $0xFFFFC000  }
0x734: {  	[tilespmem:s8], [sflag:$0x3] =	stream.indirect.gather [hbm4b:s3+s6], $0x80, s18, s6, $0xb8;
	[tilespmem:$0x1C000] =	vst v63  }
0x735: {  	_ =	swait.ge [sflag:s11], $0x4000  }
0x736: {  	[sflag:s11] =	ssyncset.done $0x0  }
0x737: {  	s19 =	simm.s32 $0x3780;
	[sflag:s11] =	ssyncadd.s32 $0xFFFFC000  }
0x738: {  	[spmem:s2] =	stream.indirect.scatter.add.f32 [tilespmem:s7], [sflag:$0x9], $0x80, s19, s6, $0xb8;
	[tilespmem:$0x1C000] =	vst v63  }
0x739: {  	_ =	swait.ge [sflag:s4], $0x4000  }
0x73a: {  	s1 =	sld [smem:$0x7CC]  }
0x73b: {  	[sflag:s4] =	ssyncset.done $0x0;
	s19 =	sld [smem:$0x7FD]  }
0x73c: {  	[sflag:s4] =	ssyncadd.s32 $0xFFFFC000  }
0x73d: {  	[tilespmem:s7], [sflag:$0x4] =	stream.indirect.gather [hbm4b:s3+s6], $0x80, s1, s6, $0xb8;
	[tilespmem:$0x1C000] =	vst v63  }
0x73e: {  	s0 =	sor.u32 $0x1C05, s19  }
0x73f: {  	[hbm:s20], [sflag:s0] =	dma.local [spmem:s25], $0x800  }
0x740: {  	_ =	swait.ge [sflag:s15], $0x800  }
0x741: {  	[sflag:s15] =	ssyncset.done $0x0  }
0x742: {  	[sflag:s15] =	ssyncadd.s32 $0xFFFFF800  }
0x743: {  	[spmem:s25], [sflag:s26] =	dma.local [hbm:s21], $0x800  }
0x744: {  	_ =	swait.ge [sflag:s14], $0x4000  }
0x745: {  	[sflag:s14] =	ssyncset.done $0x0  }
0x746: {  	s18 =	simm.s32 $0x3800;
	[sflag:s14] =	ssyncadd.s32 $0xFFFFC000  }
0x747: {  	[spmem:s2] =	stream.indirect.scatter.add.f32 [tilespmem:s10], [sflag:$0x9], $0x80, s18, s6, $0xb8;
	[tilespmem:$0x1C000] =	vst v63  }
0x748: {  	_ =	swait.ge [sflag:s4], $0x4000  }
0x749: {  	s20 =	sld [smem:$0x7CD]  }
0x74a: {  	[sflag:s4] =	ssyncset.done $0x0  }
0x74b: {  	[sflag:s4] =	ssyncadd.s32 $0xFFFFC000  }
0x74c: {  	[tilespmem:s10], [sflag:$0x1] =	stream.indirect.gather [hbm4b:s3+s6], $0x80, s20, s6, $0xb8;
	[tilespmem:$0x1C000] =	vst v63  }
0x74d: {  	_ =	swait.ge [sflag:s12], $0x4000  }
0x74e: {  	[sflag:s12] =	ssyncset.done $0x0  }
0x74f: {  	s26 =	simm.s32 $0x3880;
	[sflag:s12] =	ssyncadd.s32 $0xFFFFC000  }
0x750: {  	[spmem:s2] =	stream.indirect.scatter.add.f32 [tilespmem:s9], [sflag:$0x9], $0x80, s26, s6, $0xb8;
	[tilespmem:$0x1C000] =	vst v63  }
0x751: {  	_ =	swait.ge [sflag:s4], $0x4000  }
0x752: {  	s18 =	sld [smem:$0x7CE]  }
0x753: {  	[sflag:s4] =	ssyncset.done $0x0  }
0x754: {  	[sflag:s4] =	ssyncadd.s32 $0xFFFFC000  }
0x755: {  	[tilespmem:s9], [sflag:$0x2] =	stream.indirect.gather [hbm4b:s3+s6], $0x80, s18, s6, $0xb8;
	[tilespmem:$0x1C000] =	vst v63  }
0x756: {  	_ =	swait.ge [sflag:s13], $0x4000  }
0x757: {  	[sflag:s13] =	ssyncset.done $0x0  }
0x758: {  	s20 =	simm.s32 $0x3900;
	[sflag:s13] =	ssyncadd.s32 $0xFFFFC000  }
0x759: {  	[spmem:s2] =	stream.indirect.scatter.add.f32 [tilespmem:s8], [sflag:$0x9], $0x80, s20, s6, $0xb8;
	[tilespmem:$0x1C000] =	vst v63  }
0x75a: {  	_ =	swait.ge [sflag:s4], $0x4000  }
0x75b: {  	s26 =	sld [smem:$0x7CF]  }
0x75c: {  	[sflag:s4] =	ssyncset.done $0x0  }
0x75d: {  	[sflag:s4] =	ssyncadd.s32 $0xFFFFC000  }
0x75e: {  	[tilespmem:s8], [sflag:$0x3] =	stream.indirect.gather [hbm4b:s3+s6], $0x80, s26, s6, $0xb8;
	[tilespmem:$0x1C000] =	vst v63  }
0x75f: {  	_ =	swait.ge [sflag:s11], $0x4000  }
0x760: {  	[sflag:s11] =	ssyncset.done $0x0  }
0x761: {  	s18 =	simm.s32 $0x3980;
	[sflag:s11] =	ssyncadd.s32 $0xFFFFC000  }
0x762: {  	[spmem:s2] =	stream.indirect.scatter.add.f32 [tilespmem:s7], [sflag:$0x9], $0x80, s18, s6, $0xb8;
	[tilespmem:$0x1C000] =	vst v63  }
0x763: {  	_ =	swait.ge [sflag:s4], $0x4000  }
0x764: {  	s20 =	sld [smem:$0x7D0]  }
0x765: {  	[sflag:s4] =	ssyncset.done $0x0  }
0x766: {  	[sflag:s4] =	ssyncadd.s32 $0xFFFFC000  }
0x767: {  	[tilespmem:s7], [sflag:$0x4] =	stream.indirect.gather [hbm4b:s3+s6], $0x80, s20, s6, $0xb8;
	[tilespmem:$0x1C000] =	vst v63  }
0x768: {  	_ =	swait.ge [sflag:s14], $0x4000  }
0x769: {  	[sflag:s14] =	ssyncset.done $0x0  }
0x76a: {  	s26 =	simm.s32 $0x3A00;
	[sflag:s14] =	ssyncadd.s32 $0xFFFFC000  }
0x76b: {  	[spmem:s2] =	stream.indirect.scatter.add.f32 [tilespmem:s10], [sflag:$0x9], $0x80, s26, s6, $0xb8;
	[tilespmem:$0x1C000] =	vst v63  }
0x76c: {  	_ =	swait.ge [sflag:s4], $0x4000  }
0x76d: {  	s18 =	sld [smem:$0x7D1]  }
0x76e: {  	[sflag:s4] =	ssyncset.done $0x0  }
0x76f: {  	[sflag:s4] =	ssyncadd.s32 $0xFFFFC000  }
0x770: {  	[tilespmem:s10], [sflag:$0x1] =	stream.indirect.gather [hbm4b:s3+s6], $0x80, s18, s6, $0xb8;
	[tilespmem:$0x1C000] =	vst v63  }
0x771: {  	_ =	swait.ge [sflag:s12], $0x4000  }
0x772: {  	[sflag:s12] =	ssyncset.done $0x0  }
0x773: {  	s20 =	simm.s32 $0x3A80;
	[sflag:s12] =	ssyncadd.s32 $0xFFFFC000  }
0x774: {  	[spmem:s2] =	stream.indirect.scatter.add.f32 [tilespmem:s9], [sflag:$0x9], $0x80, s20, s6, $0xb8;
	[tilespmem:$0x1C000] =	vst v63  }
0x775: {  	_ =	swait.ge [sflag:s4], $0x4000  }
0x776: {  	s26 =	sld [smem:$0x7D2]  }
0x777: {  	[sflag:s4] =	ssyncset.done $0x0  }
0x778: {  	[sflag:s4] =	ssyncadd.s32 $0xFFFFC000  }
0x779: {  	[tilespmem:s9], [sflag:$0x2] =	stream.indirect.gather [hbm4b:s3+s6], $0x80, s26, s6, $0xb8;
	[tilespmem:$0x1C000] =	vst v63  }
0x77a: {  	_ =	swait.ge [sflag:s13], $0x4000  }
0x77b: {  	[sflag:s13] =	ssyncset.done $0x0  }
0x77c: {  	s18 =	simm.s32 $0x3B00;
	[sflag:s13] =	ssyncadd.s32 $0xFFFFC000  }
0x77d: {  	[spmem:s2] =	stream.indirect.scatter.add.f32 [tilespmem:s8], [sflag:$0x9], $0x80, s18, s6, $0xb8;
	[tilespmem:$0x1C000] =	vst v63  }
0x77e: {  	_ =	swait.ge [sflag:s4], $0x4000  }
0x77f: {  	s20 =	sld [smem:$0x7D3]  }
0x780: {  	[sflag:s4] =	ssyncset.done $0x0  }
0x781: {  	[sflag:s4] =	ssyncadd.s32 $0xFFFFC000  }
0x782: {  	[tilespmem:s8], [sflag:$0x3] =	stream.indirect.gather [hbm4b:s3+s6], $0x80, s20, s6, $0xb8;
	[tilespmem:$0x1C000] =	vst v63  }
0x783: {  	_ =	swait.ge [sflag:s11], $0x4000  }
0x784: {  	[sflag:s11] =	ssyncset.done $0x0  }
0x785: {  	[sflag:s11] =	ssyncadd.s32 $0xFFFFC000  }
0x786: {  	[spmem:s2] =	stream.indirect.scatter.add.f32 [tilespmem:s7], [sflag:$0x9], $0x80, s24, s6, $0xb8;
	[tilespmem:$0x1C000] =	vst v63  }
0x787: {  	_ =	swait.ge [sflag:s4], $0x4000  }
0x788: {  	s26 =	sld [smem:$0x7D4]  }
0x789: {  	[sflag:s4] =	ssyncset.done $0x0  }
0x78a: {  	[sflag:s4] =	ssyncadd.s32 $0xFFFFC000  }
0x78b: {  	[tilespmem:s7], [sflag:$0x4] =	stream.indirect.gather [hbm4b:s3+s6], $0x80, s26, s6, $0xb8;
	[tilespmem:$0x1C000] =	vst v63  }
0x78c: {  	_ =	swait.ge [sflag:s14], $0x4000  }
0x78d: {  	[sflag:s14] =	ssyncset.done $0x0  }
0x78e: {  	[sflag:s14] =	ssyncadd.s32 $0xFFFFC000  }
0x78f: {  	[spmem:s2] =	stream.indirect.scatter.add.f32 [tilespmem:s10], [sflag:$0x9], $0x80, s31, s6, $0xb8;
	[tilespmem:$0x1C000] =	vst v63  }
0x790: {  	_ =	swait.ge [sflag:s4], $0x4000  }
0x791: {  	s18 =	sld [smem:$0x7D5]  }
0x792: {  	[sflag:s4] =	ssyncset.done $0x0  }
0x793: {  	[sflag:s4] =	ssyncadd.s32 $0xFFFFC000  }
0x794: {  	[tilespmem:s10], [sflag:$0x1] =	stream.indirect.gather [hbm4b:s3+s6], $0x80, s18, s6, $0xb8;
	[tilespmem:$0x1C000] =	vst v63  }
0x795: {  	_ =	swait.ge [sflag:s12], $0x4000  }
0x796: {  	[sflag:s12] =	ssyncset.done $0x0  }
0x797: {  	s26 =	simm.s32 $0x3C80;
	[sflag:s12] =	ssyncadd.s32 $0xFFFFC000  }
0x798: {  	[spmem:s2] =	stream.indirect.scatter.add.f32 [tilespmem:s9], [sflag:$0x9], $0x80, s26, s6, $0xb8;
	[tilespmem:$0x1C000] =	vst v63  }
0x799: {  	_ =	swait.ge [sflag:s4], $0x4000  }
0x79a: {  	s20 =	sld [smem:$0x7D6]  }
0x79b: {  	[sflag:s4] =	ssyncset.done $0x0  }
0x79c: {  	[sflag:s4] =	ssyncadd.s32 $0xFFFFC000  }
0x79d: {  	[tilespmem:s9], [sflag:$0x2] =	stream.indirect.gather [hbm4b:s3+s6], $0x80, s20, s6, $0xb8;
	[tilespmem:$0x1C000] =	vst v63  }
0x79e: {  	_ =	swait.ge [sflag:s13], $0x4000  }
0x79f: {  	[sflag:s13] =	ssyncset.done $0x0  }
0x7a0: {  	[sflag:s13] =	ssyncadd.s32 $0xFFFFC000  }
0x7a1: {  	[spmem:s2] =	stream.indirect.scatter.add.f32 [tilespmem:s8], [sflag:$0x9], $0x80, s28, s6, $0xb8;
	[tilespmem:$0x1C000] =	vst v63  }
0x7a2: {  	_ =	swait.ge [sflag:s4], $0x4000  }
0x7a3: {  	s28 =	sld [smem:$0x7D7]  }
0x7a4: {  	[sflag:s4] =	ssyncset.done $0x0  }
0x7a5: {  	[sflag:s4] =	ssyncadd.s32 $0xFFFFC000  }
0x7a6: {  	[tilespmem:s8], [sflag:$0x3] =	stream.indirect.gather [hbm4b:s3+s6], $0x80, s28, s6, $0xb8;
	[tilespmem:$0x1C000] =	vst v63  }
0x7a7: {  	_ =	swait.ge [sflag:s11], $0x4000  }
0x7a8: {  	[sflag:s11] =	ssyncset.done $0x0  }
0x7a9: {  	s20 =	simm.s32 $0x3D80;
	[sflag:s11] =	ssyncadd.s32 $0xFFFFC000  }
0x7aa: {  	[spmem:s2] =	stream.indirect.scatter.add.f32 [tilespmem:s7], [sflag:$0x9], $0x80, s20, s6, $0xb8;
	[tilespmem:$0x1C000] =	vst v63  }
0x7ab: {  	_ =	swait.ge [sflag:s4], $0x4000  }
0x7ac: {  	s18 =	sld [smem:$0x7D8]  }
0x7ad: {  	[sflag:s4] =	ssyncset.done $0x0  }
0x7ae: {  	[sflag:s4] =	ssyncadd.s32 $0xFFFFC000  }
0x7af: {  	[tilespmem:s7], [sflag:$0x4] =	stream.indirect.gather [hbm4b:s3+s6], $0x80, s18, s6, $0xb8;
	[tilespmem:$0x1C000] =	vst v63  }
0x7b0: {  	_ =	swait.ge [sflag:s22], $0x800  }
0x7b1: {  	[sflag:s22] =	ssyncset.done $0x0  }
0x7b2: {  	[sflag:s22] =	ssyncadd.s32 $0xFFFFF800  }
0x7b3: {  	_ =	swait.ge [sflag:s14], $0x4000  }
0x7b4: {  	[sflag:s14] =	ssyncset.done $0x0  }
0x7b5: {  	[sflag:s14] =	ssyncadd.s32 $0xFFFFC000  }
0x7b6: {  	[spmem:s2] =	stream.indirect.scatter.add.f32 [tilespmem:s10], [sflag:$0x9], $0x80, s29, s6, $0xb8;
	[tilespmem:$0x1C000] =	vst v63  }
0x7b7: {  	_ =	swait.ge [sflag:s4], $0x4000  }
0x7b8: {  	s29 =	sld [smem:$0x7D9]  }
0x7b9: {  	[sflag:s4] =	ssyncset.done $0x0  }
0x7ba: {  	[sflag:s4] =	ssyncadd.s32 $0xFFFFC000  }
0x7bb: {  	[tilespmem:s10], [sflag:$0x1] =	stream.indirect.gather [hbm4b:s3+s6], $0x80, s29, s6, $0xb8;
	[tilespmem:$0x1C000] =	vst v63  }
0x7bc: {  	_ =	swait.ge [sflag:s12], $0x4000  }
0x7bd: {  	[sflag:s12] =	ssyncset.done $0x0  }
0x7be: {  	s18 =	simm.s32 $0x2880;
	[sflag:s12] =	ssyncadd.s32 $0xFFFFC000  }
0x7bf: {  	[spmem:s2] =	stream.indirect.scatter.add.f32 [tilespmem:s9], [sflag:$0x9], $0x80, s18, s6, $0xb8;
	[tilespmem:$0x1C000] =	vst v63  }
0x7c0: {  	_ =	swait.ge [sflag:s4], $0x4000  }
0x7c1: {  	s22 =	sld [smem:$0x7DA]  }
0x7c2: {  	[sflag:s4] =	ssyncset.done $0x0  }
0x7c3: {  	[sflag:s4] =	ssyncadd.s32 $0xFFFFC000  }
0x7c4: {  	[tilespmem:s9], [sflag:$0x2] =	stream.indirect.gather [hbm4b:s3+s6], $0x80, s22, s6, $0xb8;
	[tilespmem:$0x1C000] =	vst v63  }
0x7c5: {  	_ =	swait.ge [sflag:s13], $0x4000  }
0x7c6: {  	[sflag:s13] =	ssyncset.done $0x0  }
0x7c7: {  	s29 =	simm.s32 $0x2900;
	[sflag:s13] =	ssyncadd.s32 $0xFFFFC000  }
0x7c8: {  	[spmem:s2] =	stream.indirect.scatter.add.f32 [tilespmem:s8], [sflag:$0x9], $0x80, s29, s6, $0xb8;
	[tilespmem:$0x1C000] =	vst v63  }
0x7c9: {  	_ =	swait.ge [sflag:s4], $0x4000  }
0x7ca: {  	s18 =	sld [smem:$0x7DB]  }
0x7cb: {  	[sflag:s4] =	ssyncset.done $0x0  }
0x7cc: {  	[sflag:s4] =	ssyncadd.s32 $0xFFFFC000  }
0x7cd: {  	[tilespmem:s8], [sflag:$0x3] =	stream.indirect.gather [hbm4b:s3+s6], $0x80, s18, s6, $0xb8;
	[tilespmem:$0x1C000] =	vst v63  }
0x7ce: {  	_ =	swait.ge [sflag:s11], $0x4000  }
0x7cf: {  	[sflag:s11] =	ssyncset.done $0x0  }
0x7d0: {  	s22 =	simm.s32 $0x2980;
	[sflag:s11] =	ssyncadd.s32 $0xFFFFC000  }
0x7d1: {  	[spmem:s2] =	stream.indirect.scatter.add.f32 [tilespmem:s7], [sflag:$0x9], $0x80, s22, s6, $0xb8;
	[tilespmem:$0x1C000] =	vst v63  }
0x7d2: {  	_ =	swait.ge [sflag:s4], $0x4000  }
0x7d3: {  	s29 =	sld [smem:$0x7DC]  }
0x7d4: {  	[sflag:s4] =	ssyncset.done $0x0  }
0x7d5: {  	[sflag:s4] =	ssyncadd.s32 $0xFFFFC000  }
0x7d6: {  	[tilespmem:s7], [sflag:$0x4] =	stream.indirect.gather [hbm4b:s3+s6], $0x80, s29, s6, $0xb8;
	[tilespmem:$0x1C000] =	vst v63  }
0x7d7: {  	_ =	swait.ge [sflag:s14], $0x4000  }
0x7d8: {  	[sflag:s14] =	ssyncset.done $0x0  }
0x7d9: {  	s18 =	simm.s32 $0x2A00;
	[sflag:s14] =	ssyncadd.s32 $0xFFFFC000  }
0x7da: {  	[spmem:s2] =	stream.indirect.scatter.add.f32 [tilespmem:s10], [sflag:$0x9], $0x80, s18, s6, $0xb8;
	[tilespmem:$0x1C000] =	vst v63  }
0x7db: {  	_ =	swait.ge [sflag:s4], $0x4000  }
0x7dc: {  	s22 =	sld [smem:$0x7DD]  }
0x7dd: {  	[sflag:s4] =	ssyncset.done $0x0  }
0x7de: {  	[sflag:s4] =	ssyncadd.s32 $0xFFFFC000  }
0x7df: {  	[tilespmem:s10], [sflag:$0x1] =	stream.indirect.gather [hbm4b:s3+s6], $0x80, s22, s6, $0xb8;
	[tilespmem:$0x1C000] =	vst v63  }
0x7e0: {  	_ =	swait.ge [sflag:s12], $0x4000  }
0x7e1: {  	[sflag:s12] =	ssyncset.done $0x0  }
0x7e2: {  	s29 =	simm.s32 $0x2A80;
	[sflag:s12] =	ssyncadd.s32 $0xFFFFC000  }
0x7e3: {  	[spmem:s2] =	stream.indirect.scatter.add.f32 [tilespmem:s9], [sflag:$0x9], $0x80, s29, s6, $0xb8;
	[tilespmem:$0x1C000] =	vst v63  }
0x7e4: {  	_ =	swait.ge [sflag:s4], $0x4000  }
0x7e5: {  	s18 =	sld [smem:$0x7DE]  }
0x7e6: {  	[sflag:s4] =	ssyncset.done $0x0  }
0x7e7: {  	[sflag:s4] =	ssyncadd.s32 $0xFFFFC000  }
0x7e8: {  	[tilespmem:s9], [sflag:$0x2] =	stream.indirect.gather [hbm4b:s3+s6], $0x80, s18, s6, $0xb8;
	[tilespmem:$0x1C000] =	vst v63  }
0x7e9: {  	_ =	swait.ge [sflag:s13], $0x4000  }
0x7ea: {  	[sflag:s13] =	ssyncset.done $0x0  }
0x7eb: {  	s22 =	simm.s32 $0x2B00;
	[sflag:s13] =	ssyncadd.s32 $0xFFFFC000  }
0x7ec: {  	[spmem:s2] =	stream.indirect.scatter.add.f32 [tilespmem:s8], [sflag:$0x9], $0x80, s22, s6, $0xb8;
	[tilespmem:$0x1C000] =	vst v63  }
0x7ed: {  	_ =	swait.ge [sflag:s4], $0x4000  }
0x7ee: {  	s29 =	sld [smem:$0x7DF]  }
0x7ef: {  	[sflag:s4] =	ssyncset.done $0x0  }
0x7f0: {  	[sflag:s4] =	ssyncadd.s32 $0xFFFFC000  }
0x7f1: {  	[tilespmem:s8], [sflag:$0x3] =	stream.indirect.gather [hbm4b:s3+s6], $0x80, s29, s6, $0xb8;
	[tilespmem:$0x1C000] =	vst v63  }
0x7f2: {  	_ =	swait.ge [sflag:s11], $0x4000  }
0x7f3: {  	[sflag:s11] =	ssyncset.done $0x0  }
0x7f4: {  	s18 =	simm.s32 $0x2B80;
	[sflag:s11] =	ssyncadd.s32 $0xFFFFC000  }
0x7f5: {  	[spmem:s2] =	stream.indirect.scatter.add.f32 [tilespmem:s7], [sflag:$0x9], $0x80, s18, s6, $0xb8;
	[tilespmem:$0x1C000] =	vst v63  }
0x7f6: {  	_ =	swait.ge [sflag:s4], $0x4000  }
0x7f7: {  	s22 =	sld [smem:$0x7E0]  }
0x7f8: {  	[sflag:s4] =	ssyncset.done $0x0  }
0x7f9: {  	s1 =	sor.u32 $0x1C06, s19;
	s29 =	rddreg [dreg:$0x6];
	[sflag:s4] =	ssyncadd.s32 $0xFFFFC000  }
0x7fa: {  	[tilespmem:s7], [sflag:$0x4] =	stream.indirect.gather [hbm4b:s3+s6], $0x80, s22, s6, $0xb8;
	[tilespmem:$0x1C000] =	vst v63  }
0x7fb: {  	[hbm:s29], [sflag:s1] =	dma.local [spmem:s5], $0x800  }
0x7fc: {  	_ =	swait.ge [sflag:s16], $0x800  }
0x7fd: {  	[sflag:s16] =	ssyncset.done $0x0  }
0x7fe: {  	[sflag:s16] =	ssyncadd.s32 $0xFFFFF800  }
0x7ff: {  	[spmem:s5], [sflag:s17] =	dma.local [hbm:s21], $0x800  }
0x800: {  	_ =	swait.ge [sflag:s14], $0x4000  }
0x801: {  	[sflag:s14] =	ssyncset.done $0x0  }
0x802: {  	s21 =	simm.s32 $0x2C00;
	[sflag:s14] =	ssyncadd.s32 $0xFFFFC000  }
0x803: {  	[spmem:s2] =	stream.indirect.scatter.add.f32 [tilespmem:s10], [sflag:$0x9], $0x80, s21, s6, $0xb8;
	[tilespmem:$0x1C000] =	vst v63  }
0x804: {  	_ =	swait.ge [sflag:s4], $0x4000  }
0x805: {  	s22 =	sld [smem:$0x7E1]  }
0x806: {  	[sflag:s4] =	ssyncset.done $0x0  }
0x807: {  	[sflag:s4] =	ssyncadd.s32 $0xFFFFC000  }
0x808: {  	[tilespmem:s10], [sflag:$0x1] =	stream.indirect.gather [hbm4b:s3+s6], $0x80, s22, s6, $0xb8;
	[tilespmem:$0x1C000] =	vst v63  }
0x809: {  	_ =	swait.ge [sflag:s12], $0x4000  }
0x80a: {  	[sflag:s12] =	ssyncset.done $0x0  }
0x80b: {  	s29 =	simm.s32 $0x2C80;
	[sflag:s12] =	ssyncadd.s32 $0xFFFFC000  }
0x80c: {  	[spmem:s2] =	stream.indirect.scatter.add.f32 [tilespmem:s9], [sflag:$0x9], $0x80, s29, s6, $0xb8;
	[tilespmem:$0x1C000] =	vst v63  }
0x80d: {  	_ =	swait.ge [sflag:s4], $0x4000  }
0x80e: {  	s18 =	sld [smem:$0x7E2]  }
0x80f: {  	[sflag:s4] =	ssyncset.done $0x0  }
0x810: {  	[sflag:s4] =	ssyncadd.s32 $0xFFFFC000  }
0x811: {  	[tilespmem:s9], [sflag:$0x2] =	stream.indirect.gather [hbm4b:s3+s6], $0x80, s18, s6, $0xb8;
	[tilespmem:$0x1C000] =	vst v63  }
0x812: {  	_ =	swait.ge [sflag:s13], $0x4000  }
0x813: {  	[sflag:s13] =	ssyncset.done $0x0  }
0x814: {  	s19 =	simm.s32 $0x2D00;
	[sflag:s13] =	ssyncadd.s32 $0xFFFFC000  }
0x815: {  	[spmem:s2] =	stream.indirect.scatter.add.f32 [tilespmem:s8], [sflag:$0x9], $0x80, s19, s6, $0xb8;
	[tilespmem:$0x1C000] =	vst v63  }
0x816: {  	_ =	swait.ge [sflag:s4], $0x4000  }
0x817: {  	s21 =	sld [smem:$0x7E3]  }
0x818: {  	[sflag:s4] =	ssyncset.done $0x0  }
0x819: {  	[sflag:s4] =	ssyncadd.s32 $0xFFFFC000  }
0x81a: {  	[tilespmem:s8], [sflag:$0x3] =	stream.indirect.gather [hbm4b:s3+s6], $0x80, s21, s6, $0xb8;
	[tilespmem:$0x1C000] =	vst v63  }
0x81b: {  	_ =	swait.ge [sflag:s11], $0x4000  }
0x81c: {  	[sflag:s11] =	ssyncset.done $0x0  }
0x81d: {  	s22 =	simm.s32 $0x2D80;
	[sflag:s11] =	ssyncadd.s32 $0xFFFFC000  }
0x81e: {  	[spmem:s2] =	stream.indirect.scatter.add.f32 [tilespmem:s7], [sflag:$0x9], $0x80, s22, s6, $0xb8;
	[tilespmem:$0x1C000] =	vst v63  }
0x81f: {  	_ =	swait.ge [sflag:s4], $0x4000  }
0x820: {  	s29 =	sld [smem:$0x7E4]  }
0x821: {  	[sflag:s4] =	ssyncset.done $0x0  }
0x822: {  	[sflag:s4] =	ssyncadd.s32 $0xFFFFC000  }
0x823: {  	[tilespmem:s7], [sflag:$0x4] =	stream.indirect.gather [hbm4b:s3+s6], $0x80, s29, s6, $0xb8;
	[tilespmem:$0x1C000] =	vst v63  }
0x824: {  	_ =	swait.ge [sflag:s14], $0x4000  }
0x825: {  	[sflag:s14] =	ssyncset.done $0x0  }
0x826: {  	s18 =	simm.s32 $0x2E00;
	[sflag:s14] =	ssyncadd.s32 $0xFFFFC000  }
0x827: {  	[spmem:s2] =	stream.indirect.scatter.add.f32 [tilespmem:s10], [sflag:$0x9], $0x80, s18, s6, $0xb8;
	[tilespmem:$0x1C000] =	vst v63  }
0x828: {  	_ =	swait.ge [sflag:s4], $0x4000  }
0x829: {  	s19 =	sld [smem:$0x7E5]  }
0x82a: {  	[sflag:s4] =	ssyncset.done $0x0  }
0x82b: {  	[sflag:s4] =	ssyncadd.s32 $0xFFFFC000  }
0x82c: {  	[tilespmem:s10], [sflag:$0x1] =	stream.indirect.gather [hbm4b:s3+s6], $0x80, s19, s6, $0xb8;
	[tilespmem:$0x1C000] =	vst v63  }
0x82d: {  	_ =	swait.ge [sflag:s12], $0x4000  }
0x82e: {  	[sflag:s12] =	ssyncset.done $0x0  }
0x82f: {  	s21 =	simm.s32 $0x2E80;
	[sflag:s12] =	ssyncadd.s32 $0xFFFFC000  }
0x830: {  	[spmem:s2] =	stream.indirect.scatter.add.f32 [tilespmem:s9], [sflag:$0x9], $0x80, s21, s6, $0xb8;
	[tilespmem:$0x1C000] =	vst v63  }
0x831: {  	_ =	swait.ge [sflag:s4], $0x4000  }
0x832: {  	s22 =	sld [smem:$0x7E6]  }
0x833: {  	[sflag:s4] =	ssyncset.done $0x0  }
0x834: {  	[sflag:s4] =	ssyncadd.s32 $0xFFFFC000  }
0x835: {  	[tilespmem:s9], [sflag:$0x2] =	stream.indirect.gather [hbm4b:s3+s6], $0x80, s22, s6, $0xb8;
	[tilespmem:$0x1C000] =	vst v63  }
0x836: {  	_ =	swait.ge [sflag:s13], $0x4000  }
0x837: {  	[sflag:s13] =	ssyncset.done $0x0  }
0x838: {  	s29 =	simm.s32 $0x2F00;
	[sflag:s13] =	ssyncadd.s32 $0xFFFFC000  }
0x839: {  	[spmem:s2] =	stream.indirect.scatter.add.f32 [tilespmem:s8], [sflag:$0x9], $0x80, s29, s6, $0xb8;
	[tilespmem:$0x1C000] =	vst v63  }
0x83a: {  	_ =	swait.ge [sflag:s4], $0x4000  }
0x83b: {  	s18 =	sld [smem:$0x7E7]  }
0x83c: {  	[sflag:s4] =	ssyncset.done $0x0  }
0x83d: {  	[sflag:s4] =	ssyncadd.s32 $0xFFFFC000  }
0x83e: {  	[tilespmem:s8], [sflag:$0x3] =	stream.indirect.gather [hbm4b:s3+s6], $0x80, s18, s6, $0xb8;
	[tilespmem:$0x1C000] =	vst v63  }
0x83f: {  	_ =	swait.ge [sflag:s11], $0x4000  }
0x840: {  	[sflag:s11] =	ssyncset.done $0x0  }
0x841: {  	s19 =	simm.s32 $0x2F80;
	[sflag:s11] =	ssyncadd.s32 $0xFFFFC000  }
0x842: {  	[spmem:s2] =	stream.indirect.scatter.add.f32 [tilespmem:s7], [sflag:$0x9], $0x80, s19, s6, $0xb8;
	[tilespmem:$0x1C000] =	vst v63  }
0x843: {  	_ =	swait.ge [sflag:s4], $0x4000  }
0x844: {  	s21 =	sld [smem:$0x7E8]  }
0x845: {  	[sflag:s4] =	ssyncset.done $0x0  }
0x846: {  	[sflag:s4] =	ssyncadd.s32 $0xFFFFC000  }
0x847: {  	[tilespmem:s7], [sflag:$0x4] =	stream.indirect.gather [hbm4b:s3+s6], $0x80, s21, s6, $0xb8;
	[tilespmem:$0x1C000] =	vst v63  }
0x848: {  	_ =	swait.ge [sflag:s14], $0x4000  }
0x849: {  	[sflag:s14] =	ssyncset.done $0x0  }
0x84a: {  	s22 =	simm.s32 $0x3000;
	[sflag:s14] =	ssyncadd.s32 $0xFFFFC000  }
0x84b: {  	[spmem:s2] =	stream.indirect.scatter.add.f32 [tilespmem:s10], [sflag:$0x9], $0x80, s22, s6, $0xb8;
	[tilespmem:$0x1C000] =	vst v63  }
0x84c: {  	_ =	swait.ge [sflag:s4], $0x4000  }
0x84d: {  	s29 =	sld [smem:$0x7E9]  }
0x84e: {  	[sflag:s4] =	ssyncset.done $0x0  }
0x84f: {  	[sflag:s4] =	ssyncadd.s32 $0xFFFFC000  }
0x850: {  	[tilespmem:s10], [sflag:$0x1] =	stream.indirect.gather [hbm4b:s3+s6], $0x80, s29, s6, $0xb8;
	[tilespmem:$0x1C000] =	vst v63  }
0x851: {  	_ =	swait.ge [sflag:s12], $0x4000  }
0x852: {  	[sflag:s12] =	ssyncset.done $0x0  }
0x853: {  	s18 =	simm.s32 $0x3080;
	[sflag:s12] =	ssyncadd.s32 $0xFFFFC000  }
0x854: {  	[spmem:s2] =	stream.indirect.scatter.add.f32 [tilespmem:s9], [sflag:$0x9], $0x80, s18, s6, $0xb8;
	[tilespmem:$0x1C000] =	vst v63  }
0x855: {  	_ =	swait.ge [sflag:s4], $0x4000  }
0x856: {  	s19 =	sld [smem:$0x7EA]  }
0x857: {  	[sflag:s4] =	ssyncset.done $0x0  }
0x858: {  	[sflag:s4] =	ssyncadd.s32 $0xFFFFC000  }
0x859: {  	[tilespmem:s9], [sflag:$0x2] =	stream.indirect.gather [hbm4b:s3+s6], $0x80, s19, s6, $0xb8;
	[tilespmem:$0x1C000] =	vst v63  }
0x85a: {  	_ =	swait.ge [sflag:s13], $0x4000  }
0x85b: {  	[sflag:s13] =	ssyncset.done $0x0  }
0x85c: {  	s21 =	simm.s32 $0x3100;
	[sflag:s13] =	ssyncadd.s32 $0xFFFFC000  }
0x85d: {  	[spmem:s2] =	stream.indirect.scatter.add.f32 [tilespmem:s8], [sflag:$0x9], $0x80, s21, s6, $0xb8;
	[tilespmem:$0x1C000] =	vst v63  }
0x85e: {  	_ =	swait.ge [sflag:s4], $0x4000  }
0x85f: {  	s22 =	sld [smem:$0x7EB]  }
0x860: {  	[sflag:s4] =	ssyncset.done $0x0  }
0x861: {  	[sflag:s4] =	ssyncadd.s32 $0xFFFFC000  }
0x862: {  	[tilespmem:s8], [sflag:$0x3] =	stream.indirect.gather [hbm4b:s3+s6], $0x80, s22, s6, $0xb8;
	[tilespmem:$0x1C000] =	vst v63  }
0x863: {  	_ =	swait.ge [sflag:s11], $0x4000  }
0x864: {  	[sflag:s11] =	ssyncset.done $0x0  }
0x865: {  	s29 =	simm.s32 $0x3180;
	[sflag:s11] =	ssyncadd.s32 $0xFFFFC000  }
0x866: {  	[spmem:s2] =	stream.indirect.scatter.add.f32 [tilespmem:s7], [sflag:$0x9], $0x80, s29, s6, $0xb8;
	[tilespmem:$0x1C000] =	vst v63  }
0x867: {  	_ =	swait.ge [sflag:s4], $0x4000  }
0x868: {  	s18 =	sld [smem:$0x7EC]  }
0x869: {  	[sflag:s4] =	ssyncset.done $0x0  }
0x86a: {  	[sflag:s4] =	ssyncadd.s32 $0xFFFFC000  }
0x86b: {  	[tilespmem:s7], [sflag:$0x4] =	stream.indirect.gather [hbm4b:s3+s6], $0x80, s18, s6, $0xb8;
	[tilespmem:$0x1C000] =	vst v63  }
0x86c: {  	_ =	swait.ge [sflag:s23], $0x800  }
0x86d: {  	[sflag:s23] =	ssyncset.done $0x0  }
0x86e: {  	[sflag:s23] =	ssyncadd.s32 $0xFFFFF800  }
0x86f: {  	_ =	swait.ge [sflag:s14], $0x4000  }
0x870: {  	[sflag:s14] =	ssyncset.done $0x0  }
0x871: {  	s19 =	simm.s32 $0x3400;
	[sflag:s14] =	ssyncadd.s32 $0xFFFFC000  }
0x872: {  	[spmem:s2] =	stream.indirect.scatter.add.f32 [tilespmem:s10], [sflag:$0x9], $0x80, s19, s6, $0xb8;
	[tilespmem:$0x1C000] =	vst v63  }
0x873: {  	_ =	swait.ge [sflag:s4], $0x4000  }
0x874: {  	s21 =	sld [smem:$0x7ED]  }
0x875: {  	[sflag:s4] =	ssyncset.done $0x0  }
0x876: {  	[sflag:s4] =	ssyncadd.s32 $0xFFFFC000  }
0x877: {  	[tilespmem:s10], [sflag:$0x1] =	stream.indirect.gather [hbm4b:s3+s6], $0x80, s21, s6, $0xb8;
	[tilespmem:$0x1C000] =	vst v63  }
0x878: {  	_ =	swait.ge [sflag:s12], $0x4000  }
0x879: {  	[sflag:s12] =	ssyncset.done $0x0  }
0x87a: {  	s22 =	simm.s32 $0x3480;
	[sflag:s12] =	ssyncadd.s32 $0xFFFFC000  }
0x87b: {  	[spmem:s2] =	stream.indirect.scatter.add.f32 [tilespmem:s9], [sflag:$0x9], $0x80, s22, s6, $0xb8;
	[tilespmem:$0x1C000] =	vst v63  }
0x87c: {  	_ =	swait.ge [sflag:s4], $0x4000  }
0x87d: {  	s23 =	sld [smem:$0x7EE]  }
0x87e: {  	[sflag:s4] =	ssyncset.done $0x0  }
0x87f: {  	[sflag:s4] =	ssyncadd.s32 $0xFFFFC000  }
0x880: {  	[tilespmem:s9], [sflag:$0x2] =	stream.indirect.gather [hbm4b:s3+s6], $0x80, s23, s6, $0xb8;
	[tilespmem:$0x1C000] =	vst v63  }
0x881: {  	_ =	swait.ge [sflag:s13], $0x4000  }
0x882: {  	[sflag:s13] =	ssyncset.done $0x0  }
0x883: {  	s29 =	simm.s32 $0x3500;
	[sflag:s13] =	ssyncadd.s32 $0xFFFFC000  }
0x884: {  	[spmem:s2] =	stream.indirect.scatter.add.f32 [tilespmem:s8], [sflag:$0x9], $0x80, s29, s6, $0xb8;
	[tilespmem:$0x1C000] =	vst v63  }
0x885: {  	_ =	swait.ge [sflag:s4], $0x4000  }
0x886: {  	s18 =	sld [smem:$0x7EF]  }
0x887: {  	[sflag:s4] =	ssyncset.done $0x0  }
0x888: {  	[sflag:s4] =	ssyncadd.s32 $0xFFFFC000  }
0x889: {  	[tilespmem:s8], [sflag:$0x3] =	stream.indirect.gather [hbm4b:s3+s6], $0x80, s18, s6, $0xb8;
	[tilespmem:$0x1C000] =	vst v63  }
0x88a: {  	_ =	swait.ge [sflag:s11], $0x4000  }
0x88b: {  	[sflag:s11] =	ssyncset.done $0x0  }
0x88c: {  	s19 =	simm.s32 $0x3580;
	[sflag:s11] =	ssyncadd.s32 $0xFFFFC000  }
0x88d: {  	[spmem:s2] =	stream.indirect.scatter.add.f32 [tilespmem:s7], [sflag:$0x9], $0x80, s19, s6, $0xb8;
	[tilespmem:$0x1C000] =	vst v63  }
0x88e: {  	_ =	swait.ge [sflag:s4], $0x4000  }
0x88f: {  	s21 =	sld [smem:$0x7F0]  }
0x890: {  	[sflag:s4] =	ssyncset.done $0x0  }
0x891: {  	[sflag:s4] =	ssyncadd.s32 $0xFFFFC000  }
0x892: {  	[tilespmem:s7], [sflag:$0x4] =	stream.indirect.gather [hbm4b:s3+s6], $0x80, s21, s6, $0xb8;
	[tilespmem:$0x1C000] =	vst v63  }
0x893: {  	_ =	swait.ge [sflag:s14], $0x4000  }
0x894: {  	[sflag:s14] =	ssyncset.done $0x0  }
0x895: {  	s22 =	simm.s32 $0x3600;
	[sflag:s14] =	ssyncadd.s32 $0xFFFFC000  }
0x896: {  	[spmem:s2] =	stream.indirect.scatter.add.f32 [tilespmem:s10], [sflag:$0x9], $0x80, s22, s6, $0xb8;
	[tilespmem:$0x1C000] =	vst v63  }
0x897: {  	_ =	swait.ge [sflag:s4], $0x4000  }
0x898: {  	s23 =	sld [smem:$0x7F1]  }
0x899: {  	[sflag:s4] =	ssyncset.done $0x0  }
0x89a: {  	[sflag:s4] =	ssyncadd.s32 $0xFFFFC000  }
0x89b: {  	[tilespmem:s10], [sflag:$0x1] =	stream.indirect.gather [hbm4b:s3+s6], $0x80, s23, s6, $0xb8;
	[tilespmem:$0x1C000] =	vst v63  }
0x89c: {  	_ =	swait.ge [sflag:s12], $0x4000  }
0x89d: {  	[sflag:s12] =	ssyncset.done $0x0  }
0x89e: {  	s29 =	simm.s32 $0x3680;
	[sflag:s12] =	ssyncadd.s32 $0xFFFFC000  }
0x89f: {  	[spmem:s2] =	stream.indirect.scatter.add.f32 [tilespmem:s9], [sflag:$0x9], $0x80, s29, s6, $0xb8;
	[tilespmem:$0x1C000] =	vst v63  }
0x8a0: {  	_ =	swait.ge [sflag:s4], $0x4000  }
0x8a1: {  	s18 =	sld [smem:$0x7F2]  }
0x8a2: {  	[sflag:s4] =	ssyncset.done $0x0  }
0x8a3: {  	[sflag:s4] =	ssyncadd.s32 $0xFFFFC000  }
0x8a4: {  	[tilespmem:s9], [sflag:$0x2] =	stream.indirect.gather [hbm4b:s3+s6], $0x80, s18, s6, $0xb8;
	[tilespmem:$0x1C000] =	vst v63  }
0x8a5: {  	_ =	swait.ge [sflag:s13], $0x4000  }
0x8a6: {  	[sflag:s13] =	ssyncset.done $0x0  }
0x8a7: {  	s19 =	simm.s32 $0x3700;
	[sflag:s13] =	ssyncadd.s32 $0xFFFFC000  }
0x8a8: {  	[spmem:s2] =	stream.indirect.scatter.add.f32 [tilespmem:s8], [sflag:$0x9], $0x80, s19, s6, $0xb8;
	[tilespmem:$0x1C000] =	vst v63  }
0x8a9: {  	_ =	swait.ge [sflag:s4], $0x4000  }
0x8aa: {  	s21 =	sld [smem:$0x7F3]  }
0x8ab: {  	[sflag:s4] =	ssyncset.done $0x0  }
0x8ac: {  	[sflag:s4] =	ssyncadd.s32 $0xFFFFC000  }
0x8ad: {  	[tilespmem:s8], [sflag:$0x3] =	stream.indirect.gather [hbm4b:s3+s6], $0x80, s21, s6, $0xb8;
	[tilespmem:$0x1C000] =	vst v63  }
0x8ae: {  	_ =	swait.ge [sflag:s11], $0x4000  }
0x8af: {  	[sflag:s11] =	ssyncset.done $0x0  }
0x8b0: {  	s22 =	simm.s32 $0x3780;
	[sflag:s11] =	ssyncadd.s32 $0xFFFFC000  }
0x8b1: {  	[spmem:s2] =	stream.indirect.scatter.add.f32 [tilespmem:s7], [sflag:$0x9], $0x80, s22, s6, $0xb8;
	[tilespmem:$0x1C000] =	vst v63  }
0x8b2: {  	_ =	swait.ge [sflag:s4], $0x4000  }
0x8b3: {  	s23 =	sld [smem:$0x7F4]  }
0x8b4: {  	[sflag:s4] =	ssyncset.done $0x0  }
0x8b5: {  	s29 =	rddreg [dreg:$0x7];
	[sflag:s4] =	ssyncadd.s32 $0xFFFFC000  }
0x8b6: {  	[tilespmem:s7], [sflag:$0x4] =	stream.indirect.gather [hbm4b:s3+s6], $0x80, s23, s6, $0xb8;
	[tilespmem:$0x1C000] =	vst v63  }
0x8b7: {  	[hbm:s29], [sflag:s0] =	dma.local [spmem:s25], $0x800  }
0x8b8: {  	_ =	swait.ge [sflag:s14], $0x4000  }
0x8b9: {  	[sflag:s14] =	ssyncset.done $0x0  }
0x8ba: {  	s18 =	simm.s32 $0x3800;
	[sflag:s14] =	ssyncadd.s32 $0xFFFFC000  }
0x8bb: {  	[spmem:s2] =	stream.indirect.scatter.add.f32 [tilespmem:s10], [sflag:$0x9], $0x80, s18, s6, $0xb8;
	[tilespmem:$0x1C000] =	vst v63  }
0x8bc: {  	_ =	swait.ge [sflag:s4], $0x4000  }
0x8bd: {  	s19 =	sld [smem:$0x7F5]  }
0x8be: {  	[sflag:s4] =	ssyncset.done $0x0  }
0x8bf: {  	[sflag:s4] =	ssyncadd.s32 $0xFFFFC000  }
0x8c0: {  	[tilespmem:s10], [sflag:$0x1] =	stream.indirect.gather [hbm4b:s3+s6], $0x80, s19, s6, $0xb8;
	[tilespmem:$0x1C000] =	vst v63  }
0x8c1: {  	_ =	swait.ge [sflag:s12], $0x4000  }
0x8c2: {  	[sflag:s12] =	ssyncset.done $0x0  }
0x8c3: {  	s21 =	simm.s32 $0x3880;
	[sflag:s12] =	ssyncadd.s32 $0xFFFFC000  }
0x8c4: {  	[spmem:s2] =	stream.indirect.scatter.add.f32 [tilespmem:s9], [sflag:$0x9], $0x80, s21, s6, $0xb8;
	[tilespmem:$0x1C000] =	vst v63  }
0x8c5: {  	_ =	swait.ge [sflag:s4], $0x4000  }
0x8c6: {  	s22 =	sld [smem:$0x7F6]  }
0x8c7: {  	[sflag:s4] =	ssyncset.done $0x0  }
0x8c8: {  	[sflag:s4] =	ssyncadd.s32 $0xFFFFC000  }
0x8c9: {  	[tilespmem:s9], [sflag:$0x2] =	stream.indirect.gather [hbm4b:s3+s6], $0x80, s22, s6, $0xb8;
	[tilespmem:$0x1C000] =	vst v63  }
0x8ca: {  	_ =	swait.ge [sflag:s13], $0x4000  }
0x8cb: {  	[sflag:s13] =	ssyncset.done $0x0  }
0x8cc: {  	s23 =	simm.s32 $0x3900;
	[sflag:s13] =	ssyncadd.s32 $0xFFFFC000  }
0x8cd: {  	[spmem:s2] =	stream.indirect.scatter.add.f32 [tilespmem:s8], [sflag:$0x9], $0x80, s23, s6, $0xb8;
	[tilespmem:$0x1C000] =	vst v63  }
0x8ce: {  	_ =	swait.ge [sflag:s4], $0x4000  }
0x8cf: {  	s25 =	sld [smem:$0x7F7]  }
0x8d0: {  	[sflag:s4] =	ssyncset.done $0x0  }
0x8d1: {  	[sflag:s4] =	ssyncadd.s32 $0xFFFFC000  }
0x8d2: {  	[tilespmem:s8], [sflag:$0x3] =	stream.indirect.gather [hbm4b:s3+s6], $0x80, s25, s6, $0xb8;
	[tilespmem:$0x1C000] =	vst v63  }
0x8d3: {  	_ =	swait.ge [sflag:s11], $0x4000  }
0x8d4: {  	[sflag:s11] =	ssyncset.done $0x0  }
0x8d5: {  	s29 =	simm.s32 $0x3980;
	[sflag:s11] =	ssyncadd.s32 $0xFFFFC000  }
0x8d6: {  	[spmem:s2] =	stream.indirect.scatter.add.f32 [tilespmem:s7], [sflag:$0x9], $0x80, s29, s6, $0xb8;
	[tilespmem:$0x1C000] =	vst v63  }
0x8d7: {  	_ =	swait.ge [sflag:s4], $0x4000  }
0x8d8: {  	s17 =	sld [smem:$0x7F8]  }
0x8d9: {  	[sflag:s4] =	ssyncset.done $0x0  }
0x8da: {  	[sflag:s4] =	ssyncadd.s32 $0xFFFFC000  }
0x8db: {  	[tilespmem:s7], [sflag:$0x4] =	stream.indirect.gather [hbm4b:s3+s6], $0x80, s17, s6, $0xb8;
	[tilespmem:$0x1C000] =	vst v63  }
0x8dc: {  	_ =	swait.ge [sflag:s14], $0x4000  }
0x8dd: {  	[sflag:s14] =	ssyncset.done $0x0  }
0x8de: {  	s18 =	simm.s32 $0x3A00;
	[sflag:s14] =	ssyncadd.s32 $0xFFFFC000  }
0x8df: {  	[spmem:s2] =	stream.indirect.scatter.add.f32 [tilespmem:s10], [sflag:$0x9], $0x80, s18, s6, $0xb8;
	[tilespmem:$0x1C000] =	vst v63  }
0x8e0: {  	_ =	swait.ge [sflag:s4], $0x4000  }
0x8e1: {  	s19 =	sld [smem:$0x7F9]  }
0x8e2: {  	[sflag:s4] =	ssyncset.done $0x0  }
0x8e3: {  	[sflag:s4] =	ssyncadd.s32 $0xFFFFC000  }
0x8e4: {  	[tilespmem:s10], [sflag:$0x1] =	stream.indirect.gather [hbm4b:s3+s6], $0x80, s19, s6, $0xb8;
	[tilespmem:$0x1C000] =	vst v63  }
0x8e5: {  	_ =	swait.ge [sflag:s12], $0x4000  }
0x8e6: {  	[sflag:s12] =	ssyncset.done $0x0  }
0x8e7: {  	s21 =	simm.s32 $0x3A80;
	[sflag:s12] =	ssyncadd.s32 $0xFFFFC000  }
0x8e8: {  	[spmem:s2] =	stream.indirect.scatter.add.f32 [tilespmem:s9], [sflag:$0x9], $0x80, s21, s6, $0xb8;
	[tilespmem:$0x1C000] =	vst v63  }
0x8e9: {  	_ =	swait.ge [sflag:s4], $0x4000  }
0x8ea: {  	s22 =	sld [smem:$0x7FA]  }
0x8eb: {  	[sflag:s4] =	ssyncset.done $0x0  }
0x8ec: {  	[sflag:s4] =	ssyncadd.s32 $0xFFFFC000  }
0x8ed: {  	[tilespmem:s9], [sflag:$0x2] =	stream.indirect.gather [hbm4b:s3+s6], $0x80, s22, s6, $0xb8;
	[tilespmem:$0x1C000] =	vst v63  }
0x8ee: {  	_ =	swait.ge [sflag:s13], $0x4000  }
0x8ef: {  	[sflag:s13] =	ssyncset.done $0x0  }
0x8f0: {  	s23 =	simm.s32 $0x3B00;
	[sflag:s13] =	ssyncadd.s32 $0xFFFFC000  }
0x8f1: {  	[spmem:s2] =	stream.indirect.scatter.add.f32 [tilespmem:s8], [sflag:$0x9], $0x80, s23, s6, $0xb8;
	[tilespmem:$0x1C000] =	vst v63  }
0x8f2: {  	_ =	swait.ge [sflag:s4], $0x4000  }
0x8f3: {  	s25 =	sld [smem:$0x7FB]  }
0x8f4: {  	[sflag:s4] =	ssyncset.done $0x0  }
0x8f5: {  	[sflag:s4] =	ssyncadd.s32 $0xFFFFC000  }
0x8f6: {  	[tilespmem:s8], [sflag:$0x3] =	stream.indirect.gather [hbm4b:s3+s6], $0x80, s25, s6, $0xb8;
	[tilespmem:$0x1C000] =	vst v63  }
0x8f7: {  	_ =	swait.ge [sflag:s11], $0x4000  }
0x8f8: {  	[sflag:s11] =	ssyncset.done $0x0  }
0x8f9: {  	[sflag:s11] =	ssyncadd.s32 $0xFFFFC000  }
0x8fa: {  	[spmem:s2] =	stream.indirect.scatter.add.f32 [tilespmem:s7], [sflag:$0x9], $0x80, s24, s6, $0xb8;
	[tilespmem:$0x1C000] =	vst v63  }
0x8fb: {  	_ =	swait.ge [sflag:s4], $0x4000  }
0x8fc: {  	s29 =	sld [smem:$0x7FC]  }
0x8fd: {  	[sflag:s4] =	ssyncset.done $0x0  }
0x8fe: {  	[sflag:s4] =	ssyncadd.s32 $0xFFFFC000  }
0x8ff: {  	[tilespmem:s7], [sflag:$0x4] =	stream.indirect.gather [hbm4b:s3+s6], $0x80, s29, s6, $0xb8;
	[tilespmem:$0x1C000] =	vst v63  }
0x900: {  	_ =	swait.ge [sflag:s14], $0x4000  }
0x901: {  	[sflag:s14] =	ssyncset.done $0x0  }
0x902: {  	[sflag:s14] =	ssyncadd.s32 $0xFFFFC000  }
0x903: {  	[spmem:s2] =	stream.indirect.scatter.add.f32 [tilespmem:s10], [sflag:$0x9], $0x80, s31, s6, $0xb8;
	[tilespmem:$0x1C000] =	vst v63  }
0x904: {  	_ =	swait.ge [sflag:s4], $0x4000  }
0x905: {  	[sflag:s4] =	ssyncset.done $0x0  }
0x906: {  	[sflag:s4] =	ssyncadd.s32 $0xFFFFC000  }
0x907: {  	_ =	swait.ge [sflag:s12], $0x4000  }
0x908: {  	[sflag:s12] =	ssyncset.done $0x0  }
0x909: {  	[sflag:s12] =	ssyncadd.s32 $0xFFFFC000  }
0x90a: {  	[spmem:s2] =	stream.indirect.scatter.add.f32 [tilespmem:s9], [sflag:$0x9], $0x80, s26, s6, $0xb8;
	[tilespmem:$0x1C000] =	vst v63  }
0x90b: {  	_ =	swait.ge [sflag:s4], $0x4000  }
0x90c: {  	[sflag:s4] =	ssyncset.done $0x0  }
0x90d: {  	[sflag:s4] =	ssyncadd.s32 $0xFFFFC000  }
0x90e: {  	_ =	swait.ge [sflag:s13], $0x4000  }
0x90f: {  	[sflag:s13] =	ssyncset.done $0x0  }
0x910: {  	s28 =	simm.s32 $0x3D00;
	[sflag:s13] =	ssyncadd.s32 $0xFFFFC000  }
0x911: {  	[spmem:s2] =	stream.indirect.scatter.add.f32 [tilespmem:s8], [sflag:$0x9], $0x80, s28, s6, $0xb8;
	[tilespmem:$0x1C000] =	vst v63  }
0x912: {  	_ =	swait.ge [sflag:s4], $0x4000  }
0x913: {  	[sflag:s4] =	ssyncset.done $0x0  }
0x914: {  	[sflag:s4] =	ssyncadd.s32 $0xFFFFC000  }
0x915: {  	_ =	swait.ge [sflag:s11], $0x4000  }
0x916: {  	[sflag:s11] =	ssyncset.done $0x0  }
0x917: {  	[sflag:s11] =	ssyncadd.s32 $0xFFFFC000  }
0x918: {  	[spmem:s2] =	stream.indirect.scatter.add.f32 [tilespmem:s7], [sflag:$0x9], $0x80, s20, s6, $0xb8;
	[tilespmem:$0x1C000] =	vst v63  }
0x919: {  	_ =	swait.ge [sflag:s4], $0x4000  }
0x91a: {  	[sflag:s4] =	ssyncset.done $0x0  }
0x91b: {  	[sflag:s4] =	ssyncadd.s32 $0xFFFFC000  }
0x91c: {  	[bflag:$0x0] =	sbarrier.arrive $0xFFFF  }
0x91d: {  	s31 =	rddreg [dreg:$0x8]  }
0x91e: {  	[hbm:s31], [sflag:s1] =	dma.local [spmem:s5], $0x800  }
0x91f: {  	_ =	swait.ge [sflag:s15], $0x800  }
0x920: {  	[sflag:s15] =	ssyncset.done $0x0  }
0x921: {  	[sflag:s15] =	ssyncadd.s32 $0xFFFFF800  }
0x922: {  	_ =	swait.ge [sflag:s16], $0x800  }
0x923: {  	[sflag:s16] =	ssyncset.done $0x0  }
0x924: {  	[sflag:s16] =	ssyncadd.s32 $0xFFFFF800  }
0x925: {  	_ =	sfence.sel $0x180000  }
0x926: {  	[bflag:$0x0] =	sbarrier.arrive $0xFFFF  }
0x927: {  	_ =	strace $0x90000047  }
0x928: {  	[bflag:$0x2] =	sbarrier.arrive $0xFFFF  }
0x929: {  	p0 =	sne.s32 s30, $0x0;
	s0 =	rddreg [dreg:$0x4]  }
0x92a: {  	s0 =	sadd.s32 @!p0 $0x100000, s0  }
0x92b: {  	[sflag:s0] =	ssyncadd.tile.s32 @!p0 $0x1;
	_ =	shalt  }
.LBB2_1:
.Ltmp3:
0x92c: {  	(pc) =	sbr.rel .LBB2_6-.Ltmp3, $3  }
0x92d: {  	_ =	sdelay $0x1  }
0x92e: {  	s1 =	sld [smem:$0x7C4]  }
0x92f: {  	s20 =	sld [smem:$0x7C3];
	s31 =	simm.s32 $0x3C00;
	s24 =	simm.s32 $0x3B80  }
.LBB2_7:
.Ltmp4:
0x930: {  	(pc) =	sbr.rel .LBB2_6-.Ltmp4, $4  }
0x931: {  	_ = 	snop  }
0x932: {  	s1 =	sld [smem:$0x7C4]  }
0x933: {  	s20 =	sld [smem:$0x7C3];
	s30 =	stileid.u32;
	s28 =	simm.s32 $0x3D00  }
0x934: {  	s31 =	simm.s32 $0x3C00;
	s24 =	simm.s32 $0x3B80;
	s26 =	sld [smem:$0x7BE]  }
.Lfunc_end2:
_tile_overlayer_lowered:
.L_overlay_start_2:
0x935: {  	(tag) =	ssettag $0x2  }
0x936: {  	s0 =	rddreg [dreg:$0x0];
	s2 =	stileid.u32  }
0x937: {  	s1 =	rddreg [dreg:$0x1];
	p0 =	sne.s32 s2, $0x0  }
0x938: {  	s3 =	rddreg [dreg:$0x2];
	[bflag:$0x3] =	sbarrier.arrive $0xFFFF;
	s2 =	simm.s32 @!p0 $0x1C09  }
0x939: {  	[timem:s3], [sflag:s2] =	dma.local @!p0 [hbm:s0], s1  }
0x93a: {  	s0 =	simm.s32 @!p0 $0x9  }
0x93b: {  	_ =	swait.ge @!p0 [sflag:s0], s1  }
0x93c: {  	s1 =	ssub.s32 @!p0 $0x0, s1;
	[sflag:s0] =	ssyncset.done @!p0 $0x0  }
0x93d: {  	[sflag:s0] =	ssyncadd.s32 @!p0 s1  }
0x93e: {  	[bflag:$0x3] =	sbarrier.arrive $0xFFFF  }
0x93f: {  	_ =	shalt  }

</sc_bundles>
